<compile_context>
chip_gen: v7x
topology: tpu7x:2x2x1
jax: 0.10.2.dev20260603
libtpu: 0.0.44.dev20260713+nightly
codegen_flags: <defaults>
</compile_context>

<pallas_src>
import functools

import jax
import jax.numpy as jnp
from jax import lax
from jax.experimental import pallas as pl
from jax.experimental.pallas import tpu as pltpu
from jax.experimental.pallas import tpu_sc as plsc

_L = 16
_RBLK = 128
_NBUF = 3
_UNROLL = 2


def _tree_sum(vs):
    while len(vs) > 1:
        vs = [vs[i] + vs[i + 1] for i in range(0, len(vs) - 1, 2)] + (
            [vs[-1]] if len(vs) % 2 else []
        )
    return vs[0]


def _balance_sc(y, aux):
    B, F = y.shape
    info = plsc.get_sparse_core_info()
    nc, ns = info.num_cores, info.num_subcores
    nw = nc * ns
    rows_pw = B // nw
    nblk = rows_pw // _RBLK
    nch = F // _L

    mesh = plsc.VectorSubcoreMesh(core_axis_name="c", subcore_axis_name="s")

    @functools.partial(
        pl.kernel,
        mesh=mesh,
        out_type=jax.ShapeDtypeStruct((B, F), jnp.float32),
        scratch_types=(
            [pltpu.VMEM((_RBLK, F), jnp.float32) for _ in range(2 * _NBUF)]
            + [pltpu.VMEM((12, _L), jnp.float32)]
            + [pltpu.SemaphoreType.DMA for _ in range(2 * _NBUF)]
        ),
    )
    def run(y_hbm, aux_hbm, out_hbm, *refs):
        inb = refs[:_NBUF]
        outb = refs[_NBUF:2 * _NBUF]
        aux_v = refs[2 * _NBUF]
        sin = refs[2 * _NBUF + 1:3 * _NBUF + 1]
        sout = refs[3 * _NBUF + 1:]
        wid = lax.axis_index("s") * nc + lax.axis_index("c")
        base = wid * _RBLK

        pltpu.sync_copy(aux_hbm, aux_v)
        w = [aux_v[k, :] for k in range(nch)]
        cv = aux_v[4, :]
        oneh = [aux_v[5 + k, :] for k in range(nch)]
        ii = lax.iota(jnp.int32, _L)
        bfly = [jnp.bitwise_xor(ii, 1 << t) for t in range(4)]
        dnums = lax.GatherDimensionNumbers(
            offset_dims=(), collapsed_slice_dims=(0,), start_index_map=(0,)
        )

        def copy_in(g):
            return pltpu.make_async_copy(
                y_hbm.at[pl.ds(base + g * nw * _RBLK, _RBLK)], inb[g % _NBUF], sin[g % _NBUF]
            )

        def copy_out(g):
            return pltpu.make_async_copy(
                outb[g % _NBUF], out_hbm.at[pl.ds(base + g * nw * _RBLK, _RBLK)], sout[g % _NBUF]
            )

        def compute(src, dst):
            def one_row(r):
                ys = [src[r, pl.ds(k * _L, _L)] for k in range(nch)]
                p = _tree_sum([ys[k] * w[k] for k in range(nch)] + [cv])
                for m in bfly:
                    p = p + lax.gather(
                        p, m[:, None], dnums, (1,),
                        unique_indices=True, indices_are_sorted=False,
                        mode=lax.GatherScatterMode.PROMISE_IN_BOUNDS,
                    )
                for k in range(nch):
                    dst[r, pl.ds(k * _L, _L)] = ys[k] + p * oneh[k]

            def row(r, carry):
                r0 = r * _UNROLL
                for u in range(_UNROLL):
                    one_row(r0 + u)
                return carry

            lax.fori_loop(0, _RBLK // _UNROLL, row, 0)

        for b in range(min(_NBUF - 1, nblk)):
            copy_in(b).start()

        for g in range(nblk):
            if g + _NBUF - 1 < nblk:
                copy_in(g + _NBUF - 1).start()
            copy_in(g).wait()
            if g >= _NBUF:
                copy_out(g - _NBUF).wait()
            compute(inb[g % _NBUF], outb[g % _NBUF])
            copy_out(g).start()

        for g in range(max(nblk - _NBUF, 0), nblk):
            copy_out(g).wait()

    return run(y, aux)


def kernel(y, means, stds, asset_idx, liability_idx, equity_idx, slack_idx):
    f32 = jnp.float32
    B, F = y.shape
    sign = (
        jnp.zeros((F,), f32)
        .at[asset_idx].set(1.0)
        .at[liability_idx].set(-1.0)
        .at[equity_idx].set(-1.0)
    )
    inv = 1.0 / stds[slack_idx]
    w = sign * stds * inv
    c = jnp.sum(sign * means) * inv
    oneh = (jnp.arange(F) == slack_idx).astype(f32)
    aux = jnp.zeros((12, _L), f32)
    aux = aux.at[0:4].set(w.reshape(4, _L))
    aux = aux.at[4, 0].set(c)
    aux = aux.at[5:9].set(oneh.reshape(4, _L))
    return _balance_sc(y.astype(f32), aux)

# --- scband reference (transcript-rebuilt; emitter-appended) ---
"""Pipeline reference for scband-enforce-balance-84713934946617 (READ-ONLY COPY).

The authoritative reference and input builder live on the scoring server;
editing this copy changes nothing except your own understanding.
"""

import jax, jax.numpy as jnp
import numpy as np


def setup_inputs(seed: int = 0) -> dict:
    key = jax.random.key(seed)
    B, F = 65536, 64
    y = jax.random.normal(key, (B, F), dtype=jnp.float32)
    means = jnp.zeros((F,), dtype=jnp.float32)
    stds = jnp.ones((F,), dtype=jnp.float32)
    asset_idx = jnp.arange(0, 20, dtype=jnp.int32)
    liability_idx = jnp.arange(20, 40, dtype=jnp.int32)
    equity_idx = jnp.arange(40, 64, dtype=jnp.int32)
    return {"y": y, "means": means, "stds": stds, "asset_idx": asset_idx, "liability_idx": liability_idx, "equity_idx": equity_idx, "slack_idx": 40}


def reference(y, means, stds, asset_idx, liability_idx, equity_idx, slack_idx):
    y_unscaled = y * stds + means
    assets = jnp.sum(jnp.take(y_unscaled, asset_idx, axis=-1), axis=-1, keepdims=True)
    liabilities = jnp.sum(jnp.take(y_unscaled, liability_idx, axis=-1), axis=-1, keepdims=True)
    equity = jnp.sum(jnp.take(y_unscaled, equity_idx, axis=-1), axis=-1, keepdims=True)
    diff = assets - (liabilities + equity)
    y_corrected = y_unscaled.at[:, slack_idx].add(jnp.squeeze(diff, axis=-1))
    return (y_corrected - means) / stds

if __name__ == "__main__":
    import jax
    _d = setup_inputs()
    print(jax.jit(kernel)(*tuple(_d.values())))

</pallas_src>

<mosaic_0001>
#map = affine_map<(d0, d1) -> (0, 0)>
module attributes {stable_mosaic.version = 14 : i64} {
  func.func @run(%arg0: i32, %arg1: i32, %arg2: memref<65536x64xf32, #tpu.memory_space<hbm>>, %arg3: memref<12x16xf32, #tpu.memory_space<hbm>>, %arg4: memref<65536x64xf32, #tpu.memory_space<hbm>>, %arg5: memref<128x64xf32, #tpu.memory_space<vmem>>, %arg6: memref<128x64xf32, #tpu.memory_space<vmem>>, %arg7: memref<128x64xf32, #tpu.memory_space<vmem>>, %arg8: memref<128x64xf32, #tpu.memory_space<vmem>>, %arg9: memref<128x64xf32, #tpu.memory_space<vmem>>, %arg10: memref<128x64xf32, #tpu.memory_space<vmem>>, %arg11: memref<12x16xf32, #tpu.memory_space<vmem>>, %arg12: memref<!tpu.dma_semaphore, #tpu.memory_space<semaphore_mem>>, %arg13: memref<!tpu.dma_semaphore, #tpu.memory_space<semaphore_mem>>, %arg14: memref<!tpu.dma_semaphore, #tpu.memory_space<semaphore_mem>>, %arg15: memref<!tpu.dma_semaphore, #tpu.memory_space<semaphore_mem>>, %arg16: memref<!tpu.dma_semaphore, #tpu.memory_space<semaphore_mem>>, %arg17: memref<!tpu.dma_semaphore, #tpu.memory_space<semaphore_mem>>) attributes {dimension_semantics = [#tpu.dimension_semantics<core_parallel>, #tpu.dimension_semantics<subcore_parallel>], iteration_bounds = array<i64: 2, 16>, scalar_prefetch = 0 : i64, scratch_operands = 13 : i64, tpu.core_type = #tpu.core_type<sc_vector_subcore>, window_params = [{transform_indices = #map}, {transform_indices = #map}, {transform_indices = #map}]} {
    %mul3A = arith.constant 2 : i32
    %mul3A_0 = arith.muli %arg1, %mul3A : i32
    %add3A = arith.addi %mul3A_0, %arg0 : i32
    %mul3A_1 = arith.constant 128 : i32
    %mul3A_2 = arith.muli %add3A, %mul3A_1 : i32
    "tpu.region"() ({
      %run_scoped3A = tpu.sem_alloc : memref<!tpu.dma_semaphore, #tpu.memory_space<semaphore_mem>>
      tpu.enqueue_dma source(%arg3 : memref<12x16xf32, #tpu.memory_space<hbm>>) target(%arg11 : memref<12x16xf32, #tpu.memory_space<vmem>>) target_semaphore(%run_scoped3A : memref<!tpu.dma_semaphore, #tpu.memory_space<semaphore_mem>>)
      tpu.wait_dma2 semaphore(%run_scoped3A : memref<!tpu.dma_semaphore, #tpu.memory_space<semaphore_mem>>) src(%arg3 : memref<12x16xf32, #tpu.memory_space<hbm>>) dst(%arg11 : memref<12x16xf32, #tpu.memory_space<vmem>>)
      tpu.yield
    }) : () -> ()
    %get3A = arith.constant 0 : i32
    %get3A_3 = arith.index_cast %get3A : i32 to index
    %get3A_4 = arith.constant 0 : index
    %get3A_5 = tpu.vector_load %arg11[%get3A_3, %get3A_4] {strides = array<i32>} : memref<12x16xf32, #tpu.memory_space<vmem>>, vector<1x16xf32>,
    %get3A_6 = vector.shape_cast %get3A_5 : vector<1x16xf32> to vector<16xf32>
    %get3A_7 = arith.constant 1 : i32
    %get3A_8 = arith.index_cast %get3A_7 : i32 to index
    %get3A_9 = arith.constant 0 : index
    %get3A_10 = tpu.vector_load %arg11[%get3A_8, %get3A_9] {strides = array<i32>} : memref<12x16xf32, #tpu.memory_space<vmem>>, vector<1x16xf32>,
    %get3A_11 = vector.shape_cast %get3A_10 : vector<1x16xf32> to vector<16xf32>
    %get3A_12 = arith.constant 2 : i32
    %get3A_13 = arith.index_cast %get3A_12 : i32 to index
    %get3A_14 = arith.constant 0 : index
    %get3A_15 = tpu.vector_load %arg11[%get3A_13, %get3A_14] {strides = array<i32>} : memref<12x16xf32, #tpu.memory_space<vmem>>, vector<1x16xf32>,
    %get3A_16 = vector.shape_cast %get3A_15 : vector<1x16xf32> to vector<16xf32>
    %get3A_17 = arith.constant 3 : i32
    %get3A_18 = arith.index_cast %get3A_17 : i32 to index
    %get3A_19 = arith.constant 0 : index
    %get3A_20 = tpu.vector_load %arg11[%get3A_18, %get3A_19] {strides = array<i32>} : memref<12x16xf32, #tpu.memory_space<vmem>>, vector<1x16xf32>,
    %get3A_21 = vector.shape_cast %get3A_20 : vector<1x16xf32> to vector<16xf32>
    %get3A_22 = arith.constant 4 : i32
    %get3A_23 = arith.index_cast %get3A_22 : i32 to index
    %get3A_24 = arith.constant 0 : index
    %get3A_25 = tpu.vector_load %arg11[%get3A_23, %get3A_24] {strides = array<i32>} : memref<12x16xf32, #tpu.memory_space<vmem>>, vector<1x16xf32>,
    %get3A_26 = vector.shape_cast %get3A_25 : vector<1x16xf32> to vector<16xf32>
    %get3A_27 = arith.constant 5 : i32
    %get3A_28 = arith.index_cast %get3A_27 : i32 to index
    %get3A_29 = arith.constant 0 : index
    %get3A_30 = tpu.vector_load %arg11[%get3A_28, %get3A_29] {strides = array<i32>} : memref<12x16xf32, #tpu.memory_space<vmem>>, vector<1x16xf32>,
    %get3A_31 = vector.shape_cast %get3A_30 : vector<1x16xf32> to vector<16xf32>
    %get3A_32 = arith.constant 6 : i32
    %get3A_33 = arith.index_cast %get3A_32 : i32 to index
    %get3A_34 = arith.constant 0 : index
    %get3A_35 = tpu.vector_load %arg11[%get3A_33, %get3A_34] {strides = array<i32>} : memref<12x16xf32, #tpu.memory_space<vmem>>, vector<1x16xf32>,
    %get3A_36 = vector.shape_cast %get3A_35 : vector<1x16xf32> to vector<16xf32>
    %get3A_37 = arith.constant 7 : i32
    %get3A_38 = arith.index_cast %get3A_37 : i32 to index
    %get3A_39 = arith.constant 0 : index
    %get3A_40 = tpu.vector_load %arg11[%get3A_38, %get3A_39] {strides = array<i32>} : memref<12x16xf32, #tpu.memory_space<vmem>>, vector<1x16xf32>,
    %get3A_41 = vector.shape_cast %get3A_40 : vector<1x16xf32> to vector<16xf32>
    %get3A_42 = arith.constant 8 : i32
    %get3A_43 = arith.index_cast %get3A_42 : i32 to index
    %get3A_44 = arith.constant 0 : index
    %get3A_45 = tpu.vector_load %arg11[%get3A_43, %get3A_44] {strides = array<i32>} : memref<12x16xf32, #tpu.memory_space<vmem>>, vector<1x16xf32>,
    %get3A_46 = vector.shape_cast %get3A_45 : vector<1x16xf32> to vector<16xf32>
    %iota3A = tpu.iota {dimensions = array<i32: 0>} : vector<16xi32>
    %xor3A = arith.constant 1 : i32
    %xor3A_47 = vector.broadcast %xor3A : i32 to vector<16xi32>
    %xor3A_48 = arith.xori %iota3A, %xor3A_47 : vector<16xi32>
    %xor3A_49 = arith.constant 2 : i32
    %xor3A_50 = vector.broadcast %xor3A_49 : i32 to vector<16xi32>
    %xor3A_51 = arith.xori %iota3A, %xor3A_50 : vector<16xi32>
    %xor3A_52 = arith.constant 4 : i32
    %xor3A_53 = vector.broadcast %xor3A_52 : i32 to vector<16xi32>
    %xor3A_54 = arith.xori %iota3A, %xor3A_53 : vector<16xi32>
    %xor3A_55 = arith.constant 8 : i32
    %xor3A_56 = vector.broadcast %xor3A_55 : i32 to vector<16xi32>
    %xor3A_57 = arith.xori %iota3A, %xor3A_56 : vector<16xi32>
    %add3A_58 = arith.constant 0 : i32
    %add3A_59 = arith.addi %mul3A_2, %add3A_58 : i32
    %dma_start3A = arith.constant 0 : i32
    %dma_start3A_60 = tpu.memref_slice %arg2[%add3A_59, %dma_start3A] : memref<65536x64xf32, #tpu.memory_space<hbm>> -> memref<128x64xf32, #tpu.memory_space<hbm>>
    %dma_start3A_61 = arith.constant 0 : i32
    %dma_start3A_62 = tpu.memref_slice %arg2[%add3A_59, %dma_start3A_61] : memref<65536x64xf32, #tpu.memory_space<hbm>> -> memref<128x64xf32, #tpu.memory_space<hbm>>
    tpu.enqueue_dma source(%dma_start3A_62 : memref<128x64xf32, #tpu.memory_space<hbm>>) target(%arg5 : memref<128x64xf32, #tpu.memory_space<vmem>>) target_semaphore(%arg12 : memref<!tpu.dma_semaphore, #tpu.memory_space<semaphore_mem>>)
    %add3A_63 = arith.constant 4096 : i32
    %add3A_64 = arith.addi %mul3A_2, %add3A_63 : i32
    %dma_start3A_65 = arith.constant 0 : i32
    %dma_start3A_66 = tpu.memref_slice %arg2[%add3A_64, %dma_start3A_65] : memref<65536x64xf32, #tpu.memory_space<hbm>> -> memref<128x64xf32, #tpu.memory_space<hbm>>
    %dma_start3A_67 = arith.constant 0 : i32
    %dma_start3A_68 = tpu.memref_slice %arg2[%add3A_64, %dma_start3A_67] : memref<65536x64xf32, #tpu.memory_space<hbm>> -> memref<128x64xf32, #tpu.memory_space<hbm>>
    tpu.enqueue_dma source(%dma_start3A_68 : memref<128x64xf32, #tpu.memory_space<hbm>>) target(%arg6 : memref<128x64xf32, #tpu.memory_space<vmem>>) target_semaphore(%arg13 : memref<!tpu.dma_semaphore, #tpu.memory_space<semaphore_mem>>)
    %add3A_69 = arith.constant 8192 : i32
    %add3A_70 = arith.addi %mul3A_2, %add3A_69 : i32
    %dma_start3A_71 = arith.constant 0 : i32
    %dma_start3A_72 = tpu.memref_slice %arg2[%add3A_70, %dma_start3A_71] : memref<65536x64xf32, #tpu.memory_space<hbm>> -> memref<128x64xf32, #tpu.memory_space<hbm>>
    %dma_start3A_73 = arith.constant 0 : i32
    %dma_start3A_74 = tpu.memref_slice %arg2[%add3A_70, %dma_start3A_73] : memref<65536x64xf32, #tpu.memory_space<hbm>> -> memref<128x64xf32, #tpu.memory_space<hbm>>
    tpu.enqueue_dma source(%dma_start3A_74 : memref<128x64xf32, #tpu.memory_space<hbm>>) target(%arg7 : memref<128x64xf32, #tpu.memory_space<vmem>>) target_semaphore(%arg14 : memref<!tpu.dma_semaphore, #tpu.memory_space<semaphore_mem>>)
    %add3A_75 = arith.constant 0 : i32
    %add3A_76 = arith.addi %mul3A_2, %add3A_75 : i32
    %dma_wait3A = arith.constant 0 : i32
    %dma_wait3A_77 = tpu.memref_slice %arg2[%add3A_76, %dma_wait3A] : memref<65536x64xf32, #tpu.memory_space<hbm>> -> memref<128x64xf32, #tpu.memory_space<hbm>>
    %dma_wait3A_78 = arith.constant 0 : i32
    %dma_wait3A_79 = tpu.memref_slice %arg2[%add3A_76, %dma_wait3A_78] : memref<65536x64xf32, #tpu.memory_space<hbm>> -> memref<128x64xf32, #tpu.memory_space<hbm>>
    tpu.wait_dma2 semaphore(%arg12 : memref<!tpu.dma_semaphore, #tpu.memory_space<semaphore_mem>>) src(%dma_wait3A_79 : memref<128x64xf32, #tpu.memory_space<hbm>>) dst(%arg5 : memref<128x64xf32, #tpu.memory_space<vmem>>)
    %scan3A = arith.constant 0 : i32
    %scan3A_80 = arith.constant 0 : i32
    %scan3A_81 = arith.constant 64 : i32
    %scan3A_82 = arith.addi %scan3A_80, %scan3A_81 : i32
    %scan3A_83 = arith.constant 1 : i32
    scf.for %scan3A_535 = %scan3A_80 to %scan3A_82 step %scan3A_83  : i32 {
      %mul3A_536 = arith.constant 2 : i32
      %mul3A_537 = arith.muli %scan3A_535, %mul3A_536 : i32
      %add3A_538 = arith.constant 0 : i32
      %add3A_539 = arith.addi %mul3A_537, %add3A_538 : i32
      %get3A_540 = arith.index_cast %add3A_539 : i32 to index
      %get3A_541 = arith.constant 0 : index
      %get3A_542 = tpu.vector_load %arg5[%get3A_540, %get3A_541] {strides = array<i32>} : memref<128x64xf32, #tpu.memory_space<vmem>>, vector<1x16xf32>,
      %get3A_543 = vector.shape_cast %get3A_542 : vector<1x16xf32> to vector<16xf32>
      %get3A_544 = arith.index_cast %add3A_539 : i32 to index
      %get3A_545 = arith.constant 16 : index
      %get3A_546 = tpu.vector_load %arg5[%get3A_544, %get3A_545] {strides = array<i32>} : memref<128x64xf32, #tpu.memory_space<vmem>>, vector<1x16xf32>,
      %get3A_547 = vector.shape_cast %get3A_546 : vector<1x16xf32> to vector<16xf32>
      %get3A_548 = arith.index_cast %add3A_539 : i32 to index
      %get3A_549 = arith.constant 32 : index
      %get3A_550 = tpu.vector_load %arg5[%get3A_548, %get3A_549] {strides = array<i32>} : memref<128x64xf32, #tpu.memory_space<vmem>>, vector<1x16xf32>,
      %get3A_551 = vector.shape_cast %get3A_550 : vector<1x16xf32> to vector<16xf32>
      %get3A_552 = arith.index_cast %add3A_539 : i32 to index
      %get3A_553 = arith.constant 48 : index
      %get3A_554 = tpu.vector_load %arg5[%get3A_552, %get3A_553] {strides = array<i32>} : memref<128x64xf32, #tpu.memory_space<vmem>>, vector<1x16xf32>,
      %get3A_555 = vector.shape_cast %get3A_554 : vector<1x16xf32> to vector<16xf32>
      %mul3A_556 = arith.mulf %get3A_543, %get3A_6 : vector<16xf32>
      %mul3A_557 = arith.mulf %get3A_547, %get3A_11 : vector<16xf32>
      %mul3A_558 = arith.mulf %get3A_551, %get3A_16 : vector<16xf32>
      %mul3A_559 = arith.mulf %get3A_555, %get3A_21 : vector<16xf32>
      %add3A_560 = arith.addf %mul3A_556, %mul3A_557 : vector<16xf32>
      %add3A_561 = arith.addf %mul3A_558, %mul3A_559 : vector<16xf32>
      %add3A_562 = arith.addf %add3A_560, %add3A_561 : vector<16xf32>
      %add3A_563 = arith.addf %add3A_562, %get3A_26 : vector<16xf32>
      %broadcast_in_dim3A = vector.shape_cast %xor3A_48 : vector<16xi32> to vector<16x1xi32>
      %gather3A = vector.shape_cast %broadcast_in_dim3A : vector<16x1xi32> to vector<16xi32>
      %gather3A_564 = tpu.dynamic_gather %add3A_563[%gather3A] in [0] : vector<16xf32>, vector<16xi32> -> vector<16xf32>
      %add3A_565 = arith.addf %add3A_563, %gather3A_564 : vector<16xf32>
      %broadcast_in_dim3A_566 = vector.shape_cast %xor3A_51 : vector<16xi32> to vector<16x1xi32>
      %gather3A_567 = vector.shape_cast %broadcast_in_dim3A_566 : vector<16x1xi32> to vector<16xi32>
      %gather3A_568 = tpu.dynamic_gather %add3A_565[%gather3A_567] in [0] : vector<16xf32>, vector<16xi32> -> vector<16xf32>
      %add3A_569 = arith.addf %add3A_565, %gather3A_568 : vector<16xf32>
      %broadcast_in_dim3A_570 = vector.shape_cast %xor3A_54 : vector<16xi32> to vector<16x1xi32>
      %gather3A_571 = vector.shape_cast %broadcast_in_dim3A_570 : vector<16x1xi32> to vector<16xi32>
      %gather3A_572 = tpu.dynamic_gather %add3A_569[%gather3A_571] in [0] : vector<16xf32>, vector<16xi32> -> vector<16xf32>
      %add3A_573 = arith.addf %add3A_569, %gather3A_572 : vector<16xf32>
      %broadcast_in_dim3A_574 = vector.shape_cast %xor3A_57 : vector<16xi32> to vector<16x1xi32>
      %gather3A_575 = vector.shape_cast %broadcast_in_dim3A_574 : vector<16x1xi32> to vector<16xi32>
      %gather3A_576 = tpu.dynamic_gather %add3A_573[%gather3A_575] in [0] : vector<16xf32>, vector<16xi32> -> vector<16xf32>
      %add3A_577 = arith.addf %add3A_573, %gather3A_576 : vector<16xf32>
      %mul3A_578 = arith.mulf %add3A_577, %get3A_31 : vector<16xf32>
      %add3A_579 = arith.addf %get3A_543, %mul3A_578 : vector<16xf32>
      %swap3A = arith.index_cast %add3A_539 : i32 to index
      %swap3A_580 = arith.constant 0 : index
      %swap3A_581 = tpu.vector_load %arg8[%swap3A, %swap3A_580] {strides = array<i32>} : memref<128x64xf32, #tpu.memory_space<vmem>>, vector<1x16xf32>,
      %swap3A_582 = vector.shape_cast %swap3A_581 : vector<1x16xf32> to vector<16xf32>
      %swap3A_583 = vector.shape_cast %add3A_579 : vector<16xf32> to vector<1x16xf32>
      tpu.vector_store %arg8[%swap3A, %swap3A_580], %swap3A_583 {strides = array<i32>} : memref<128x64xf32, #tpu.memory_space<vmem>>, vector<1x16xf32>,
      %mul3A_584 = arith.mulf %add3A_577, %get3A_36 : vector<16xf32>
      %add3A_585 = arith.addf %get3A_547, %mul3A_584 : vector<16xf32>
      %swap3A_586 = arith.index_cast %add3A_539 : i32 to index
      %swap3A_587 = arith.constant 16 : index
      %swap3A_588 = tpu.vector_load %arg8[%swap3A_586, %swap3A_587] {strides = array<i32>} : memref<128x64xf32, #tpu.memory_space<vmem>>, vector<1x16xf32>,
      %swap3A_589 = vector.shape_cast %swap3A_588 : vector<1x16xf32> to vector<16xf32>
      %swap3A_590 = vector.shape_cast %add3A_585 : vector<16xf32> to vector<1x16xf32>
      tpu.vector_store %arg8[%swap3A_586, %swap3A_587], %swap3A_590 {strides = array<i32>} : memref<128x64xf32, #tpu.memory_space<vmem>>, vector<1x16xf32>,
      %mul3A_591 = arith.mulf %add3A_577, %get3A_41 : vector<16xf32>
      %add3A_592 = arith.addf %get3A_551, %mul3A_591 : vector<16xf32>
      %swap3A_593 = arith.index_cast %add3A_539 : i32 to index
      %swap3A_594 = arith.constant 32 : index
      %swap3A_595 = tpu.vector_load %arg8[%swap3A_593, %swap3A_594] {strides = array<i32>} : memref<128x64xf32, #tpu.memory_space<vmem>>, vector<1x16xf32>,
      %swap3A_596 = vector.shape_cast %swap3A_595 : vector<1x16xf32> to vector<16xf32>
      %swap3A_597 = vector.shape_cast %add3A_592 : vector<16xf32> to vector<1x16xf32>
      tpu.vector_store %arg8[%swap3A_593, %swap3A_594], %swap3A_597 {strides = array<i32>} : memref<128x64xf32, #tpu.memory_space<vmem>>, vector<1x16xf32>,
      %mul3A_598 = arith.mulf %add3A_577, %get3A_46 : vector<16xf32>
      %add3A_599 = arith.addf %get3A_555, %mul3A_598 : vector<16xf32>
      %swap3A_600 = arith.index_cast %add3A_539 : i32 to index
      %swap3A_601 = arith.constant 48 : index
      %swap3A_602 = tpu.vector_load %arg8[%swap3A_600, %swap3A_601] {strides = array<i32>} : memref<128x64xf32, #tpu.memory_space<vmem>>, vector<1x16xf32>,
      %swap3A_603 = vector.shape_cast %swap3A_602 : vector<1x16xf32> to vector<16xf32>
      %swap3A_604 = vector.shape_cast %add3A_599 : vector<16xf32> to vector<1x16xf32>
      tpu.vector_store %arg8[%swap3A_600, %swap3A_601], %swap3A_604 {strides = array<i32>} : memref<128x64xf32, #tpu.memory_space<vmem>>, vector<1x16xf32>,
      %add3A_605 = arith.constant 1 : i32
      %add3A_606 = arith.addi %mul3A_537, %add3A_605 : i32
      %get3A_607 = arith.index_cast %add3A_606 : i32 to index
      %get3A_608 = arith.constant 0 : index
      %get3A_609 = tpu.vector_load %arg5[%get3A_607, %get3A_608] {strides = array<i32>} : memref<128x64xf32, #tpu.memory_space<vmem>>, vector<1x16xf32>,
      %get3A_610 = vector.shape_cast %get3A_609 : vector<1x16xf32> to vector<16xf32>
      %get3A_611 = arith.index_cast %add3A_606 : i32 to index
      %get3A_612 = arith.constant 16 : index
      %get3A_613 = tpu.vector_load %arg5[%get3A_611, %get3A_612] {strides = array<i32>} : memref<128x64xf32, #tpu.memory_space<vmem>>, vector<1x16xf32>,
      %get3A_614 = vector.shape_cast %get3A_613 : vector<1x16xf32> to vector<16xf32>
      %get3A_615 = arith.index_cast %add3A_606 : i32 to index
      %get3A_616 = arith.constant 32 : index
      %get3A_617 = tpu.vector_load %arg5[%get3A_615, %get3A_616] {strides = array<i32>} : memref<128x64xf32, #tpu.memory_space<vmem>>, vector<1x16xf32>,
      %get3A_618 = vector.shape_cast %get3A_617 : vector<1x16xf32> to vector<16xf32>
      %get3A_619 = arith.index_cast %add3A_606 : i32 to index
      %get3A_620 = arith.constant 48 : index
      %get3A_621 = tpu.vector_load %arg5[%get3A_619, %get3A_620] {strides = array<i32>} : memref<128x64xf32, #tpu.memory_space<vmem>>, vector<1x16xf32>,
      %get3A_622 = vector.shape_cast %get3A_621 : vector<1x16xf32> to vector<16xf32>
      %mul3A_623 = arith.mulf %get3A_610, %get3A_6 : vector<16xf32>
      %mul3A_624 = arith.mulf %get3A_614, %get3A_11 : vector<16xf32>
      %mul3A_625 = arith.mulf %get3A_618, %get3A_16 : vector<16xf32>
      %mul3A_626 = arith.mulf %get3A_622, %get3A_21 : vector<16xf32>
      %add3A_627 = arith.addf %mul3A_623, %mul3A_624 : vector<16xf32>
      %add3A_628 = arith.addf %mul3A_625, %mul3A_626 : vector<16xf32>
      %add3A_629 = arith.addf %add3A_627, %add3A_628 : vector<16xf32>
      %add3A_630 = arith.addf %add3A_629, %get3A_26 : vector<16xf32>
      %broadcast_in_dim3A_631 = vector.shape_cast %xor3A_48 : vector<16xi32> to vector<16x1xi32>
      %gather3A_632 = vector.shape_cast %broadcast_in_dim3A_631 : vector<16x1xi32> to vector<16xi32>
      %gather3A_633 = tpu.dynamic_gather %add3A_630[%gather3A_632] in [0] : vector<16xf32>, vector<16xi32> -> vector<16xf32>
      %add3A_634 = arith.addf %add3A_630, %gather3A_633 : vector<16xf32>
      %broadcast_in_dim3A_635 = vector.shape_cast %xor3A_51 : vector<16xi32> to vector<16x1xi32>
      %gather3A_636 = vector.shape_cast %broadcast_in_dim3A_635 : vector<16x1xi32> to vector<16xi32>
      %gather3A_637 = tpu.dynamic_gather %add3A_634[%gather3A_636] in [0] : vector<16xf32>, vector<16xi32> -> vector<16xf32>
      %add3A_638 = arith.addf %add3A_634, %gather3A_637 : vector<16xf32>
      %broadcast_in_dim3A_639 = vector.shape_cast %xor3A_54 : vector<16xi32> to vector<16x1xi32>
      %gather3A_640 = vector.shape_cast %broadcast_in_dim3A_639 : vector<16x1xi32> to vector<16xi32>
      %gather3A_641 = tpu.dynamic_gather %add3A_638[%gather3A_640] in [0] : vector<16xf32>, vector<16xi32> -> vector<16xf32>
      %add3A_642 = arith.addf %add3A_638, %gather3A_641 : vector<16xf32>
      %broadcast_in_dim3A_643 = vector.shape_cast %xor3A_57 : vector<16xi32> to vector<16x1xi32>
      %gather3A_644 = vector.shape_cast %broadcast_in_dim3A_643 : vector<16x1xi32> to vector<16xi32>
      %gather3A_645 = tpu.dynamic_gather %add3A_642[%gather3A_644] in [0] : vector<16xf32>, vector<16xi32> -> vector<16xf32>
      %add3A_646 = arith.addf %add3A_642, %gather3A_645 : vector<16xf32>
      %mul3A_647 = arith.mulf %add3A_646, %get3A_31 : vector<16xf32>
      %add3A_648 = arith.addf %get3A_610, %mul3A_647 : vector<16xf32>
      %swap3A_649 = arith.index_cast %add3A_606 : i32 to index
      %swap3A_650 = arith.constant 0 : index
      %swap3A_651 = tpu.vector_load %arg8[%swap3A_649, %swap3A_650] {strides = array<i32>} : memref<128x64xf32, #tpu.memory_space<vmem>>, vector<1x16xf32>,
      %swap3A_652 = vector.shape_cast %swap3A_651 : vector<1x16xf32> to vector<16xf32>
      %swap3A_653 = vector.shape_cast %add3A_648 : vector<16xf32> to vector<1x16xf32>
      tpu.vector_store %arg8[%swap3A_649, %swap3A_650], %swap3A_653 {strides = array<i32>} : memref<128x64xf32, #tpu.memory_space<vmem>>, vector<1x16xf32>,
      %mul3A_654 = arith.mulf %add3A_646, %get3A_36 : vector<16xf32>
      %add3A_655 = arith.addf %get3A_614, %mul3A_654 : vector<16xf32>
      %swap3A_656 = arith.index_cast %add3A_606 : i32 to index
      %swap3A_657 = arith.constant 16 : index
      %swap3A_658 = tpu.vector_load %arg8[%swap3A_656, %swap3A_657] {strides = array<i32>} : memref<128x64xf32, #tpu.memory_space<vmem>>, vector<1x16xf32>,
      %swap3A_659 = vector.shape_cast %swap3A_658 : vector<1x16xf32> to vector<16xf32>
      %swap3A_660 = vector.shape_cast %add3A_655 : vector<16xf32> to vector<1x16xf32>
      tpu.vector_store %arg8[%swap3A_656, %swap3A_657], %swap3A_660 {strides = array<i32>} : memref<128x64xf32, #tpu.memory_space<vmem>>, vector<1x16xf32>,
      %mul3A_661 = arith.mulf %add3A_646, %get3A_41 : vector<16xf32>
      %add3A_662 = arith.addf %get3A_618, %mul3A_661 : vector<16xf32>
      %swap3A_663 = arith.index_cast %add3A_606 : i32 to index
      %swap3A_664 = arith.constant 32 : index
      %swap3A_665 = tpu.vector_load %arg8[%swap3A_663, %swap3A_664] {strides = array<i32>} : memref<128x64xf32, #tpu.memory_space<vmem>>, vector<1x16xf32>,
      %swap3A_666 = vector.shape_cast %swap3A_665 : vector<1x16xf32> to vector<16xf32>
      %swap3A_667 = vector.shape_cast %add3A_662 : vector<16xf32> to vector<1x16xf32>
      tpu.vector_store %arg8[%swap3A_663, %swap3A_664], %swap3A_667 {strides = array<i32>} : memref<128x64xf32, #tpu.memory_space<vmem>>, vector<1x16xf32>,
      %mul3A_668 = arith.mulf %add3A_646, %get3A_46 : vector<16xf32>
      %add3A_669 = arith.addf %get3A_622, %mul3A_668 : vector<16xf32>
      %swap3A_670 = arith.index_cast %add3A_606 : i32 to index
      %swap3A_671 = arith.constant 48 : index
      %swap3A_672 = tpu.vector_load %arg8[%swap3A_670, %swap3A_671] {strides = array<i32>} : memref<128x64xf32, #tpu.memory_space<vmem>>, vector<1x16xf32>,
      %swap3A_673 = vector.shape_cast %swap3A_672 : vector<1x16xf32> to vector<16xf32>
      %swap3A_674 = vector.shape_cast %add3A_669 : vector<16xf32> to vector<1x16xf32>
      tpu.vector_store %arg8[%swap3A_670, %swap3A_671], %swap3A_674 {strides = array<i32>} : memref<128x64xf32, #tpu.memory_space<vmem>>, vector<1x16xf32>,
    }
    %scan3A_84 = arith.constant 64 : i32
    %add3A_85 = arith.constant 0 : i32
    %add3A_86 = arith.addi %mul3A_2, %add3A_85 : i32
    %dma_start3A_87 = arith.constant 0 : i32
    %dma_start3A_88 = tpu.memref_slice %arg4[%add3A_86, %dma_start3A_87] : memref<65536x64xf32, #tpu.memory_space<hbm>> -> memref<128x64xf32, #tpu.memory_space<hbm>>
    %dma_start3A_89 = arith.constant 0 : i32
    %dma_start3A_90 = tpu.memref_slice %arg4[%add3A_86, %dma_start3A_89] : memref<65536x64xf32, #tpu.memory_space<hbm>> -> memref<128x64xf32, #tpu.memory_space<hbm>>
    tpu.enqueue_dma source(%arg8 : memref<128x64xf32, #tpu.memory_space<vmem>>) target(%dma_start3A_90 : memref<128x64xf32, #tpu.memory_space<hbm>>) target_semaphore(%arg15 : memref<!tpu.dma_semaphore, #tpu.memory_space<semaphore_mem>>)
    %add3A_91 = arith.constant 12288 : i32
    %add3A_92 = arith.addi %mul3A_2, %add3A_91 : i32
    %dma_start3A_93 = arith.constant 0 : i32
    %dma_start3A_94 = tpu.memref_slice %arg2[%add3A_92, %dma_start3A_93] : memref<65536x64xf32, #tpu.memory_space<hbm>> -> memref<128x64xf32, #tpu.memory_space<hbm>>
    %dma_start3A_95 = arith.constant 0 : i32
    %dma_start3A_96 = tpu.memref_slice %arg2[%add3A_92, %dma_start3A_95] : memref<65536x64xf32, #tpu.memory_space<hbm>> -> memref<128x64xf32, #tpu.memory_space<hbm>>
    tpu.enqueue_dma source(%dma_start3A_96 : memref<128x64xf32, #tpu.memory_space<hbm>>) target(%arg5 : memref<128x64xf32, #tpu.memory_space<vmem>>) target_semaphore(%arg12 : memref<!tpu.dma_semaphore, #tpu.memory_space<semaphore_mem>>)
    %add3A_97 = arith.constant 4096 : i32
    %add3A_98 = arith.addi %mul3A_2, %add3A_97 : i32
    %dma_wait3A_99 = arith.constant 0 : i32
    %dma_wait3A_100 = tpu.memref_slice %arg2[%add3A_98, %dma_wait3A_99] : memref<65536x64xf32, #tpu.memory_space<hbm>> -> memref<128x64xf32, #tpu.memory_space<hbm>>
    %dma_wait3A_101 = arith.constant 0 : i32
    %dma_wait3A_102 = tpu.memref_slice %arg2[%add3A_98, %dma_wait3A_101] : memref<65536x64xf32, #tpu.memory_space<hbm>> -> memref<128x64xf32, #tpu.memory_space<hbm>>
    tpu.wait_dma2 semaphore(%arg13 : memref<!tpu.dma_semaphore, #tpu.memory_space<semaphore_mem>>) src(%dma_wait3A_102 : memref<128x64xf32, #tpu.memory_space<hbm>>) dst(%arg6 : memref<128x64xf32, #tpu.memory_space<vmem>>)
    %scan3A_103 = arith.constant 0 : i32
    %scan3A_104 = arith.constant 0 : i32
    %scan3A_105 = arith.constant 64 : i32
    %scan3A_106 = arith.addi %scan3A_104, %scan3A_105 : i32
    %scan3A_107 = arith.constant 1 : i32
    scf.for %scan3A_535 = %scan3A_104 to %scan3A_106 step %scan3A_107  : i32 {
      %mul3A_536 = arith.constant 2 : i32
      %mul3A_537 = arith.muli %scan3A_535, %mul3A_536 : i32
      %add3A_538 = arith.constant 0 : i32
      %add3A_539 = arith.addi %mul3A_537, %add3A_538 : i32
      %get3A_540 = arith.index_cast %add3A_539 : i32 to index
      %get3A_541 = arith.constant 0 : index
      %get3A_542 = tpu.vector_load %arg6[%get3A_540, %get3A_541] {strides = array<i32>} : memref<128x64xf32, #tpu.memory_space<vmem>>, vector<1x16xf32>,
      %get3A_543 = vector.shape_cast %get3A_542 : vector<1x16xf32> to vector<16xf32>
      %get3A_544 = arith.index_cast %add3A_539 : i32 to index
      %get3A_545 = arith.constant 16 : index
      %get3A_546 = tpu.vector_load %arg6[%get3A_544, %get3A_545] {strides = array<i32>} : memref<128x64xf32, #tpu.memory_space<vmem>>, vector<1x16xf32>,
      %get3A_547 = vector.shape_cast %get3A_546 : vector<1x16xf32> to vector<16xf32>
      %get3A_548 = arith.index_cast %add3A_539 : i32 to index
      %get3A_549 = arith.constant 32 : index
      %get3A_550 = tpu.vector_load %arg6[%get3A_548, %get3A_549] {strides = array<i32>} : memref<128x64xf32, #tpu.memory_space<vmem>>, vector<1x16xf32>,
      %get3A_551 = vector.shape_cast %get3A_550 : vector<1x16xf32> to vector<16xf32>
      %get3A_552 = arith.index_cast %add3A_539 : i32 to index
      %get3A_553 = arith.constant 48 : index
      %get3A_554 = tpu.vector_load %arg6[%get3A_552, %get3A_553] {strides = array<i32>} : memref<128x64xf32, #tpu.memory_space<vmem>>, vector<1x16xf32>,
      %get3A_555 = vector.shape_cast %get3A_554 : vector<1x16xf32> to vector<16xf32>
      %mul3A_556 = arith.mulf %get3A_543, %get3A_6 : vector<16xf32>
      %mul3A_557 = arith.mulf %get3A_547, %get3A_11 : vector<16xf32>
      %mul3A_558 = arith.mulf %get3A_551, %get3A_16 : vector<16xf32>
      %mul3A_559 = arith.mulf %get3A_555, %get3A_21 : vector<16xf32>
      %add3A_560 = arith.addf %mul3A_556, %mul3A_557 : vector<16xf32>
      %add3A_561 = arith.addf %mul3A_558, %mul3A_559 : vector<16xf32>
      %add3A_562 = arith.addf %add3A_560, %add3A_561 : vector<16xf32>
      %add3A_563 = arith.addf %add3A_562, %get3A_26 : vector<16xf32>
      %broadcast_in_dim3A = vector.shape_cast %xor3A_48 : vector<16xi32> to vector<16x1xi32>
      %gather3A = vector.shape_cast %broadcast_in_dim3A : vector<16x1xi32> to vector<16xi32>
      %gather3A_564 = tpu.dynamic_gather %add3A_563[%gather3A] in [0] : vector<16xf32>, vector<16xi32> -> vector<16xf32>
      %add3A_565 = arith.addf %add3A_563, %gather3A_564 : vector<16xf32>
      %broadcast_in_dim3A_566 = vector.shape_cast %xor3A_51 : vector<16xi32> to vector<16x1xi32>
      %gather3A_567 = vector.shape_cast %broadcast_in_dim3A_566 : vector<16x1xi32> to vector<16xi32>
      %gather3A_568 = tpu.dynamic_gather %add3A_565[%gather3A_567] in [0] : vector<16xf32>, vector<16xi32> -> vector<16xf32>
      %add3A_569 = arith.addf %add3A_565, %gather3A_568 : vector<16xf32>
      %broadcast_in_dim3A_570 = vector.shape_cast %xor3A_54 : vector<16xi32> to vector<16x1xi32>
      %gather3A_571 = vector.shape_cast %broadcast_in_dim3A_570 : vector<16x1xi32> to vector<16xi32>
      %gather3A_572 = tpu.dynamic_gather %add3A_569[%gather3A_571] in [0] : vector<16xf32>, vector<16xi32> -> vector<16xf32>
      %add3A_573 = arith.addf %add3A_569, %gather3A_572 : vector<16xf32>
      %broadcast_in_dim3A_574 = vector.shape_cast %xor3A_57 : vector<16xi32> to vector<16x1xi32>
      %gather3A_575 = vector.shape_cast %broadcast_in_dim3A_574 : vector<16x1xi32> to vector<16xi32>
      %gather3A_576 = tpu.dynamic_gather %add3A_573[%gather3A_575] in [0] : vector<16xf32>, vector<16xi32> -> vector<16xf32>
      %add3A_577 = arith.addf %add3A_573, %gather3A_576 : vector<16xf32>
      %mul3A_578 = arith.mulf %add3A_577, %get3A_31 : vector<16xf32>
      %add3A_579 = arith.addf %get3A_543, %mul3A_578 : vector<16xf32>
      %swap3A = arith.index_cast %add3A_539 : i32 to index
      %swap3A_580 = arith.constant 0 : index
      %swap3A_581 = tpu.vector_load %arg9[%swap3A, %swap3A_580] {strides = array<i32>} : memref<128x64xf32, #tpu.memory_space<vmem>>, vector<1x16xf32>,
      %swap3A_582 = vector.shape_cast %swap3A_581 : vector<1x16xf32> to vector<16xf32>
      %swap3A_583 = vector.shape_cast %add3A_579 : vector<16xf32> to vector<1x16xf32>
      tpu.vector_store %arg9[%swap3A, %swap3A_580], %swap3A_583 {strides = array<i32>} : memref<128x64xf32, #tpu.memory_space<vmem>>, vector<1x16xf32>,
      %mul3A_584 = arith.mulf %add3A_577, %get3A_36 : vector<16xf32>
      %add3A_585 = arith.addf %get3A_547, %mul3A_584 : vector<16xf32>
      %swap3A_586 = arith.index_cast %add3A_539 : i32 to index
      %swap3A_587 = arith.constant 16 : index
      %swap3A_588 = tpu.vector_load %arg9[%swap3A_586, %swap3A_587] {strides = array<i32>} : memref<128x64xf32, #tpu.memory_space<vmem>>, vector<1x16xf32>,
      %swap3A_589 = vector.shape_cast %swap3A_588 : vector<1x16xf32> to vector<16xf32>
      %swap3A_590 = vector.shape_cast %add3A_585 : vector<16xf32> to vector<1x16xf32>
      tpu.vector_store %arg9[%swap3A_586, %swap3A_587], %swap3A_590 {strides = array<i32>} : memref<128x64xf32, #tpu.memory_space<vmem>>, vector<1x16xf32>,
      %mul3A_591 = arith.mulf %add3A_577, %get3A_41 : vector<16xf32>
      %add3A_592 = arith.addf %get3A_551, %mul3A_591 : vector<16xf32>
      %swap3A_593 = arith.index_cast %add3A_539 : i32 to index
      %swap3A_594 = arith.constant 32 : index
      %swap3A_595 = tpu.vector_load %arg9[%swap3A_593, %swap3A_594] {strides = array<i32>} : memref<128x64xf32, #tpu.memory_space<vmem>>, vector<1x16xf32>,
      %swap3A_596 = vector.shape_cast %swap3A_595 : vector<1x16xf32> to vector<16xf32>
      %swap3A_597 = vector.shape_cast %add3A_592 : vector<16xf32> to vector<1x16xf32>
      tpu.vector_store %arg9[%swap3A_593, %swap3A_594], %swap3A_597 {strides = array<i32>} : memref<128x64xf32, #tpu.memory_space<vmem>>, vector<1x16xf32>,
      %mul3A_598 = arith.mulf %add3A_577, %get3A_46 : vector<16xf32>
      %add3A_599 = arith.addf %get3A_555, %mul3A_598 : vector<16xf32>
      %swap3A_600 = arith.index_cast %add3A_539 : i32 to index
      %swap3A_601 = arith.constant 48 : index
      %swap3A_602 = tpu.vector_load %arg9[%swap3A_600, %swap3A_601] {strides = array<i32>} : memref<128x64xf32, #tpu.memory_space<vmem>>, vector<1x16xf32>,
      %swap3A_603 = vector.shape_cast %swap3A_602 : vector<1x16xf32> to vector<16xf32>
      %swap3A_604 = vector.shape_cast %add3A_599 : vector<16xf32> to vector<1x16xf32>
      tpu.vector_store %arg9[%swap3A_600, %swap3A_601], %swap3A_604 {strides = array<i32>} : memref<128x64xf32, #tpu.memory_space<vmem>>, vector<1x16xf32>,
      %add3A_605 = arith.constant 1 : i32
      %add3A_606 = arith.addi %mul3A_537, %add3A_605 : i32
      %get3A_607 = arith.index_cast %add3A_606 : i32 to index
      %get3A_608 = arith.constant 0 : index
      %get3A_609 = tpu.vector_load %arg6[%get3A_607, %get3A_608] {strides = array<i32>} : memref<128x64xf32, #tpu.memory_space<vmem>>, vector<1x16xf32>,
      %get3A_610 = vector.shape_cast %get3A_609 : vector<1x16xf32> to vector<16xf32>
      %get3A_611 = arith.index_cast %add3A_606 : i32 to index
      %get3A_612 = arith.constant 16 : index
      %get3A_613 = tpu.vector_load %arg6[%get3A_611, %get3A_612] {strides = array<i32>} : memref<128x64xf32, #tpu.memory_space<vmem>>, vector<1x16xf32>,
      %get3A_614 = vector.shape_cast %get3A_613 : vector<1x16xf32> to vector<16xf32>
      %get3A_615 = arith.index_cast %add3A_606 : i32 to index
      %get3A_616 = arith.constant 32 : index
      %get3A_617 = tpu.vector_load %arg6[%get3A_615, %get3A_616] {strides = array<i32>} : memref<128x64xf32, #tpu.memory_space<vmem>>, vector<1x16xf32>,
      %get3A_618 = vector.shape_cast %get3A_617 : vector<1x16xf32> to vector<16xf32>
      %get3A_619 = arith.index_cast %add3A_606 : i32 to index
      %get3A_620 = arith.constant 48 : index
      %get3A_621 = tpu.vector_load %arg6[%get3A_619, %get3A_620] {strides = array<i32>} : memref<128x64xf32, #tpu.memory_space<vmem>>, vector<1x16xf32>,
      %get3A_622 = vector.shape_cast %get3A_621 : vector<1x16xf32> to vector<16xf32>
      %mul3A_623 = arith.mulf %get3A_610, %get3A_6 : vector<16xf32>
      %mul3A_624 = arith.mulf %get3A_614, %get3A_11 : vector<16xf32>
      %mul3A_625 = arith.mulf %get3A_618, %get3A_16 : vector<16xf32>
      %mul3A_626 = arith.mulf %get3A_622, %get3A_21 : vector<16xf32>
      %add3A_627 = arith.addf %mul3A_623, %mul3A_624 : vector<16xf32>
      %add3A_628 = arith.addf %mul3A_625, %mul3A_626 : vector<16xf32>
      %add3A_629 = arith.addf %add3A_627, %add3A_628 : vector<16xf32>
      %add3A_630 = arith.addf %add3A_629, %get3A_26 : vector<16xf32>
      %broadcast_in_dim3A_631 = vector.shape_cast %xor3A_48 : vector<16xi32> to vector<16x1xi32>
      %gather3A_632 = vector.shape_cast %broadcast_in_dim3A_631 : vector<16x1xi32> to vector<16xi32>
      %gather3A_633 = tpu.dynamic_gather %add3A_630[%gather3A_632] in [0] : vector<16xf32>, vector<16xi32> -> vector<16xf32>
      %add3A_634 = arith.addf %add3A_630, %gather3A_633 : vector<16xf32>
      %broadcast_in_dim3A_635 = vector.shape_cast %xor3A_51 : vector<16xi32> to vector<16x1xi32>
      %gather3A_636 = vector.shape_cast %broadcast_in_dim3A_635 : vector<16x1xi32> to vector<16xi32>
      %gather3A_637 = tpu.dynamic_gather %add3A_634[%gather3A_636] in [0] : vector<16xf32>, vector<16xi32> -> vector<16xf32>
      %add3A_638 = arith.addf %add3A_634, %gather3A_637 : vector<16xf32>
      %broadcast_in_dim3A_639 = vector.shape_cast %xor3A_54 : vector<16xi32> to vector<16x1xi32>
      %gather3A_640 = vector.shape_cast %broadcast_in_dim3A_639 : vector<16x1xi32> to vector<16xi32>
      %gather3A_641 = tpu.dynamic_gather %add3A_638[%gather3A_640] in [0] : vector<16xf32>, vector<16xi32> -> vector<16xf32>
      %add3A_642 = arith.addf %add3A_638, %gather3A_641 : vector<16xf32>
      %broadcast_in_dim3A_643 = vector.shape_cast %xor3A_57 : vector<16xi32> to vector<16x1xi32>
      %gather3A_644 = vector.shape_cast %broadcast_in_dim3A_643 : vector<16x1xi32> to vector<16xi32>
      %gather3A_645 = tpu.dynamic_gather %add3A_642[%gather3A_644] in [0] : vector<16xf32>, vector<16xi32> -> vector<16xf32>
      %add3A_646 = arith.addf %add3A_642, %gather3A_645 : vector<16xf32>
      %mul3A_647 = arith.mulf %add3A_646, %get3A_31 : vector<16xf32>
      %add3A_648 = arith.addf %get3A_610, %mul3A_647 : vector<16xf32>
      %swap3A_649 = arith.index_cast %add3A_606 : i32 to index
      %swap3A_650 = arith.constant 0 : index
      %swap3A_651 = tpu.vector_load %arg9[%swap3A_649, %swap3A_650] {strides = array<i32>} : memref<128x64xf32, #tpu.memory_space<vmem>>, vector<1x16xf32>,
      %swap3A_652 = vector.shape_cast %swap3A_651 : vector<1x16xf32> to vector<16xf32>
      %swap3A_653 = vector.shape_cast %add3A_648 : vector<16xf32> to vector<1x16xf32>
      tpu.vector_store %arg9[%swap3A_649, %swap3A_650], %swap3A_653 {strides = array<i32>} : memref<128x64xf32, #tpu.memory_space<vmem>>, vector<1x16xf32>,
      %mul3A_654 = arith.mulf %add3A_646, %get3A_36 : vector<16xf32>
      %add3A_655 = arith.addf %get3A_614, %mul3A_654 : vector<16xf32>
      %swap3A_656 = arith.index_cast %add3A_606 : i32 to index
      %swap3A_657 = arith.constant 16 : index
      %swap3A_658 = tpu.vector_load %arg9[%swap3A_656, %swap3A_657] {strides = array<i32>} : memref<128x64xf32, #tpu.memory_space<vmem>>, vector<1x16xf32>,
      %swap3A_659 = vector.shape_cast %swap3A_658 : vector<1x16xf32> to vector<16xf32>
      %swap3A_660 = vector.shape_cast %add3A_655 : vector<16xf32> to vector<1x16xf32>
      tpu.vector_store %arg9[%swap3A_656, %swap3A_657], %swap3A_660 {strides = array<i32>} : memref<128x64xf32, #tpu.memory_space<vmem>>, vector<1x16xf32>,
      %mul3A_661 = arith.mulf %add3A_646, %get3A_41 : vector<16xf32>
      %add3A_662 = arith.addf %get3A_618, %mul3A_661 : vector<16xf32>
      %swap3A_663 = arith.index_cast %add3A_606 : i32 to index
      %swap3A_664 = arith.constant 32 : index
      %swap3A_665 = tpu.vector_load %arg9[%swap3A_663, %swap3A_664] {strides = array<i32>} : memref<128x64xf32, #tpu.memory_space<vmem>>, vector<1x16xf32>,
      %swap3A_666 = vector.shape_cast %swap3A_665 : vector<1x16xf32> to vector<16xf32>
      %swap3A_667 = vector.shape_cast %add3A_662 : vector<16xf32> to vector<1x16xf32>
      tpu.vector_store %arg9[%swap3A_663, %swap3A_664], %swap3A_667 {strides = array<i32>} : memref<128x64xf32, #tpu.memory_space<vmem>>, vector<1x16xf32>,
      %mul3A_668 = arith.mulf %add3A_646, %get3A_46 : vector<16xf32>
      %add3A_669 = arith.addf %get3A_622, %mul3A_668 : vector<16xf32>
      %swap3A_670 = arith.index_cast %add3A_606 : i32 to index
      %swap3A_671 = arith.constant 48 : index
      %swap3A_672 = tpu.vector_load %arg9[%swap3A_670, %swap3A_671] {strides = array<i32>} : memref<128x64xf32, #tpu.memory_space<vmem>>, vector<1x16xf32>,
      %swap3A_673 = vector.shape_cast %swap3A_672 : vector<1x16xf32> to vector<16xf32>
      %swap3A_674 = vector.shape_cast %add3A_669 : vector<16xf32> to vector<1x16xf32>
      tpu.vector_store %arg9[%swap3A_670, %swap3A_671], %swap3A_674 {strides = array<i32>} : memref<128x64xf32, #tpu.memory_space<vmem>>, vector<1x16xf32>,
    }
    %scan3A_108 = arith.constant 64 : i32
    %add3A_109 = arith.constant 4096 : i32
    %add3A_110 = arith.addi %mul3A_2, %add3A_109 : i32
    %dma_start3A_111 = arith.constant 0 : i32
    %dma_start3A_112 = tpu.memref_slice %arg4[%add3A_110, %dma_start3A_111] : memref<65536x64xf32, #tpu.memory_space<hbm>> -> memref<128x64xf32, #tpu.memory_space<hbm>>
    %dma_start3A_113 = arith.constant 0 : i32
    %dma_start3A_114 = tpu.memref_slice %arg4[%add3A_110, %dma_start3A_113] : memref<65536x64xf32, #tpu.memory_space<hbm>> -> memref<128x64xf32, #tpu.memory_space<hbm>>
    tpu.enqueue_dma source(%arg9 : memref<128x64xf32, #tpu.memory_space<vmem>>) target(%dma_start3A_114 : memref<128x64xf32, #tpu.memory_space<hbm>>) target_semaphore(%arg16 : memref<!tpu.dma_semaphore, #tpu.memory_space<semaphore_mem>>)
    %add3A_115 = arith.constant 16384 : i32
    %add3A_116 = arith.addi %mul3A_2, %add3A_115 : i32
    %dma_start3A_117 = arith.constant 0 : i32
    %dma_start3A_118 = tpu.memref_slice %arg2[%add3A_116, %dma_start3A_117] : memref<65536x64xf32, #tpu.memory_space<hbm>> -> memref<128x64xf32, #tpu.memory_space<hbm>>
    %dma_start3A_119 = arith.constant 0 : i32
    %dma_start3A_120 = tpu.memref_slice %arg2[%add3A_116, %dma_start3A_119] : memref<65536x64xf32, #tpu.memory_space<hbm>> -> memref<128x64xf32, #tpu.memory_space<hbm>>
    tpu.enqueue_dma source(%dma_start3A_120 : memref<128x64xf32, #tpu.memory_space<hbm>>) target(%arg6 : memref<128x64xf32, #tpu.memory_space<vmem>>) target_semaphore(%arg13 : memref<!tpu.dma_semaphore, #tpu.memory_space<semaphore_mem>>)
    %add3A_121 = arith.constant 8192 : i32
    %add3A_122 = arith.addi %mul3A_2, %add3A_121 : i32
    %dma_wait3A_123 = arith.constant 0 : i32
    %dma_wait3A_124 = tpu.memref_slice %arg2[%add3A_122, %dma_wait3A_123] : memref<65536x64xf32, #tpu.memory_space<hbm>> -> memref<128x64xf32, #tpu.memory_space<hbm>>
    %dma_wait3A_125 = arith.constant 0 : i32
    %dma_wait3A_126 = tpu.memref_slice %arg2[%add3A_122, %dma_wait3A_125] : memref<65536x64xf32, #tpu.memory_space<hbm>> -> memref<128x64xf32, #tpu.memory_space<hbm>>
    tpu.wait_dma2 semaphore(%arg14 : memref<!tpu.dma_semaphore, #tpu.memory_space<semaphore_mem>>) src(%dma_wait3A_126 : memref<128x64xf32, #tpu.memory_space<hbm>>) dst(%arg7 : memref<128x64xf32, #tpu.memory_space<vmem>>)
    %scan3A_127 = arith.constant 0 : i32
    %scan3A_128 = arith.constant 0 : i32
    %scan3A_129 = arith.constant 64 : i32
    %scan3A_130 = arith.addi %scan3A_128, %scan3A_129 : i32
    %scan3A_131 = arith.constant 1 : i32
    scf.for %scan3A_535 = %scan3A_128 to %scan3A_130 step %scan3A_131  : i32 {
      %mul3A_536 = arith.constant 2 : i32
      %mul3A_537 = arith.muli %scan3A_535, %mul3A_536 : i32
      %add3A_538 = arith.constant 0 : i32
      %add3A_539 = arith.addi %mul3A_537, %add3A_538 : i32
      %get3A_540 = arith.index_cast %add3A_539 : i32 to index
      %get3A_541 = arith.constant 0 : index
      %get3A_542 = tpu.vector_load %arg7[%get3A_540, %get3A_541] {strides = array<i32>} : memref<128x64xf32, #tpu.memory_space<vmem>>, vector<1x16xf32>,
      %get3A_543 = vector.shape_cast %get3A_542 : vector<1x16xf32> to vector<16xf32>
      %get3A_544 = arith.index_cast %add3A_539 : i32 to index
      %get3A_545 = arith.constant 16 : index
      %get3A_546 = tpu.vector_load %arg7[%get3A_544, %get3A_545] {strides = array<i32>} : memref<128x64xf32, #tpu.memory_space<vmem>>, vector<1x16xf32>,
      %get3A_547 = vector.shape_cast %get3A_546 : vector<1x16xf32> to vector<16xf32>
      %get3A_548 = arith.index_cast %add3A_539 : i32 to index
      %get3A_549 = arith.constant 32 : index
      %get3A_550 = tpu.vector_load %arg7[%get3A_548, %get3A_549] {strides = array<i32>} : memref<128x64xf32, #tpu.memory_space<vmem>>, vector<1x16xf32>,
      %get3A_551 = vector.shape_cast %get3A_550 : vector<1x16xf32> to vector<16xf32>
      %get3A_552 = arith.index_cast %add3A_539 : i32 to index
      %get3A_553 = arith.constant 48 : index
      %get3A_554 = tpu.vector_load %arg7[%get3A_552, %get3A_553] {strides = array<i32>} : memref<128x64xf32, #tpu.memory_space<vmem>>, vector<1x16xf32>,
      %get3A_555 = vector.shape_cast %get3A_554 : vector<1x16xf32> to vector<16xf32>
      %mul3A_556 = arith.mulf %get3A_543, %get3A_6 : vector<16xf32>
      %mul3A_557 = arith.mulf %get3A_547, %get3A_11 : vector<16xf32>
      %mul3A_558 = arith.mulf %get3A_551, %get3A_16 : vector<16xf32>
      %mul3A_559 = arith.mulf %get3A_555, %get3A_21 : vector<16xf32>
      %add3A_560 = arith.addf %mul3A_556, %mul3A_557 : vector<16xf32>
      %add3A_561 = arith.addf %mul3A_558, %mul3A_559 : vector<16xf32>
      %add3A_562 = arith.addf %add3A_560, %add3A_561 : vector<16xf32>
      %add3A_563 = arith.addf %add3A_562, %get3A_26 : vector<16xf32>
      %broadcast_in_dim3A = vector.shape_cast %xor3A_48 : vector<16xi32> to vector<16x1xi32>
      %gather3A = vector.shape_cast %broadcast_in_dim3A : vector<16x1xi32> to vector<16xi32>
      %gather3A_564 = tpu.dynamic_gather %add3A_563[%gather3A] in [0] : vector<16xf32>, vector<16xi32> -> vector<16xf32>
      %add3A_565 = arith.addf %add3A_563, %gather3A_564 : vector<16xf32>
      %broadcast_in_dim3A_566 = vector.shape_cast %xor3A_51 : vector<16xi32> to vector<16x1xi32>
      %gather3A_567 = vector.shape_cast %broadcast_in_dim3A_566 : vector<16x1xi32> to vector<16xi32>
      %gather3A_568 = tpu.dynamic_gather %add3A_565[%gather3A_567] in [0] : vector<16xf32>, vector<16xi32> -> vector<16xf32>
      %add3A_569 = arith.addf %add3A_565, %gather3A_568 : vector<16xf32>
      %broadcast_in_dim3A_570 = vector.shape_cast %xor3A_54 : vector<16xi32> to vector<16x1xi32>
      %gather3A_571 = vector.shape_cast %broadcast_in_dim3A_570 : vector<16x1xi32> to vector<16xi32>
      %gather3A_572 = tpu.dynamic_gather %add3A_569[%gather3A_571] in [0] : vector<16xf32>, vector<16xi32> -> vector<16xf32>
      %add3A_573 = arith.addf %add3A_569, %gather3A_572 : vector<16xf32>
      %broadcast_in_dim3A_574 = vector.shape_cast %xor3A_57 : vector<16xi32> to vector<16x1xi32>
      %gather3A_575 = vector.shape_cast %broadcast_in_dim3A_574 : vector<16x1xi32> to vector<16xi32>
      %gather3A_576 = tpu.dynamic_gather %add3A_573[%gather3A_575] in [0] : vector<16xf32>, vector<16xi32> -> vector<16xf32>
      %add3A_577 = arith.addf %add3A_573, %gather3A_576 : vector<16xf32>
      %mul3A_578 = arith.mulf %add3A_577, %get3A_31 : vector<16xf32>
      %add3A_579 = arith.addf %get3A_543, %mul3A_578 : vector<16xf32>
      %swap3A = arith.index_cast %add3A_539 : i32 to index
      %swap3A_580 = arith.constant 0 : index
      %swap3A_581 = tpu.vector_load %arg10[%swap3A, %swap3A_580] {strides = array<i32>} : memref<128x64xf32, #tpu.memory_space<vmem>>, vector<1x16xf32>,
      %swap3A_582 = vector.shape_cast %swap3A_581 : vector<1x16xf32> to vector<16xf32>
      %swap3A_583 = vector.shape_cast %add3A_579 : vector<16xf32> to vector<1x16xf32>
      tpu.vector_store %arg10[%swap3A, %swap3A_580], %swap3A_583 {strides = array<i32>} : memref<128x64xf32, #tpu.memory_space<vmem>>, vector<1x16xf32>,
      %mul3A_584 = arith.mulf %add3A_577, %get3A_36 : vector<16xf32>
      %add3A_585 = arith.addf %get3A_547, %mul3A_584 : vector<16xf32>
      %swap3A_586 = arith.index_cast %add3A_539 : i32 to index
      %swap3A_587 = arith.constant 16 : index
      %swap3A_588 = tpu.vector_load %arg10[%swap3A_586, %swap3A_587] {strides = array<i32>} : memref<128x64xf32, #tpu.memory_space<vmem>>, vector<1x16xf32>,
      %swap3A_589 = vector.shape_cast %swap3A_588 : vector<1x16xf32> to vector<16xf32>
      %swap3A_590 = vector.shape_cast %add3A_585 : vector<16xf32> to vector<1x16xf32>
      tpu.vector_store %arg10[%swap3A_586, %swap3A_587], %swap3A_590 {strides = array<i32>} : memref<128x64xf32, #tpu.memory_space<vmem>>, vector<1x16xf32>,
      %mul3A_591 = arith.mulf %add3A_577, %get3A_41 : vector<16xf32>
      %add3A_592 = arith.addf %get3A_551, %mul3A_591 : vector<16xf32>
      %swap3A_593 = arith.index_cast %add3A_539 : i32 to index
      %swap3A_594 = arith.constant 32 : index
      %swap3A_595 = tpu.vector_load %arg10[%swap3A_593, %swap3A_594] {strides = array<i32>} : memref<128x64xf32, #tpu.memory_space<vmem>>, vector<1x16xf32>,
      %swap3A_596 = vector.shape_cast %swap3A_595 : vector<1x16xf32> to vector<16xf32>
      %swap3A_597 = vector.shape_cast %add3A_592 : vector<16xf32> to vector<1x16xf32>
      tpu.vector_store %arg10[%swap3A_593, %swap3A_594], %swap3A_597 {strides = array<i32>} : memref<128x64xf32, #tpu.memory_space<vmem>>, vector<1x16xf32>,
      %mul3A_598 = arith.mulf %add3A_577, %get3A_46 : vector<16xf32>
      %add3A_599 = arith.addf %get3A_555, %mul3A_598 : vector<16xf32>
      %swap3A_600 = arith.index_cast %add3A_539 : i32 to index
      %swap3A_601 = arith.constant 48 : index
      %swap3A_602 = tpu.vector_load %arg10[%swap3A_600, %swap3A_601] {strides = array<i32>} : memref<128x64xf32, #tpu.memory_space<vmem>>, vector<1x16xf32>,
      %swap3A_603 = vector.shape_cast %swap3A_602 : vector<1x16xf32> to vector<16xf32>
      %swap3A_604 = vector.shape_cast %add3A_599 : vector<16xf32> to vector<1x16xf32>
      tpu.vector_store %arg10[%swap3A_600, %swap3A_601], %swap3A_604 {strides = array<i32>} : memref<128x64xf32, #tpu.memory_space<vmem>>, vector<1x16xf32>,
      %add3A_605 = arith.constant 1 : i32
      %add3A_606 = arith.addi %mul3A_537, %add3A_605 : i32
      %get3A_607 = arith.index_cast %add3A_606 : i32 to index
      %get3A_608 = arith.constant 0 : index
      %get3A_609 = tpu.vector_load %arg7[%get3A_607, %get3A_608] {strides = array<i32>} : memref<128x64xf32, #tpu.memory_space<vmem>>, vector<1x16xf32>,
      %get3A_610 = vector.shape_cast %get3A_609 : vector<1x16xf32> to vector<16xf32>
      %get3A_611 = arith.index_cast %add3A_606 : i32 to index
      %get3A_612 = arith.constant 16 : index
      %get3A_613 = tpu.vector_load %arg7[%get3A_611, %get3A_612] {strides = array<i32>} : memref<128x64xf32, #tpu.memory_space<vmem>>, vector<1x16xf32>,
      %get3A_614 = vector.shape_cast %get3A_613 : vector<1x16xf32> to vector<16xf32>
      %get3A_615 = arith.index_cast %add3A_606 : i32 to index
      %get3A_616 = arith.constant 32 : index
      %get3A_617 = tpu.vector_load %arg7[%get3A_615, %get3A_616] {strides = array<i32>} : memref<128x64xf32, #tpu.memory_space<vmem>>, vector<1x16xf32>,
      %get3A_618 = vector.shape_cast %get3A_617 : vector<1x16xf32> to vector<16xf32>
      %get3A_619 = arith.index_cast %add3A_606 : i32 to index
      %get3A_620 = arith.constant 48 : index
      %get3A_621 = tpu.vector_load %arg7[%get3A_619, %get3A_620] {strides = array<i32>} : memref<128x64xf32, #tpu.memory_space<vmem>>, vector<1x16xf32>,
      %get3A_622 = vector.shape_cast %get3A_621 : vector<1x16xf32> to vector<16xf32>
      %mul3A_623 = arith.mulf %get3A_610, %get3A_6 : vector<16xf32>
      %mul3A_624 = arith.mulf %get3A_614, %get3A_11 : vector<16xf32>
      %mul3A_625 = arith.mulf %get3A_618, %get3A_16 : vector<16xf32>
      %mul3A_626 = arith.mulf %get3A_622, %get3A_21 : vector<16xf32>
      %add3A_627 = arith.addf %mul3A_623, %mul3A_624 : vector<16xf32>
      %add3A_628 = arith.addf %mul3A_625, %mul3A_626 : vector<16xf32>
      %add3A_629 = arith.addf %add3A_627, %add3A_628 : vector<16xf32>
      %add3A_630 = arith.addf %add3A_629, %get3A_26 : vector<16xf32>
      %broadcast_in_dim3A_631 = vector.shape_cast %xor3A_48 : vector<16xi32> to vector<16x1xi32>
      %gather3A_632 = vector.shape_cast %broadcast_in_dim3A_631 : vector<16x1xi32> to vector<16xi32>
      %gather3A_633 = tpu.dynamic_gather %add3A_630[%gather3A_632] in [0] : vector<16xf32>, vector<16xi32> -> vector<16xf32>
      %add3A_634 = arith.addf %add3A_630, %gather3A_633 : vector<16xf32>
      %broadcast_in_dim3A_635 = vector.shape_cast %xor3A_51 : vector<16xi32> to vector<16x1xi32>
      %gather3A_636 = vector.shape_cast %broadcast_in_dim3A_635 : vector<16x1xi32> to vector<16xi32>
      %gather3A_637 = tpu.dynamic_gather %add3A_634[%gather3A_636] in [0] : vector<16xf32>, vector<16xi32> -> vector<16xf32>
      %add3A_638 = arith.addf %add3A_634, %gather3A_637 : vector<16xf32>
      %broadcast_in_dim3A_639 = vector.shape_cast %xor3A_54 : vector<16xi32> to vector<16x1xi32>
      %gather3A_640 = vector.shape_cast %broadcast_in_dim3A_639 : vector<16x1xi32> to vector<16xi32>
      %gather3A_641 = tpu.dynamic_gather %add3A_638[%gather3A_640] in [0] : vector<16xf32>, vector<16xi32> -> vector<16xf32>
      %add3A_642 = arith.addf %add3A_638, %gather3A_641 : vector<16xf32>
      %broadcast_in_dim3A_643 = vector.shape_cast %xor3A_57 : vector<16xi32> to vector<16x1xi32>
      %gather3A_644 = vector.shape_cast %broadcast_in_dim3A_643 : vector<16x1xi32> to vector<16xi32>
      %gather3A_645 = tpu.dynamic_gather %add3A_642[%gather3A_644] in [0] : vector<16xf32>, vector<16xi32> -> vector<16xf32>
      %add3A_646 = arith.addf %add3A_642, %gather3A_645 : vector<16xf32>
      %mul3A_647 = arith.mulf %add3A_646, %get3A_31 : vector<16xf32>
      %add3A_648 = arith.addf %get3A_610, %mul3A_647 : vector<16xf32>
      %swap3A_649 = arith.index_cast %add3A_606 : i32 to index
      %swap3A_650 = arith.constant 0 : index
      %swap3A_651 = tpu.vector_load %arg10[%swap3A_649, %swap3A_650] {strides = array<i32>} : memref<128x64xf32, #tpu.memory_space<vmem>>, vector<1x16xf32>,
      %swap3A_652 = vector.shape_cast %swap3A_651 : vector<1x16xf32> to vector<16xf32>
      %swap3A_653 = vector.shape_cast %add3A_648 : vector<16xf32> to vector<1x16xf32>
      tpu.vector_store %arg10[%swap3A_649, %swap3A_650], %swap3A_653 {strides = array<i32>} : memref<128x64xf32, #tpu.memory_space<vmem>>, vector<1x16xf32>,
      %mul3A_654 = arith.mulf %add3A_646, %get3A_36 : vector<16xf32>
      %add3A_655 = arith.addf %get3A_614, %mul3A_654 : vector<16xf32>
      %swap3A_656 = arith.index_cast %add3A_606 : i32 to index
      %swap3A_657 = arith.constant 16 : index
      %swap3A_658 = tpu.vector_load %arg10[%swap3A_656, %swap3A_657] {strides = array<i32>} : memref<128x64xf32, #tpu.memory_space<vmem>>, vector<1x16xf32>,
      %swap3A_659 = vector.shape_cast %swap3A_658 : vector<1x16xf32> to vector<16xf32>
      %swap3A_660 = vector.shape_cast %add3A_655 : vector<16xf32> to vector<1x16xf32>
      tpu.vector_store %arg10[%swap3A_656, %swap3A_657], %swap3A_660 {strides = array<i32>} : memref<128x64xf32, #tpu.memory_space<vmem>>, vector<1x16xf32>,
      %mul3A_661 = arith.mulf %add3A_646, %get3A_41 : vector<16xf32>
      %add3A_662 = arith.addf %get3A_618, %mul3A_661 : vector<16xf32>
      %swap3A_663 = arith.index_cast %add3A_606 : i32 to index
      %swap3A_664 = arith.constant 32 : index
      %swap3A_665 = tpu.vector_load %arg10[%swap3A_663, %swap3A_664] {strides = array<i32>} : memref<128x64xf32, #tpu.memory_space<vmem>>, vector<1x16xf32>,
      %swap3A_666 = vector.shape_cast %swap3A_665 : vector<1x16xf32> to vector<16xf32>
      %swap3A_667 = vector.shape_cast %add3A_662 : vector<16xf32> to vector<1x16xf32>
      tpu.vector_store %arg10[%swap3A_663, %swap3A_664], %swap3A_667 {strides = array<i32>} : memref<128x64xf32, #tpu.memory_space<vmem>>, vector<1x16xf32>,
      %mul3A_668 = arith.mulf %add3A_646, %get3A_46 : vector<16xf32>
      %add3A_669 = arith.addf %get3A_622, %mul3A_668 : vector<16xf32>
      %swap3A_670 = arith.index_cast %add3A_606 : i32 to index
      %swap3A_671 = arith.constant 48 : index
      %swap3A_672 = tpu.vector_load %arg10[%swap3A_670, %swap3A_671] {strides = array<i32>} : memref<128x64xf32, #tpu.memory_space<vmem>>, vector<1x16xf32>,
      %swap3A_673 = vector.shape_cast %swap3A_672 : vector<1x16xf32> to vector<16xf32>
      %swap3A_674 = vector.shape_cast %add3A_669 : vector<16xf32> to vector<1x16xf32>
      tpu.vector_store %arg10[%swap3A_670, %swap3A_671], %swap3A_674 {strides = array<i32>} : memref<128x64xf32, #tpu.memory_space<vmem>>, vector<1x16xf32>,
    }
    %scan3A_132 = arith.constant 64 : i32
    %add3A_133 = arith.constant 8192 : i32
    %add3A_134 = arith.addi %mul3A_2, %add3A_133 : i32
    %dma_start3A_135 = arith.constant 0 : i32
    %dma_start3A_136 = tpu.memref_slice %arg4[%add3A_134, %dma_start3A_135] : memref<65536x64xf32, #tpu.memory_space<hbm>> -> memref<128x64xf32, #tpu.memory_space<hbm>>
    %dma_start3A_137 = arith.constant 0 : i32
    %dma_start3A_138 = tpu.memref_slice %arg4[%add3A_134, %dma_start3A_137] : memref<65536x64xf32, #tpu.memory_space<hbm>> -> memref<128x64xf32, #tpu.memory_space<hbm>>
    tpu.enqueue_dma source(%arg10 : memref<128x64xf32, #tpu.memory_space<vmem>>) target(%dma_start3A_138 : memref<128x64xf32, #tpu.memory_space<hbm>>) target_semaphore(%arg17 : memref<!tpu.dma_semaphore, #tpu.memory_space<semaphore_mem>>)
    %add3A_139 = arith.constant 20480 : i32
    %add3A_140 = arith.addi %mul3A_2, %add3A_139 : i32
    %dma_start3A_141 = arith.constant 0 : i32
    %dma_start3A_142 = tpu.memref_slice %arg2[%add3A_140, %dma_start3A_141] : memref<65536x64xf32, #tpu.memory_space<hbm>> -> memref<128x64xf32, #tpu.memory_space<hbm>>
    %dma_start3A_143 = arith.constant 0 : i32
    %dma_start3A_144 = tpu.memref_slice %arg2[%add3A_140, %dma_start3A_143] : memref<65536x64xf32, #tpu.memory_space<hbm>> -> memref<128x64xf32, #tpu.memory_space<hbm>>
    tpu.enqueue_dma source(%dma_start3A_144 : memref<128x64xf32, #tpu.memory_space<hbm>>) target(%arg7 : memref<128x64xf32, #tpu.memory_space<vmem>>) target_semaphore(%arg14 : memref<!tpu.dma_semaphore, #tpu.memory_space<semaphore_mem>>)
    %add3A_145 = arith.constant 12288 : i32
    %add3A_146 = arith.addi %mul3A_2, %add3A_145 : i32
    %dma_wait3A_147 = arith.constant 0 : i32
    %dma_wait3A_148 = tpu.memref_slice %arg2[%add3A_146, %dma_wait3A_147] : memref<65536x64xf32, #tpu.memory_space<hbm>> -> memref<128x64xf32, #tpu.memory_space<hbm>>
    %dma_wait3A_149 = arith.constant 0 : i32
    %dma_wait3A_150 = tpu.memref_slice %arg2[%add3A_146, %dma_wait3A_149] : memref<65536x64xf32, #tpu.memory_space<hbm>> -> memref<128x64xf32, #tpu.memory_space<hbm>>
    tpu.wait_dma2 semaphore(%arg12 : memref<!tpu.dma_semaphore, #tpu.memory_space<semaphore_mem>>) src(%dma_wait3A_150 : memref<128x64xf32, #tpu.memory_space<hbm>>) dst(%arg5 : memref<128x64xf32, #tpu.memory_space<vmem>>)
    %add3A_151 = arith.constant 0 : i32
    %add3A_152 = arith.addi %mul3A_2, %add3A_151 : i32
    %dma_wait3A_153 = arith.constant 0 : i32
    %dma_wait3A_154 = tpu.memref_slice %arg4[%add3A_152, %dma_wait3A_153] : memref<65536x64xf32, #tpu.memory_space<hbm>> -> memref<128x64xf32, #tpu.memory_space<hbm>>
    %dma_wait3A_155 = arith.constant 0 : i32
    %dma_wait3A_156 = tpu.memref_slice %arg4[%add3A_152, %dma_wait3A_155] : memref<65536x64xf32, #tpu.memory_space<hbm>> -> memref<128x64xf32, #tpu.memory_space<hbm>>
    tpu.wait_dma2 semaphore(%arg15 : memref<!tpu.dma_semaphore, #tpu.memory_space<semaphore_mem>>) src(%arg8 : memref<128x64xf32, #tpu.memory_space<vmem>>) dst(%dma_wait3A_156 : memref<128x64xf32, #tpu.memory_space<hbm>>)
    %scan3A_157 = arith.constant 0 : i32
    %scan3A_158 = arith.constant 0 : i32
    %scan3A_159 = arith.constant 64 : i32
    %scan3A_160 = arith.addi %scan3A_158, %scan3A_159 : i32
    %scan3A_161 = arith.constant 1 : i32
    scf.for %scan3A_535 = %scan3A_158 to %scan3A_160 step %scan3A_161  : i32 {
      %mul3A_536 = arith.constant 2 : i32
      %mul3A_537 = arith.muli %scan3A_535, %mul3A_536 : i32
      %add3A_538 = arith.constant 0 : i32
      %add3A_539 = arith.addi %mul3A_537, %add3A_538 : i32
      %get3A_540 = arith.index_cast %add3A_539 : i32 to index
      %get3A_541 = arith.constant 0 : index
      %get3A_542 = tpu.vector_load %arg5[%get3A_540, %get3A_541] {strides = array<i32>} : memref<128x64xf32, #tpu.memory_space<vmem>>, vector<1x16xf32>,
      %get3A_543 = vector.shape_cast %get3A_542 : vector<1x16xf32> to vector<16xf32>
      %get3A_544 = arith.index_cast %add3A_539 : i32 to index
      %get3A_545 = arith.constant 16 : index
      %get3A_546 = tpu.vector_load %arg5[%get3A_544, %get3A_545] {strides = array<i32>} : memref<128x64xf32, #tpu.memory_space<vmem>>, vector<1x16xf32>,
      %get3A_547 = vector.shape_cast %get3A_546 : vector<1x16xf32> to vector<16xf32>
      %get3A_548 = arith.index_cast %add3A_539 : i32 to index
      %get3A_549 = arith.constant 32 : index
      %get3A_550 = tpu.vector_load %arg5[%get3A_548, %get3A_549] {strides = array<i32>} : memref<128x64xf32, #tpu.memory_space<vmem>>, vector<1x16xf32>,
      %get3A_551 = vector.shape_cast %get3A_550 : vector<1x16xf32> to vector<16xf32>
      %get3A_552 = arith.index_cast %add3A_539 : i32 to index
      %get3A_553 = arith.constant 48 : index
      %get3A_554 = tpu.vector_load %arg5[%get3A_552, %get3A_553] {strides = array<i32>} : memref<128x64xf32, #tpu.memory_space<vmem>>, vector<1x16xf32>,
      %get3A_555 = vector.shape_cast %get3A_554 : vector<1x16xf32> to vector<16xf32>
      %mul3A_556 = arith.mulf %get3A_543, %get3A_6 : vector<16xf32>
      %mul3A_557 = arith.mulf %get3A_547, %get3A_11 : vector<16xf32>
      %mul3A_558 = arith.mulf %get3A_551, %get3A_16 : vector<16xf32>
      %mul3A_559 = arith.mulf %get3A_555, %get3A_21 : vector<16xf32>
      %add3A_560 = arith.addf %mul3A_556, %mul3A_557 : vector<16xf32>
      %add3A_561 = arith.addf %mul3A_558, %mul3A_559 : vector<16xf32>
      %add3A_562 = arith.addf %add3A_560, %add3A_561 : vector<16xf32>
      %add3A_563 = arith.addf %add3A_562, %get3A_26 : vector<16xf32>
      %broadcast_in_dim3A = vector.shape_cast %xor3A_48 : vector<16xi32> to vector<16x1xi32>
      %gather3A = vector.shape_cast %broadcast_in_dim3A : vector<16x1xi32> to vector<16xi32>
      %gather3A_564 = tpu.dynamic_gather %add3A_563[%gather3A] in [0] : vector<16xf32>, vector<16xi32> -> vector<16xf32>
      %add3A_565 = arith.addf %add3A_563, %gather3A_564 : vector<16xf32>
      %broadcast_in_dim3A_566 = vector.shape_cast %xor3A_51 : vector<16xi32> to vector<16x1xi32>
      %gather3A_567 = vector.shape_cast %broadcast_in_dim3A_566 : vector<16x1xi32> to vector<16xi32>
      %gather3A_568 = tpu.dynamic_gather %add3A_565[%gather3A_567] in [0] : vector<16xf32>, vector<16xi32> -> vector<16xf32>
      %add3A_569 = arith.addf %add3A_565, %gather3A_568 : vector<16xf32>
      %broadcast_in_dim3A_570 = vector.shape_cast %xor3A_54 : vector<16xi32> to vector<16x1xi32>
      %gather3A_571 = vector.shape_cast %broadcast_in_dim3A_570 : vector<16x1xi32> to vector<16xi32>
      %gather3A_572 = tpu.dynamic_gather %add3A_569[%gather3A_571] in [0] : vector<16xf32>, vector<16xi32> -> vector<16xf32>
      %add3A_573 = arith.addf %add3A_569, %gather3A_572 : vector<16xf32>
      %broadcast_in_dim3A_574 = vector.shape_cast %xor3A_57 : vector<16xi32> to vector<16x1xi32>
      %gather3A_575 = vector.shape_cast %broadcast_in_dim3A_574 : vector<16x1xi32> to vector<16xi32>
      %gather3A_576 = tpu.dynamic_gather %add3A_573[%gather3A_575] in [0] : vector<16xf32>, vector<16xi32> -> vector<16xf32>
      %add3A_577 = arith.addf %add3A_573, %gather3A_576 : vector<16xf32>
      %mul3A_578 = arith.mulf %add3A_577, %get3A_31 : vector<16xf32>
      %add3A_579 = arith.addf %get3A_543, %mul3A_578 : vector<16xf32>
      %swap3A = arith.index_cast %add3A_539 : i32 to index
      %swap3A_580 = arith.constant 0 : index
      %swap3A_581 = tpu.vector_load %arg8[%swap3A, %swap3A_580] {strides = array<i32>} : memref<128x64xf32, #tpu.memory_space<vmem>>, vector<1x16xf32>,
      %swap3A_582 = vector.shape_cast %swap3A_581 : vector<1x16xf32> to vector<16xf32>
      %swap3A_583 = vector.shape_cast %add3A_579 : vector<16xf32> to vector<1x16xf32>
      tpu.vector_store %arg8[%swap3A, %swap3A_580], %swap3A_583 {strides = array<i32>} : memref<128x64xf32, #tpu.memory_space<vmem>>, vector<1x16xf32>,
      %mul3A_584 = arith.mulf %add3A_577, %get3A_36 : vector<16xf32>
      %add3A_585 = arith.addf %get3A_547, %mul3A_584 : vector<16xf32>
      %swap3A_586 = arith.index_cast %add3A_539 : i32 to index
      %swap3A_587 = arith.constant 16 : index
      %swap3A_588 = tpu.vector_load %arg8[%swap3A_586, %swap3A_587] {strides = array<i32>} : memref<128x64xf32, #tpu.memory_space<vmem>>, vector<1x16xf32>,
      %swap3A_589 = vector.shape_cast %swap3A_588 : vector<1x16xf32> to vector<16xf32>
      %swap3A_590 = vector.shape_cast %add3A_585 : vector<16xf32> to vector<1x16xf32>
      tpu.vector_store %arg8[%swap3A_586, %swap3A_587], %swap3A_590 {strides = array<i32>} : memref<128x64xf32, #tpu.memory_space<vmem>>, vector<1x16xf32>,
      %mul3A_591 = arith.mulf %add3A_577, %get3A_41 : vector<16xf32>
      %add3A_592 = arith.addf %get3A_551, %mul3A_591 : vector<16xf32>
      %swap3A_593 = arith.index_cast %add3A_539 : i32 to index
      %swap3A_594 = arith.constant 32 : index
      %swap3A_595 = tpu.vector_load %arg8[%swap3A_593, %swap3A_594] {strides = array<i32>} : memref<128x64xf32, #tpu.memory_space<vmem>>, vector<1x16xf32>,
      %swap3A_596 = vector.shape_cast %swap3A_595 : vector<1x16xf32> to vector<16xf32>
      %swap3A_597 = vector.shape_cast %add3A_592 : vector<16xf32> to vector<1x16xf32>
      tpu.vector_store %arg8[%swap3A_593, %swap3A_594], %swap3A_597 {strides = array<i32>} : memref<128x64xf32, #tpu.memory_space<vmem>>, vector<1x16xf32>,
      %mul3A_598 = arith.mulf %add3A_577, %get3A_46 : vector<16xf32>
      %add3A_599 = arith.addf %get3A_555, %mul3A_598 : vector<16xf32>
      %swap3A_600 = arith.index_cast %add3A_539 : i32 to index
      %swap3A_601 = arith.constant 48 : index
      %swap3A_602 = tpu.vector_load %arg8[%swap3A_600, %swap3A_601] {strides = array<i32>} : memref<128x64xf32, #tpu.memory_space<vmem>>, vector<1x16xf32>,
      %swap3A_603 = vector.shape_cast %swap3A_602 : vector<1x16xf32> to vector<16xf32>
      %swap3A_604 = vector.shape_cast %add3A_599 : vector<16xf32> to vector<1x16xf32>
      tpu.vector_store %arg8[%swap3A_600, %swap3A_601], %swap3A_604 {strides = array<i32>} : memref<128x64xf32, #tpu.memory_space<vmem>>, vector<1x16xf32>,
      %add3A_605 = arith.constant 1 : i32
      %add3A_606 = arith.addi %mul3A_537, %add3A_605 : i32
      %get3A_607 = arith.index_cast %add3A_606 : i32 to index
      %get3A_608 = arith.constant 0 : index
      %get3A_609 = tpu.vector_load %arg5[%get3A_607, %get3A_608] {strides = array<i32>} : memref<128x64xf32, #tpu.memory_space<vmem>>, vector<1x16xf32>,
      %get3A_610 = vector.shape_cast %get3A_609 : vector<1x16xf32> to vector<16xf32>
      %get3A_611 = arith.index_cast %add3A_606 : i32 to index
      %get3A_612 = arith.constant 16 : index
      %get3A_613 = tpu.vector_load %arg5[%get3A_611, %get3A_612] {strides = array<i32>} : memref<128x64xf32, #tpu.memory_space<vmem>>, vector<1x16xf32>,
      %get3A_614 = vector.shape_cast %get3A_613 : vector<1x16xf32> to vector<16xf32>
      %get3A_615 = arith.index_cast %add3A_606 : i32 to index
      %get3A_616 = arith.constant 32 : index
      %get3A_617 = tpu.vector_load %arg5[%get3A_615, %get3A_616] {strides = array<i32>} : memref<128x64xf32, #tpu.memory_space<vmem>>, vector<1x16xf32>,
      %get3A_618 = vector.shape_cast %get3A_617 : vector<1x16xf32> to vector<16xf32>
      %get3A_619 = arith.index_cast %add3A_606 : i32 to index
      %get3A_620 = arith.constant 48 : index
      %get3A_621 = tpu.vector_load %arg5[%get3A_619, %get3A_620] {strides = array<i32>} : memref<128x64xf32, #tpu.memory_space<vmem>>, vector<1x16xf32>,
      %get3A_622 = vector.shape_cast %get3A_621 : vector<1x16xf32> to vector<16xf32>
      %mul3A_623 = arith.mulf %get3A_610, %get3A_6 : vector<16xf32>
      %mul3A_624 = arith.mulf %get3A_614, %get3A_11 : vector<16xf32>
      %mul3A_625 = arith.mulf %get3A_618, %get3A_16 : vector<16xf32>
      %mul3A_626 = arith.mulf %get3A_622, %get3A_21 : vector<16xf32>
      %add3A_627 = arith.addf %mul3A_623, %mul3A_624 : vector<16xf32>
      %add3A_628 = arith.addf %mul3A_625, %mul3A_626 : vector<16xf32>
      %add3A_629 = arith.addf %add3A_627, %add3A_628 : vector<16xf32>
      %add3A_630 = arith.addf %add3A_629, %get3A_26 : vector<16xf32>
      %broadcast_in_dim3A_631 = vector.shape_cast %xor3A_48 : vector<16xi32> to vector<16x1xi32>
      %gather3A_632 = vector.shape_cast %broadcast_in_dim3A_631 : vector<16x1xi32> to vector<16xi32>
      %gather3A_633 = tpu.dynamic_gather %add3A_630[%gather3A_632] in [0] : vector<16xf32>, vector<16xi32> -> vector<16xf32>
      %add3A_634 = arith.addf %add3A_630, %gather3A_633 : vector<16xf32>
      %broadcast_in_dim3A_635 = vector.shape_cast %xor3A_51 : vector<16xi32> to vector<16x1xi32>
      %gather3A_636 = vector.shape_cast %broadcast_in_dim3A_635 : vector<16x1xi32> to vector<16xi32>
      %gather3A_637 = tpu.dynamic_gather %add3A_634[%gather3A_636] in [0] : vector<16xf32>, vector<16xi32> -> vector<16xf32>
      %add3A_638 = arith.addf %add3A_634, %gather3A_637 : vector<16xf32>
      %broadcast_in_dim3A_639 = vector.shape_cast %xor3A_54 : vector<16xi32> to vector<16x1xi32>
      %gather3A_640 = vector.shape_cast %broadcast_in_dim3A_639 : vector<16x1xi32> to vector<16xi32>
      %gather3A_641 = tpu.dynamic_gather %add3A_638[%gather3A_640] in [0] : vector<16xf32>, vector<16xi32> -> vector<16xf32>
      %add3A_642 = arith.addf %add3A_638, %gather3A_641 : vector<16xf32>
      %broadcast_in_dim3A_643 = vector.shape_cast %xor3A_57 : vector<16xi32> to vector<16x1xi32>
      %gather3A_644 = vector.shape_cast %broadcast_in_dim3A_643 : vector<16x1xi32> to vector<16xi32>
      %gather3A_645 = tpu.dynamic_gather %add3A_642[%gather3A_644] in [0] : vector<16xf32>, vector<16xi32> -> vector<16xf32>
      %add3A_646 = arith.addf %add3A_642, %gather3A_645 : vector<16xf32>
      %mul3A_647 = arith.mulf %add3A_646, %get3A_31 : vector<16xf32>
      %add3A_648 = arith.addf %get3A_610, %mul3A_647 : vector<16xf32>
      %swap3A_649 = arith.index_cast %add3A_606 : i32 to index
      %swap3A_650 = arith.constant 0 : index
      %swap3A_651 = tpu.vector_load %arg8[%swap3A_649, %swap3A_650] {strides = array<i32>} : memref<128x64xf32, #tpu.memory_space<vmem>>, vector<1x16xf32>,
      %swap3A_652 = vector.shape_cast %swap3A_651 : vector<1x16xf32> to vector<16xf32>
      %swap3A_653 = vector.shape_cast %add3A_648 : vector<16xf32> to vector<1x16xf32>
      tpu.vector_store %arg8[%swap3A_649, %swap3A_650], %swap3A_653 {strides = array<i32>} : memref<128x64xf32, #tpu.memory_space<vmem>>, vector<1x16xf32>,
      %mul3A_654 = arith.mulf %add3A_646, %get3A_36 : vector<16xf32>
      %add3A_655 = arith.addf %get3A_614, %mul3A_654 : vector<16xf32>
      %swap3A_656 = arith.index_cast %add3A_606 : i32 to index
      %swap3A_657 = arith.constant 16 : index
      %swap3A_658 = tpu.vector_load %arg8[%swap3A_656, %swap3A_657] {strides = array<i32>} : memref<128x64xf32, #tpu.memory_space<vmem>>, vector<1x16xf32>,
      %swap3A_659 = vector.shape_cast %swap3A_658 : vector<1x16xf32> to vector<16xf32>
      %swap3A_660 = vector.shape_cast %add3A_655 : vector<16xf32> to vector<1x16xf32>
      tpu.vector_store %arg8[%swap3A_656, %swap3A_657], %swap3A_660 {strides = array<i32>} : memref<128x64xf32, #tpu.memory_space<vmem>>, vector<1x16xf32>,
      %mul3A_661 = arith.mulf %add3A_646, %get3A_41 : vector<16xf32>
      %add3A_662 = arith.addf %get3A_618, %mul3A_661 : vector<16xf32>
      %swap3A_663 = arith.index_cast %add3A_606 : i32 to index
      %swap3A_664 = arith.constant 32 : index
      %swap3A_665 = tpu.vector_load %arg8[%swap3A_663, %swap3A_664] {strides = array<i32>} : memref<128x64xf32, #tpu.memory_space<vmem>>, vector<1x16xf32>,
      %swap3A_666 = vector.shape_cast %swap3A_665 : vector<1x16xf32> to vector<16xf32>
      %swap3A_667 = vector.shape_cast %add3A_662 : vector<16xf32> to vector<1x16xf32>
      tpu.vector_store %arg8[%swap3A_663, %swap3A_664], %swap3A_667 {strides = array<i32>} : memref<128x64xf32, #tpu.memory_space<vmem>>, vector<1x16xf32>,
      %mul3A_668 = arith.mulf %add3A_646, %get3A_46 : vector<16xf32>
      %add3A_669 = arith.addf %get3A_622, %mul3A_668 : vector<16xf32>
      %swap3A_670 = arith.index_cast %add3A_606 : i32 to index
      %swap3A_671 = arith.constant 48 : index
      %swap3A_672 = tpu.vector_load %arg8[%swap3A_670, %swap3A_671] {strides = array<i32>} : memref<128x64xf32, #tpu.memory_space<vmem>>, vector<1x16xf32>,
      %swap3A_673 = vector.shape_cast %swap3A_672 : vector<1x16xf32> to vector<16xf32>
      %swap3A_674 = vector.shape_cast %add3A_669 : vector<16xf32> to vector<1x16xf32>
      tpu.vector_store %arg8[%swap3A_670, %swap3A_671], %swap3A_674 {strides = array<i32>} : memref<128x64xf32, #tpu.memory_space<vmem>>, vector<1x16xf32>,
    }
    %scan3A_162 = arith.constant 64 : i32
    %add3A_163 = arith.constant 12288 : i32
    %add3A_164 = arith.addi %mul3A_2, %add3A_163 : i32
    %dma_start3A_165 = arith.constant 0 : i32
    %dma_start3A_166 = tpu.memref_slice %arg4[%add3A_164, %dma_start3A_165] : memref<65536x64xf32, #tpu.memory_space<hbm>> -> memref<128x64xf32, #tpu.memory_space<hbm>>
    %dma_start3A_167 = arith.constant 0 : i32
    %dma_start3A_168 = tpu.memref_slice %arg4[%add3A_164, %dma_start3A_167] : memref<65536x64xf32, #tpu.memory_space<hbm>> -> memref<128x64xf32, #tpu.memory_space<hbm>>
    tpu.enqueue_dma source(%arg8 : memref<128x64xf32, #tpu.memory_space<vmem>>) target(%dma_start3A_168 : memref<128x64xf32, #tpu.memory_space<hbm>>) target_semaphore(%arg15 : memref<!tpu.dma_semaphore, #tpu.memory_space<semaphore_mem>>)
    %add3A_169 = arith.constant 24576 : i32
    %add3A_170 = arith.addi %mul3A_2, %add3A_169 : i32
    %dma_start3A_171 = arith.constant 0 : i32
    %dma_start3A_172 = tpu.memref_slice %arg2[%add3A_170, %dma_start3A_171] : memref<65536x64xf32, #tpu.memory_space<hbm>> -> memref<128x64xf32, #tpu.memory_space<hbm>>
    %dma_start3A_173 = arith.constant 0 : i32
    %dma_start3A_174 = tpu.memref_slice %arg2[%add3A_170, %dma_start3A_173] : memref<65536x64xf32, #tpu.memory_space<hbm>> -> memref<128x64xf32, #tpu.memory_space<hbm>>
    tpu.enqueue_dma source(%dma_start3A_174 : memref<128x64xf32, #tpu.memory_space<hbm>>) target(%arg5 : memref<128x64xf32, #tpu.memory_space<vmem>>) target_semaphore(%arg12 : memref<!tpu.dma_semaphore, #tpu.memory_space<semaphore_mem>>)
    %add3A_175 = arith.constant 16384 : i32
    %add3A_176 = arith.addi %mul3A_2, %add3A_175 : i32
    %dma_wait3A_177 = arith.constant 0 : i32
    %dma_wait3A_178 = tpu.memref_slice %arg2[%add3A_176, %dma_wait3A_177] : memref<65536x64xf32, #tpu.memory_space<hbm>> -> memref<128x64xf32, #tpu.memory_space<hbm>>
    %dma_wait3A_179 = arith.constant 0 : i32
    %dma_wait3A_180 = tpu.memref_slice %arg2[%add3A_176, %dma_wait3A_179] : memref<65536x64xf32, #tpu.memory_space<hbm>> -> memref<128x64xf32, #tpu.memory_space<hbm>>
    tpu.wait_dma2 semaphore(%arg13 : memref<!tpu.dma_semaphore, #tpu.memory_space<semaphore_mem>>) src(%dma_wait3A_180 : memref<128x64xf32, #tpu.memory_space<hbm>>) dst(%arg6 : memref<128x64xf32, #tpu.memory_space<vmem>>)
    %add3A_181 = arith.constant 4096 : i32
    %add3A_182 = arith.addi %mul3A_2, %add3A_181 : i32
    %dma_wait3A_183 = arith.constant 0 : i32
    %dma_wait3A_184 = tpu.memref_slice %arg4[%add3A_182, %dma_wait3A_183] : memref<65536x64xf32, #tpu.memory_space<hbm>> -> memref<128x64xf32, #tpu.memory_space<hbm>>
    %dma_wait3A_185 = arith.constant 0 : i32
    %dma_wait3A_186 = tpu.memref_slice %arg4[%add3A_182, %dma_wait3A_185] : memref<65536x64xf32, #tpu.memory_space<hbm>> -> memref<128x64xf32, #tpu.memory_space<hbm>>
    tpu.wait_dma2 semaphore(%arg16 : memref<!tpu.dma_semaphore, #tpu.memory_space<semaphore_mem>>) src(%arg9 : memref<128x64xf32, #tpu.memory_space<vmem>>) dst(%dma_wait3A_186 : memref<128x64xf32, #tpu.memory_space<hbm>>)
    %scan3A_187 = arith.constant 0 : i32
    %scan3A_188 = arith.constant 0 : i32
    %scan3A_189 = arith.constant 64 : i32
    %scan3A_190 = arith.addi %scan3A_188, %scan3A_189 : i32
    %scan3A_191 = arith.constant 1 : i32
    scf.for %scan3A_535 = %scan3A_188 to %scan3A_190 step %scan3A_191  : i32 {
      %mul3A_536 = arith.constant 2 : i32
      %mul3A_537 = arith.muli %scan3A_535, %mul3A_536 : i32
      %add3A_538 = arith.constant 0 : i32
      %add3A_539 = arith.addi %mul3A_537, %add3A_538 : i32
      %get3A_540 = arith.index_cast %add3A_539 : i32 to index
      %get3A_541 = arith.constant 0 : index
      %get3A_542 = tpu.vector_load %arg6[%get3A_540, %get3A_541] {strides = array<i32>} : memref<128x64xf32, #tpu.memory_space<vmem>>, vector<1x16xf32>,
      %get3A_543 = vector.shape_cast %get3A_542 : vector<1x16xf32> to vector<16xf32>
      %get3A_544 = arith.index_cast %add3A_539 : i32 to index
      %get3A_545 = arith.constant 16 : index
      %get3A_546 = tpu.vector_load %arg6[%get3A_544, %get3A_545] {strides = array<i32>} : memref<128x64xf32, #tpu.memory_space<vmem>>, vector<1x16xf32>,
      %get3A_547 = vector.shape_cast %get3A_546 : vector<1x16xf32> to vector<16xf32>
      %get3A_548 = arith.index_cast %add3A_539 : i32 to index
      %get3A_549 = arith.constant 32 : index
      %get3A_550 = tpu.vector_load %arg6[%get3A_548, %get3A_549] {strides = array<i32>} : memref<128x64xf32, #tpu.memory_space<vmem>>, vector<1x16xf32>,
      %get3A_551 = vector.shape_cast %get3A_550 : vector<1x16xf32> to vector<16xf32>
      %get3A_552 = arith.index_cast %add3A_539 : i32 to index
      %get3A_553 = arith.constant 48 : index
      %get3A_554 = tpu.vector_load %arg6[%get3A_552, %get3A_553] {strides = array<i32>} : memref<128x64xf32, #tpu.memory_space<vmem>>, vector<1x16xf32>,
      %get3A_555 = vector.shape_cast %get3A_554 : vector<1x16xf32> to vector<16xf32>
      %mul3A_556 = arith.mulf %get3A_543, %get3A_6 : vector<16xf32>
      %mul3A_557 = arith.mulf %get3A_547, %get3A_11 : vector<16xf32>
      %mul3A_558 = arith.mulf %get3A_551, %get3A_16 : vector<16xf32>
      %mul3A_559 = arith.mulf %get3A_555, %get3A_21 : vector<16xf32>
      %add3A_560 = arith.addf %mul3A_556, %mul3A_557 : vector<16xf32>
      %add3A_561 = arith.addf %mul3A_558, %mul3A_559 : vector<16xf32>
      %add3A_562 = arith.addf %add3A_560, %add3A_561 : vector<16xf32>
      %add3A_563 = arith.addf %add3A_562, %get3A_26 : vector<16xf32>
      %broadcast_in_dim3A = vector.shape_cast %xor3A_48 : vector<16xi32> to vector<16x1xi32>
      %gather3A = vector.shape_cast %broadcast_in_dim3A : vector<16x1xi32> to vector<16xi32>
      %gather3A_564 = tpu.dynamic_gather %add3A_563[%gather3A] in [0] : vector<16xf32>, vector<16xi32> -> vector<16xf32>
      %add3A_565 = arith.addf %add3A_563, %gather3A_564 : vector<16xf32>
      %broadcast_in_dim3A_566 = vector.shape_cast %xor3A_51 : vector<16xi32> to vector<16x1xi32>
      %gather3A_567 = vector.shape_cast %broadcast_in_dim3A_566 : vector<16x1xi32> to vector<16xi32>
      %gather3A_568 = tpu.dynamic_gather %add3A_565[%gather3A_567] in [0] : vector<16xf32>, vector<16xi32> -> vector<16xf32>
      %add3A_569 = arith.addf %add3A_565, %gather3A_568 : vector<16xf32>
      %broadcast_in_dim3A_570 = vector.shape_cast %xor3A_54 : vector<16xi32> to vector<16x1xi32>
      %gather3A_571 = vector.shape_cast %broadcast_in_dim3A_570 : vector<16x1xi32> to vector<16xi32>
      %gather3A_572 = tpu.dynamic_gather %add3A_569[%gather3A_571] in [0] : vector<16xf32>, vector<16xi32> -> vector<16xf32>
      %add3A_573 = arith.addf %add3A_569, %gather3A_572 : vector<16xf32>
      %broadcast_in_dim3A_574 = vector.shape_cast %xor3A_57 : vector<16xi32> to vector<16x1xi32>
      %gather3A_575 = vector.shape_cast %broadcast_in_dim3A_574 : vector<16x1xi32> to vector<16xi32>
      %gather3A_576 = tpu.dynamic_gather %add3A_573[%gather3A_575] in [0] : vector<16xf32>, vector<16xi32> -> vector<16xf32>
      %add3A_577 = arith.addf %add3A_573, %gather3A_576 : vector<16xf32>
      %mul3A_578 = arith.mulf %add3A_577, %get3A_31 : vector<16xf32>
      %add3A_579 = arith.addf %get3A_543, %mul3A_578 : vector<16xf32>
      %swap3A = arith.index_cast %add3A_539 : i32 to index
      %swap3A_580 = arith.constant 0 : index
      %swap3A_581 = tpu.vector_load %arg9[%swap3A, %swap3A_580] {strides = array<i32>} : memref<128x64xf32, #tpu.memory_space<vmem>>, vector<1x16xf32>,
      %swap3A_582 = vector.shape_cast %swap3A_581 : vector<1x16xf32> to vector<16xf32>
      %swap3A_583 = vector.shape_cast %add3A_579 : vector<16xf32> to vector<1x16xf32>
      tpu.vector_store %arg9[%swap3A, %swap3A_580], %swap3A_583 {strides = array<i32>} : memref<128x64xf32, #tpu.memory_space<vmem>>, vector<1x16xf32>,
      %mul3A_584 = arith.mulf %add3A_577, %get3A_36 : vector<16xf32>
      %add3A_585 = arith.addf %get3A_547, %mul3A_584 : vector<16xf32>
      %swap3A_586 = arith.index_cast %add3A_539 : i32 to index
      %swap3A_587 = arith.constant 16 : index
      %swap3A_588 = tpu.vector_load %arg9[%swap3A_586, %swap3A_587] {strides = array<i32>} : memref<128x64xf32, #tpu.memory_space<vmem>>, vector<1x16xf32>,
      %swap3A_589 = vector.shape_cast %swap3A_588 : vector<1x16xf32> to vector<16xf32>
      %swap3A_590 = vector.shape_cast %add3A_585 : vector<16xf32> to vector<1x16xf32>
      tpu.vector_store %arg9[%swap3A_586, %swap3A_587], %swap3A_590 {strides = array<i32>} : memref<128x64xf32, #tpu.memory_space<vmem>>, vector<1x16xf32>,
      %mul3A_591 = arith.mulf %add3A_577, %get3A_41 : vector<16xf32>
      %add3A_592 = arith.addf %get3A_551, %mul3A_591 : vector<16xf32>
      %swap3A_593 = arith.index_cast %add3A_539 : i32 to index
      %swap3A_594 = arith.constant 32 : index
      %swap3A_595 = tpu.vector_load %arg9[%swap3A_593, %swap3A_594] {strides = array<i32>} : memref<128x64xf32, #tpu.memory_space<vmem>>, vector<1x16xf32>,
      %swap3A_596 = vector.shape_cast %swap3A_595 : vector<1x16xf32> to vector<16xf32>
      %swap3A_597 = vector.shape_cast %add3A_592 : vector<16xf32> to vector<1x16xf32>
      tpu.vector_store %arg9[%swap3A_593, %swap3A_594], %swap3A_597 {strides = array<i32>} : memref<128x64xf32, #tpu.memory_space<vmem>>, vector<1x16xf32>,
      %mul3A_598 = arith.mulf %add3A_577, %get3A_46 : vector<16xf32>
      %add3A_599 = arith.addf %get3A_555, %mul3A_598 : vector<16xf32>
      %swap3A_600 = arith.index_cast %add3A_539 : i32 to index
      %swap3A_601 = arith.constant 48 : index
      %swap3A_602 = tpu.vector_load %arg9[%swap3A_600, %swap3A_601] {strides = array<i32>} : memref<128x64xf32, #tpu.memory_space<vmem>>, vector<1x16xf32>,
      %swap3A_603 = vector.shape_cast %swap3A_602 : vector<1x16xf32> to vector<16xf32>
      %swap3A_604 = vector.shape_cast %add3A_599 : vector<16xf32> to vector<1x16xf32>
      tpu.vector_store %arg9[%swap3A_600, %swap3A_601], %swap3A_604 {strides = array<i32>} : memref<128x64xf32, #tpu.memory_space<vmem>>, vector<1x16xf32>,
      %add3A_605 = arith.constant 1 : i32
      %add3A_606 = arith.addi %mul3A_537, %add3A_605 : i32
      %get3A_607 = arith.index_cast %add3A_606 : i32 to index
      %get3A_608 = arith.constant 0 : index
      %get3A_609 = tpu.vector_load %arg6[%get3A_607, %get3A_608] {strides = array<i32>} : memref<128x64xf32, #tpu.memory_space<vmem>>, vector<1x16xf32>,
      %get3A_610 = vector.shape_cast %get3A_609 : vector<1x16xf32> to vector<16xf32>
      %get3A_611 = arith.index_cast %add3A_606 : i32 to index
      %get3A_612 = arith.constant 16 : index
      %get3A_613 = tpu.vector_load %arg6[%get3A_611, %get3A_612] {strides = array<i32>} : memref<128x64xf32, #tpu.memory_space<vmem>>, vector<1x16xf32>,
      %get3A_614 = vector.shape_cast %get3A_613 : vector<1x16xf32> to vector<16xf32>
      %get3A_615 = arith.index_cast %add3A_606 : i32 to index
      %get3A_616 = arith.constant 32 : index
      %get3A_617 = tpu.vector_load %arg6[%get3A_615, %get3A_616] {strides = array<i32>} : memref<128x64xf32, #tpu.memory_space<vmem>>, vector<1x16xf32>,
      %get3A_618 = vector.shape_cast %get3A_617 : vector<1x16xf32> to vector<16xf32>
      %get3A_619 = arith.index_cast %add3A_606 : i32 to index
      %get3A_620 = arith.constant 48 : index
      %get3A_621 = tpu.vector_load %arg6[%get3A_619, %get3A_620] {strides = array<i32>} : memref<128x64xf32, #tpu.memory_space<vmem>>, vector<1x16xf32>,
      %get3A_622 = vector.shape_cast %get3A_621 : vector<1x16xf32> to vector<16xf32>
      %mul3A_623 = arith.mulf %get3A_610, %get3A_6 : vector<16xf32>
      %mul3A_624 = arith.mulf %get3A_614, %get3A_11 : vector<16xf32>
      %mul3A_625 = arith.mulf %get3A_618, %get3A_16 : vector<16xf32>
      %mul3A_626 = arith.mulf %get3A_622, %get3A_21 : vector<16xf32>
      %add3A_627 = arith.addf %mul3A_623, %mul3A_624 : vector<16xf32>
      %add3A_628 = arith.addf %mul3A_625, %mul3A_626 : vector<16xf32>
      %add3A_629 = arith.addf %add3A_627, %add3A_628 : vector<16xf32>
      %add3A_630 = arith.addf %add3A_629, %get3A_26 : vector<16xf32>
      %broadcast_in_dim3A_631 = vector.shape_cast %xor3A_48 : vector<16xi32> to vector<16x1xi32>
      %gather3A_632 = vector.shape_cast %broadcast_in_dim3A_631 : vector<16x1xi32> to vector<16xi32>
      %gather3A_633 = tpu.dynamic_gather %add3A_630[%gather3A_632] in [0] : vector<16xf32>, vector<16xi32> -> vector<16xf32>
      %add3A_634 = arith.addf %add3A_630, %gather3A_633 : vector<16xf32>
      %broadcast_in_dim3A_635 = vector.shape_cast %xor3A_51 : vector<16xi32> to vector<16x1xi32>
      %gather3A_636 = vector.shape_cast %broadcast_in_dim3A_635 : vector<16x1xi32> to vector<16xi32>
      %gather3A_637 = tpu.dynamic_gather %add3A_634[%gather3A_636] in [0] : vector<16xf32>, vector<16xi32> -> vector<16xf32>
      %add3A_638 = arith.addf %add3A_634, %gather3A_637 : vector<16xf32>
      %broadcast_in_dim3A_639 = vector.shape_cast %xor3A_54 : vector<16xi32> to vector<16x1xi32>
      %gather3A_640 = vector.shape_cast %broadcast_in_dim3A_639 : vector<16x1xi32> to vector<16xi32>
      %gather3A_641 = tpu.dynamic_gather %add3A_638[%gather3A_640] in [0] : vector<16xf32>, vector<16xi32> -> vector<16xf32>
      %add3A_642 = arith.addf %add3A_638, %gather3A_641 : vector<16xf32>
      %broadcast_in_dim3A_643 = vector.shape_cast %xor3A_57 : vector<16xi32> to vector<16x1xi32>
      %gather3A_644 = vector.shape_cast %broadcast_in_dim3A_643 : vector<16x1xi32> to vector<16xi32>
      %gather3A_645 = tpu.dynamic_gather %add3A_642[%gather3A_644] in [0] : vector<16xf32>, vector<16xi32> -> vector<16xf32>
      %add3A_646 = arith.addf %add3A_642, %gather3A_645 : vector<16xf32>
      %mul3A_647 = arith.mulf %add3A_646, %get3A_31 : vector<16xf32>
      %add3A_648 = arith.addf %get3A_610, %mul3A_647 : vector<16xf32>
      %swap3A_649 = arith.index_cast %add3A_606 : i32 to index
      %swap3A_650 = arith.constant 0 : index
      %swap3A_651 = tpu.vector_load %arg9[%swap3A_649, %swap3A_650] {strides = array<i32>} : memref<128x64xf32, #tpu.memory_space<vmem>>, vector<1x16xf32>,
      %swap3A_652 = vector.shape_cast %swap3A_651 : vector<1x16xf32> to vector<16xf32>
      %swap3A_653 = vector.shape_cast %add3A_648 : vector<16xf32> to vector<1x16xf32>
      tpu.vector_store %arg9[%swap3A_649, %swap3A_650], %swap3A_653 {strides = array<i32>} : memref<128x64xf32, #tpu.memory_space<vmem>>, vector<1x16xf32>,
      %mul3A_654 = arith.mulf %add3A_646, %get3A_36 : vector<16xf32>
      %add3A_655 = arith.addf %get3A_614, %mul3A_654 : vector<16xf32>
      %swap3A_656 = arith.index_cast %add3A_606 : i32 to index
      %swap3A_657 = arith.constant 16 : index
      %swap3A_658 = tpu.vector_load %arg9[%swap3A_656, %swap3A_657] {strides = array<i32>} : memref<128x64xf32, #tpu.memory_space<vmem>>, vector<1x16xf32>,
      %swap3A_659 = vector.shape_cast %swap3A_658 : vector<1x16xf32> to vector<16xf32>
      %swap3A_660 = vector.shape_cast %add3A_655 : vector<16xf32> to vector<1x16xf32>
      tpu.vector_store %arg9[%swap3A_656, %swap3A_657], %swap3A_660 {strides = array<i32>} : memref<128x64xf32, #tpu.memory_space<vmem>>, vector<1x16xf32>,
      %mul3A_661 = arith.mulf %add3A_646, %get3A_41 : vector<16xf32>
      %add3A_662 = arith.addf %get3A_618, %mul3A_661 : vector<16xf32>
      %swap3A_663 = arith.index_cast %add3A_606 : i32 to index
      %swap3A_664 = arith.constant 32 : index
      %swap3A_665 = tpu.vector_load %arg9[%swap3A_663, %swap3A_664] {strides = array<i32>} : memref<128x64xf32, #tpu.memory_space<vmem>>, vector<1x16xf32>,
      %swap3A_666 = vector.shape_cast %swap3A_665 : vector<1x16xf32> to vector<16xf32>
      %swap3A_667 = vector.shape_cast %add3A_662 : vector<16xf32> to vector<1x16xf32>
      tpu.vector_store %arg9[%swap3A_663, %swap3A_664], %swap3A_667 {strides = array<i32>} : memref<128x64xf32, #tpu.memory_space<vmem>>, vector<1x16xf32>,
      %mul3A_668 = arith.mulf %add3A_646, %get3A_46 : vector<16xf32>
      %add3A_669 = arith.addf %get3A_622, %mul3A_668 : vector<16xf32>
      %swap3A_670 = arith.index_cast %add3A_606 : i32 to index
      %swap3A_671 = arith.constant 48 : index
      %swap3A_672 = tpu.vector_load %arg9[%swap3A_670, %swap3A_671] {strides = array<i32>} : memref<128x64xf32, #tpu.memory_space<vmem>>, vector<1x16xf32>,
      %swap3A_673 = vector.shape_cast %swap3A_672 : vector<1x16xf32> to vector<16xf32>
      %swap3A_674 = vector.shape_cast %add3A_669 : vector<16xf32> to vector<1x16xf32>
      tpu.vector_store %arg9[%swap3A_670, %swap3A_671], %swap3A_674 {strides = array<i32>} : memref<128x64xf32, #tpu.memory_space<vmem>>, vector<1x16xf32>,
    }
    %scan3A_192 = arith.constant 64 : i32
    %add3A_193 = arith.constant 16384 : i32
    %add3A_194 = arith.addi %mul3A_2, %add3A_193 : i32
    %dma_start3A_195 = arith.constant 0 : i32
    %dma_start3A_196 = tpu.memref_slice %arg4[%add3A_194, %dma_start3A_195] : memref<65536x64xf32, #tpu.memory_space<hbm>> -> memref<128x64xf32, #tpu.memory_space<hbm>>
    %dma_start3A_197 = arith.constant 0 : i32
    %dma_start3A_198 = tpu.memref_slice %arg4[%add3A_194, %dma_start3A_197] : memref<65536x64xf32, #tpu.memory_space<hbm>> -> memref<128x64xf32, #tpu.memory_space<hbm>>
    tpu.enqueue_dma source(%arg9 : memref<128x64xf32, #tpu.memory_space<vmem>>) target(%dma_start3A_198 : memref<128x64xf32, #tpu.memory_space<hbm>>) target_semaphore(%arg16 : memref<!tpu.dma_semaphore, #tpu.memory_space<semaphore_mem>>)
    %add3A_199 = arith.constant 28672 : i32
    %add3A_200 = arith.addi %mul3A_2, %add3A_199 : i32
    %dma_start3A_201 = arith.constant 0 : i32
    %dma_start3A_202 = tpu.memref_slice %arg2[%add3A_200, %dma_start3A_201] : memref<65536x64xf32, #tpu.memory_space<hbm>> -> memref<128x64xf32, #tpu.memory_space<hbm>>
    %dma_start3A_203 = arith.constant 0 : i32
    %dma_start3A_204 = tpu.memref_slice %arg2[%add3A_200, %dma_start3A_203] : memref<65536x64xf32, #tpu.memory_space<hbm>> -> memref<128x64xf32, #tpu.memory_space<hbm>>
    tpu.enqueue_dma source(%dma_start3A_204 : memref<128x64xf32, #tpu.memory_space<hbm>>) target(%arg6 : memref<128x64xf32, #tpu.memory_space<vmem>>) target_semaphore(%arg13 : memref<!tpu.dma_semaphore, #tpu.memory_space<semaphore_mem>>)
    %add3A_205 = arith.constant 20480 : i32
    %add3A_206 = arith.addi %mul3A_2, %add3A_205 : i32
    %dma_wait3A_207 = arith.constant 0 : i32
    %dma_wait3A_208 = tpu.memref_slice %arg2[%add3A_206, %dma_wait3A_207] : memref<65536x64xf32, #tpu.memory_space<hbm>> -> memref<128x64xf32, #tpu.memory_space<hbm>>
    %dma_wait3A_209 = arith.constant 0 : i32
    %dma_wait3A_210 = tpu.memref_slice %arg2[%add3A_206, %dma_wait3A_209] : memref<65536x64xf32, #tpu.memory_space<hbm>> -> memref<128x64xf32, #tpu.memory_space<hbm>>
    tpu.wait_dma2 semaphore(%arg14 : memref<!tpu.dma_semaphore, #tpu.memory_space<semaphore_mem>>) src(%dma_wait3A_210 : memref<128x64xf32, #tpu.memory_space<hbm>>) dst(%arg7 : memref<128x64xf32, #tpu.memory_space<vmem>>)
    %add3A_211 = arith.constant 8192 : i32
    %add3A_212 = arith.addi %mul3A_2, %add3A_211 : i32
    %dma_wait3A_213 = arith.constant 0 : i32
    %dma_wait3A_214 = tpu.memref_slice %arg4[%add3A_212, %dma_wait3A_213] : memref<65536x64xf32, #tpu.memory_space<hbm>> -> memref<128x64xf32, #tpu.memory_space<hbm>>
    %dma_wait3A_215 = arith.constant 0 : i32
    %dma_wait3A_216 = tpu.memref_slice %arg4[%add3A_212, %dma_wait3A_215] : memref<65536x64xf32, #tpu.memory_space<hbm>> -> memref<128x64xf32, #tpu.memory_space<hbm>>
    tpu.wait_dma2 semaphore(%arg17 : memref<!tpu.dma_semaphore, #tpu.memory_space<semaphore_mem>>) src(%arg10 : memref<128x64xf32, #tpu.memory_space<vmem>>) dst(%dma_wait3A_216 : memref<128x64xf32, #tpu.memory_space<hbm>>)
    %scan3A_217 = arith.constant 0 : i32
    %scan3A_218 = arith.constant 0 : i32
    %scan3A_219 = arith.constant 64 : i32
    %scan3A_220 = arith.addi %scan3A_218, %scan3A_219 : i32
    %scan3A_221 = arith.constant 1 : i32
    scf.for %scan3A_535 = %scan3A_218 to %scan3A_220 step %scan3A_221  : i32 {
      %mul3A_536 = arith.constant 2 : i32
      %mul3A_537 = arith.muli %scan3A_535, %mul3A_536 : i32
      %add3A_538 = arith.constant 0 : i32
      %add3A_539 = arith.addi %mul3A_537, %add3A_538 : i32
      %get3A_540 = arith.index_cast %add3A_539 : i32 to index
      %get3A_541 = arith.constant 0 : index
      %get3A_542 = tpu.vector_load %arg7[%get3A_540, %get3A_541] {strides = array<i32>} : memref<128x64xf32, #tpu.memory_space<vmem>>, vector<1x16xf32>,
      %get3A_543 = vector.shape_cast %get3A_542 : vector<1x16xf32> to vector<16xf32>
      %get3A_544 = arith.index_cast %add3A_539 : i32 to index
      %get3A_545 = arith.constant 16 : index
      %get3A_546 = tpu.vector_load %arg7[%get3A_544, %get3A_545] {strides = array<i32>} : memref<128x64xf32, #tpu.memory_space<vmem>>, vector<1x16xf32>,
      %get3A_547 = vector.shape_cast %get3A_546 : vector<1x16xf32> to vector<16xf32>
      %get3A_548 = arith.index_cast %add3A_539 : i32 to index
      %get3A_549 = arith.constant 32 : index
      %get3A_550 = tpu.vector_load %arg7[%get3A_548, %get3A_549] {strides = array<i32>} : memref<128x64xf32, #tpu.memory_space<vmem>>, vector<1x16xf32>,
      %get3A_551 = vector.shape_cast %get3A_550 : vector<1x16xf32> to vector<16xf32>
      %get3A_552 = arith.index_cast %add3A_539 : i32 to index
      %get3A_553 = arith.constant 48 : index
      %get3A_554 = tpu.vector_load %arg7[%get3A_552, %get3A_553] {strides = array<i32>} : memref<128x64xf32, #tpu.memory_space<vmem>>, vector<1x16xf32>,
      %get3A_555 = vector.shape_cast %get3A_554 : vector<1x16xf32> to vector<16xf32>
      %mul3A_556 = arith.mulf %get3A_543, %get3A_6 : vector<16xf32>
      %mul3A_557 = arith.mulf %get3A_547, %get3A_11 : vector<16xf32>
      %mul3A_558 = arith.mulf %get3A_551, %get3A_16 : vector<16xf32>
      %mul3A_559 = arith.mulf %get3A_555, %get3A_21 : vector<16xf32>
      %add3A_560 = arith.addf %mul3A_556, %mul3A_557 : vector<16xf32>
      %add3A_561 = arith.addf %mul3A_558, %mul3A_559 : vector<16xf32>
      %add3A_562 = arith.addf %add3A_560, %add3A_561 : vector<16xf32>
      %add3A_563 = arith.addf %add3A_562, %get3A_26 : vector<16xf32>
      %broadcast_in_dim3A = vector.shape_cast %xor3A_48 : vector<16xi32> to vector<16x1xi32>
      %gather3A = vector.shape_cast %broadcast_in_dim3A : vector<16x1xi32> to vector<16xi32>
      %gather3A_564 = tpu.dynamic_gather %add3A_563[%gather3A] in [0] : vector<16xf32>, vector<16xi32> -> vector<16xf32>
      %add3A_565 = arith.addf %add3A_563, %gather3A_564 : vector<16xf32>
      %broadcast_in_dim3A_566 = vector.shape_cast %xor3A_51 : vector<16xi32> to vector<16x1xi32>
      %gather3A_567 = vector.shape_cast %broadcast_in_dim3A_566 : vector<16x1xi32> to vector<16xi32>
      %gather3A_568 = tpu.dynamic_gather %add3A_565[%gather3A_567] in [0] : vector<16xf32>, vector<16xi32> -> vector<16xf32>
      %add3A_569 = arith.addf %add3A_565, %gather3A_568 : vector<16xf32>
      %broadcast_in_dim3A_570 = vector.shape_cast %xor3A_54 : vector<16xi32> to vector<16x1xi32>
      %gather3A_571 = vector.shape_cast %broadcast_in_dim3A_570 : vector<16x1xi32> to vector<16xi32>
      %gather3A_572 = tpu.dynamic_gather %add3A_569[%gather3A_571] in [0] : vector<16xf32>, vector<16xi32> -> vector<16xf32>
      %add3A_573 = arith.addf %add3A_569, %gather3A_572 : vector<16xf32>
      %broadcast_in_dim3A_574 = vector.shape_cast %xor3A_57 : vector<16xi32> to vector<16x1xi32>
      %gather3A_575 = vector.shape_cast %broadcast_in_dim3A_574 : vector<16x1xi32> to vector<16xi32>
      %gather3A_576 = tpu.dynamic_gather %add3A_573[%gather3A_575] in [0] : vector<16xf32>, vector<16xi32> -> vector<16xf32>
      %add3A_577 = arith.addf %add3A_573, %gather3A_576 : vector<16xf32>
      %mul3A_578 = arith.mulf %add3A_577, %get3A_31 : vector<16xf32>
      %add3A_579 = arith.addf %get3A_543, %mul3A_578 : vector<16xf32>
      %swap3A = arith.index_cast %add3A_539 : i32 to index
      %swap3A_580 = arith.constant 0 : index
      %swap3A_581 = tpu.vector_load %arg10[%swap3A, %swap3A_580] {strides = array<i32>} : memref<128x64xf32, #tpu.memory_space<vmem>>, vector<1x16xf32>,
      %swap3A_582 = vector.shape_cast %swap3A_581 : vector<1x16xf32> to vector<16xf32>
      %swap3A_583 = vector.shape_cast %add3A_579 : vector<16xf32> to vector<1x16xf32>
      tpu.vector_store %arg10[%swap3A, %swap3A_580], %swap3A_583 {strides = array<i32>} : memref<128x64xf32, #tpu.memory_space<vmem>>, vector<1x16xf32>,
      %mul3A_584 = arith.mulf %add3A_577, %get3A_36 : vector<16xf32>
      %add3A_585 = arith.addf %get3A_547, %mul3A_584 : vector<16xf32>
      %swap3A_586 = arith.index_cast %add3A_539 : i32 to index
      %swap3A_587 = arith.constant 16 : index
      %swap3A_588 = tpu.vector_load %arg10[%swap3A_586, %swap3A_587] {strides = array<i32>} : memref<128x64xf32, #tpu.memory_space<vmem>>, vector<1x16xf32>,
      %swap3A_589 = vector.shape_cast %swap3A_588 : vector<1x16xf32> to vector<16xf32>
      %swap3A_590 = vector.shape_cast %add3A_585 : vector<16xf32> to vector<1x16xf32>
      tpu.vector_store %arg10[%swap3A_586, %swap3A_587], %swap3A_590 {strides = array<i32>} : memref<128x64xf32, #tpu.memory_space<vmem>>, vector<1x16xf32>,
      %mul3A_591 = arith.mulf %add3A_577, %get3A_41 : vector<16xf32>
      %add3A_592 = arith.addf %get3A_551, %mul3A_591 : vector<16xf32>
      %swap3A_593 = arith.index_cast %add3A_539 : i32 to index
      %swap3A_594 = arith.constant 32 : index
      %swap3A_595 = tpu.vector_load %arg10[%swap3A_593, %swap3A_594] {strides = array<i32>} : memref<128x64xf32, #tpu.memory_space<vmem>>, vector<1x16xf32>,
      %swap3A_596 = vector.shape_cast %swap3A_595 : vector<1x16xf32> to vector<16xf32>
      %swap3A_597 = vector.shape_cast %add3A_592 : vector<16xf32> to vector<1x16xf32>
      tpu.vector_store %arg10[%swap3A_593, %swap3A_594], %swap3A_597 {strides = array<i32>} : memref<128x64xf32, #tpu.memory_space<vmem>>, vector<1x16xf32>,
      %mul3A_598 = arith.mulf %add3A_577, %get3A_46 : vector<16xf32>
      %add3A_599 = arith.addf %get3A_555, %mul3A_598 : vector<16xf32>
      %swap3A_600 = arith.index_cast %add3A_539 : i32 to index
      %swap3A_601 = arith.constant 48 : index
      %swap3A_602 = tpu.vector_load %arg10[%swap3A_600, %swap3A_601] {strides = array<i32>} : memref<128x64xf32, #tpu.memory_space<vmem>>, vector<1x16xf32>,
      %swap3A_603 = vector.shape_cast %swap3A_602 : vector<1x16xf32> to vector<16xf32>
      %swap3A_604 = vector.shape_cast %add3A_599 : vector<16xf32> to vector<1x16xf32>
      tpu.vector_store %arg10[%swap3A_600, %swap3A_601], %swap3A_604 {strides = array<i32>} : memref<128x64xf32, #tpu.memory_space<vmem>>, vector<1x16xf32>,
      %add3A_605 = arith.constant 1 : i32
      %add3A_606 = arith.addi %mul3A_537, %add3A_605 : i32
      %get3A_607 = arith.index_cast %add3A_606 : i32 to index
      %get3A_608 = arith.constant 0 : index
      %get3A_609 = tpu.vector_load %arg7[%get3A_607, %get3A_608] {strides = array<i32>} : memref<128x64xf32, #tpu.memory_space<vmem>>, vector<1x16xf32>,
      %get3A_610 = vector.shape_cast %get3A_609 : vector<1x16xf32> to vector<16xf32>
      %get3A_611 = arith.index_cast %add3A_606 : i32 to index
      %get3A_612 = arith.constant 16 : index
      %get3A_613 = tpu.vector_load %arg7[%get3A_611, %get3A_612] {strides = array<i32>} : memref<128x64xf32, #tpu.memory_space<vmem>>, vector<1x16xf32>,
      %get3A_614 = vector.shape_cast %get3A_613 : vector<1x16xf32> to vector<16xf32>
      %get3A_615 = arith.index_cast %add3A_606 : i32 to index
      %get3A_616 = arith.constant 32 : index
      %get3A_617 = tpu.vector_load %arg7[%get3A_615, %get3A_616] {strides = array<i32>} : memref<128x64xf32, #tpu.memory_space<vmem>>, vector<1x16xf32>,
      %get3A_618 = vector.shape_cast %get3A_617 : vector<1x16xf32> to vector<16xf32>
      %get3A_619 = arith.index_cast %add3A_606 : i32 to index
      %get3A_620 = arith.constant 48 : index
      %get3A_621 = tpu.vector_load %arg7[%get3A_619, %get3A_620] {strides = array<i32>} : memref<128x64xf32, #tpu.memory_space<vmem>>, vector<1x16xf32>,
      %get3A_622 = vector.shape_cast %get3A_621 : vector<1x16xf32> to vector<16xf32>
      %mul3A_623 = arith.mulf %get3A_610, %get3A_6 : vector<16xf32>
      %mul3A_624 = arith.mulf %get3A_614, %get3A_11 : vector<16xf32>
      %mul3A_625 = arith.mulf %get3A_618, %get3A_16 : vector<16xf32>
      %mul3A_626 = arith.mulf %get3A_622, %get3A_21 : vector<16xf32>
      %add3A_627 = arith.addf %mul3A_623, %mul3A_624 : vector<16xf32>
      %add3A_628 = arith.addf %mul3A_625, %mul3A_626 : vector<16xf32>
      %add3A_629 = arith.addf %add3A_627, %add3A_628 : vector<16xf32>
      %add3A_630 = arith.addf %add3A_629, %get3A_26 : vector<16xf32>
      %broadcast_in_dim3A_631 = vector.shape_cast %xor3A_48 : vector<16xi32> to vector<16x1xi32>
      %gather3A_632 = vector.shape_cast %broadcast_in_dim3A_631 : vector<16x1xi32> to vector<16xi32>
      %gather3A_633 = tpu.dynamic_gather %add3A_630[%gather3A_632] in [0] : vector<16xf32>, vector<16xi32> -> vector<16xf32>
      %add3A_634 = arith.addf %add3A_630, %gather3A_633 : vector<16xf32>
      %broadcast_in_dim3A_635 = vector.shape_cast %xor3A_51 : vector<16xi32> to vector<16x1xi32>
      %gather3A_636 = vector.shape_cast %broadcast_in_dim3A_635 : vector<16x1xi32> to vector<16xi32>
      %gather3A_637 = tpu.dynamic_gather %add3A_634[%gather3A_636] in [0] : vector<16xf32>, vector<16xi32> -> vector<16xf32>
      %add3A_638 = arith.addf %add3A_634, %gather3A_637 : vector<16xf32>
      %broadcast_in_dim3A_639 = vector.shape_cast %xor3A_54 : vector<16xi32> to vector<16x1xi32>
      %gather3A_640 = vector.shape_cast %broadcast_in_dim3A_639 : vector<16x1xi32> to vector<16xi32>
      %gather3A_641 = tpu.dynamic_gather %add3A_638[%gather3A_640] in [0] : vector<16xf32>, vector<16xi32> -> vector<16xf32>
      %add3A_642 = arith.addf %add3A_638, %gather3A_641 : vector<16xf32>
      %broadcast_in_dim3A_643 = vector.shape_cast %xor3A_57 : vector<16xi32> to vector<16x1xi32>
      %gather3A_644 = vector.shape_cast %broadcast_in_dim3A_643 : vector<16x1xi32> to vector<16xi32>
      %gather3A_645 = tpu.dynamic_gather %add3A_642[%gather3A_644] in [0] : vector<16xf32>, vector<16xi32> -> vector<16xf32>
      %add3A_646 = arith.addf %add3A_642, %gather3A_645 : vector<16xf32>
      %mul3A_647 = arith.mulf %add3A_646, %get3A_31 : vector<16xf32>
      %add3A_648 = arith.addf %get3A_610, %mul3A_647 : vector<16xf32>
      %swap3A_649 = arith.index_cast %add3A_606 : i32 to index
      %swap3A_650 = arith.constant 0 : index
      %swap3A_651 = tpu.vector_load %arg10[%swap3A_649, %swap3A_650] {strides = array<i32>} : memref<128x64xf32, #tpu.memory_space<vmem>>, vector<1x16xf32>,
      %swap3A_652 = vector.shape_cast %swap3A_651 : vector<1x16xf32> to vector<16xf32>
      %swap3A_653 = vector.shape_cast %add3A_648 : vector<16xf32> to vector<1x16xf32>
      tpu.vector_store %arg10[%swap3A_649, %swap3A_650], %swap3A_653 {strides = array<i32>} : memref<128x64xf32, #tpu.memory_space<vmem>>, vector<1x16xf32>,
      %mul3A_654 = arith.mulf %add3A_646, %get3A_36 : vector<16xf32>
      %add3A_655 = arith.addf %get3A_614, %mul3A_654 : vector<16xf32>
      %swap3A_656 = arith.index_cast %add3A_606 : i32 to index
      %swap3A_657 = arith.constant 16 : index
      %swap3A_658 = tpu.vector_load %arg10[%swap3A_656, %swap3A_657] {strides = array<i32>} : memref<128x64xf32, #tpu.memory_space<vmem>>, vector<1x16xf32>,
      %swap3A_659 = vector.shape_cast %swap3A_658 : vector<1x16xf32> to vector<16xf32>
      %swap3A_660 = vector.shape_cast %add3A_655 : vector<16xf32> to vector<1x16xf32>
      tpu.vector_store %arg10[%swap3A_656, %swap3A_657], %swap3A_660 {strides = array<i32>} : memref<128x64xf32, #tpu.memory_space<vmem>>, vector<1x16xf32>,
      %mul3A_661 = arith.mulf %add3A_646, %get3A_41 : vector<16xf32>
      %add3A_662 = arith.addf %get3A_618, %mul3A_661 : vector<16xf32>
      %swap3A_663 = arith.index_cast %add3A_606 : i32 to index
      %swap3A_664 = arith.constant 32 : index
      %swap3A_665 = tpu.vector_load %arg10[%swap3A_663, %swap3A_664] {strides = array<i32>} : memref<128x64xf32, #tpu.memory_space<vmem>>, vector<1x16xf32>,
      %swap3A_666 = vector.shape_cast %swap3A_665 : vector<1x16xf32> to vector<16xf32>
      %swap3A_667 = vector.shape_cast %add3A_662 : vector<16xf32> to vector<1x16xf32>
      tpu.vector_store %arg10[%swap3A_663, %swap3A_664], %swap3A_667 {strides = array<i32>} : memref<128x64xf32, #tpu.memory_space<vmem>>, vector<1x16xf32>,
      %mul3A_668 = arith.mulf %add3A_646, %get3A_46 : vector<16xf32>
      %add3A_669 = arith.addf %get3A_622, %mul3A_668 : vector<16xf32>
      %swap3A_670 = arith.index_cast %add3A_606 : i32 to index
      %swap3A_671 = arith.constant 48 : index
      %swap3A_672 = tpu.vector_load %arg10[%swap3A_670, %swap3A_671] {strides = array<i32>} : memref<128x64xf32, #tpu.memory_space<vmem>>, vector<1x16xf32>,
      %swap3A_673 = vector.shape_cast %swap3A_672 : vector<1x16xf32> to vector<16xf32>
      %swap3A_674 = vector.shape_cast %add3A_669 : vector<16xf32> to vector<1x16xf32>
      tpu.vector_store %arg10[%swap3A_670, %swap3A_671], %swap3A_674 {strides = array<i32>} : memref<128x64xf32, #tpu.memory_space<vmem>>, vector<1x16xf32>,
    }
    %scan3A_222 = arith.constant 64 : i32
    %add3A_223 = arith.constant 20480 : i32
    %add3A_224 = arith.addi %mul3A_2, %add3A_223 : i32
    %dma_start3A_225 = arith.constant 0 : i32
    %dma_start3A_226 = tpu.memref_slice %arg4[%add3A_224, %dma_start3A_225] : memref<65536x64xf32, #tpu.memory_space<hbm>> -> memref<128x64xf32, #tpu.memory_space<hbm>>
    %dma_start3A_227 = arith.constant 0 : i32
    %dma_start3A_228 = tpu.memref_slice %arg4[%add3A_224, %dma_start3A_227] : memref<65536x64xf32, #tpu.memory_space<hbm>> -> memref<128x64xf32, #tpu.memory_space<hbm>>
    tpu.enqueue_dma source(%arg10 : memref<128x64xf32, #tpu.memory_space<vmem>>) target(%dma_start3A_228 : memref<128x64xf32, #tpu.memory_space<hbm>>) target_semaphore(%arg17 : memref<!tpu.dma_semaphore, #tpu.memory_space<semaphore_mem>>)
    %add3A_229 = arith.constant 32768 : i32
    %add3A_230 = arith.addi %mul3A_2, %add3A_229 : i32
    %dma_start3A_231 = arith.constant 0 : i32
    %dma_start3A_232 = tpu.memref_slice %arg2[%add3A_230, %dma_start3A_231] : memref<65536x64xf32, #tpu.memory_space<hbm>> -> memref<128x64xf32, #tpu.memory_space<hbm>>
    %dma_start3A_233 = arith.constant 0 : i32
    %dma_start3A_234 = tpu.memref_slice %arg2[%add3A_230, %dma_start3A_233] : memref<65536x64xf32, #tpu.memory_space<hbm>> -> memref<128x64xf32, #tpu.memory_space<hbm>>
    tpu.enqueue_dma source(%dma_start3A_234 : memref<128x64xf32, #tpu.memory_space<hbm>>) target(%arg7 : memref<128x64xf32, #tpu.memory_space<vmem>>) target_semaphore(%arg14 : memref<!tpu.dma_semaphore, #tpu.memory_space<semaphore_mem>>)
    %add3A_235 = arith.constant 24576 : i32
    %add3A_236 = arith.addi %mul3A_2, %add3A_235 : i32
    %dma_wait3A_237 = arith.constant 0 : i32
    %dma_wait3A_238 = tpu.memref_slice %arg2[%add3A_236, %dma_wait3A_237] : memref<65536x64xf32, #tpu.memory_space<hbm>> -> memref<128x64xf32, #tpu.memory_space<hbm>>
    %dma_wait3A_239 = arith.constant 0 : i32
    %dma_wait3A_240 = tpu.memref_slice %arg2[%add3A_236, %dma_wait3A_239] : memref<65536x64xf32, #tpu.memory_space<hbm>> -> memref<128x64xf32, #tpu.memory_space<hbm>>
    tpu.wait_dma2 semaphore(%arg12 : memref<!tpu.dma_semaphore, #tpu.memory_space<semaphore_mem>>) src(%dma_wait3A_240 : memref<128x64xf32, #tpu.memory_space<hbm>>) dst(%arg5 : memref<128x64xf32, #tpu.memory_space<vmem>>)
    %add3A_241 = arith.constant 12288 : i32
    %add3A_242 = arith.addi %mul3A_2, %add3A_241 : i32
    %dma_wait3A_243 = arith.constant 0 : i32
    %dma_wait3A_244 = tpu.memref_slice %arg4[%add3A_242, %dma_wait3A_243] : memref<65536x64xf32, #tpu.memory_space<hbm>> -> memref<128x64xf32, #tpu.memory_space<hbm>>
    %dma_wait3A_245 = arith.constant 0 : i32
    %dma_wait3A_246 = tpu.memref_slice %arg4[%add3A_242, %dma_wait3A_245] : memref<65536x64xf32, #tpu.memory_space<hbm>> -> memref<128x64xf32, #tpu.memory_space<hbm>>
    tpu.wait_dma2 semaphore(%arg15 : memref<!tpu.dma_semaphore, #tpu.memory_space<semaphore_mem>>) src(%arg8 : memref<128x64xf32, #tpu.memory_space<vmem>>) dst(%dma_wait3A_246 : memref<128x64xf32, #tpu.memory_space<hbm>>)
    %scan3A_247 = arith.constant 0 : i32
    %scan3A_248 = arith.constant 0 : i32
    %scan3A_249 = arith.constant 64 : i32
    %scan3A_250 = arith.addi %scan3A_248, %scan3A_249 : i32
    %scan3A_251 = arith.constant 1 : i32
    scf.for %scan3A_535 = %scan3A_248 to %scan3A_250 step %scan3A_251  : i32 {
      %mul3A_536 = arith.constant 2 : i32
      %mul3A_537 = arith.muli %scan3A_535, %mul3A_536 : i32
      %add3A_538 = arith.constant 0 : i32
      %add3A_539 = arith.addi %mul3A_537, %add3A_538 : i32
      %get3A_540 = arith.index_cast %add3A_539 : i32 to index
      %get3A_541 = arith.constant 0 : index
      %get3A_542 = tpu.vector_load %arg5[%get3A_540, %get3A_541] {strides = array<i32>} : memref<128x64xf32, #tpu.memory_space<vmem>>, vector<1x16xf32>,
      %get3A_543 = vector.shape_cast %get3A_542 : vector<1x16xf32> to vector<16xf32>
      %get3A_544 = arith.index_cast %add3A_539 : i32 to index
      %get3A_545 = arith.constant 16 : index
      %get3A_546 = tpu.vector_load %arg5[%get3A_544, %get3A_545] {strides = array<i32>} : memref<128x64xf32, #tpu.memory_space<vmem>>, vector<1x16xf32>,
      %get3A_547 = vector.shape_cast %get3A_546 : vector<1x16xf32> to vector<16xf32>
      %get3A_548 = arith.index_cast %add3A_539 : i32 to index
      %get3A_549 = arith.constant 32 : index
      %get3A_550 = tpu.vector_load %arg5[%get3A_548, %get3A_549] {strides = array<i32>} : memref<128x64xf32, #tpu.memory_space<vmem>>, vector<1x16xf32>,
      %get3A_551 = vector.shape_cast %get3A_550 : vector<1x16xf32> to vector<16xf32>
      %get3A_552 = arith.index_cast %add3A_539 : i32 to index
      %get3A_553 = arith.constant 48 : index
      %get3A_554 = tpu.vector_load %arg5[%get3A_552, %get3A_553] {strides = array<i32>} : memref<128x64xf32, #tpu.memory_space<vmem>>, vector<1x16xf32>,
      %get3A_555 = vector.shape_cast %get3A_554 : vector<1x16xf32> to vector<16xf32>
      %mul3A_556 = arith.mulf %get3A_543, %get3A_6 : vector<16xf32>
      %mul3A_557 = arith.mulf %get3A_547, %get3A_11 : vector<16xf32>
      %mul3A_558 = arith.mulf %get3A_551, %get3A_16 : vector<16xf32>
      %mul3A_559 = arith.mulf %get3A_555, %get3A_21 : vector<16xf32>
      %add3A_560 = arith.addf %mul3A_556, %mul3A_557 : vector<16xf32>
      %add3A_561 = arith.addf %mul3A_558, %mul3A_559 : vector<16xf32>
      %add3A_562 = arith.addf %add3A_560, %add3A_561 : vector<16xf32>
      %add3A_563 = arith.addf %add3A_562, %get3A_26 : vector<16xf32>
      %broadcast_in_dim3A = vector.shape_cast %xor3A_48 : vector<16xi32> to vector<16x1xi32>
      %gather3A = vector.shape_cast %broadcast_in_dim3A : vector<16x1xi32> to vector<16xi32>
      %gather3A_564 = tpu.dynamic_gather %add3A_563[%gather3A] in [0] : vector<16xf32>, vector<16xi32> -> vector<16xf32>
      %add3A_565 = arith.addf %add3A_563, %gather3A_564 : vector<16xf32>
      %broadcast_in_dim3A_566 = vector.shape_cast %xor3A_51 : vector<16xi32> to vector<16x1xi32>
      %gather3A_567 = vector.shape_cast %broadcast_in_dim3A_566 : vector<16x1xi32> to vector<16xi32>
      %gather3A_568 = tpu.dynamic_gather %add3A_565[%gather3A_567] in [0] : vector<16xf32>, vector<16xi32> -> vector<16xf32>
      %add3A_569 = arith.addf %add3A_565, %gather3A_568 : vector<16xf32>
      %broadcast_in_dim3A_570 = vector.shape_cast %xor3A_54 : vector<16xi32> to vector<16x1xi32>
      %gather3A_571 = vector.shape_cast %broadcast_in_dim3A_570 : vector<16x1xi32> to vector<16xi32>
      %gather3A_572 = tpu.dynamic_gather %add3A_569[%gather3A_571] in [0] : vector<16xf32>, vector<16xi32> -> vector<16xf32>
      %add3A_573 = arith.addf %add3A_569, %gather3A_572 : vector<16xf32>
      %broadcast_in_dim3A_574 = vector.shape_cast %xor3A_57 : vector<16xi32> to vector<16x1xi32>
      %gather3A_575 = vector.shape_cast %broadcast_in_dim3A_574 : vector<16x1xi32> to vector<16xi32>
      %gather3A_576 = tpu.dynamic_gather %add3A_573[%gather3A_575] in [0] : vector<16xf32>, vector<16xi32> -> vector<16xf32>
      %add3A_577 = arith.addf %add3A_573, %gather3A_576 : vector<16xf32>
      %mul3A_578 = arith.mulf %add3A_577, %get3A_31 : vector<16xf32>
      %add3A_579 = arith.addf %get3A_543, %mul3A_578 : vector<16xf32>
      %swap3A = arith.index_cast %add3A_539 : i32 to index
      %swap3A_580 = arith.constant 0 : index
      %swap3A_581 = tpu.vector_load %arg8[%swap3A, %swap3A_580] {strides = array<i32>} : memref<128x64xf32, #tpu.memory_space<vmem>>, vector<1x16xf32>,
      %swap3A_582 = vector.shape_cast %swap3A_581 : vector<1x16xf32> to vector<16xf32>
      %swap3A_583 = vector.shape_cast %add3A_579 : vector<16xf32> to vector<1x16xf32>
      tpu.vector_store %arg8[%swap3A, %swap3A_580], %swap3A_583 {strides = array<i32>} : memref<128x64xf32, #tpu.memory_space<vmem>>, vector<1x16xf32>,
      %mul3A_584 = arith.mulf %add3A_577, %get3A_36 : vector<16xf32>
      %add3A_585 = arith.addf %get3A_547, %mul3A_584 : vector<16xf32>
      %swap3A_586 = arith.index_cast %add3A_539 : i32 to index
      %swap3A_587 = arith.constant 16 : index
      %swap3A_588 = tpu.vector_load %arg8[%swap3A_586, %swap3A_587] {strides = array<i32>} : memref<128x64xf32, #tpu.memory_space<vmem>>, vector<1x16xf32>,
      %swap3A_589 = vector.shape_cast %swap3A_588 : vector<1x16xf32> to vector<16xf32>
      %swap3A_590 = vector.shape_cast %add3A_585 : vector<16xf32> to vector<1x16xf32>
      tpu.vector_store %arg8[%swap3A_586, %swap3A_587], %swap3A_590 {strides = array<i32>} : memref<128x64xf32, #tpu.memory_space<vmem>>, vector<1x16xf32>,
      %mul3A_591 = arith.mulf %add3A_577, %get3A_41 : vector<16xf32>
      %add3A_592 = arith.addf %get3A_551, %mul3A_591 : vector<16xf32>
      %swap3A_593 = arith.index_cast %add3A_539 : i32 to index
      %swap3A_594 = arith.constant 32 : index
      %swap3A_595 = tpu.vector_load %arg8[%swap3A_593, %swap3A_594] {strides = array<i32>} : memref<128x64xf32, #tpu.memory_space<vmem>>, vector<1x16xf32>,
      %swap3A_596 = vector.shape_cast %swap3A_595 : vector<1x16xf32> to vector<16xf32>
      %swap3A_597 = vector.shape_cast %add3A_592 : vector<16xf32> to vector<1x16xf32>
      tpu.vector_store %arg8[%swap3A_593, %swap3A_594], %swap3A_597 {strides = array<i32>} : memref<128x64xf32, #tpu.memory_space<vmem>>, vector<1x16xf32>,
      %mul3A_598 = arith.mulf %add3A_577, %get3A_46 : vector<16xf32>
      %add3A_599 = arith.addf %get3A_555, %mul3A_598 : vector<16xf32>
      %swap3A_600 = arith.index_cast %add3A_539 : i32 to index
      %swap3A_601 = arith.constant 48 : index
      %swap3A_602 = tpu.vector_load %arg8[%swap3A_600, %swap3A_601] {strides = array<i32>} : memref<128x64xf32, #tpu.memory_space<vmem>>, vector<1x16xf32>,
      %swap3A_603 = vector.shape_cast %swap3A_602 : vector<1x16xf32> to vector<16xf32>
      %swap3A_604 = vector.shape_cast %add3A_599 : vector<16xf32> to vector<1x16xf32>
      tpu.vector_store %arg8[%swap3A_600, %swap3A_601], %swap3A_604 {strides = array<i32>} : memref<128x64xf32, #tpu.memory_space<vmem>>, vector<1x16xf32>,
      %add3A_605 = arith.constant 1 : i32
      %add3A_606 = arith.addi %mul3A_537, %add3A_605 : i32
      %get3A_607 = arith.index_cast %add3A_606 : i32 to index
      %get3A_608 = arith.constant 0 : index
      %get3A_609 = tpu.vector_load %arg5[%get3A_607, %get3A_608] {strides = array<i32>} : memref<128x64xf32, #tpu.memory_space<vmem>>, vector<1x16xf32>,
      %get3A_610 = vector.shape_cast %get3A_609 : vector<1x16xf32> to vector<16xf32>
      %get3A_611 = arith.index_cast %add3A_606 : i32 to index
      %get3A_612 = arith.constant 16 : index
      %get3A_613 = tpu.vector_load %arg5[%get3A_611, %get3A_612] {strides = array<i32>} : memref<128x64xf32, #tpu.memory_space<vmem>>, vector<1x16xf32>,
      %get3A_614 = vector.shape_cast %get3A_613 : vector<1x16xf32> to vector<16xf32>
      %get3A_615 = arith.index_cast %add3A_606 : i32 to index
      %get3A_616 = arith.constant 32 : index
      %get3A_617 = tpu.vector_load %arg5[%get3A_615, %get3A_616] {strides = array<i32>} : memref<128x64xf32, #tpu.memory_space<vmem>>, vector<1x16xf32>,
      %get3A_618 = vector.shape_cast %get3A_617 : vector<1x16xf32> to vector<16xf32>
      %get3A_619 = arith.index_cast %add3A_606 : i32 to index
      %get3A_620 = arith.constant 48 : index
      %get3A_621 = tpu.vector_load %arg5[%get3A_619, %get3A_620] {strides = array<i32>} : memref<128x64xf32, #tpu.memory_space<vmem>>, vector<1x16xf32>,
      %get3A_622 = vector.shape_cast %get3A_621 : vector<1x16xf32> to vector<16xf32>
      %mul3A_623 = arith.mulf %get3A_610, %get3A_6 : vector<16xf32>
      %mul3A_624 = arith.mulf %get3A_614, %get3A_11 : vector<16xf32>
      %mul3A_625 = arith.mulf %get3A_618, %get3A_16 : vector<16xf32>
      %mul3A_626 = arith.mulf %get3A_622, %get3A_21 : vector<16xf32>
      %add3A_627 = arith.addf %mul3A_623, %mul3A_624 : vector<16xf32>
      %add3A_628 = arith.addf %mul3A_625, %mul3A_626 : vector<16xf32>
      %add3A_629 = arith.addf %add3A_627, %add3A_628 : vector<16xf32>
      %add3A_630 = arith.addf %add3A_629, %get3A_26 : vector<16xf32>
      %broadcast_in_dim3A_631 = vector.shape_cast %xor3A_48 : vector<16xi32> to vector<16x1xi32>
      %gather3A_632 = vector.shape_cast %broadcast_in_dim3A_631 : vector<16x1xi32> to vector<16xi32>
      %gather3A_633 = tpu.dynamic_gather %add3A_630[%gather3A_632] in [0] : vector<16xf32>, vector<16xi32> -> vector<16xf32>
      %add3A_634 = arith.addf %add3A_630, %gather3A_633 : vector<16xf32>
      %broadcast_in_dim3A_635 = vector.shape_cast %xor3A_51 : vector<16xi32> to vector<16x1xi32>
      %gather3A_636 = vector.shape_cast %broadcast_in_dim3A_635 : vector<16x1xi32> to vector<16xi32>
      %gather3A_637 = tpu.dynamic_gather %add3A_634[%gather3A_636] in [0] : vector<16xf32>, vector<16xi32> -> vector<16xf32>
      %add3A_638 = arith.addf %add3A_634, %gather3A_637 : vector<16xf32>
      %broadcast_in_dim3A_639 = vector.shape_cast %xor3A_54 : vector<16xi32> to vector<16x1xi32>
      %gather3A_640 = vector.shape_cast %broadcast_in_dim3A_639 : vector<16x1xi32> to vector<16xi32>
      %gather3A_641 = tpu.dynamic_gather %add3A_638[%gather3A_640] in [0] : vector<16xf32>, vector<16xi32> -> vector<16xf32>
      %add3A_642 = arith.addf %add3A_638, %gather3A_641 : vector<16xf32>
      %broadcast_in_dim3A_643 = vector.shape_cast %xor3A_57 : vector<16xi32> to vector<16x1xi32>
      %gather3A_644 = vector.shape_cast %broadcast_in_dim3A_643 : vector<16x1xi32> to vector<16xi32>
      %gather3A_645 = tpu.dynamic_gather %add3A_642[%gather3A_644] in [0] : vector<16xf32>, vector<16xi32> -> vector<16xf32>
      %add3A_646 = arith.addf %add3A_642, %gather3A_645 : vector<16xf32>
      %mul3A_647 = arith.mulf %add3A_646, %get3A_31 : vector<16xf32>
      %add3A_648 = arith.addf %get3A_610, %mul3A_647 : vector<16xf32>
      %swap3A_649 = arith.index_cast %add3A_606 : i32 to index
      %swap3A_650 = arith.constant 0 : index
      %swap3A_651 = tpu.vector_load %arg8[%swap3A_649, %swap3A_650] {strides = array<i32>} : memref<128x64xf32, #tpu.memory_space<vmem>>, vector<1x16xf32>,
      %swap3A_652 = vector.shape_cast %swap3A_651 : vector<1x16xf32> to vector<16xf32>
      %swap3A_653 = vector.shape_cast %add3A_648 : vector<16xf32> to vector<1x16xf32>
      tpu.vector_store %arg8[%swap3A_649, %swap3A_650], %swap3A_653 {strides = array<i32>} : memref<128x64xf32, #tpu.memory_space<vmem>>, vector<1x16xf32>,
      %mul3A_654 = arith.mulf %add3A_646, %get3A_36 : vector<16xf32>
      %add3A_655 = arith.addf %get3A_614, %mul3A_654 : vector<16xf32>
      %swap3A_656 = arith.index_cast %add3A_606 : i32 to index
      %swap3A_657 = arith.constant 16 : index
      %swap3A_658 = tpu.vector_load %arg8[%swap3A_656, %swap3A_657] {strides = array<i32>} : memref<128x64xf32, #tpu.memory_space<vmem>>, vector<1x16xf32>,
      %swap3A_659 = vector.shape_cast %swap3A_658 : vector<1x16xf32> to vector<16xf32>
      %swap3A_660 = vector.shape_cast %add3A_655 : vector<16xf32> to vector<1x16xf32>
      tpu.vector_store %arg8[%swap3A_656, %swap3A_657], %swap3A_660 {strides = array<i32>} : memref<128x64xf32, #tpu.memory_space<vmem>>, vector<1x16xf32>,
      %mul3A_661 = arith.mulf %add3A_646, %get3A_41 : vector<16xf32>
      %add3A_662 = arith.addf %get3A_618, %mul3A_661 : vector<16xf32>
      %swap3A_663 = arith.index_cast %add3A_606 : i32 to index
      %swap3A_664 = arith.constant 32 : index
      %swap3A_665 = tpu.vector_load %arg8[%swap3A_663, %swap3A_664] {strides = array<i32>} : memref<128x64xf32, #tpu.memory_space<vmem>>, vector<1x16xf32>,
      %swap3A_666 = vector.shape_cast %swap3A_665 : vector<1x16xf32> to vector<16xf32>
      %swap3A_667 = vector.shape_cast %add3A_662 : vector<16xf32> to vector<1x16xf32>
      tpu.vector_store %arg8[%swap3A_663, %swap3A_664], %swap3A_667 {strides = array<i32>} : memref<128x64xf32, #tpu.memory_space<vmem>>, vector<1x16xf32>,
      %mul3A_668 = arith.mulf %add3A_646, %get3A_46 : vector<16xf32>
      %add3A_669 = arith.addf %get3A_622, %mul3A_668 : vector<16xf32>
      %swap3A_670 = arith.index_cast %add3A_606 : i32 to index
      %swap3A_671 = arith.constant 48 : index
      %swap3A_672 = tpu.vector_load %arg8[%swap3A_670, %swap3A_671] {strides = array<i32>} : memref<128x64xf32, #tpu.memory_space<vmem>>, vector<1x16xf32>,
      %swap3A_673 = vector.shape_cast %swap3A_672 : vector<1x16xf32> to vector<16xf32>
      %swap3A_674 = vector.shape_cast %add3A_669 : vector<16xf32> to vector<1x16xf32>
      tpu.vector_store %arg8[%swap3A_670, %swap3A_671], %swap3A_674 {strides = array<i32>} : memref<128x64xf32, #tpu.memory_space<vmem>>, vector<1x16xf32>,
    }
    %scan3A_252 = arith.constant 64 : i32
    %add3A_253 = arith.constant 24576 : i32
    %add3A_254 = arith.addi %mul3A_2, %add3A_253 : i32
    %dma_start3A_255 = arith.constant 0 : i32
    %dma_start3A_256 = tpu.memref_slice %arg4[%add3A_254, %dma_start3A_255] : memref<65536x64xf32, #tpu.memory_space<hbm>> -> memref<128x64xf32, #tpu.memory_space<hbm>>
    %dma_start3A_257 = arith.constant 0 : i32
    %dma_start3A_258 = tpu.memref_slice %arg4[%add3A_254, %dma_start3A_257] : memref<65536x64xf32, #tpu.memory_space<hbm>> -> memref<128x64xf32, #tpu.memory_space<hbm>>
    tpu.enqueue_dma source(%arg8 : memref<128x64xf32, #tpu.memory_space<vmem>>) target(%dma_start3A_258 : memref<128x64xf32, #tpu.memory_space<hbm>>) target_semaphore(%arg15 : memref<!tpu.dma_semaphore, #tpu.memory_space<semaphore_mem>>)
    %add3A_259 = arith.constant 36864 : i32
    %add3A_260 = arith.addi %mul3A_2, %add3A_259 : i32
    %dma_start3A_261 = arith.constant 0 : i32
    %dma_start3A_262 = tpu.memref_slice %arg2[%add3A_260, %dma_start3A_261] : memref<65536x64xf32, #tpu.memory_space<hbm>> -> memref<128x64xf32, #tpu.memory_space<hbm>>
    %dma_start3A_263 = arith.constant 0 : i32
    %dma_start3A_264 = tpu.memref_slice %arg2[%add3A_260, %dma_start3A_263] : memref<65536x64xf32, #tpu.memory_space<hbm>> -> memref<128x64xf32, #tpu.memory_space<hbm>>
    tpu.enqueue_dma source(%dma_start3A_264 : memref<128x64xf32, #tpu.memory_space<hbm>>) target(%arg5 : memref<128x64xf32, #tpu.memory_space<vmem>>) target_semaphore(%arg12 : memref<!tpu.dma_semaphore, #tpu.memory_space<semaphore_mem>>)
    %add3A_265 = arith.constant 28672 : i32
    %add3A_266 = arith.addi %mul3A_2, %add3A_265 : i32
    %dma_wait3A_267 = arith.constant 0 : i32
    %dma_wait3A_268 = tpu.memref_slice %arg2[%add3A_266, %dma_wait3A_267] : memref<65536x64xf32, #tpu.memory_space<hbm>> -> memref<128x64xf32, #tpu.memory_space<hbm>>
    %dma_wait3A_269 = arith.constant 0 : i32
    %dma_wait3A_270 = tpu.memref_slice %arg2[%add3A_266, %dma_wait3A_269] : memref<65536x64xf32, #tpu.memory_space<hbm>> -> memref<128x64xf32, #tpu.memory_space<hbm>>
    tpu.wait_dma2 semaphore(%arg13 : memref<!tpu.dma_semaphore, #tpu.memory_space<semaphore_mem>>) src(%dma_wait3A_270 : memref<128x64xf32, #tpu.memory_space<hbm>>) dst(%arg6 : memref<128x64xf32, #tpu.memory_space<vmem>>)
    %add3A_271 = arith.constant 16384 : i32
    %add3A_272 = arith.addi %mul3A_2, %add3A_271 : i32
    %dma_wait3A_273 = arith.constant 0 : i32
    %dma_wait3A_274 = tpu.memref_slice %arg4[%add3A_272, %dma_wait3A_273] : memref<65536x64xf32, #tpu.memory_space<hbm>> -> memref<128x64xf32, #tpu.memory_space<hbm>>
    %dma_wait3A_275 = arith.constant 0 : i32
    %dma_wait3A_276 = tpu.memref_slice %arg4[%add3A_272, %dma_wait3A_275] : memref<65536x64xf32, #tpu.memory_space<hbm>> -> memref<128x64xf32, #tpu.memory_space<hbm>>
    tpu.wait_dma2 semaphore(%arg16 : memref<!tpu.dma_semaphore, #tpu.memory_space<semaphore_mem>>) src(%arg9 : memref<128x64xf32, #tpu.memory_space<vmem>>) dst(%dma_wait3A_276 : memref<128x64xf32, #tpu.memory_space<hbm>>)
    %scan3A_277 = arith.constant 0 : i32
    %scan3A_278 = arith.constant 0 : i32
    %scan3A_279 = arith.constant 64 : i32
    %scan3A_280 = arith.addi %scan3A_278, %scan3A_279 : i32
    %scan3A_281 = arith.constant 1 : i32
    scf.for %scan3A_535 = %scan3A_278 to %scan3A_280 step %scan3A_281  : i32 {
      %mul3A_536 = arith.constant 2 : i32
      %mul3A_537 = arith.muli %scan3A_535, %mul3A_536 : i32
      %add3A_538 = arith.constant 0 : i32
      %add3A_539 = arith.addi %mul3A_537, %add3A_538 : i32
      %get3A_540 = arith.index_cast %add3A_539 : i32 to index
      %get3A_541 = arith.constant 0 : index
      %get3A_542 = tpu.vector_load %arg6[%get3A_540, %get3A_541] {strides = array<i32>} : memref<128x64xf32, #tpu.memory_space<vmem>>, vector<1x16xf32>,
      %get3A_543 = vector.shape_cast %get3A_542 : vector<1x16xf32> to vector<16xf32>
      %get3A_544 = arith.index_cast %add3A_539 : i32 to index
      %get3A_545 = arith.constant 16 : index
      %get3A_546 = tpu.vector_load %arg6[%get3A_544, %get3A_545] {strides = array<i32>} : memref<128x64xf32, #tpu.memory_space<vmem>>, vector<1x16xf32>,
      %get3A_547 = vector.shape_cast %get3A_546 : vector<1x16xf32> to vector<16xf32>
      %get3A_548 = arith.index_cast %add3A_539 : i32 to index
      %get3A_549 = arith.constant 32 : index
      %get3A_550 = tpu.vector_load %arg6[%get3A_548, %get3A_549] {strides = array<i32>} : memref<128x64xf32, #tpu.memory_space<vmem>>, vector<1x16xf32>,
      %get3A_551 = vector.shape_cast %get3A_550 : vector<1x16xf32> to vector<16xf32>
      %get3A_552 = arith.index_cast %add3A_539 : i32 to index
      %get3A_553 = arith.constant 48 : index
      %get3A_554 = tpu.vector_load %arg6[%get3A_552, %get3A_553] {strides = array<i32>} : memref<128x64xf32, #tpu.memory_space<vmem>>, vector<1x16xf32>,
      %get3A_555 = vector.shape_cast %get3A_554 : vector<1x16xf32> to vector<16xf32>
      %mul3A_556 = arith.mulf %get3A_543, %get3A_6 : vector<16xf32>
      %mul3A_557 = arith.mulf %get3A_547, %get3A_11 : vector<16xf32>
      %mul3A_558 = arith.mulf %get3A_551, %get3A_16 : vector<16xf32>
      %mul3A_559 = arith.mulf %get3A_555, %get3A_21 : vector<16xf32>
      %add3A_560 = arith.addf %mul3A_556, %mul3A_557 : vector<16xf32>
      %add3A_561 = arith.addf %mul3A_558, %mul3A_559 : vector<16xf32>
      %add3A_562 = arith.addf %add3A_560, %add3A_561 : vector<16xf32>
      %add3A_563 = arith.addf %add3A_562, %get3A_26 : vector<16xf32>
      %broadcast_in_dim3A = vector.shape_cast %xor3A_48 : vector<16xi32> to vector<16x1xi32>
      %gather3A = vector.shape_cast %broadcast_in_dim3A : vector<16x1xi32> to vector<16xi32>
      %gather3A_564 = tpu.dynamic_gather %add3A_563[%gather3A] in [0] : vector<16xf32>, vector<16xi32> -> vector<16xf32>
      %add3A_565 = arith.addf %add3A_563, %gather3A_564 : vector<16xf32>
      %broadcast_in_dim3A_566 = vector.shape_cast %xor3A_51 : vector<16xi32> to vector<16x1xi32>
      %gather3A_567 = vector.shape_cast %broadcast_in_dim3A_566 : vector<16x1xi32> to vector<16xi32>
      %gather3A_568 = tpu.dynamic_gather %add3A_565[%gather3A_567] in [0] : vector<16xf32>, vector<16xi32> -> vector<16xf32>
      %add3A_569 = arith.addf %add3A_565, %gather3A_568 : vector<16xf32>
      %broadcast_in_dim3A_570 = vector.shape_cast %xor3A_54 : vector<16xi32> to vector<16x1xi32>
      %gather3A_571 = vector.shape_cast %broadcast_in_dim3A_570 : vector<16x1xi32> to vector<16xi32>
      %gather3A_572 = tpu.dynamic_gather %add3A_569[%gather3A_571] in [0] : vector<16xf32>, vector<16xi32> -> vector<16xf32>
      %add3A_573 = arith.addf %add3A_569, %gather3A_572 : vector<16xf32>
      %broadcast_in_dim3A_574 = vector.shape_cast %xor3A_57 : vector<16xi32> to vector<16x1xi32>
      %gather3A_575 = vector.shape_cast %broadcast_in_dim3A_574 : vector<16x1xi32> to vector<16xi32>
      %gather3A_576 = tpu.dynamic_gather %add3A_573[%gather3A_575] in [0] : vector<16xf32>, vector<16xi32> -> vector<16xf32>
      %add3A_577 = arith.addf %add3A_573, %gather3A_576 : vector<16xf32>
      %mul3A_578 = arith.mulf %add3A_577, %get3A_31 : vector<16xf32>
      %add3A_579 = arith.addf %get3A_543, %mul3A_578 : vector<16xf32>
      %swap3A = arith.index_cast %add3A_539 : i32 to index
      %swap3A_580 = arith.constant 0 : index
      %swap3A_581 = tpu.vector_load %arg9[%swap3A, %swap3A_580] {strides = array<i32>} : memref<128x64xf32, #tpu.memory_space<vmem>>, vector<1x16xf32>,
      %swap3A_582 = vector.shape_cast %swap3A_581 : vector<1x16xf32> to vector<16xf32>
      %swap3A_583 = vector.shape_cast %add3A_579 : vector<16xf32> to vector<1x16xf32>
      tpu.vector_store %arg9[%swap3A, %swap3A_580], %swap3A_583 {strides = array<i32>} : memref<128x64xf32, #tpu.memory_space<vmem>>, vector<1x16xf32>,
      %mul3A_584 = arith.mulf %add3A_577, %get3A_36 : vector<16xf32>
      %add3A_585 = arith.addf %get3A_547, %mul3A_584 : vector<16xf32>
      %swap3A_586 = arith.index_cast %add3A_539 : i32 to index
      %swap3A_587 = arith.constant 16 : index
      %swap3A_588 = tpu.vector_load %arg9[%swap3A_586, %swap3A_587] {strides = array<i32>} : memref<128x64xf32, #tpu.memory_space<vmem>>, vector<1x16xf32>,
      %swap3A_589 = vector.shape_cast %swap3A_588 : vector<1x16xf32> to vector<16xf32>
      %swap3A_590 = vector.shape_cast %add3A_585 : vector<16xf32> to vector<1x16xf32>
      tpu.vector_store %arg9[%swap3A_586, %swap3A_587], %swap3A_590 {strides = array<i32>} : memref<128x64xf32, #tpu.memory_space<vmem>>, vector<1x16xf32>,
      %mul3A_591 = arith.mulf %add3A_577, %get3A_41 : vector<16xf32>
      %add3A_592 = arith.addf %get3A_551, %mul3A_591 : vector<16xf32>
      %swap3A_593 = arith.index_cast %add3A_539 : i32 to index
      %swap3A_594 = arith.constant 32 : index
      %swap3A_595 = tpu.vector_load %arg9[%swap3A_593, %swap3A_594] {strides = array<i32>} : memref<128x64xf32, #tpu.memory_space<vmem>>, vector<1x16xf32>,
      %swap3A_596 = vector.shape_cast %swap3A_595 : vector<1x16xf32> to vector<16xf32>
      %swap3A_597 = vector.shape_cast %add3A_592 : vector<16xf32> to vector<1x16xf32>
      tpu.vector_store %arg9[%swap3A_593, %swap3A_594], %swap3A_597 {strides = array<i32>} : memref<128x64xf32, #tpu.memory_space<vmem>>, vector<1x16xf32>,
      %mul3A_598 = arith.mulf %add3A_577, %get3A_46 : vector<16xf32>
      %add3A_599 = arith.addf %get3A_555, %mul3A_598 : vector<16xf32>
      %swap3A_600 = arith.index_cast %add3A_539 : i32 to index
      %swap3A_601 = arith.constant 48 : index
      %swap3A_602 = tpu.vector_load %arg9[%swap3A_600, %swap3A_601] {strides = array<i32>} : memref<128x64xf32, #tpu.memory_space<vmem>>, vector<1x16xf32>,
      %swap3A_603 = vector.shape_cast %swap3A_602 : vector<1x16xf32> to vector<16xf32>
      %swap3A_604 = vector.shape_cast %add3A_599 : vector<16xf32> to vector<1x16xf32>
      tpu.vector_store %arg9[%swap3A_600, %swap3A_601], %swap3A_604 {strides = array<i32>} : memref<128x64xf32, #tpu.memory_space<vmem>>, vector<1x16xf32>,
      %add3A_605 = arith.constant 1 : i32
      %add3A_606 = arith.addi %mul3A_537, %add3A_605 : i32
      %get3A_607 = arith.index_cast %add3A_606 : i32 to index
      %get3A_608 = arith.constant 0 : index
      %get3A_609 = tpu.vector_load %arg6[%get3A_607, %get3A_608] {strides = array<i32>} : memref<128x64xf32, #tpu.memory_space<vmem>>, vector<1x16xf32>,
      %get3A_610 = vector.shape_cast %get3A_609 : vector<1x16xf32> to vector<16xf32>
      %get3A_611 = arith.index_cast %add3A_606 : i32 to index
      %get3A_612 = arith.constant 16 : index
      %get3A_613 = tpu.vector_load %arg6[%get3A_611, %get3A_612] {strides = array<i32>} : memref<128x64xf32, #tpu.memory_space<vmem>>, vector<1x16xf32>,
      %get3A_614 = vector.shape_cast %get3A_613 : vector<1x16xf32> to vector<16xf32>
      %get3A_615 = arith.index_cast %add3A_606 : i32 to index
      %get3A_616 = arith.constant 32 : index
      %get3A_617 = tpu.vector_load %arg6[%get3A_615, %get3A_616] {strides = array<i32>} : memref<128x64xf32, #tpu.memory_space<vmem>>, vector<1x16xf32>,
      %get3A_618 = vector.shape_cast %get3A_617 : vector<1x16xf32> to vector<16xf32>
      %get3A_619 = arith.index_cast %add3A_606 : i32 to index
      %get3A_620 = arith.constant 48 : index
      %get3A_621 = tpu.vector_load %arg6[%get3A_619, %get3A_620] {strides = array<i32>} : memref<128x64xf32, #tpu.memory_space<vmem>>, vector<1x16xf32>,
      %get3A_622 = vector.shape_cast %get3A_621 : vector<1x16xf32> to vector<16xf32>
      %mul3A_623 = arith.mulf %get3A_610, %get3A_6 : vector<16xf32>
      %mul3A_624 = arith.mulf %get3A_614, %get3A_11 : vector<16xf32>
      %mul3A_625 = arith.mulf %get3A_618, %get3A_16 : vector<16xf32>
      %mul3A_626 = arith.mulf %get3A_622, %get3A_21 : vector<16xf32>
      %add3A_627 = arith.addf %mul3A_623, %mul3A_624 : vector<16xf32>
      %add3A_628 = arith.addf %mul3A_625, %mul3A_626 : vector<16xf32>
      %add3A_629 = arith.addf %add3A_627, %add3A_628 : vector<16xf32>
      %add3A_630 = arith.addf %add3A_629, %get3A_26 : vector<16xf32>
      %broadcast_in_dim3A_631 = vector.shape_cast %xor3A_48 : vector<16xi32> to vector<16x1xi32>
      %gather3A_632 = vector.shape_cast %broadcast_in_dim3A_631 : vector<16x1xi32> to vector<16xi32>
      %gather3A_633 = tpu.dynamic_gather %add3A_630[%gather3A_632] in [0] : vector<16xf32>, vector<16xi32> -> vector<16xf32>
      %add3A_634 = arith.addf %add3A_630, %gather3A_633 : vector<16xf32>
      %broadcast_in_dim3A_635 = vector.shape_cast %xor3A_51 : vector<16xi32> to vector<16x1xi32>
      %gather3A_636 = vector.shape_cast %broadcast_in_dim3A_635 : vector<16x1xi32> to vector<16xi32>
      %gather3A_637 = tpu.dynamic_gather %add3A_634[%gather3A_636] in [0] : vector<16xf32>, vector<16xi32> -> vector<16xf32>
      %add3A_638 = arith.addf %add3A_634, %gather3A_637 : vector<16xf32>
      %broadcast_in_dim3A_639 = vector.shape_cast %xor3A_54 : vector<16xi32> to vector<16x1xi32>
      %gather3A_640 = vector.shape_cast %broadcast_in_dim3A_639 : vector<16x1xi32> to vector<16xi32>
      %gather3A_641 = tpu.dynamic_gather %add3A_638[%gather3A_640] in [0] : vector<16xf32>, vector<16xi32> -> vector<16xf32>
      %add3A_642 = arith.addf %add3A_638, %gather3A_641 : vector<16xf32>
      %broadcast_in_dim3A_643 = vector.shape_cast %xor3A_57 : vector<16xi32> to vector<16x1xi32>
      %gather3A_644 = vector.shape_cast %broadcast_in_dim3A_643 : vector<16x1xi32> to vector<16xi32>
      %gather3A_645 = tpu.dynamic_gather %add3A_642[%gather3A_644] in [0] : vector<16xf32>, vector<16xi32> -> vector<16xf32>
      %add3A_646 = arith.addf %add3A_642, %gather3A_645 : vector<16xf32>
      %mul3A_647 = arith.mulf %add3A_646, %get3A_31 : vector<16xf32>
      %add3A_648 = arith.addf %get3A_610, %mul3A_647 : vector<16xf32>
      %swap3A_649 = arith.index_cast %add3A_606 : i32 to index
      %swap3A_650 = arith.constant 0 : index
      %swap3A_651 = tpu.vector_load %arg9[%swap3A_649, %swap3A_650] {strides = array<i32>} : memref<128x64xf32, #tpu.memory_space<vmem>>, vector<1x16xf32>,
      %swap3A_652 = vector.shape_cast %swap3A_651 : vector<1x16xf32> to vector<16xf32>
      %swap3A_653 = vector.shape_cast %add3A_648 : vector<16xf32> to vector<1x16xf32>
      tpu.vector_store %arg9[%swap3A_649, %swap3A_650], %swap3A_653 {strides = array<i32>} : memref<128x64xf32, #tpu.memory_space<vmem>>, vector<1x16xf32>,
      %mul3A_654 = arith.mulf %add3A_646, %get3A_36 : vector<16xf32>
      %add3A_655 = arith.addf %get3A_614, %mul3A_654 : vector<16xf32>
      %swap3A_656 = arith.index_cast %add3A_606 : i32 to index
      %swap3A_657 = arith.constant 16 : index
      %swap3A_658 = tpu.vector_load %arg9[%swap3A_656, %swap3A_657] {strides = array<i32>} : memref<128x64xf32, #tpu.memory_space<vmem>>, vector<1x16xf32>,
      %swap3A_659 = vector.shape_cast %swap3A_658 : vector<1x16xf32> to vector<16xf32>
      %swap3A_660 = vector.shape_cast %add3A_655 : vector<16xf32> to vector<1x16xf32>
      tpu.vector_store %arg9[%swap3A_656, %swap3A_657], %swap3A_660 {strides = array<i32>} : memref<128x64xf32, #tpu.memory_space<vmem>>, vector<1x16xf32>,
      %mul3A_661 = arith.mulf %add3A_646, %get3A_41 : vector<16xf32>
      %add3A_662 = arith.addf %get3A_618, %mul3A_661 : vector<16xf32>
      %swap3A_663 = arith.index_cast %add3A_606 : i32 to index
      %swap3A_664 = arith.constant 32 : index
      %swap3A_665 = tpu.vector_load %arg9[%swap3A_663, %swap3A_664] {strides = array<i32>} : memref<128x64xf32, #tpu.memory_space<vmem>>, vector<1x16xf32>,
      %swap3A_666 = vector.shape_cast %swap3A_665 : vector<1x16xf32> to vector<16xf32>
      %swap3A_667 = vector.shape_cast %add3A_662 : vector<16xf32> to vector<1x16xf32>
      tpu.vector_store %arg9[%swap3A_663, %swap3A_664], %swap3A_667 {strides = array<i32>} : memref<128x64xf32, #tpu.memory_space<vmem>>, vector<1x16xf32>,
      %mul3A_668 = arith.mulf %add3A_646, %get3A_46 : vector<16xf32>
      %add3A_669 = arith.addf %get3A_622, %mul3A_668 : vector<16xf32>
      %swap3A_670 = arith.index_cast %add3A_606 : i32 to index
      %swap3A_671 = arith.constant 48 : index
      %swap3A_672 = tpu.vector_load %arg9[%swap3A_670, %swap3A_671] {strides = array<i32>} : memref<128x64xf32, #tpu.memory_space<vmem>>, vector<1x16xf32>,
      %swap3A_673 = vector.shape_cast %swap3A_672 : vector<1x16xf32> to vector<16xf32>
      %swap3A_674 = vector.shape_cast %add3A_669 : vector<16xf32> to vector<1x16xf32>
      tpu.vector_store %arg9[%swap3A_670, %swap3A_671], %swap3A_674 {strides = array<i32>} : memref<128x64xf32, #tpu.memory_space<vmem>>, vector<1x16xf32>,
    }
    %scan3A_282 = arith.constant 64 : i32
    %add3A_283 = arith.constant 28672 : i32
    %add3A_284 = arith.addi %mul3A_2, %add3A_283 : i32
    %dma_start3A_285 = arith.constant 0 : i32
    %dma_start3A_286 = tpu.memref_slice %arg4[%add3A_284, %dma_start3A_285] : memref<65536x64xf32, #tpu.memory_space<hbm>> -> memref<128x64xf32, #tpu.memory_space<hbm>>
    %dma_start3A_287 = arith.constant 0 : i32
    %dma_start3A_288 = tpu.memref_slice %arg4[%add3A_284, %dma_start3A_287] : memref<65536x64xf32, #tpu.memory_space<hbm>> -> memref<128x64xf32, #tpu.memory_space<hbm>>
    tpu.enqueue_dma source(%arg9 : memref<128x64xf32, #tpu.memory_space<vmem>>) target(%dma_start3A_288 : memref<128x64xf32, #tpu.memory_space<hbm>>) target_semaphore(%arg16 : memref<!tpu.dma_semaphore, #tpu.memory_space<semaphore_mem>>)
    %add3A_289 = arith.constant 40960 : i32
    %add3A_290 = arith.addi %mul3A_2, %add3A_289 : i32
    %dma_start3A_291 = arith.constant 0 : i32
    %dma_start3A_292 = tpu.memref_slice %arg2[%add3A_290, %dma_start3A_291] : memref<65536x64xf32, #tpu.memory_space<hbm>> -> memref<128x64xf32, #tpu.memory_space<hbm>>
    %dma_start3A_293 = arith.constant 0 : i32
    %dma_start3A_294 = tpu.memref_slice %arg2[%add3A_290, %dma_start3A_293] : memref<65536x64xf32, #tpu.memory_space<hbm>> -> memref<128x64xf32, #tpu.memory_space<hbm>>
    tpu.enqueue_dma source(%dma_start3A_294 : memref<128x64xf32, #tpu.memory_space<hbm>>) target(%arg6 : memref<128x64xf32, #tpu.memory_space<vmem>>) target_semaphore(%arg13 : memref<!tpu.dma_semaphore, #tpu.memory_space<semaphore_mem>>)
    %add3A_295 = arith.constant 32768 : i32
    %add3A_296 = arith.addi %mul3A_2, %add3A_295 : i32
    %dma_wait3A_297 = arith.constant 0 : i32
    %dma_wait3A_298 = tpu.memref_slice %arg2[%add3A_296, %dma_wait3A_297] : memref<65536x64xf32, #tpu.memory_space<hbm>> -> memref<128x64xf32, #tpu.memory_space<hbm>>
    %dma_wait3A_299 = arith.constant 0 : i32
    %dma_wait3A_300 = tpu.memref_slice %arg2[%add3A_296, %dma_wait3A_299] : memref<65536x64xf32, #tpu.memory_space<hbm>> -> memref<128x64xf32, #tpu.memory_space<hbm>>
    tpu.wait_dma2 semaphore(%arg14 : memref<!tpu.dma_semaphore, #tpu.memory_space<semaphore_mem>>) src(%dma_wait3A_300 : memref<128x64xf32, #tpu.memory_space<hbm>>) dst(%arg7 : memref<128x64xf32, #tpu.memory_space<vmem>>)
    %add3A_301 = arith.constant 20480 : i32
    %add3A_302 = arith.addi %mul3A_2, %add3A_301 : i32
    %dma_wait3A_303 = arith.constant 0 : i32
    %dma_wait3A_304 = tpu.memref_slice %arg4[%add3A_302, %dma_wait3A_303] : memref<65536x64xf32, #tpu.memory_space<hbm>> -> memref<128x64xf32, #tpu.memory_space<hbm>>
    %dma_wait3A_305 = arith.constant 0 : i32
    %dma_wait3A_306 = tpu.memref_slice %arg4[%add3A_302, %dma_wait3A_305] : memref<65536x64xf32, #tpu.memory_space<hbm>> -> memref<128x64xf32, #tpu.memory_space<hbm>>
    tpu.wait_dma2 semaphore(%arg17 : memref<!tpu.dma_semaphore, #tpu.memory_space<semaphore_mem>>) src(%arg10 : memref<128x64xf32, #tpu.memory_space<vmem>>) dst(%dma_wait3A_306 : memref<128x64xf32, #tpu.memory_space<hbm>>)
    %scan3A_307 = arith.constant 0 : i32
    %scan3A_308 = arith.constant 0 : i32
    %scan3A_309 = arith.constant 64 : i32
    %scan3A_310 = arith.addi %scan3A_308, %scan3A_309 : i32
    %scan3A_311 = arith.constant 1 : i32
    scf.for %scan3A_535 = %scan3A_308 to %scan3A_310 step %scan3A_311  : i32 {
      %mul3A_536 = arith.constant 2 : i32
      %mul3A_537 = arith.muli %scan3A_535, %mul3A_536 : i32
      %add3A_538 = arith.constant 0 : i32
      %add3A_539 = arith.addi %mul3A_537, %add3A_538 : i32
      %get3A_540 = arith.index_cast %add3A_539 : i32 to index
      %get3A_541 = arith.constant 0 : index
      %get3A_542 = tpu.vector_load %arg7[%get3A_540, %get3A_541] {strides = array<i32>} : memref<128x64xf32, #tpu.memory_space<vmem>>, vector<1x16xf32>,
      %get3A_543 = vector.shape_cast %get3A_542 : vector<1x16xf32> to vector<16xf32>
      %get3A_544 = arith.index_cast %add3A_539 : i32 to index
      %get3A_545 = arith.constant 16 : index
      %get3A_546 = tpu.vector_load %arg7[%get3A_544, %get3A_545] {strides = array<i32>} : memref<128x64xf32, #tpu.memory_space<vmem>>, vector<1x16xf32>,
      %get3A_547 = vector.shape_cast %get3A_546 : vector<1x16xf32> to vector<16xf32>
      %get3A_548 = arith.index_cast %add3A_539 : i32 to index
      %get3A_549 = arith.constant 32 : index
      %get3A_550 = tpu.vector_load %arg7[%get3A_548, %get3A_549] {strides = array<i32>} : memref<128x64xf32, #tpu.memory_space<vmem>>, vector<1x16xf32>,
      %get3A_551 = vector.shape_cast %get3A_550 : vector<1x16xf32> to vector<16xf32>
      %get3A_552 = arith.index_cast %add3A_539 : i32 to index
      %get3A_553 = arith.constant 48 : index
      %get3A_554 = tpu.vector_load %arg7[%get3A_552, %get3A_553] {strides = array<i32>} : memref<128x64xf32, #tpu.memory_space<vmem>>, vector<1x16xf32>,
      %get3A_555 = vector.shape_cast %get3A_554 : vector<1x16xf32> to vector<16xf32>
      %mul3A_556 = arith.mulf %get3A_543, %get3A_6 : vector<16xf32>
      %mul3A_557 = arith.mulf %get3A_547, %get3A_11 : vector<16xf32>
      %mul3A_558 = arith.mulf %get3A_551, %get3A_16 : vector<16xf32>
      %mul3A_559 = arith.mulf %get3A_555, %get3A_21 : vector<16xf32>
      %add3A_560 = arith.addf %mul3A_556, %mul3A_557 : vector<16xf32>
      %add3A_561 = arith.addf %mul3A_558, %mul3A_559 : vector<16xf32>
      %add3A_562 = arith.addf %add3A_560, %add3A_561 : vector<16xf32>
      %add3A_563 = arith.addf %add3A_562, %get3A_26 : vector<16xf32>
      %broadcast_in_dim3A = vector.shape_cast %xor3A_48 : vector<16xi32> to vector<16x1xi32>
      %gather3A = vector.shape_cast %broadcast_in_dim3A : vector<16x1xi32> to vector<16xi32>
      %gather3A_564 = tpu.dynamic_gather %add3A_563[%gather3A] in [0] : vector<16xf32>, vector<16xi32> -> vector<16xf32>
      %add3A_565 = arith.addf %add3A_563, %gather3A_564 : vector<16xf32>
      %broadcast_in_dim3A_566 = vector.shape_cast %xor3A_51 : vector<16xi32> to vector<16x1xi32>
      %gather3A_567 = vector.shape_cast %broadcast_in_dim3A_566 : vector<16x1xi32> to vector<16xi32>
      %gather3A_568 = tpu.dynamic_gather %add3A_565[%gather3A_567] in [0] : vector<16xf32>, vector<16xi32> -> vector<16xf32>
      %add3A_569 = arith.addf %add3A_565, %gather3A_568 : vector<16xf32>
      %broadcast_in_dim3A_570 = vector.shape_cast %xor3A_54 : vector<16xi32> to vector<16x1xi32>
      %gather3A_571 = vector.shape_cast %broadcast_in_dim3A_570 : vector<16x1xi32> to vector<16xi32>
      %gather3A_572 = tpu.dynamic_gather %add3A_569[%gather3A_571] in [0] : vector<16xf32>, vector<16xi32> -> vector<16xf32>
      %add3A_573 = arith.addf %add3A_569, %gather3A_572 : vector<16xf32>
      %broadcast_in_dim3A_574 = vector.shape_cast %xor3A_57 : vector<16xi32> to vector<16x1xi32>
      %gather3A_575 = vector.shape_cast %broadcast_in_dim3A_574 : vector<16x1xi32> to vector<16xi32>
      %gather3A_576 = tpu.dynamic_gather %add3A_573[%gather3A_575] in [0] : vector<16xf32>, vector<16xi32> -> vector<16xf32>
      %add3A_577 = arith.addf %add3A_573, %gather3A_576 : vector<16xf32>
      %mul3A_578 = arith.mulf %add3A_577, %get3A_31 : vector<16xf32>
      %add3A_579 = arith.addf %get3A_543, %mul3A_578 : vector<16xf32>
      %swap3A = arith.index_cast %add3A_539 : i32 to index
      %swap3A_580 = arith.constant 0 : index
      %swap3A_581 = tpu.vector_load %arg10[%swap3A, %swap3A_580] {strides = array<i32>} : memref<128x64xf32, #tpu.memory_space<vmem>>, vector<1x16xf32>,
      %swap3A_582 = vector.shape_cast %swap3A_581 : vector<1x16xf32> to vector<16xf32>
      %swap3A_583 = vector.shape_cast %add3A_579 : vector<16xf32> to vector<1x16xf32>
      tpu.vector_store %arg10[%swap3A, %swap3A_580], %swap3A_583 {strides = array<i32>} : memref<128x64xf32, #tpu.memory_space<vmem>>, vector<1x16xf32>,
      %mul3A_584 = arith.mulf %add3A_577, %get3A_36 : vector<16xf32>
      %add3A_585 = arith.addf %get3A_547, %mul3A_584 : vector<16xf32>
      %swap3A_586 = arith.index_cast %add3A_539 : i32 to index
      %swap3A_587 = arith.constant 16 : index
      %swap3A_588 = tpu.vector_load %arg10[%swap3A_586, %swap3A_587] {strides = array<i32>} : memref<128x64xf32, #tpu.memory_space<vmem>>, vector<1x16xf32>,
      %swap3A_589 = vector.shape_cast %swap3A_588 : vector<1x16xf32> to vector<16xf32>
      %swap3A_590 = vector.shape_cast %add3A_585 : vector<16xf32> to vector<1x16xf32>
      tpu.vector_store %arg10[%swap3A_586, %swap3A_587], %swap3A_590 {strides = array<i32>} : memref<128x64xf32, #tpu.memory_space<vmem>>, vector<1x16xf32>,
      %mul3A_591 = arith.mulf %add3A_577, %get3A_41 : vector<16xf32>
      %add3A_592 = arith.addf %get3A_551, %mul3A_591 : vector<16xf32>
      %swap3A_593 = arith.index_cast %add3A_539 : i32 to index
      %swap3A_594 = arith.constant 32 : index
      %swap3A_595 = tpu.vector_load %arg10[%swap3A_593, %swap3A_594] {strides = array<i32>} : memref<128x64xf32, #tpu.memory_space<vmem>>, vector<1x16xf32>,
      %swap3A_596 = vector.shape_cast %swap3A_595 : vector<1x16xf32> to vector<16xf32>
      %swap3A_597 = vector.shape_cast %add3A_592 : vector<16xf32> to vector<1x16xf32>
      tpu.vector_store %arg10[%swap3A_593, %swap3A_594], %swap3A_597 {strides = array<i32>} : memref<128x64xf32, #tpu.memory_space<vmem>>, vector<1x16xf32>,
      %mul3A_598 = arith.mulf %add3A_577, %get3A_46 : vector<16xf32>
      %add3A_599 = arith.addf %get3A_555, %mul3A_598 : vector<16xf32>
      %swap3A_600 = arith.index_cast %add3A_539 : i32 to index
      %swap3A_601 = arith.constant 48 : index
      %swap3A_602 = tpu.vector_load %arg10[%swap3A_600, %swap3A_601] {strides = array<i32>} : memref<128x64xf32, #tpu.memory_space<vmem>>, vector<1x16xf32>,
      %swap3A_603 = vector.shape_cast %swap3A_602 : vector<1x16xf32> to vector<16xf32>
      %swap3A_604 = vector.shape_cast %add3A_599 : vector<16xf32> to vector<1x16xf32>
      tpu.vector_store %arg10[%swap3A_600, %swap3A_601], %swap3A_604 {strides = array<i32>} : memref<128x64xf32, #tpu.memory_space<vmem>>, vector<1x16xf32>,
      %add3A_605 = arith.constant 1 : i32
      %add3A_606 = arith.addi %mul3A_537, %add3A_605 : i32
      %get3A_607 = arith.index_cast %add3A_606 : i32 to index
      %get3A_608 = arith.constant 0 : index
      %get3A_609 = tpu.vector_load %arg7[%get3A_607, %get3A_608] {strides = array<i32>} : memref<128x64xf32, #tpu.memory_space<vmem>>, vector<1x16xf32>,
      %get3A_610 = vector.shape_cast %get3A_609 : vector<1x16xf32> to vector<16xf32>
      %get3A_611 = arith.index_cast %add3A_606 : i32 to index
      %get3A_612 = arith.constant 16 : index
      %get3A_613 = tpu.vector_load %arg7[%get3A_611, %get3A_612] {strides = array<i32>} : memref<128x64xf32, #tpu.memory_space<vmem>>, vector<1x16xf32>,
      %get3A_614 = vector.shape_cast %get3A_613 : vector<1x16xf32> to vector<16xf32>
      %get3A_615 = arith.index_cast %add3A_606 : i32 to index
      %get3A_616 = arith.constant 32 : index
      %get3A_617 = tpu.vector_load %arg7[%get3A_615, %get3A_616] {strides = array<i32>} : memref<128x64xf32, #tpu.memory_space<vmem>>, vector<1x16xf32>,
      %get3A_618 = vector.shape_cast %get3A_617 : vector<1x16xf32> to vector<16xf32>
      %get3A_619 = arith.index_cast %add3A_606 : i32 to index
      %get3A_620 = arith.constant 48 : index
      %get3A_621 = tpu.vector_load %arg7[%get3A_619, %get3A_620] {strides = array<i32>} : memref<128x64xf32, #tpu.memory_space<vmem>>, vector<1x16xf32>,
      %get3A_622 = vector.shape_cast %get3A_621 : vector<1x16xf32> to vector<16xf32>
      %mul3A_623 = arith.mulf %get3A_610, %get3A_6 : vector<16xf32>
      %mul3A_624 = arith.mulf %get3A_614, %get3A_11 : vector<16xf32>
      %mul3A_625 = arith.mulf %get3A_618, %get3A_16 : vector<16xf32>
      %mul3A_626 = arith.mulf %get3A_622, %get3A_21 : vector<16xf32>
      %add3A_627 = arith.addf %mul3A_623, %mul3A_624 : vector<16xf32>
      %add3A_628 = arith.addf %mul3A_625, %mul3A_626 : vector<16xf32>
      %add3A_629 = arith.addf %add3A_627, %add3A_628 : vector<16xf32>
      %add3A_630 = arith.addf %add3A_629, %get3A_26 : vector<16xf32>
      %broadcast_in_dim3A_631 = vector.shape_cast %xor3A_48 : vector<16xi32> to vector<16x1xi32>
      %gather3A_632 = vector.shape_cast %broadcast_in_dim3A_631 : vector<16x1xi32> to vector<16xi32>
      %gather3A_633 = tpu.dynamic_gather %add3A_630[%gather3A_632] in [0] : vector<16xf32>, vector<16xi32> -> vector<16xf32>
      %add3A_634 = arith.addf %add3A_630, %gather3A_633 : vector<16xf32>
      %broadcast_in_dim3A_635 = vector.shape_cast %xor3A_51 : vector<16xi32> to vector<16x1xi32>
      %gather3A_636 = vector.shape_cast %broadcast_in_dim3A_635 : vector<16x1xi32> to vector<16xi32>
      %gather3A_637 = tpu.dynamic_gather %add3A_634[%gather3A_636] in [0] : vector<16xf32>, vector<16xi32> -> vector<16xf32>
      %add3A_638 = arith.addf %add3A_634, %gather3A_637 : vector<16xf32>
      %broadcast_in_dim3A_639 = vector.shape_cast %xor3A_54 : vector<16xi32> to vector<16x1xi32>
      %gather3A_640 = vector.shape_cast %broadcast_in_dim3A_639 : vector<16x1xi32> to vector<16xi32>
      %gather3A_641 = tpu.dynamic_gather %add3A_638[%gather3A_640] in [0] : vector<16xf32>, vector<16xi32> -> vector<16xf32>
      %add3A_642 = arith.addf %add3A_638, %gather3A_641 : vector<16xf32>
      %broadcast_in_dim3A_643 = vector.shape_cast %xor3A_57 : vector<16xi32> to vector<16x1xi32>
      %gather3A_644 = vector.shape_cast %broadcast_in_dim3A_643 : vector<16x1xi32> to vector<16xi32>
      %gather3A_645 = tpu.dynamic_gather %add3A_642[%gather3A_644] in [0] : vector<16xf32>, vector<16xi32> -> vector<16xf32>
      %add3A_646 = arith.addf %add3A_642, %gather3A_645 : vector<16xf32>
      %mul3A_647 = arith.mulf %add3A_646, %get3A_31 : vector<16xf32>
      %add3A_648 = arith.addf %get3A_610, %mul3A_647 : vector<16xf32>
      %swap3A_649 = arith.index_cast %add3A_606 : i32 to index
      %swap3A_650 = arith.constant 0 : index
      %swap3A_651 = tpu.vector_load %arg10[%swap3A_649, %swap3A_650] {strides = array<i32>} : memref<128x64xf32, #tpu.memory_space<vmem>>, vector<1x16xf32>,
      %swap3A_652 = vector.shape_cast %swap3A_651 : vector<1x16xf32> to vector<16xf32>
      %swap3A_653 = vector.shape_cast %add3A_648 : vector<16xf32> to vector<1x16xf32>
      tpu.vector_store %arg10[%swap3A_649, %swap3A_650], %swap3A_653 {strides = array<i32>} : memref<128x64xf32, #tpu.memory_space<vmem>>, vector<1x16xf32>,
      %mul3A_654 = arith.mulf %add3A_646, %get3A_36 : vector<16xf32>
      %add3A_655 = arith.addf %get3A_614, %mul3A_654 : vector<16xf32>
      %swap3A_656 = arith.index_cast %add3A_606 : i32 to index
      %swap3A_657 = arith.constant 16 : index
      %swap3A_658 = tpu.vector_load %arg10[%swap3A_656, %swap3A_657] {strides = array<i32>} : memref<128x64xf32, #tpu.memory_space<vmem>>, vector<1x16xf32>,
      %swap3A_659 = vector.shape_cast %swap3A_658 : vector<1x16xf32> to vector<16xf32>
      %swap3A_660 = vector.shape_cast %add3A_655 : vector<16xf32> to vector<1x16xf32>
      tpu.vector_store %arg10[%swap3A_656, %swap3A_657], %swap3A_660 {strides = array<i32>} : memref<128x64xf32, #tpu.memory_space<vmem>>, vector<1x16xf32>,
      %mul3A_661 = arith.mulf %add3A_646, %get3A_41 : vector<16xf32>
      %add3A_662 = arith.addf %get3A_618, %mul3A_661 : vector<16xf32>
      %swap3A_663 = arith.index_cast %add3A_606 : i32 to index
      %swap3A_664 = arith.constant 32 : index
      %swap3A_665 = tpu.vector_load %arg10[%swap3A_663, %swap3A_664] {strides = array<i32>} : memref<128x64xf32, #tpu.memory_space<vmem>>, vector<1x16xf32>,
      %swap3A_666 = vector.shape_cast %swap3A_665 : vector<1x16xf32> to vector<16xf32>
      %swap3A_667 = vector.shape_cast %add3A_662 : vector<16xf32> to vector<1x16xf32>
      tpu.vector_store %arg10[%swap3A_663, %swap3A_664], %swap3A_667 {strides = array<i32>} : memref<128x64xf32, #tpu.memory_space<vmem>>, vector<1x16xf32>,
      %mul3A_668 = arith.mulf %add3A_646, %get3A_46 : vector<16xf32>
      %add3A_669 = arith.addf %get3A_622, %mul3A_668 : vector<16xf32>
      %swap3A_670 = arith.index_cast %add3A_606 : i32 to index
      %swap3A_671 = arith.constant 48 : index
      %swap3A_672 = tpu.vector_load %arg10[%swap3A_670, %swap3A_671] {strides = array<i32>} : memref<128x64xf32, #tpu.memory_space<vmem>>, vector<1x16xf32>,
      %swap3A_673 = vector.shape_cast %swap3A_672 : vector<1x16xf32> to vector<16xf32>
      %swap3A_674 = vector.shape_cast %add3A_669 : vector<16xf32> to vector<1x16xf32>
      tpu.vector_store %arg10[%swap3A_670, %swap3A_671], %swap3A_674 {strides = array<i32>} : memref<128x64xf32, #tpu.memory_space<vmem>>, vector<1x16xf32>,
    }
    %scan3A_312 = arith.constant 64 : i32
    %add3A_313 = arith.constant 32768 : i32
    %add3A_314 = arith.addi %mul3A_2, %add3A_313 : i32
    %dma_start3A_315 = arith.constant 0 : i32
    %dma_start3A_316 = tpu.memref_slice %arg4[%add3A_314, %dma_start3A_315] : memref<65536x64xf32, #tpu.memory_space<hbm>> -> memref<128x64xf32, #tpu.memory_space<hbm>>
    %dma_start3A_317 = arith.constant 0 : i32
    %dma_start3A_318 = tpu.memref_slice %arg4[%add3A_314, %dma_start3A_317] : memref<65536x64xf32, #tpu.memory_space<hbm>> -> memref<128x64xf32, #tpu.memory_space<hbm>>
    tpu.enqueue_dma source(%arg10 : memref<128x64xf32, #tpu.memory_space<vmem>>) target(%dma_start3A_318 : memref<128x64xf32, #tpu.memory_space<hbm>>) target_semaphore(%arg17 : memref<!tpu.dma_semaphore, #tpu.memory_space<semaphore_mem>>)
    %add3A_319 = arith.constant 45056 : i32
    %add3A_320 = arith.addi %mul3A_2, %add3A_319 : i32
    %dma_start3A_321 = arith.constant 0 : i32
    %dma_start3A_322 = tpu.memref_slice %arg2[%add3A_320, %dma_start3A_321] : memref<65536x64xf32, #tpu.memory_space<hbm>> -> memref<128x64xf32, #tpu.memory_space<hbm>>
    %dma_start3A_323 = arith.constant 0 : i32
    %dma_start3A_324 = tpu.memref_slice %arg2[%add3A_320, %dma_start3A_323] : memref<65536x64xf32, #tpu.memory_space<hbm>> -> memref<128x64xf32, #tpu.memory_space<hbm>>
    tpu.enqueue_dma source(%dma_start3A_324 : memref<128x64xf32, #tpu.memory_space<hbm>>) target(%arg7 : memref<128x64xf32, #tpu.memory_space<vmem>>) target_semaphore(%arg14 : memref<!tpu.dma_semaphore, #tpu.memory_space<semaphore_mem>>)
    %add3A_325 = arith.constant 36864 : i32
    %add3A_326 = arith.addi %mul3A_2, %add3A_325 : i32
    %dma_wait3A_327 = arith.constant 0 : i32
    %dma_wait3A_328 = tpu.memref_slice %arg2[%add3A_326, %dma_wait3A_327] : memref<65536x64xf32, #tpu.memory_space<hbm>> -> memref<128x64xf32, #tpu.memory_space<hbm>>
    %dma_wait3A_329 = arith.constant 0 : i32
    %dma_wait3A_330 = tpu.memref_slice %arg2[%add3A_326, %dma_wait3A_329] : memref<65536x64xf32, #tpu.memory_space<hbm>> -> memref<128x64xf32, #tpu.memory_space<hbm>>
    tpu.wait_dma2 semaphore(%arg12 : memref<!tpu.dma_semaphore, #tpu.memory_space<semaphore_mem>>) src(%dma_wait3A_330 : memref<128x64xf32, #tpu.memory_space<hbm>>) dst(%arg5 : memref<128x64xf32, #tpu.memory_space<vmem>>)
    %add3A_331 = arith.constant 24576 : i32
    %add3A_332 = arith.addi %mul3A_2, %add3A_331 : i32
    %dma_wait3A_333 = arith.constant 0 : i32
    %dma_wait3A_334 = tpu.memref_slice %arg4[%add3A_332, %dma_wait3A_333] : memref<65536x64xf32, #tpu.memory_space<hbm>> -> memref<128x64xf32, #tpu.memory_space<hbm>>
    %dma_wait3A_335 = arith.constant 0 : i32
    %dma_wait3A_336 = tpu.memref_slice %arg4[%add3A_332, %dma_wait3A_335] : memref<65536x64xf32, #tpu.memory_space<hbm>> -> memref<128x64xf32, #tpu.memory_space<hbm>>
    tpu.wait_dma2 semaphore(%arg15 : memref<!tpu.dma_semaphore, #tpu.memory_space<semaphore_mem>>) src(%arg8 : memref<128x64xf32, #tpu.memory_space<vmem>>) dst(%dma_wait3A_336 : memref<128x64xf32, #tpu.memory_space<hbm>>)
    %scan3A_337 = arith.constant 0 : i32
    %scan3A_338 = arith.constant 0 : i32
    %scan3A_339 = arith.constant 64 : i32
    %scan3A_340 = arith.addi %scan3A_338, %scan3A_339 : i32
    %scan3A_341 = arith.constant 1 : i32
    scf.for %scan3A_535 = %scan3A_338 to %scan3A_340 step %scan3A_341  : i32 {
      %mul3A_536 = arith.constant 2 : i32
      %mul3A_537 = arith.muli %scan3A_535, %mul3A_536 : i32
      %add3A_538 = arith.constant 0 : i32
      %add3A_539 = arith.addi %mul3A_537, %add3A_538 : i32
      %get3A_540 = arith.index_cast %add3A_539 : i32 to index
      %get3A_541 = arith.constant 0 : index
      %get3A_542 = tpu.vector_load %arg5[%get3A_540, %get3A_541] {strides = array<i32>} : memref<128x64xf32, #tpu.memory_space<vmem>>, vector<1x16xf32>,
      %get3A_543 = vector.shape_cast %get3A_542 : vector<1x16xf32> to vector<16xf32>
      %get3A_544 = arith.index_cast %add3A_539 : i32 to index
      %get3A_545 = arith.constant 16 : index
      %get3A_546 = tpu.vector_load %arg5[%get3A_544, %get3A_545] {strides = array<i32>} : memref<128x64xf32, #tpu.memory_space<vmem>>, vector<1x16xf32>,
      %get3A_547 = vector.shape_cast %get3A_546 : vector<1x16xf32> to vector<16xf32>
      %get3A_548 = arith.index_cast %add3A_539 : i32 to index
      %get3A_549 = arith.constant 32 : index
      %get3A_550 = tpu.vector_load %arg5[%get3A_548, %get3A_549] {strides = array<i32>} : memref<128x64xf32, #tpu.memory_space<vmem>>, vector<1x16xf32>,
      %get3A_551 = vector.shape_cast %get3A_550 : vector<1x16xf32> to vector<16xf32>
      %get3A_552 = arith.index_cast %add3A_539 : i32 to index
      %get3A_553 = arith.constant 48 : index
      %get3A_554 = tpu.vector_load %arg5[%get3A_552, %get3A_553] {strides = array<i32>} : memref<128x64xf32, #tpu.memory_space<vmem>>, vector<1x16xf32>,
      %get3A_555 = vector.shape_cast %get3A_554 : vector<1x16xf32> to vector<16xf32>
      %mul3A_556 = arith.mulf %get3A_543, %get3A_6 : vector<16xf32>
      %mul3A_557 = arith.mulf %get3A_547, %get3A_11 : vector<16xf32>
      %mul3A_558 = arith.mulf %get3A_551, %get3A_16 : vector<16xf32>
      %mul3A_559 = arith.mulf %get3A_555, %get3A_21 : vector<16xf32>
      %add3A_560 = arith.addf %mul3A_556, %mul3A_557 : vector<16xf32>
      %add3A_561 = arith.addf %mul3A_558, %mul3A_559 : vector<16xf32>
      %add3A_562 = arith.addf %add3A_560, %add3A_561 : vector<16xf32>
      %add3A_563 = arith.addf %add3A_562, %get3A_26 : vector<16xf32>
      %broadcast_in_dim3A = vector.shape_cast %xor3A_48 : vector<16xi32> to vector<16x1xi32>
      %gather3A = vector.shape_cast %broadcast_in_dim3A : vector<16x1xi32> to vector<16xi32>
      %gather3A_564 = tpu.dynamic_gather %add3A_563[%gather3A] in [0] : vector<16xf32>, vector<16xi32> -> vector<16xf32>
      %add3A_565 = arith.addf %add3A_563, %gather3A_564 : vector<16xf32>
      %broadcast_in_dim3A_566 = vector.shape_cast %xor3A_51 : vector<16xi32> to vector<16x1xi32>
      %gather3A_567 = vector.shape_cast %broadcast_in_dim3A_566 : vector<16x1xi32> to vector<16xi32>
      %gather3A_568 = tpu.dynamic_gather %add3A_565[%gather3A_567] in [0] : vector<16xf32>, vector<16xi32> -> vector<16xf32>
      %add3A_569 = arith.addf %add3A_565, %gather3A_568 : vector<16xf32>
      %broadcast_in_dim3A_570 = vector.shape_cast %xor3A_54 : vector<16xi32> to vector<16x1xi32>
      %gather3A_571 = vector.shape_cast %broadcast_in_dim3A_570 : vector<16x1xi32> to vector<16xi32>
      %gather3A_572 = tpu.dynamic_gather %add3A_569[%gather3A_571] in [0] : vector<16xf32>, vector<16xi32> -> vector<16xf32>
      %add3A_573 = arith.addf %add3A_569, %gather3A_572 : vector<16xf32>
      %broadcast_in_dim3A_574 = vector.shape_cast %xor3A_57 : vector<16xi32> to vector<16x1xi32>
      %gather3A_575 = vector.shape_cast %broadcast_in_dim3A_574 : vector<16x1xi32> to vector<16xi32>
      %gather3A_576 = tpu.dynamic_gather %add3A_573[%gather3A_575] in [0] : vector<16xf32>, vector<16xi32> -> vector<16xf32>
      %add3A_577 = arith.addf %add3A_573, %gather3A_576 : vector<16xf32>
      %mul3A_578 = arith.mulf %add3A_577, %get3A_31 : vector<16xf32>
      %add3A_579 = arith.addf %get3A_543, %mul3A_578 : vector<16xf32>
      %swap3A = arith.index_cast %add3A_539 : i32 to index
      %swap3A_580 = arith.constant 0 : index
      %swap3A_581 = tpu.vector_load %arg8[%swap3A, %swap3A_580] {strides = array<i32>} : memref<128x64xf32, #tpu.memory_space<vmem>>, vector<1x16xf32>,
      %swap3A_582 = vector.shape_cast %swap3A_581 : vector<1x16xf32> to vector<16xf32>
      %swap3A_583 = vector.shape_cast %add3A_579 : vector<16xf32> to vector<1x16xf32>
      tpu.vector_store %arg8[%swap3A, %swap3A_580], %swap3A_583 {strides = array<i32>} : memref<128x64xf32, #tpu.memory_space<vmem>>, vector<1x16xf32>,
      %mul3A_584 = arith.mulf %add3A_577, %get3A_36 : vector<16xf32>
      %add3A_585 = arith.addf %get3A_547, %mul3A_584 : vector<16xf32>
      %swap3A_586 = arith.index_cast %add3A_539 : i32 to index
      %swap3A_587 = arith.constant 16 : index
      %swap3A_588 = tpu.vector_load %arg8[%swap3A_586, %swap3A_587] {strides = array<i32>} : memref<128x64xf32, #tpu.memory_space<vmem>>, vector<1x16xf32>,
      %swap3A_589 = vector.shape_cast %swap3A_588 : vector<1x16xf32> to vector<16xf32>
      %swap3A_590 = vector.shape_cast %add3A_585 : vector<16xf32> to vector<1x16xf32>
      tpu.vector_store %arg8[%swap3A_586, %swap3A_587], %swap3A_590 {strides = array<i32>} : memref<128x64xf32, #tpu.memory_space<vmem>>, vector<1x16xf32>,
      %mul3A_591 = arith.mulf %add3A_577, %get3A_41 : vector<16xf32>
      %add3A_592 = arith.addf %get3A_551, %mul3A_591 : vector<16xf32>
      %swap3A_593 = arith.index_cast %add3A_539 : i32 to index
      %swap3A_594 = arith.constant 32 : index
      %swap3A_595 = tpu.vector_load %arg8[%swap3A_593, %swap3A_594] {strides = array<i32>} : memref<128x64xf32, #tpu.memory_space<vmem>>, vector<1x16xf32>,
      %swap3A_596 = vector.shape_cast %swap3A_595 : vector<1x16xf32> to vector<16xf32>
      %swap3A_597 = vector.shape_cast %add3A_592 : vector<16xf32> to vector<1x16xf32>
      tpu.vector_store %arg8[%swap3A_593, %swap3A_594], %swap3A_597 {strides = array<i32>} : memref<128x64xf32, #tpu.memory_space<vmem>>, vector<1x16xf32>,
      %mul3A_598 = arith.mulf %add3A_577, %get3A_46 : vector<16xf32>
      %add3A_599 = arith.addf %get3A_555, %mul3A_598 : vector<16xf32>
      %swap3A_600 = arith.index_cast %add3A_539 : i32 to index
      %swap3A_601 = arith.constant 48 : index
      %swap3A_602 = tpu.vector_load %arg8[%swap3A_600, %swap3A_601] {strides = array<i32>} : memref<128x64xf32, #tpu.memory_space<vmem>>, vector<1x16xf32>,
      %swap3A_603 = vector.shape_cast %swap3A_602 : vector<1x16xf32> to vector<16xf32>
      %swap3A_604 = vector.shape_cast %add3A_599 : vector<16xf32> to vector<1x16xf32>
      tpu.vector_store %arg8[%swap3A_600, %swap3A_601], %swap3A_604 {strides = array<i32>} : memref<128x64xf32, #tpu.memory_space<vmem>>, vector<1x16xf32>,
      %add3A_605 = arith.constant 1 : i32
      %add3A_606 = arith.addi %mul3A_537, %add3A_605 : i32
      %get3A_607 = arith.index_cast %add3A_606 : i32 to index
      %get3A_608 = arith.constant 0 : index
      %get3A_609 = tpu.vector_load %arg5[%get3A_607, %get3A_608] {strides = array<i32>} : memref<128x64xf32, #tpu.memory_space<vmem>>, vector<1x16xf32>,
      %get3A_610 = vector.shape_cast %get3A_609 : vector<1x16xf32> to vector<16xf32>
      %get3A_611 = arith.index_cast %add3A_606 : i32 to index
      %get3A_612 = arith.constant 16 : index
      %get3A_613 = tpu.vector_load %arg5[%get3A_611, %get3A_612] {strides = array<i32>} : memref<128x64xf32, #tpu.memory_space<vmem>>, vector<1x16xf32>,
      %get3A_614 = vector.shape_cast %get3A_613 : vector<1x16xf32> to vector<16xf32>
      %get3A_615 = arith.index_cast %add3A_606 : i32 to index
      %get3A_616 = arith.constant 32 : index
      %get3A_617 = tpu.vector_load %arg5[%get3A_615, %get3A_616] {strides = array<i32>} : memref<128x64xf32, #tpu.memory_space<vmem>>, vector<1x16xf32>,
      %get3A_618 = vector.shape_cast %get3A_617 : vector<1x16xf32> to vector<16xf32>
      %get3A_619 = arith.index_cast %add3A_606 : i32 to index
      %get3A_620 = arith.constant 48 : index
      %get3A_621 = tpu.vector_load %arg5[%get3A_619, %get3A_620] {strides = array<i32>} : memref<128x64xf32, #tpu.memory_space<vmem>>, vector<1x16xf32>,
      %get3A_622 = vector.shape_cast %get3A_621 : vector<1x16xf32> to vector<16xf32>
      %mul3A_623 = arith.mulf %get3A_610, %get3A_6 : vector<16xf32>
      %mul3A_624 = arith.mulf %get3A_614, %get3A_11 : vector<16xf32>
      %mul3A_625 = arith.mulf %get3A_618, %get3A_16 : vector<16xf32>
      %mul3A_626 = arith.mulf %get3A_622, %get3A_21 : vector<16xf32>
      %add3A_627 = arith.addf %mul3A_623, %mul3A_624 : vector<16xf32>
      %add3A_628 = arith.addf %mul3A_625, %mul3A_626 : vector<16xf32>
      %add3A_629 = arith.addf %add3A_627, %add3A_628 : vector<16xf32>
      %add3A_630 = arith.addf %add3A_629, %get3A_26 : vector<16xf32>
      %broadcast_in_dim3A_631 = vector.shape_cast %xor3A_48 : vector<16xi32> to vector<16x1xi32>
      %gather3A_632 = vector.shape_cast %broadcast_in_dim3A_631 : vector<16x1xi32> to vector<16xi32>
      %gather3A_633 = tpu.dynamic_gather %add3A_630[%gather3A_632] in [0] : vector<16xf32>, vector<16xi32> -> vector<16xf32>
      %add3A_634 = arith.addf %add3A_630, %gather3A_633 : vector<16xf32>
      %broadcast_in_dim3A_635 = vector.shape_cast %xor3A_51 : vector<16xi32> to vector<16x1xi32>
      %gather3A_636 = vector.shape_cast %broadcast_in_dim3A_635 : vector<16x1xi32> to vector<16xi32>
      %gather3A_637 = tpu.dynamic_gather %add3A_634[%gather3A_636] in [0] : vector<16xf32>, vector<16xi32> -> vector<16xf32>
      %add3A_638 = arith.addf %add3A_634, %gather3A_637 : vector<16xf32>
      %broadcast_in_dim3A_639 = vector.shape_cast %xor3A_54 : vector<16xi32> to vector<16x1xi32>
      %gather3A_640 = vector.shape_cast %broadcast_in_dim3A_639 : vector<16x1xi32> to vector<16xi32>
      %gather3A_641 = tpu.dynamic_gather %add3A_638[%gather3A_640] in [0] : vector<16xf32>, vector<16xi32> -> vector<16xf32>
      %add3A_642 = arith.addf %add3A_638, %gather3A_641 : vector<16xf32>
      %broadcast_in_dim3A_643 = vector.shape_cast %xor3A_57 : vector<16xi32> to vector<16x1xi32>
      %gather3A_644 = vector.shape_cast %broadcast_in_dim3A_643 : vector<16x1xi32> to vector<16xi32>
      %gather3A_645 = tpu.dynamic_gather %add3A_642[%gather3A_644] in [0] : vector<16xf32>, vector<16xi32> -> vector<16xf32>
      %add3A_646 = arith.addf %add3A_642, %gather3A_645 : vector<16xf32>
      %mul3A_647 = arith.mulf %add3A_646, %get3A_31 : vector<16xf32>
      %add3A_648 = arith.addf %get3A_610, %mul3A_647 : vector<16xf32>
      %swap3A_649 = arith.index_cast %add3A_606 : i32 to index
      %swap3A_650 = arith.constant 0 : index
      %swap3A_651 = tpu.vector_load %arg8[%swap3A_649, %swap3A_650] {strides = array<i32>} : memref<128x64xf32, #tpu.memory_space<vmem>>, vector<1x16xf32>,
      %swap3A_652 = vector.shape_cast %swap3A_651 : vector<1x16xf32> to vector<16xf32>
      %swap3A_653 = vector.shape_cast %add3A_648 : vector<16xf32> to vector<1x16xf32>
      tpu.vector_store %arg8[%swap3A_649, %swap3A_650], %swap3A_653 {strides = array<i32>} : memref<128x64xf32, #tpu.memory_space<vmem>>, vector<1x16xf32>,
      %mul3A_654 = arith.mulf %add3A_646, %get3A_36 : vector<16xf32>
      %add3A_655 = arith.addf %get3A_614, %mul3A_654 : vector<16xf32>
      %swap3A_656 = arith.index_cast %add3A_606 : i32 to index
      %swap3A_657 = arith.constant 16 : index
      %swap3A_658 = tpu.vector_load %arg8[%swap3A_656, %swap3A_657] {strides = array<i32>} : memref<128x64xf32, #tpu.memory_space<vmem>>, vector<1x16xf32>,
      %swap3A_659 = vector.shape_cast %swap3A_658 : vector<1x16xf32> to vector<16xf32>
      %swap3A_660 = vector.shape_cast %add3A_655 : vector<16xf32> to vector<1x16xf32>
      tpu.vector_store %arg8[%swap3A_656, %swap3A_657], %swap3A_660 {strides = array<i32>} : memref<128x64xf32, #tpu.memory_space<vmem>>, vector<1x16xf32>,
      %mul3A_661 = arith.mulf %add3A_646, %get3A_41 : vector<16xf32>
      %add3A_662 = arith.addf %get3A_618, %mul3A_661 : vector<16xf32>
      %swap3A_663 = arith.index_cast %add3A_606 : i32 to index
      %swap3A_664 = arith.constant 32 : index
      %swap3A_665 = tpu.vector_load %arg8[%swap3A_663, %swap3A_664] {strides = array<i32>} : memref<128x64xf32, #tpu.memory_space<vmem>>, vector<1x16xf32>,
      %swap3A_666 = vector.shape_cast %swap3A_665 : vector<1x16xf32> to vector<16xf32>
      %swap3A_667 = vector.shape_cast %add3A_662 : vector<16xf32> to vector<1x16xf32>
      tpu.vector_store %arg8[%swap3A_663, %swap3A_664], %swap3A_667 {strides = array<i32>} : memref<128x64xf32, #tpu.memory_space<vmem>>, vector<1x16xf32>,
      %mul3A_668 = arith.mulf %add3A_646, %get3A_46 : vector<16xf32>
      %add3A_669 = arith.addf %get3A_622, %mul3A_668 : vector<16xf32>
      %swap3A_670 = arith.index_cast %add3A_606 : i32 to index
      %swap3A_671 = arith.constant 48 : index
      %swap3A_672 = tpu.vector_load %arg8[%swap3A_670, %swap3A_671] {strides = array<i32>} : memref<128x64xf32, #tpu.memory_space<vmem>>, vector<1x16xf32>,
      %swap3A_673 = vector.shape_cast %swap3A_672 : vector<1x16xf32> to vector<16xf32>
      %swap3A_674 = vector.shape_cast %add3A_669 : vector<16xf32> to vector<1x16xf32>
      tpu.vector_store %arg8[%swap3A_670, %swap3A_671], %swap3A_674 {strides = array<i32>} : memref<128x64xf32, #tpu.memory_space<vmem>>, vector<1x16xf32>,
    }
    %scan3A_342 = arith.constant 64 : i32
    %add3A_343 = arith.constant 36864 : i32
    %add3A_344 = arith.addi %mul3A_2, %add3A_343 : i32
    %dma_start3A_345 = arith.constant 0 : i32
    %dma_start3A_346 = tpu.memref_slice %arg4[%add3A_344, %dma_start3A_345] : memref<65536x64xf32, #tpu.memory_space<hbm>> -> memref<128x64xf32, #tpu.memory_space<hbm>>
    %dma_start3A_347 = arith.constant 0 : i32
    %dma_start3A_348 = tpu.memref_slice %arg4[%add3A_344, %dma_start3A_347] : memref<65536x64xf32, #tpu.memory_space<hbm>> -> memref<128x64xf32, #tpu.memory_space<hbm>>
    tpu.enqueue_dma source(%arg8 : memref<128x64xf32, #tpu.memory_space<vmem>>) target(%dma_start3A_348 : memref<128x64xf32, #tpu.memory_space<hbm>>) target_semaphore(%arg15 : memref<!tpu.dma_semaphore, #tpu.memory_space<semaphore_mem>>)
    %add3A_349 = arith.constant 49152 : i32
    %add3A_350 = arith.addi %mul3A_2, %add3A_349 : i32
    %dma_start3A_351 = arith.constant 0 : i32
    %dma_start3A_352 = tpu.memref_slice %arg2[%add3A_350, %dma_start3A_351] : memref<65536x64xf32, #tpu.memory_space<hbm>> -> memref<128x64xf32, #tpu.memory_space<hbm>>
    %dma_start3A_353 = arith.constant 0 : i32
    %dma_start3A_354 = tpu.memref_slice %arg2[%add3A_350, %dma_start3A_353] : memref<65536x64xf32, #tpu.memory_space<hbm>> -> memref<128x64xf32, #tpu.memory_space<hbm>>
    tpu.enqueue_dma source(%dma_start3A_354 : memref<128x64xf32, #tpu.memory_space<hbm>>) target(%arg5 : memref<128x64xf32, #tpu.memory_space<vmem>>) target_semaphore(%arg12 : memref<!tpu.dma_semaphore, #tpu.memory_space<semaphore_mem>>)
    %add3A_355 = arith.constant 40960 : i32
    %add3A_356 = arith.addi %mul3A_2, %add3A_355 : i32
    %dma_wait3A_357 = arith.constant 0 : i32
    %dma_wait3A_358 = tpu.memref_slice %arg2[%add3A_356, %dma_wait3A_357] : memref<65536x64xf32, #tpu.memory_space<hbm>> -> memref<128x64xf32, #tpu.memory_space<hbm>>
    %dma_wait3A_359 = arith.constant 0 : i32
    %dma_wait3A_360 = tpu.memref_slice %arg2[%add3A_356, %dma_wait3A_359] : memref<65536x64xf32, #tpu.memory_space<hbm>> -> memref<128x64xf32, #tpu.memory_space<hbm>>
    tpu.wait_dma2 semaphore(%arg13 : memref<!tpu.dma_semaphore, #tpu.memory_space<semaphore_mem>>) src(%dma_wait3A_360 : memref<128x64xf32, #tpu.memory_space<hbm>>) dst(%arg6 : memref<128x64xf32, #tpu.memory_space<vmem>>)
    %add3A_361 = arith.constant 28672 : i32
    %add3A_362 = arith.addi %mul3A_2, %add3A_361 : i32
    %dma_wait3A_363 = arith.constant 0 : i32
    %dma_wait3A_364 = tpu.memref_slice %arg4[%add3A_362, %dma_wait3A_363] : memref<65536x64xf32, #tpu.memory_space<hbm>> -> memref<128x64xf32, #tpu.memory_space<hbm>>
    %dma_wait3A_365 = arith.constant 0 : i32
    %dma_wait3A_366 = tpu.memref_slice %arg4[%add3A_362, %dma_wait3A_365] : memref<65536x64xf32, #tpu.memory_space<hbm>> -> memref<128x64xf32, #tpu.memory_space<hbm>>
    tpu.wait_dma2 semaphore(%arg16 : memref<!tpu.dma_semaphore, #tpu.memory_space<semaphore_mem>>) src(%arg9 : memref<128x64xf32, #tpu.memory_space<vmem>>) dst(%dma_wait3A_366 : memref<128x64xf32, #tpu.memory_space<hbm>>)
    %scan3A_367 = arith.constant 0 : i32
    %scan3A_368 = arith.constant 0 : i32
    %scan3A_369 = arith.constant 64 : i32
    %scan3A_370 = arith.addi %scan3A_368, %scan3A_369 : i32
    %scan3A_371 = arith.constant 1 : i32
    scf.for %scan3A_535 = %scan3A_368 to %scan3A_370 step %scan3A_371  : i32 {
      %mul3A_536 = arith.constant 2 : i32
      %mul3A_537 = arith.muli %scan3A_535, %mul3A_536 : i32
      %add3A_538 = arith.constant 0 : i32
      %add3A_539 = arith.addi %mul3A_537, %add3A_538 : i32
      %get3A_540 = arith.index_cast %add3A_539 : i32 to index
      %get3A_541 = arith.constant 0 : index
      %get3A_542 = tpu.vector_load %arg6[%get3A_540, %get3A_541] {strides = array<i32>} : memref<128x64xf32, #tpu.memory_space<vmem>>, vector<1x16xf32>,
      %get3A_543 = vector.shape_cast %get3A_542 : vector<1x16xf32> to vector<16xf32>
      %get3A_544 = arith.index_cast %add3A_539 : i32 to index
      %get3A_545 = arith.constant 16 : index
      %get3A_546 = tpu.vector_load %arg6[%get3A_544, %get3A_545] {strides = array<i32>} : memref<128x64xf32, #tpu.memory_space<vmem>>, vector<1x16xf32>,
      %get3A_547 = vector.shape_cast %get3A_546 : vector<1x16xf32> to vector<16xf32>
      %get3A_548 = arith.index_cast %add3A_539 : i32 to index
      %get3A_549 = arith.constant 32 : index
      %get3A_550 = tpu.vector_load %arg6[%get3A_548, %get3A_549] {strides = array<i32>} : memref<128x64xf32, #tpu.memory_space<vmem>>, vector<1x16xf32>,
      %get3A_551 = vector.shape_cast %get3A_550 : vector<1x16xf32> to vector<16xf32>
      %get3A_552 = arith.index_cast %add3A_539 : i32 to index
      %get3A_553 = arith.constant 48 : index
      %get3A_554 = tpu.vector_load %arg6[%get3A_552, %get3A_553] {strides = array<i32>} : memref<128x64xf32, #tpu.memory_space<vmem>>, vector<1x16xf32>,
      %get3A_555 = vector.shape_cast %get3A_554 : vector<1x16xf32> to vector<16xf32>
      %mul3A_556 = arith.mulf %get3A_543, %get3A_6 : vector<16xf32>
      %mul3A_557 = arith.mulf %get3A_547, %get3A_11 : vector<16xf32>
      %mul3A_558 = arith.mulf %get3A_551, %get3A_16 : vector<16xf32>
      %mul3A_559 = arith.mulf %get3A_555, %get3A_21 : vector<16xf32>
      %add3A_560 = arith.addf %mul3A_556, %mul3A_557 : vector<16xf32>
      %add3A_561 = arith.addf %mul3A_558, %mul3A_559 : vector<16xf32>
      %add3A_562 = arith.addf %add3A_560, %add3A_561 : vector<16xf32>
      %add3A_563 = arith.addf %add3A_562, %get3A_26 : vector<16xf32>
      %broadcast_in_dim3A = vector.shape_cast %xor3A_48 : vector<16xi32> to vector<16x1xi32>
      %gather3A = vector.shape_cast %broadcast_in_dim3A : vector<16x1xi32> to vector<16xi32>
      %gather3A_564 = tpu.dynamic_gather %add3A_563[%gather3A] in [0] : vector<16xf32>, vector<16xi32> -> vector<16xf32>
      %add3A_565 = arith.addf %add3A_563, %gather3A_564 : vector<16xf32>
      %broadcast_in_dim3A_566 = vector.shape_cast %xor3A_51 : vector<16xi32> to vector<16x1xi32>
      %gather3A_567 = vector.shape_cast %broadcast_in_dim3A_566 : vector<16x1xi32> to vector<16xi32>
      %gather3A_568 = tpu.dynamic_gather %add3A_565[%gather3A_567] in [0] : vector<16xf32>, vector<16xi32> -> vector<16xf32>
      %add3A_569 = arith.addf %add3A_565, %gather3A_568 : vector<16xf32>
      %broadcast_in_dim3A_570 = vector.shape_cast %xor3A_54 : vector<16xi32> to vector<16x1xi32>
      %gather3A_571 = vector.shape_cast %broadcast_in_dim3A_570 : vector<16x1xi32> to vector<16xi32>
      %gather3A_572 = tpu.dynamic_gather %add3A_569[%gather3A_571] in [0] : vector<16xf32>, vector<16xi32> -> vector<16xf32>
      %add3A_573 = arith.addf %add3A_569, %gather3A_572 : vector<16xf32>
      %broadcast_in_dim3A_574 = vector.shape_cast %xor3A_57 : vector<16xi32> to vector<16x1xi32>
      %gather3A_575 = vector.shape_cast %broadcast_in_dim3A_574 : vector<16x1xi32> to vector<16xi32>
      %gather3A_576 = tpu.dynamic_gather %add3A_573[%gather3A_575] in [0] : vector<16xf32>, vector<16xi32> -> vector<16xf32>
      %add3A_577 = arith.addf %add3A_573, %gather3A_576 : vector<16xf32>
      %mul3A_578 = arith.mulf %add3A_577, %get3A_31 : vector<16xf32>
      %add3A_579 = arith.addf %get3A_543, %mul3A_578 : vector<16xf32>
      %swap3A = arith.index_cast %add3A_539 : i32 to index
      %swap3A_580 = arith.constant 0 : index
      %swap3A_581 = tpu.vector_load %arg9[%swap3A, %swap3A_580] {strides = array<i32>} : memref<128x64xf32, #tpu.memory_space<vmem>>, vector<1x16xf32>,
      %swap3A_582 = vector.shape_cast %swap3A_581 : vector<1x16xf32> to vector<16xf32>
      %swap3A_583 = vector.shape_cast %add3A_579 : vector<16xf32> to vector<1x16xf32>
      tpu.vector_store %arg9[%swap3A, %swap3A_580], %swap3A_583 {strides = array<i32>} : memref<128x64xf32, #tpu.memory_space<vmem>>, vector<1x16xf32>,
      %mul3A_584 = arith.mulf %add3A_577, %get3A_36 : vector<16xf32>
      %add3A_585 = arith.addf %get3A_547, %mul3A_584 : vector<16xf32>
      %swap3A_586 = arith.index_cast %add3A_539 : i32 to index
      %swap3A_587 = arith.constant 16 : index
      %swap3A_588 = tpu.vector_load %arg9[%swap3A_586, %swap3A_587] {strides = array<i32>} : memref<128x64xf32, #tpu.memory_space<vmem>>, vector<1x16xf32>,
      %swap3A_589 = vector.shape_cast %swap3A_588 : vector<1x16xf32> to vector<16xf32>
      %swap3A_590 = vector.shape_cast %add3A_585 : vector<16xf32> to vector<1x16xf32>
      tpu.vector_store %arg9[%swap3A_586, %swap3A_587], %swap3A_590 {strides = array<i32>} : memref<128x64xf32, #tpu.memory_space<vmem>>, vector<1x16xf32>,
      %mul3A_591 = arith.mulf %add3A_577, %get3A_41 : vector<16xf32>
      %add3A_592 = arith.addf %get3A_551, %mul3A_591 : vector<16xf32>
      %swap3A_593 = arith.index_cast %add3A_539 : i32 to index
      %swap3A_594 = arith.constant 32 : index
      %swap3A_595 = tpu.vector_load %arg9[%swap3A_593, %swap3A_594] {strides = array<i32>} : memref<128x64xf32, #tpu.memory_space<vmem>>, vector<1x16xf32>,
      %swap3A_596 = vector.shape_cast %swap3A_595 : vector<1x16xf32> to vector<16xf32>
      %swap3A_597 = vector.shape_cast %add3A_592 : vector<16xf32> to vector<1x16xf32>
      tpu.vector_store %arg9[%swap3A_593, %swap3A_594], %swap3A_597 {strides = array<i32>} : memref<128x64xf32, #tpu.memory_space<vmem>>, vector<1x16xf32>,
      %mul3A_598 = arith.mulf %add3A_577, %get3A_46 : vector<16xf32>
      %add3A_599 = arith.addf %get3A_555, %mul3A_598 : vector<16xf32>
      %swap3A_600 = arith.index_cast %add3A_539 : i32 to index
      %swap3A_601 = arith.constant 48 : index
      %swap3A_602 = tpu.vector_load %arg9[%swap3A_600, %swap3A_601] {strides = array<i32>} : memref<128x64xf32, #tpu.memory_space<vmem>>, vector<1x16xf32>,
      %swap3A_603 = vector.shape_cast %swap3A_602 : vector<1x16xf32> to vector<16xf32>
      %swap3A_604 = vector.shape_cast %add3A_599 : vector<16xf32> to vector<1x16xf32>
      tpu.vector_store %arg9[%swap3A_600, %swap3A_601], %swap3A_604 {strides = array<i32>} : memref<128x64xf32, #tpu.memory_space<vmem>>, vector<1x16xf32>,
      %add3A_605 = arith.constant 1 : i32
      %add3A_606 = arith.addi %mul3A_537, %add3A_605 : i32
      %get3A_607 = arith.index_cast %add3A_606 : i32 to index
      %get3A_608 = arith.constant 0 : index
      %get3A_609 = tpu.vector_load %arg6[%get3A_607, %get3A_608] {strides = array<i32>} : memref<128x64xf32, #tpu.memory_space<vmem>>, vector<1x16xf32>,
      %get3A_610 = vector.shape_cast %get3A_609 : vector<1x16xf32> to vector<16xf32>
      %get3A_611 = arith.index_cast %add3A_606 : i32 to index
      %get3A_612 = arith.constant 16 : index
      %get3A_613 = tpu.vector_load %arg6[%get3A_611, %get3A_612] {strides = array<i32>} : memref<128x64xf32, #tpu.memory_space<vmem>>, vector<1x16xf32>,
      %get3A_614 = vector.shape_cast %get3A_613 : vector<1x16xf32> to vector<16xf32>
      %get3A_615 = arith.index_cast %add3A_606 : i32 to index
      %get3A_616 = arith.constant 32 : index
      %get3A_617 = tpu.vector_load %arg6[%get3A_615, %get3A_616] {strides = array<i32>} : memref<128x64xf32, #tpu.memory_space<vmem>>, vector<1x16xf32>,
      %get3A_618 = vector.shape_cast %get3A_617 : vector<1x16xf32> to vector<16xf32>
      %get3A_619 = arith.index_cast %add3A_606 : i32 to index
      %get3A_620 = arith.constant 48 : index
      %get3A_621 = tpu.vector_load %arg6[%get3A_619, %get3A_620] {strides = array<i32>} : memref<128x64xf32, #tpu.memory_space<vmem>>, vector<1x16xf32>,
      %get3A_622 = vector.shape_cast %get3A_621 : vector<1x16xf32> to vector<16xf32>
      %mul3A_623 = arith.mulf %get3A_610, %get3A_6 : vector<16xf32>
      %mul3A_624 = arith.mulf %get3A_614, %get3A_11 : vector<16xf32>
      %mul3A_625 = arith.mulf %get3A_618, %get3A_16 : vector<16xf32>
      %mul3A_626 = arith.mulf %get3A_622, %get3A_21 : vector<16xf32>
      %add3A_627 = arith.addf %mul3A_623, %mul3A_624 : vector<16xf32>
      %add3A_628 = arith.addf %mul3A_625, %mul3A_626 : vector<16xf32>
      %add3A_629 = arith.addf %add3A_627, %add3A_628 : vector<16xf32>
      %add3A_630 = arith.addf %add3A_629, %get3A_26 : vector<16xf32>
      %broadcast_in_dim3A_631 = vector.shape_cast %xor3A_48 : vector<16xi32> to vector<16x1xi32>
      %gather3A_632 = vector.shape_cast %broadcast_in_dim3A_631 : vector<16x1xi32> to vector<16xi32>
      %gather3A_633 = tpu.dynamic_gather %add3A_630[%gather3A_632] in [0] : vector<16xf32>, vector<16xi32> -> vector<16xf32>
      %add3A_634 = arith.addf %add3A_630, %gather3A_633 : vector<16xf32>
      %broadcast_in_dim3A_635 = vector.shape_cast %xor3A_51 : vector<16xi32> to vector<16x1xi32>
      %gather3A_636 = vector.shape_cast %broadcast_in_dim3A_635 : vector<16x1xi32> to vector<16xi32>
      %gather3A_637 = tpu.dynamic_gather %add3A_634[%gather3A_636] in [0] : vector<16xf32>, vector<16xi32> -> vector<16xf32>
      %add3A_638 = arith.addf %add3A_634, %gather3A_637 : vector<16xf32>
      %broadcast_in_dim3A_639 = vector.shape_cast %xor3A_54 : vector<16xi32> to vector<16x1xi32>
      %gather3A_640 = vector.shape_cast %broadcast_in_dim3A_639 : vector<16x1xi32> to vector<16xi32>
      %gather3A_641 = tpu.dynamic_gather %add3A_638[%gather3A_640] in [0] : vector<16xf32>, vector<16xi32> -> vector<16xf32>
      %add3A_642 = arith.addf %add3A_638, %gather3A_641 : vector<16xf32>
      %broadcast_in_dim3A_643 = vector.shape_cast %xor3A_57 : vector<16xi32> to vector<16x1xi32>
      %gather3A_644 = vector.shape_cast %broadcast_in_dim3A_643 : vector<16x1xi32> to vector<16xi32>
      %gather3A_645 = tpu.dynamic_gather %add3A_642[%gather3A_644] in [0] : vector<16xf32>, vector<16xi32> -> vector<16xf32>
      %add3A_646 = arith.addf %add3A_642, %gather3A_645 : vector<16xf32>
      %mul3A_647 = arith.mulf %add3A_646, %get3A_31 : vector<16xf32>
      %add3A_648 = arith.addf %get3A_610, %mul3A_647 : vector<16xf32>
      %swap3A_649 = arith.index_cast %add3A_606 : i32 to index
      %swap3A_650 = arith.constant 0 : index
      %swap3A_651 = tpu.vector_load %arg9[%swap3A_649, %swap3A_650] {strides = array<i32>} : memref<128x64xf32, #tpu.memory_space<vmem>>, vector<1x16xf32>,
      %swap3A_652 = vector.shape_cast %swap3A_651 : vector<1x16xf32> to vector<16xf32>
      %swap3A_653 = vector.shape_cast %add3A_648 : vector<16xf32> to vector<1x16xf32>
      tpu.vector_store %arg9[%swap3A_649, %swap3A_650], %swap3A_653 {strides = array<i32>} : memref<128x64xf32, #tpu.memory_space<vmem>>, vector<1x16xf32>,
      %mul3A_654 = arith.mulf %add3A_646, %get3A_36 : vector<16xf32>
      %add3A_655 = arith.addf %get3A_614, %mul3A_654 : vector<16xf32>
      %swap3A_656 = arith.index_cast %add3A_606 : i32 to index
      %swap3A_657 = arith.constant 16 : index
      %swap3A_658 = tpu.vector_load %arg9[%swap3A_656, %swap3A_657] {strides = array<i32>} : memref<128x64xf32, #tpu.memory_space<vmem>>, vector<1x16xf32>,
      %swap3A_659 = vector.shape_cast %swap3A_658 : vector<1x16xf32> to vector<16xf32>
      %swap3A_660 = vector.shape_cast %add3A_655 : vector<16xf32> to vector<1x16xf32>
      tpu.vector_store %arg9[%swap3A_656, %swap3A_657], %swap3A_660 {strides = array<i32>} : memref<128x64xf32, #tpu.memory_space<vmem>>, vector<1x16xf32>,
      %mul3A_661 = arith.mulf %add3A_646, %get3A_41 : vector<16xf32>
      %add3A_662 = arith.addf %get3A_618, %mul3A_661 : vector<16xf32>
      %swap3A_663 = arith.index_cast %add3A_606 : i32 to index
      %swap3A_664 = arith.constant 32 : index
      %swap3A_665 = tpu.vector_load %arg9[%swap3A_663, %swap3A_664] {strides = array<i32>} : memref<128x64xf32, #tpu.memory_space<vmem>>, vector<1x16xf32>,
      %swap3A_666 = vector.shape_cast %swap3A_665 : vector<1x16xf32> to vector<16xf32>
      %swap3A_667 = vector.shape_cast %add3A_662 : vector<16xf32> to vector<1x16xf32>
      tpu.vector_store %arg9[%swap3A_663, %swap3A_664], %swap3A_667 {strides = array<i32>} : memref<128x64xf32, #tpu.memory_space<vmem>>, vector<1x16xf32>,
      %mul3A_668 = arith.mulf %add3A_646, %get3A_46 : vector<16xf32>
      %add3A_669 = arith.addf %get3A_622, %mul3A_668 : vector<16xf32>
      %swap3A_670 = arith.index_cast %add3A_606 : i32 to index
      %swap3A_671 = arith.constant 48 : index
      %swap3A_672 = tpu.vector_load %arg9[%swap3A_670, %swap3A_671] {strides = array<i32>} : memref<128x64xf32, #tpu.memory_space<vmem>>, vector<1x16xf32>,
      %swap3A_673 = vector.shape_cast %swap3A_672 : vector<1x16xf32> to vector<16xf32>
      %swap3A_674 = vector.shape_cast %add3A_669 : vector<16xf32> to vector<1x16xf32>
      tpu.vector_store %arg9[%swap3A_670, %swap3A_671], %swap3A_674 {strides = array<i32>} : memref<128x64xf32, #tpu.memory_space<vmem>>, vector<1x16xf32>,
    }
    %scan3A_372 = arith.constant 64 : i32
    %add3A_373 = arith.constant 40960 : i32
    %add3A_374 = arith.addi %mul3A_2, %add3A_373 : i32
    %dma_start3A_375 = arith.constant 0 : i32
    %dma_start3A_376 = tpu.memref_slice %arg4[%add3A_374, %dma_start3A_375] : memref<65536x64xf32, #tpu.memory_space<hbm>> -> memref<128x64xf32, #tpu.memory_space<hbm>>
    %dma_start3A_377 = arith.constant 0 : i32
    %dma_start3A_378 = tpu.memref_slice %arg4[%add3A_374, %dma_start3A_377] : memref<65536x64xf32, #tpu.memory_space<hbm>> -> memref<128x64xf32, #tpu.memory_space<hbm>>
    tpu.enqueue_dma source(%arg9 : memref<128x64xf32, #tpu.memory_space<vmem>>) target(%dma_start3A_378 : memref<128x64xf32, #tpu.memory_space<hbm>>) target_semaphore(%arg16 : memref<!tpu.dma_semaphore, #tpu.memory_space<semaphore_mem>>)
    %add3A_379 = arith.constant 53248 : i32
    %add3A_380 = arith.addi %mul3A_2, %add3A_379 : i32
    %dma_start3A_381 = arith.constant 0 : i32
    %dma_start3A_382 = tpu.memref_slice %arg2[%add3A_380, %dma_start3A_381] : memref<65536x64xf32, #tpu.memory_space<hbm>> -> memref<128x64xf32, #tpu.memory_space<hbm>>
    %dma_start3A_383 = arith.constant 0 : i32
    %dma_start3A_384 = tpu.memref_slice %arg2[%add3A_380, %dma_start3A_383] : memref<65536x64xf32, #tpu.memory_space<hbm>> -> memref<128x64xf32, #tpu.memory_space<hbm>>
    tpu.enqueue_dma source(%dma_start3A_384 : memref<128x64xf32, #tpu.memory_space<hbm>>) target(%arg6 : memref<128x64xf32, #tpu.memory_space<vmem>>) target_semaphore(%arg13 : memref<!tpu.dma_semaphore, #tpu.memory_space<semaphore_mem>>)
    %add3A_385 = arith.constant 45056 : i32
    %add3A_386 = arith.addi %mul3A_2, %add3A_385 : i32
    %dma_wait3A_387 = arith.constant 0 : i32
    %dma_wait3A_388 = tpu.memref_slice %arg2[%add3A_386, %dma_wait3A_387] : memref<65536x64xf32, #tpu.memory_space<hbm>> -> memref<128x64xf32, #tpu.memory_space<hbm>>
    %dma_wait3A_389 = arith.constant 0 : i32
    %dma_wait3A_390 = tpu.memref_slice %arg2[%add3A_386, %dma_wait3A_389] : memref<65536x64xf32, #tpu.memory_space<hbm>> -> memref<128x64xf32, #tpu.memory_space<hbm>>
    tpu.wait_dma2 semaphore(%arg14 : memref<!tpu.dma_semaphore, #tpu.memory_space<semaphore_mem>>) src(%dma_wait3A_390 : memref<128x64xf32, #tpu.memory_space<hbm>>) dst(%arg7 : memref<128x64xf32, #tpu.memory_space<vmem>>)
    %add3A_391 = arith.constant 32768 : i32
    %add3A_392 = arith.addi %mul3A_2, %add3A_391 : i32
    %dma_wait3A_393 = arith.constant 0 : i32
    %dma_wait3A_394 = tpu.memref_slice %arg4[%add3A_392, %dma_wait3A_393] : memref<65536x64xf32, #tpu.memory_space<hbm>> -> memref<128x64xf32, #tpu.memory_space<hbm>>
    %dma_wait3A_395 = arith.constant 0 : i32
    %dma_wait3A_396 = tpu.memref_slice %arg4[%add3A_392, %dma_wait3A_395] : memref<65536x64xf32, #tpu.memory_space<hbm>> -> memref<128x64xf32, #tpu.memory_space<hbm>>
    tpu.wait_dma2 semaphore(%arg17 : memref<!tpu.dma_semaphore, #tpu.memory_space<semaphore_mem>>) src(%arg10 : memref<128x64xf32, #tpu.memory_space<vmem>>) dst(%dma_wait3A_396 : memref<128x64xf32, #tpu.memory_space<hbm>>)
    %scan3A_397 = arith.constant 0 : i32
    %scan3A_398 = arith.constant 0 : i32
    %scan3A_399 = arith.constant 64 : i32
    %scan3A_400 = arith.addi %scan3A_398, %scan3A_399 : i32
    %scan3A_401 = arith.constant 1 : i32
    scf.for %scan3A_535 = %scan3A_398 to %scan3A_400 step %scan3A_401  : i32 {
      %mul3A_536 = arith.constant 2 : i32
      %mul3A_537 = arith.muli %scan3A_535, %mul3A_536 : i32
      %add3A_538 = arith.constant 0 : i32
      %add3A_539 = arith.addi %mul3A_537, %add3A_538 : i32
      %get3A_540 = arith.index_cast %add3A_539 : i32 to index
      %get3A_541 = arith.constant 0 : index
      %get3A_542 = tpu.vector_load %arg7[%get3A_540, %get3A_541] {strides = array<i32>} : memref<128x64xf32, #tpu.memory_space<vmem>>, vector<1x16xf32>,
      %get3A_543 = vector.shape_cast %get3A_542 : vector<1x16xf32> to vector<16xf32>
      %get3A_544 = arith.index_cast %add3A_539 : i32 to index
      %get3A_545 = arith.constant 16 : index
      %get3A_546 = tpu.vector_load %arg7[%get3A_544, %get3A_545] {strides = array<i32>} : memref<128x64xf32, #tpu.memory_space<vmem>>, vector<1x16xf32>,
      %get3A_547 = vector.shape_cast %get3A_546 : vector<1x16xf32> to vector<16xf32>
      %get3A_548 = arith.index_cast %add3A_539 : i32 to index
      %get3A_549 = arith.constant 32 : index
      %get3A_550 = tpu.vector_load %arg7[%get3A_548, %get3A_549] {strides = array<i32>} : memref<128x64xf32, #tpu.memory_space<vmem>>, vector<1x16xf32>,
      %get3A_551 = vector.shape_cast %get3A_550 : vector<1x16xf32> to vector<16xf32>
      %get3A_552 = arith.index_cast %add3A_539 : i32 to index
      %get3A_553 = arith.constant 48 : index
      %get3A_554 = tpu.vector_load %arg7[%get3A_552, %get3A_553] {strides = array<i32>} : memref<128x64xf32, #tpu.memory_space<vmem>>, vector<1x16xf32>,
      %get3A_555 = vector.shape_cast %get3A_554 : vector<1x16xf32> to vector<16xf32>
      %mul3A_556 = arith.mulf %get3A_543, %get3A_6 : vector<16xf32>
      %mul3A_557 = arith.mulf %get3A_547, %get3A_11 : vector<16xf32>
      %mul3A_558 = arith.mulf %get3A_551, %get3A_16 : vector<16xf32>
      %mul3A_559 = arith.mulf %get3A_555, %get3A_21 : vector<16xf32>
      %add3A_560 = arith.addf %mul3A_556, %mul3A_557 : vector<16xf32>
      %add3A_561 = arith.addf %mul3A_558, %mul3A_559 : vector<16xf32>
      %add3A_562 = arith.addf %add3A_560, %add3A_561 : vector<16xf32>
      %add3A_563 = arith.addf %add3A_562, %get3A_26 : vector<16xf32>
      %broadcast_in_dim3A = vector.shape_cast %xor3A_48 : vector<16xi32> to vector<16x1xi32>
      %gather3A = vector.shape_cast %broadcast_in_dim3A : vector<16x1xi32> to vector<16xi32>
      %gather3A_564 = tpu.dynamic_gather %add3A_563[%gather3A] in [0] : vector<16xf32>, vector<16xi32> -> vector<16xf32>
      %add3A_565 = arith.addf %add3A_563, %gather3A_564 : vector<16xf32>
      %broadcast_in_dim3A_566 = vector.shape_cast %xor3A_51 : vector<16xi32> to vector<16x1xi32>
      %gather3A_567 = vector.shape_cast %broadcast_in_dim3A_566 : vector<16x1xi32> to vector<16xi32>
      %gather3A_568 = tpu.dynamic_gather %add3A_565[%gather3A_567] in [0] : vector<16xf32>, vector<16xi32> -> vector<16xf32>
      %add3A_569 = arith.addf %add3A_565, %gather3A_568 : vector<16xf32>
      %broadcast_in_dim3A_570 = vector.shape_cast %xor3A_54 : vector<16xi32> to vector<16x1xi32>
      %gather3A_571 = vector.shape_cast %broadcast_in_dim3A_570 : vector<16x1xi32> to vector<16xi32>
      %gather3A_572 = tpu.dynamic_gather %add3A_569[%gather3A_571] in [0] : vector<16xf32>, vector<16xi32> -> vector<16xf32>
      %add3A_573 = arith.addf %add3A_569, %gather3A_572 : vector<16xf32>
      %broadcast_in_dim3A_574 = vector.shape_cast %xor3A_57 : vector<16xi32> to vector<16x1xi32>
      %gather3A_575 = vector.shape_cast %broadcast_in_dim3A_574 : vector<16x1xi32> to vector<16xi32>
      %gather3A_576 = tpu.dynamic_gather %add3A_573[%gather3A_575] in [0] : vector<16xf32>, vector<16xi32> -> vector<16xf32>
      %add3A_577 = arith.addf %add3A_573, %gather3A_576 : vector<16xf32>
      %mul3A_578 = arith.mulf %add3A_577, %get3A_31 : vector<16xf32>
      %add3A_579 = arith.addf %get3A_543, %mul3A_578 : vector<16xf32>
      %swap3A = arith.index_cast %add3A_539 : i32 to index
      %swap3A_580 = arith.constant 0 : index
      %swap3A_581 = tpu.vector_load %arg10[%swap3A, %swap3A_580] {strides = array<i32>} : memref<128x64xf32, #tpu.memory_space<vmem>>, vector<1x16xf32>,
      %swap3A_582 = vector.shape_cast %swap3A_581 : vector<1x16xf32> to vector<16xf32>
      %swap3A_583 = vector.shape_cast %add3A_579 : vector<16xf32> to vector<1x16xf32>
      tpu.vector_store %arg10[%swap3A, %swap3A_580], %swap3A_583 {strides = array<i32>} : memref<128x64xf32, #tpu.memory_space<vmem>>, vector<1x16xf32>,
      %mul3A_584 = arith.mulf %add3A_577, %get3A_36 : vector<16xf32>
      %add3A_585 = arith.addf %get3A_547, %mul3A_584 : vector<16xf32>
      %swap3A_586 = arith.index_cast %add3A_539 : i32 to index
      %swap3A_587 = arith.constant 16 : index
      %swap3A_588 = tpu.vector_load %arg10[%swap3A_586, %swap3A_587] {strides = array<i32>} : memref<128x64xf32, #tpu.memory_space<vmem>>, vector<1x16xf32>,
      %swap3A_589 = vector.shape_cast %swap3A_588 : vector<1x16xf32> to vector<16xf32>
      %swap3A_590 = vector.shape_cast %add3A_585 : vector<16xf32> to vector<1x16xf32>
      tpu.vector_store %arg10[%swap3A_586, %swap3A_587], %swap3A_590 {strides = array<i32>} : memref<128x64xf32, #tpu.memory_space<vmem>>, vector<1x16xf32>,
      %mul3A_591 = arith.mulf %add3A_577, %get3A_41 : vector<16xf32>
      %add3A_592 = arith.addf %get3A_551, %mul3A_591 : vector<16xf32>
      %swap3A_593 = arith.index_cast %add3A_539 : i32 to index
      %swap3A_594 = arith.constant 32 : index
      %swap3A_595 = tpu.vector_load %arg10[%swap3A_593, %swap3A_594] {strides = array<i32>} : memref<128x64xf32, #tpu.memory_space<vmem>>, vector<1x16xf32>,
      %swap3A_596 = vector.shape_cast %swap3A_595 : vector<1x16xf32> to vector<16xf32>
      %swap3A_597 = vector.shape_cast %add3A_592 : vector<16xf32> to vector<1x16xf32>
      tpu.vector_store %arg10[%swap3A_593, %swap3A_594], %swap3A_597 {strides = array<i32>} : memref<128x64xf32, #tpu.memory_space<vmem>>, vector<1x16xf32>,
      %mul3A_598 = arith.mulf %add3A_577, %get3A_46 : vector<16xf32>
      %add3A_599 = arith.addf %get3A_555, %mul3A_598 : vector<16xf32>
      %swap3A_600 = arith.index_cast %add3A_539 : i32 to index
      %swap3A_601 = arith.constant 48 : index
      %swap3A_602 = tpu.vector_load %arg10[%swap3A_600, %swap3A_601] {strides = array<i32>} : memref<128x64xf32, #tpu.memory_space<vmem>>, vector<1x16xf32>,
      %swap3A_603 = vector.shape_cast %swap3A_602 : vector<1x16xf32> to vector<16xf32>
      %swap3A_604 = vector.shape_cast %add3A_599 : vector<16xf32> to vector<1x16xf32>
      tpu.vector_store %arg10[%swap3A_600, %swap3A_601], %swap3A_604 {strides = array<i32>} : memref<128x64xf32, #tpu.memory_space<vmem>>, vector<1x16xf32>,
      %add3A_605 = arith.constant 1 : i32
      %add3A_606 = arith.addi %mul3A_537, %add3A_605 : i32
      %get3A_607 = arith.index_cast %add3A_606 : i32 to index
      %get3A_608 = arith.constant 0 : index
      %get3A_609 = tpu.vector_load %arg7[%get3A_607, %get3A_608] {strides = array<i32>} : memref<128x64xf32, #tpu.memory_space<vmem>>, vector<1x16xf32>,
      %get3A_610 = vector.shape_cast %get3A_609 : vector<1x16xf32> to vector<16xf32>
      %get3A_611 = arith.index_cast %add3A_606 : i32 to index
      %get3A_612 = arith.constant 16 : index
      %get3A_613 = tpu.vector_load %arg7[%get3A_611, %get3A_612] {strides = array<i32>} : memref<128x64xf32, #tpu.memory_space<vmem>>, vector<1x16xf32>,
      %get3A_614 = vector.shape_cast %get3A_613 : vector<1x16xf32> to vector<16xf32>
      %get3A_615 = arith.index_cast %add3A_606 : i32 to index
      %get3A_616 = arith.constant 32 : index
      %get3A_617 = tpu.vector_load %arg7[%get3A_615, %get3A_616] {strides = array<i32>} : memref<128x64xf32, #tpu.memory_space<vmem>>, vector<1x16xf32>,
      %get3A_618 = vector.shape_cast %get3A_617 : vector<1x16xf32> to vector<16xf32>
      %get3A_619 = arith.index_cast %add3A_606 : i32 to index
      %get3A_620 = arith.constant 48 : index
      %get3A_621 = tpu.vector_load %arg7[%get3A_619, %get3A_620] {strides = array<i32>} : memref<128x64xf32, #tpu.memory_space<vmem>>, vector<1x16xf32>,
      %get3A_622 = vector.shape_cast %get3A_621 : vector<1x16xf32> to vector<16xf32>
      %mul3A_623 = arith.mulf %get3A_610, %get3A_6 : vector<16xf32>
      %mul3A_624 = arith.mulf %get3A_614, %get3A_11 : vector<16xf32>
      %mul3A_625 = arith.mulf %get3A_618, %get3A_16 : vector<16xf32>
      %mul3A_626 = arith.mulf %get3A_622, %get3A_21 : vector<16xf32>
      %add3A_627 = arith.addf %mul3A_623, %mul3A_624 : vector<16xf32>
      %add3A_628 = arith.addf %mul3A_625, %mul3A_626 : vector<16xf32>
      %add3A_629 = arith.addf %add3A_627, %add3A_628 : vector<16xf32>
      %add3A_630 = arith.addf %add3A_629, %get3A_26 : vector<16xf32>
      %broadcast_in_dim3A_631 = vector.shape_cast %xor3A_48 : vector<16xi32> to vector<16x1xi32>
      %gather3A_632 = vector.shape_cast %broadcast_in_dim3A_631 : vector<16x1xi32> to vector<16xi32>
      %gather3A_633 = tpu.dynamic_gather %add3A_630[%gather3A_632] in [0] : vector<16xf32>, vector<16xi32> -> vector<16xf32>
      %add3A_634 = arith.addf %add3A_630, %gather3A_633 : vector<16xf32>
      %broadcast_in_dim3A_635 = vector.shape_cast %xor3A_51 : vector<16xi32> to vector<16x1xi32>
      %gather3A_636 = vector.shape_cast %broadcast_in_dim3A_635 : vector<16x1xi32> to vector<16xi32>
      %gather3A_637 = tpu.dynamic_gather %add3A_634[%gather3A_636] in [0] : vector<16xf32>, vector<16xi32> -> vector<16xf32>
      %add3A_638 = arith.addf %add3A_634, %gather3A_637 : vector<16xf32>
      %broadcast_in_dim3A_639 = vector.shape_cast %xor3A_54 : vector<16xi32> to vector<16x1xi32>
      %gather3A_640 = vector.shape_cast %broadcast_in_dim3A_639 : vector<16x1xi32> to vector<16xi32>
      %gather3A_641 = tpu.dynamic_gather %add3A_638[%gather3A_640] in [0] : vector<16xf32>, vector<16xi32> -> vector<16xf32>
      %add3A_642 = arith.addf %add3A_638, %gather3A_641 : vector<16xf32>
      %broadcast_in_dim3A_643 = vector.shape_cast %xor3A_57 : vector<16xi32> to vector<16x1xi32>
      %gather3A_644 = vector.shape_cast %broadcast_in_dim3A_643 : vector<16x1xi32> to vector<16xi32>
      %gather3A_645 = tpu.dynamic_gather %add3A_642[%gather3A_644] in [0] : vector<16xf32>, vector<16xi32> -> vector<16xf32>
      %add3A_646 = arith.addf %add3A_642, %gather3A_645 : vector<16xf32>
      %mul3A_647 = arith.mulf %add3A_646, %get3A_31 : vector<16xf32>
      %add3A_648 = arith.addf %get3A_610, %mul3A_647 : vector<16xf32>
      %swap3A_649 = arith.index_cast %add3A_606 : i32 to index
      %swap3A_650 = arith.constant 0 : index
      %swap3A_651 = tpu.vector_load %arg10[%swap3A_649, %swap3A_650] {strides = array<i32>} : memref<128x64xf32, #tpu.memory_space<vmem>>, vector<1x16xf32>,
      %swap3A_652 = vector.shape_cast %swap3A_651 : vector<1x16xf32> to vector<16xf32>
      %swap3A_653 = vector.shape_cast %add3A_648 : vector<16xf32> to vector<1x16xf32>
      tpu.vector_store %arg10[%swap3A_649, %swap3A_650], %swap3A_653 {strides = array<i32>} : memref<128x64xf32, #tpu.memory_space<vmem>>, vector<1x16xf32>,
      %mul3A_654 = arith.mulf %add3A_646, %get3A_36 : vector<16xf32>
      %add3A_655 = arith.addf %get3A_614, %mul3A_654 : vector<16xf32>
      %swap3A_656 = arith.index_cast %add3A_606 : i32 to index
      %swap3A_657 = arith.constant 16 : index
      %swap3A_658 = tpu.vector_load %arg10[%swap3A_656, %swap3A_657] {strides = array<i32>} : memref<128x64xf32, #tpu.memory_space<vmem>>, vector<1x16xf32>,
      %swap3A_659 = vector.shape_cast %swap3A_658 : vector<1x16xf32> to vector<16xf32>
      %swap3A_660 = vector.shape_cast %add3A_655 : vector<16xf32> to vector<1x16xf32>
      tpu.vector_store %arg10[%swap3A_656, %swap3A_657], %swap3A_660 {strides = array<i32>} : memref<128x64xf32, #tpu.memory_space<vmem>>, vector<1x16xf32>,
      %mul3A_661 = arith.mulf %add3A_646, %get3A_41 : vector<16xf32>
      %add3A_662 = arith.addf %get3A_618, %mul3A_661 : vector<16xf32>
      %swap3A_663 = arith.index_cast %add3A_606 : i32 to index
      %swap3A_664 = arith.constant 32 : index
      %swap3A_665 = tpu.vector_load %arg10[%swap3A_663, %swap3A_664] {strides = array<i32>} : memref<128x64xf32, #tpu.memory_space<vmem>>, vector<1x16xf32>,
      %swap3A_666 = vector.shape_cast %swap3A_665 : vector<1x16xf32> to vector<16xf32>
      %swap3A_667 = vector.shape_cast %add3A_662 : vector<16xf32> to vector<1x16xf32>
      tpu.vector_store %arg10[%swap3A_663, %swap3A_664], %swap3A_667 {strides = array<i32>} : memref<128x64xf32, #tpu.memory_space<vmem>>, vector<1x16xf32>,
      %mul3A_668 = arith.mulf %add3A_646, %get3A_46 : vector<16xf32>
      %add3A_669 = arith.addf %get3A_622, %mul3A_668 : vector<16xf32>
      %swap3A_670 = arith.index_cast %add3A_606 : i32 to index
      %swap3A_671 = arith.constant 48 : index
      %swap3A_672 = tpu.vector_load %arg10[%swap3A_670, %swap3A_671] {strides = array<i32>} : memref<128x64xf32, #tpu.memory_space<vmem>>, vector<1x16xf32>,
      %swap3A_673 = vector.shape_cast %swap3A_672 : vector<1x16xf32> to vector<16xf32>
      %swap3A_674 = vector.shape_cast %add3A_669 : vector<16xf32> to vector<1x16xf32>
      tpu.vector_store %arg10[%swap3A_670, %swap3A_671], %swap3A_674 {strides = array<i32>} : memref<128x64xf32, #tpu.memory_space<vmem>>, vector<1x16xf32>,
    }
    %scan3A_402 = arith.constant 64 : i32
    %add3A_403 = arith.constant 45056 : i32
    %add3A_404 = arith.addi %mul3A_2, %add3A_403 : i32
    %dma_start3A_405 = arith.constant 0 : i32
    %dma_start3A_406 = tpu.memref_slice %arg4[%add3A_404, %dma_start3A_405] : memref<65536x64xf32, #tpu.memory_space<hbm>> -> memref<128x64xf32, #tpu.memory_space<hbm>>
    %dma_start3A_407 = arith.constant 0 : i32
    %dma_start3A_408 = tpu.memref_slice %arg4[%add3A_404, %dma_start3A_407] : memref<65536x64xf32, #tpu.memory_space<hbm>> -> memref<128x64xf32, #tpu.memory_space<hbm>>
    tpu.enqueue_dma source(%arg10 : memref<128x64xf32, #tpu.memory_space<vmem>>) target(%dma_start3A_408 : memref<128x64xf32, #tpu.memory_space<hbm>>) target_semaphore(%arg17 : memref<!tpu.dma_semaphore, #tpu.memory_space<semaphore_mem>>)
    %add3A_409 = arith.constant 57344 : i32
    %add3A_410 = arith.addi %mul3A_2, %add3A_409 : i32
    %dma_start3A_411 = arith.constant 0 : i32
    %dma_start3A_412 = tpu.memref_slice %arg2[%add3A_410, %dma_start3A_411] : memref<65536x64xf32, #tpu.memory_space<hbm>> -> memref<128x64xf32, #tpu.memory_space<hbm>>
    %dma_start3A_413 = arith.constant 0 : i32
    %dma_start3A_414 = tpu.memref_slice %arg2[%add3A_410, %dma_start3A_413] : memref<65536x64xf32, #tpu.memory_space<hbm>> -> memref<128x64xf32, #tpu.memory_space<hbm>>
    tpu.enqueue_dma source(%dma_start3A_414 : memref<128x64xf32, #tpu.memory_space<hbm>>) target(%arg7 : memref<128x64xf32, #tpu.memory_space<vmem>>) target_semaphore(%arg14 : memref<!tpu.dma_semaphore, #tpu.memory_space<semaphore_mem>>)
    %add3A_415 = arith.constant 49152 : i32
    %add3A_416 = arith.addi %mul3A_2, %add3A_415 : i32
    %dma_wait3A_417 = arith.constant 0 : i32
    %dma_wait3A_418 = tpu.memref_slice %arg2[%add3A_416, %dma_wait3A_417] : memref<65536x64xf32, #tpu.memory_space<hbm>> -> memref<128x64xf32, #tpu.memory_space<hbm>>
    %dma_wait3A_419 = arith.constant 0 : i32
    %dma_wait3A_420 = tpu.memref_slice %arg2[%add3A_416, %dma_wait3A_419] : memref<65536x64xf32, #tpu.memory_space<hbm>> -> memref<128x64xf32, #tpu.memory_space<hbm>>
    tpu.wait_dma2 semaphore(%arg12 : memref<!tpu.dma_semaphore, #tpu.memory_space<semaphore_mem>>) src(%dma_wait3A_420 : memref<128x64xf32, #tpu.memory_space<hbm>>) dst(%arg5 : memref<128x64xf32, #tpu.memory_space<vmem>>)
    %add3A_421 = arith.constant 36864 : i32
    %add3A_422 = arith.addi %mul3A_2, %add3A_421 : i32
    %dma_wait3A_423 = arith.constant 0 : i32
    %dma_wait3A_424 = tpu.memref_slice %arg4[%add3A_422, %dma_wait3A_423] : memref<65536x64xf32, #tpu.memory_space<hbm>> -> memref<128x64xf32, #tpu.memory_space<hbm>>
    %dma_wait3A_425 = arith.constant 0 : i32
    %dma_wait3A_426 = tpu.memref_slice %arg4[%add3A_422, %dma_wait3A_425] : memref<65536x64xf32, #tpu.memory_space<hbm>> -> memref<128x64xf32, #tpu.memory_space<hbm>>
    tpu.wait_dma2 semaphore(%arg15 : memref<!tpu.dma_semaphore, #tpu.memory_space<semaphore_mem>>) src(%arg8 : memref<128x64xf32, #tpu.memory_space<vmem>>) dst(%dma_wait3A_426 : memref<128x64xf32, #tpu.memory_space<hbm>>)
    %scan3A_427 = arith.constant 0 : i32
    %scan3A_428 = arith.constant 0 : i32
    %scan3A_429 = arith.constant 64 : i32
    %scan3A_430 = arith.addi %scan3A_428, %scan3A_429 : i32
    %scan3A_431 = arith.constant 1 : i32
    scf.for %scan3A_535 = %scan3A_428 to %scan3A_430 step %scan3A_431  : i32 {
      %mul3A_536 = arith.constant 2 : i32
      %mul3A_537 = arith.muli %scan3A_535, %mul3A_536 : i32
      %add3A_538 = arith.constant 0 : i32
      %add3A_539 = arith.addi %mul3A_537, %add3A_538 : i32
      %get3A_540 = arith.index_cast %add3A_539 : i32 to index
      %get3A_541 = arith.constant 0 : index
      %get3A_542 = tpu.vector_load %arg5[%get3A_540, %get3A_541] {strides = array<i32>} : memref<128x64xf32, #tpu.memory_space<vmem>>, vector<1x16xf32>,
      %get3A_543 = vector.shape_cast %get3A_542 : vector<1x16xf32> to vector<16xf32>
      %get3A_544 = arith.index_cast %add3A_539 : i32 to index
      %get3A_545 = arith.constant 16 : index
      %get3A_546 = tpu.vector_load %arg5[%get3A_544, %get3A_545] {strides = array<i32>} : memref<128x64xf32, #tpu.memory_space<vmem>>, vector<1x16xf32>,
      %get3A_547 = vector.shape_cast %get3A_546 : vector<1x16xf32> to vector<16xf32>
      %get3A_548 = arith.index_cast %add3A_539 : i32 to index
      %get3A_549 = arith.constant 32 : index
      %get3A_550 = tpu.vector_load %arg5[%get3A_548, %get3A_549] {strides = array<i32>} : memref<128x64xf32, #tpu.memory_space<vmem>>, vector<1x16xf32>,
      %get3A_551 = vector.shape_cast %get3A_550 : vector<1x16xf32> to vector<16xf32>
      %get3A_552 = arith.index_cast %add3A_539 : i32 to index
      %get3A_553 = arith.constant 48 : index
      %get3A_554 = tpu.vector_load %arg5[%get3A_552, %get3A_553] {strides = array<i32>} : memref<128x64xf32, #tpu.memory_space<vmem>>, vector<1x16xf32>,
      %get3A_555 = vector.shape_cast %get3A_554 : vector<1x16xf32> to vector<16xf32>
      %mul3A_556 = arith.mulf %get3A_543, %get3A_6 : vector<16xf32>
      %mul3A_557 = arith.mulf %get3A_547, %get3A_11 : vector<16xf32>
      %mul3A_558 = arith.mulf %get3A_551, %get3A_16 : vector<16xf32>
      %mul3A_559 = arith.mulf %get3A_555, %get3A_21 : vector<16xf32>
      %add3A_560 = arith.addf %mul3A_556, %mul3A_557 : vector<16xf32>
      %add3A_561 = arith.addf %mul3A_558, %mul3A_559 : vector<16xf32>
      %add3A_562 = arith.addf %add3A_560, %add3A_561 : vector<16xf32>
      %add3A_563 = arith.addf %add3A_562, %get3A_26 : vector<16xf32>
      %broadcast_in_dim3A = vector.shape_cast %xor3A_48 : vector<16xi32> to vector<16x1xi32>
      %gather3A = vector.shape_cast %broadcast_in_dim3A : vector<16x1xi32> to vector<16xi32>
      %gather3A_564 = tpu.dynamic_gather %add3A_563[%gather3A] in [0] : vector<16xf32>, vector<16xi32> -> vector<16xf32>
      %add3A_565 = arith.addf %add3A_563, %gather3A_564 : vector<16xf32>
      %broadcast_in_dim3A_566 = vector.shape_cast %xor3A_51 : vector<16xi32> to vector<16x1xi32>
      %gather3A_567 = vector.shape_cast %broadcast_in_dim3A_566 : vector<16x1xi32> to vector<16xi32>
      %gather3A_568 = tpu.dynamic_gather %add3A_565[%gather3A_567] in [0] : vector<16xf32>, vector<16xi32> -> vector<16xf32>
      %add3A_569 = arith.addf %add3A_565, %gather3A_568 : vector<16xf32>
      %broadcast_in_dim3A_570 = vector.shape_cast %xor3A_54 : vector<16xi32> to vector<16x1xi32>
      %gather3A_571 = vector.shape_cast %broadcast_in_dim3A_570 : vector<16x1xi32> to vector<16xi32>
      %gather3A_572 = tpu.dynamic_gather %add3A_569[%gather3A_571] in [0] : vector<16xf32>, vector<16xi32> -> vector<16xf32>
      %add3A_573 = arith.addf %add3A_569, %gather3A_572 : vector<16xf32>
      %broadcast_in_dim3A_574 = vector.shape_cast %xor3A_57 : vector<16xi32> to vector<16x1xi32>
      %gather3A_575 = vector.shape_cast %broadcast_in_dim3A_574 : vector<16x1xi32> to vector<16xi32>
      %gather3A_576 = tpu.dynamic_gather %add3A_573[%gather3A_575] in [0] : vector<16xf32>, vector<16xi32> -> vector<16xf32>
      %add3A_577 = arith.addf %add3A_573, %gather3A_576 : vector<16xf32>
      %mul3A_578 = arith.mulf %add3A_577, %get3A_31 : vector<16xf32>
      %add3A_579 = arith.addf %get3A_543, %mul3A_578 : vector<16xf32>
      %swap3A = arith.index_cast %add3A_539 : i32 to index
      %swap3A_580 = arith.constant 0 : index
      %swap3A_581 = tpu.vector_load %arg8[%swap3A, %swap3A_580] {strides = array<i32>} : memref<128x64xf32, #tpu.memory_space<vmem>>, vector<1x16xf32>,
      %swap3A_582 = vector.shape_cast %swap3A_581 : vector<1x16xf32> to vector<16xf32>
      %swap3A_583 = vector.shape_cast %add3A_579 : vector<16xf32> to vector<1x16xf32>
      tpu.vector_store %arg8[%swap3A, %swap3A_580], %swap3A_583 {strides = array<i32>} : memref<128x64xf32, #tpu.memory_space<vmem>>, vector<1x16xf32>,
      %mul3A_584 = arith.mulf %add3A_577, %get3A_36 : vector<16xf32>
      %add3A_585 = arith.addf %get3A_547, %mul3A_584 : vector<16xf32>
      %swap3A_586 = arith.index_cast %add3A_539 : i32 to index
      %swap3A_587 = arith.constant 16 : index
      %swap3A_588 = tpu.vector_load %arg8[%swap3A_586, %swap3A_587] {strides = array<i32>} : memref<128x64xf32, #tpu.memory_space<vmem>>, vector<1x16xf32>,
      %swap3A_589 = vector.shape_cast %swap3A_588 : vector<1x16xf32> to vector<16xf32>
      %swap3A_590 = vector.shape_cast %add3A_585 : vector<16xf32> to vector<1x16xf32>
      tpu.vector_store %arg8[%swap3A_586, %swap3A_587], %swap3A_590 {strides = array<i32>} : memref<128x64xf32, #tpu.memory_space<vmem>>, vector<1x16xf32>,
      %mul3A_591 = arith.mulf %add3A_577, %get3A_41 : vector<16xf32>
      %add3A_592 = arith.addf %get3A_551, %mul3A_591 : vector<16xf32>
      %swap3A_593 = arith.index_cast %add3A_539 : i32 to index
      %swap3A_594 = arith.constant 32 : index
      %swap3A_595 = tpu.vector_load %arg8[%swap3A_593, %swap3A_594] {strides = array<i32>} : memref<128x64xf32, #tpu.memory_space<vmem>>, vector<1x16xf32>,
      %swap3A_596 = vector.shape_cast %swap3A_595 : vector<1x16xf32> to vector<16xf32>
      %swap3A_597 = vector.shape_cast %add3A_592 : vector<16xf32> to vector<1x16xf32>
      tpu.vector_store %arg8[%swap3A_593, %swap3A_594], %swap3A_597 {strides = array<i32>} : memref<128x64xf32, #tpu.memory_space<vmem>>, vector<1x16xf32>,
      %mul3A_598 = arith.mulf %add3A_577, %get3A_46 : vector<16xf32>
      %add3A_599 = arith.addf %get3A_555, %mul3A_598 : vector<16xf32>
      %swap3A_600 = arith.index_cast %add3A_539 : i32 to index
      %swap3A_601 = arith.constant 48 : index
      %swap3A_602 = tpu.vector_load %arg8[%swap3A_600, %swap3A_601] {strides = array<i32>} : memref<128x64xf32, #tpu.memory_space<vmem>>, vector<1x16xf32>,
      %swap3A_603 = vector.shape_cast %swap3A_602 : vector<1x16xf32> to vector<16xf32>
      %swap3A_604 = vector.shape_cast %add3A_599 : vector<16xf32> to vector<1x16xf32>
      tpu.vector_store %arg8[%swap3A_600, %swap3A_601], %swap3A_604 {strides = array<i32>} : memref<128x64xf32, #tpu.memory_space<vmem>>, vector<1x16xf32>,
      %add3A_605 = arith.constant 1 : i32
      %add3A_606 = arith.addi %mul3A_537, %add3A_605 : i32
      %get3A_607 = arith.index_cast %add3A_606 : i32 to index
      %get3A_608 = arith.constant 0 : index
      %get3A_609 = tpu.vector_load %arg5[%get3A_607, %get3A_608] {strides = array<i32>} : memref<128x64xf32, #tpu.memory_space<vmem>>, vector<1x16xf32>,
      %get3A_610 = vector.shape_cast %get3A_609 : vector<1x16xf32> to vector<16xf32>
      %get3A_611 = arith.index_cast %add3A_606 : i32 to index
      %get3A_612 = arith.constant 16 : index
      %get3A_613 = tpu.vector_load %arg5[%get3A_611, %get3A_612] {strides = array<i32>} : memref<128x64xf32, #tpu.memory_space<vmem>>, vector<1x16xf32>,
      %get3A_614 = vector.shape_cast %get3A_613 : vector<1x16xf32> to vector<16xf32>
      %get3A_615 = arith.index_cast %add3A_606 : i32 to index
      %get3A_616 = arith.constant 32 : index
      %get3A_617 = tpu.vector_load %arg5[%get3A_615, %get3A_616] {strides = array<i32>} : memref<128x64xf32, #tpu.memory_space<vmem>>, vector<1x16xf32>,
      %get3A_618 = vector.shape_cast %get3A_617 : vector<1x16xf32> to vector<16xf32>
      %get3A_619 = arith.index_cast %add3A_606 : i32 to index
      %get3A_620 = arith.constant 48 : index
      %get3A_621 = tpu.vector_load %arg5[%get3A_619, %get3A_620] {strides = array<i32>} : memref<128x64xf32, #tpu.memory_space<vmem>>, vector<1x16xf32>,
      %get3A_622 = vector.shape_cast %get3A_621 : vector<1x16xf32> to vector<16xf32>
      %mul3A_623 = arith.mulf %get3A_610, %get3A_6 : vector<16xf32>
      %mul3A_624 = arith.mulf %get3A_614, %get3A_11 : vector<16xf32>
      %mul3A_625 = arith.mulf %get3A_618, %get3A_16 : vector<16xf32>
      %mul3A_626 = arith.mulf %get3A_622, %get3A_21 : vector<16xf32>
      %add3A_627 = arith.addf %mul3A_623, %mul3A_624 : vector<16xf32>
      %add3A_628 = arith.addf %mul3A_625, %mul3A_626 : vector<16xf32>
      %add3A_629 = arith.addf %add3A_627, %add3A_628 : vector<16xf32>
      %add3A_630 = arith.addf %add3A_629, %get3A_26 : vector<16xf32>
      %broadcast_in_dim3A_631 = vector.shape_cast %xor3A_48 : vector<16xi32> to vector<16x1xi32>
      %gather3A_632 = vector.shape_cast %broadcast_in_dim3A_631 : vector<16x1xi32> to vector<16xi32>
      %gather3A_633 = tpu.dynamic_gather %add3A_630[%gather3A_632] in [0] : vector<16xf32>, vector<16xi32> -> vector<16xf32>
      %add3A_634 = arith.addf %add3A_630, %gather3A_633 : vector<16xf32>
      %broadcast_in_dim3A_635 = vector.shape_cast %xor3A_51 : vector<16xi32> to vector<16x1xi32>
      %gather3A_636 = vector.shape_cast %broadcast_in_dim3A_635 : vector<16x1xi32> to vector<16xi32>
      %gather3A_637 = tpu.dynamic_gather %add3A_634[%gather3A_636] in [0] : vector<16xf32>, vector<16xi32> -> vector<16xf32>
      %add3A_638 = arith.addf %add3A_634, %gather3A_637 : vector<16xf32>
      %broadcast_in_dim3A_639 = vector.shape_cast %xor3A_54 : vector<16xi32> to vector<16x1xi32>
      %gather3A_640 = vector.shape_cast %broadcast_in_dim3A_639 : vector<16x1xi32> to vector<16xi32>
      %gather3A_641 = tpu.dynamic_gather %add3A_638[%gather3A_640] in [0] : vector<16xf32>, vector<16xi32> -> vector<16xf32>
      %add3A_642 = arith.addf %add3A_638, %gather3A_641 : vector<16xf32>
      %broadcast_in_dim3A_643 = vector.shape_cast %xor3A_57 : vector<16xi32> to vector<16x1xi32>
      %gather3A_644 = vector.shape_cast %broadcast_in_dim3A_643 : vector<16x1xi32> to vector<16xi32>
      %gather3A_645 = tpu.dynamic_gather %add3A_642[%gather3A_644] in [0] : vector<16xf32>, vector<16xi32> -> vector<16xf32>
      %add3A_646 = arith.addf %add3A_642, %gather3A_645 : vector<16xf32>
      %mul3A_647 = arith.mulf %add3A_646, %get3A_31 : vector<16xf32>
      %add3A_648 = arith.addf %get3A_610, %mul3A_647 : vector<16xf32>
      %swap3A_649 = arith.index_cast %add3A_606 : i32 to index
      %swap3A_650 = arith.constant 0 : index
      %swap3A_651 = tpu.vector_load %arg8[%swap3A_649, %swap3A_650] {strides = array<i32>} : memref<128x64xf32, #tpu.memory_space<vmem>>, vector<1x16xf32>,
      %swap3A_652 = vector.shape_cast %swap3A_651 : vector<1x16xf32> to vector<16xf32>
      %swap3A_653 = vector.shape_cast %add3A_648 : vector<16xf32> to vector<1x16xf32>
      tpu.vector_store %arg8[%swap3A_649, %swap3A_650], %swap3A_653 {strides = array<i32>} : memref<128x64xf32, #tpu.memory_space<vmem>>, vector<1x16xf32>,
      %mul3A_654 = arith.mulf %add3A_646, %get3A_36 : vector<16xf32>
      %add3A_655 = arith.addf %get3A_614, %mul3A_654 : vector<16xf32>
      %swap3A_656 = arith.index_cast %add3A_606 : i32 to index
      %swap3A_657 = arith.constant 16 : index
      %swap3A_658 = tpu.vector_load %arg8[%swap3A_656, %swap3A_657] {strides = array<i32>} : memref<128x64xf32, #tpu.memory_space<vmem>>, vector<1x16xf32>,
      %swap3A_659 = vector.shape_cast %swap3A_658 : vector<1x16xf32> to vector<16xf32>
      %swap3A_660 = vector.shape_cast %add3A_655 : vector<16xf32> to vector<1x16xf32>
      tpu.vector_store %arg8[%swap3A_656, %swap3A_657], %swap3A_660 {strides = array<i32>} : memref<128x64xf32, #tpu.memory_space<vmem>>, vector<1x16xf32>,
      %mul3A_661 = arith.mulf %add3A_646, %get3A_41 : vector<16xf32>
      %add3A_662 = arith.addf %get3A_618, %mul3A_661 : vector<16xf32>
      %swap3A_663 = arith.index_cast %add3A_606 : i32 to index
      %swap3A_664 = arith.constant 32 : index
      %swap3A_665 = tpu.vector_load %arg8[%swap3A_663, %swap3A_664] {strides = array<i32>} : memref<128x64xf32, #tpu.memory_space<vmem>>, vector<1x16xf32>,
      %swap3A_666 = vector.shape_cast %swap3A_665 : vector<1x16xf32> to vector<16xf32>
      %swap3A_667 = vector.shape_cast %add3A_662 : vector<16xf32> to vector<1x16xf32>
      tpu.vector_store %arg8[%swap3A_663, %swap3A_664], %swap3A_667 {strides = array<i32>} : memref<128x64xf32, #tpu.memory_space<vmem>>, vector<1x16xf32>,
      %mul3A_668 = arith.mulf %add3A_646, %get3A_46 : vector<16xf32>
      %add3A_669 = arith.addf %get3A_622, %mul3A_668 : vector<16xf32>
      %swap3A_670 = arith.index_cast %add3A_606 : i32 to index
      %swap3A_671 = arith.constant 48 : index
      %swap3A_672 = tpu.vector_load %arg8[%swap3A_670, %swap3A_671] {strides = array<i32>} : memref<128x64xf32, #tpu.memory_space<vmem>>, vector<1x16xf32>,
      %swap3A_673 = vector.shape_cast %swap3A_672 : vector<1x16xf32> to vector<16xf32>
      %swap3A_674 = vector.shape_cast %add3A_669 : vector<16xf32> to vector<1x16xf32>
      tpu.vector_store %arg8[%swap3A_670, %swap3A_671], %swap3A_674 {strides = array<i32>} : memref<128x64xf32, #tpu.memory_space<vmem>>, vector<1x16xf32>,
    }
    %scan3A_432 = arith.constant 64 : i32
    %add3A_433 = arith.constant 49152 : i32
    %add3A_434 = arith.addi %mul3A_2, %add3A_433 : i32
    %dma_start3A_435 = arith.constant 0 : i32
    %dma_start3A_436 = tpu.memref_slice %arg4[%add3A_434, %dma_start3A_435] : memref<65536x64xf32, #tpu.memory_space<hbm>> -> memref<128x64xf32, #tpu.memory_space<hbm>>
    %dma_start3A_437 = arith.constant 0 : i32
    %dma_start3A_438 = tpu.memref_slice %arg4[%add3A_434, %dma_start3A_437] : memref<65536x64xf32, #tpu.memory_space<hbm>> -> memref<128x64xf32, #tpu.memory_space<hbm>>
    tpu.enqueue_dma source(%arg8 : memref<128x64xf32, #tpu.memory_space<vmem>>) target(%dma_start3A_438 : memref<128x64xf32, #tpu.memory_space<hbm>>) target_semaphore(%arg15 : memref<!tpu.dma_semaphore, #tpu.memory_space<semaphore_mem>>)
    %add3A_439 = arith.constant 61440 : i32
    %add3A_440 = arith.addi %mul3A_2, %add3A_439 : i32
    %dma_start3A_441 = arith.constant 0 : i32
    %dma_start3A_442 = tpu.memref_slice %arg2[%add3A_440, %dma_start3A_441] : memref<65536x64xf32, #tpu.memory_space<hbm>> -> memref<128x64xf32, #tpu.memory_space<hbm>>
    %dma_start3A_443 = arith.constant 0 : i32
    %dma_start3A_444 = tpu.memref_slice %arg2[%add3A_440, %dma_start3A_443] : memref<65536x64xf32, #tpu.memory_space<hbm>> -> memref<128x64xf32, #tpu.memory_space<hbm>>
    tpu.enqueue_dma source(%dma_start3A_444 : memref<128x64xf32, #tpu.memory_space<hbm>>) target(%arg5 : memref<128x64xf32, #tpu.memory_space<vmem>>) target_semaphore(%arg12 : memref<!tpu.dma_semaphore, #tpu.memory_space<semaphore_mem>>)
    %add3A_445 = arith.constant 53248 : i32
    %add3A_446 = arith.addi %mul3A_2, %add3A_445 : i32
    %dma_wait3A_447 = arith.constant 0 : i32
    %dma_wait3A_448 = tpu.memref_slice %arg2[%add3A_446, %dma_wait3A_447] : memref<65536x64xf32, #tpu.memory_space<hbm>> -> memref<128x64xf32, #tpu.memory_space<hbm>>
    %dma_wait3A_449 = arith.constant 0 : i32
    %dma_wait3A_450 = tpu.memref_slice %arg2[%add3A_446, %dma_wait3A_449] : memref<65536x64xf32, #tpu.memory_space<hbm>> -> memref<128x64xf32, #tpu.memory_space<hbm>>
    tpu.wait_dma2 semaphore(%arg13 : memref<!tpu.dma_semaphore, #tpu.memory_space<semaphore_mem>>) src(%dma_wait3A_450 : memref<128x64xf32, #tpu.memory_space<hbm>>) dst(%arg6 : memref<128x64xf32, #tpu.memory_space<vmem>>)
    %add3A_451 = arith.constant 40960 : i32
    %add3A_452 = arith.addi %mul3A_2, %add3A_451 : i32
    %dma_wait3A_453 = arith.constant 0 : i32
    %dma_wait3A_454 = tpu.memref_slice %arg4[%add3A_452, %dma_wait3A_453] : memref<65536x64xf32, #tpu.memory_space<hbm>> -> memref<128x64xf32, #tpu.memory_space<hbm>>
    %dma_wait3A_455 = arith.constant 0 : i32
    %dma_wait3A_456 = tpu.memref_slice %arg4[%add3A_452, %dma_wait3A_455] : memref<65536x64xf32, #tpu.memory_space<hbm>> -> memref<128x64xf32, #tpu.memory_space<hbm>>
    tpu.wait_dma2 semaphore(%arg16 : memref<!tpu.dma_semaphore, #tpu.memory_space<semaphore_mem>>) src(%arg9 : memref<128x64xf32, #tpu.memory_space<vmem>>) dst(%dma_wait3A_456 : memref<128x64xf32, #tpu.memory_space<hbm>>)
    %scan3A_457 = arith.constant 0 : i32
    %scan3A_458 = arith.constant 0 : i32
    %scan3A_459 = arith.constant 64 : i32
    %scan3A_460 = arith.addi %scan3A_458, %scan3A_459 : i32
    %scan3A_461 = arith.constant 1 : i32
    scf.for %scan3A_535 = %scan3A_458 to %scan3A_460 step %scan3A_461  : i32 {
      %mul3A_536 = arith.constant 2 : i32
      %mul3A_537 = arith.muli %scan3A_535, %mul3A_536 : i32
      %add3A_538 = arith.constant 0 : i32
      %add3A_539 = arith.addi %mul3A_537, %add3A_538 : i32
      %get3A_540 = arith.index_cast %add3A_539 : i32 to index
      %get3A_541 = arith.constant 0 : index
      %get3A_542 = tpu.vector_load %arg6[%get3A_540, %get3A_541] {strides = array<i32>} : memref<128x64xf32, #tpu.memory_space<vmem>>, vector<1x16xf32>,
      %get3A_543 = vector.shape_cast %get3A_542 : vector<1x16xf32> to vector<16xf32>
      %get3A_544 = arith.index_cast %add3A_539 : i32 to index
      %get3A_545 = arith.constant 16 : index
      %get3A_546 = tpu.vector_load %arg6[%get3A_544, %get3A_545] {strides = array<i32>} : memref<128x64xf32, #tpu.memory_space<vmem>>, vector<1x16xf32>,
      %get3A_547 = vector.shape_cast %get3A_546 : vector<1x16xf32> to vector<16xf32>
      %get3A_548 = arith.index_cast %add3A_539 : i32 to index
      %get3A_549 = arith.constant 32 : index
      %get3A_550 = tpu.vector_load %arg6[%get3A_548, %get3A_549] {strides = array<i32>} : memref<128x64xf32, #tpu.memory_space<vmem>>, vector<1x16xf32>,
      %get3A_551 = vector.shape_cast %get3A_550 : vector<1x16xf32> to vector<16xf32>
      %get3A_552 = arith.index_cast %add3A_539 : i32 to index
      %get3A_553 = arith.constant 48 : index
      %get3A_554 = tpu.vector_load %arg6[%get3A_552, %get3A_553] {strides = array<i32>} : memref<128x64xf32, #tpu.memory_space<vmem>>, vector<1x16xf32>,
      %get3A_555 = vector.shape_cast %get3A_554 : vector<1x16xf32> to vector<16xf32>
      %mul3A_556 = arith.mulf %get3A_543, %get3A_6 : vector<16xf32>
      %mul3A_557 = arith.mulf %get3A_547, %get3A_11 : vector<16xf32>
      %mul3A_558 = arith.mulf %get3A_551, %get3A_16 : vector<16xf32>
      %mul3A_559 = arith.mulf %get3A_555, %get3A_21 : vector<16xf32>
      %add3A_560 = arith.addf %mul3A_556, %mul3A_557 : vector<16xf32>
      %add3A_561 = arith.addf %mul3A_558, %mul3A_559 : vector<16xf32>
      %add3A_562 = arith.addf %add3A_560, %add3A_561 : vector<16xf32>
      %add3A_563 = arith.addf %add3A_562, %get3A_26 : vector<16xf32>
      %broadcast_in_dim3A = vector.shape_cast %xor3A_48 : vector<16xi32> to vector<16x1xi32>
      %gather3A = vector.shape_cast %broadcast_in_dim3A : vector<16x1xi32> to vector<16xi32>
      %gather3A_564 = tpu.dynamic_gather %add3A_563[%gather3A] in [0] : vector<16xf32>, vector<16xi32> -> vector<16xf32>
      %add3A_565 = arith.addf %add3A_563, %gather3A_564 : vector<16xf32>
      %broadcast_in_dim3A_566 = vector.shape_cast %xor3A_51 : vector<16xi32> to vector<16x1xi32>
      %gather3A_567 = vector.shape_cast %broadcast_in_dim3A_566 : vector<16x1xi32> to vector<16xi32>
      %gather3A_568 = tpu.dynamic_gather %add3A_565[%gather3A_567] in [0] : vector<16xf32>, vector<16xi32> -> vector<16xf32>
      %add3A_569 = arith.addf %add3A_565, %gather3A_568 : vector<16xf32>
      %broadcast_in_dim3A_570 = vector.shape_cast %xor3A_54 : vector<16xi32> to vector<16x1xi32>
      %gather3A_571 = vector.shape_cast %broadcast_in_dim3A_570 : vector<16x1xi32> to vector<16xi32>
      %gather3A_572 = tpu.dynamic_gather %add3A_569[%gather3A_571] in [0] : vector<16xf32>, vector<16xi32> -> vector<16xf32>
      %add3A_573 = arith.addf %add3A_569, %gather3A_572 : vector<16xf32>
      %broadcast_in_dim3A_574 = vector.shape_cast %xor3A_57 : vector<16xi32> to vector<16x1xi32>
      %gather3A_575 = vector.shape_cast %broadcast_in_dim3A_574 : vector<16x1xi32> to vector<16xi32>
      %gather3A_576 = tpu.dynamic_gather %add3A_573[%gather3A_575] in [0] : vector<16xf32>, vector<16xi32> -> vector<16xf32>
      %add3A_577 = arith.addf %add3A_573, %gather3A_576 : vector<16xf32>
      %mul3A_578 = arith.mulf %add3A_577, %get3A_31 : vector<16xf32>
      %add3A_579 = arith.addf %get3A_543, %mul3A_578 : vector<16xf32>
      %swap3A = arith.index_cast %add3A_539 : i32 to index
      %swap3A_580 = arith.constant 0 : index
      %swap3A_581 = tpu.vector_load %arg9[%swap3A, %swap3A_580] {strides = array<i32>} : memref<128x64xf32, #tpu.memory_space<vmem>>, vector<1x16xf32>,
      %swap3A_582 = vector.shape_cast %swap3A_581 : vector<1x16xf32> to vector<16xf32>
      %swap3A_583 = vector.shape_cast %add3A_579 : vector<16xf32> to vector<1x16xf32>
      tpu.vector_store %arg9[%swap3A, %swap3A_580], %swap3A_583 {strides = array<i32>} : memref<128x64xf32, #tpu.memory_space<vmem>>, vector<1x16xf32>,
      %mul3A_584 = arith.mulf %add3A_577, %get3A_36 : vector<16xf32>
      %add3A_585 = arith.addf %get3A_547, %mul3A_584 : vector<16xf32>
      %swap3A_586 = arith.index_cast %add3A_539 : i32 to index
      %swap3A_587 = arith.constant 16 : index
      %swap3A_588 = tpu.vector_load %arg9[%swap3A_586, %swap3A_587] {strides = array<i32>} : memref<128x64xf32, #tpu.memory_space<vmem>>, vector<1x16xf32>,
      %swap3A_589 = vector.shape_cast %swap3A_588 : vector<1x16xf32> to vector<16xf32>
      %swap3A_590 = vector.shape_cast %add3A_585 : vector<16xf32> to vector<1x16xf32>
      tpu.vector_store %arg9[%swap3A_586, %swap3A_587], %swap3A_590 {strides = array<i32>} : memref<128x64xf32, #tpu.memory_space<vmem>>, vector<1x16xf32>,
      %mul3A_591 = arith.mulf %add3A_577, %get3A_41 : vector<16xf32>
      %add3A_592 = arith.addf %get3A_551, %mul3A_591 : vector<16xf32>
      %swap3A_593 = arith.index_cast %add3A_539 : i32 to index
      %swap3A_594 = arith.constant 32 : index
      %swap3A_595 = tpu.vector_load %arg9[%swap3A_593, %swap3A_594] {strides = array<i32>} : memref<128x64xf32, #tpu.memory_space<vmem>>, vector<1x16xf32>,
      %swap3A_596 = vector.shape_cast %swap3A_595 : vector<1x16xf32> to vector<16xf32>
      %swap3A_597 = vector.shape_cast %add3A_592 : vector<16xf32> to vector<1x16xf32>
      tpu.vector_store %arg9[%swap3A_593, %swap3A_594], %swap3A_597 {strides = array<i32>} : memref<128x64xf32, #tpu.memory_space<vmem>>, vector<1x16xf32>,
      %mul3A_598 = arith.mulf %add3A_577, %get3A_46 : vector<16xf32>
      %add3A_599 = arith.addf %get3A_555, %mul3A_598 : vector<16xf32>
      %swap3A_600 = arith.index_cast %add3A_539 : i32 to index
      %swap3A_601 = arith.constant 48 : index
      %swap3A_602 = tpu.vector_load %arg9[%swap3A_600, %swap3A_601] {strides = array<i32>} : memref<128x64xf32, #tpu.memory_space<vmem>>, vector<1x16xf32>,
      %swap3A_603 = vector.shape_cast %swap3A_602 : vector<1x16xf32> to vector<16xf32>
      %swap3A_604 = vector.shape_cast %add3A_599 : vector<16xf32> to vector<1x16xf32>
      tpu.vector_store %arg9[%swap3A_600, %swap3A_601], %swap3A_604 {strides = array<i32>} : memref<128x64xf32, #tpu.memory_space<vmem>>, vector<1x16xf32>,
      %add3A_605 = arith.constant 1 : i32
      %add3A_606 = arith.addi %mul3A_537, %add3A_605 : i32
      %get3A_607 = arith.index_cast %add3A_606 : i32 to index
      %get3A_608 = arith.constant 0 : index
      %get3A_609 = tpu.vector_load %arg6[%get3A_607, %get3A_608] {strides = array<i32>} : memref<128x64xf32, #tpu.memory_space<vmem>>, vector<1x16xf32>,
      %get3A_610 = vector.shape_cast %get3A_609 : vector<1x16xf32> to vector<16xf32>
      %get3A_611 = arith.index_cast %add3A_606 : i32 to index
      %get3A_612 = arith.constant 16 : index
      %get3A_613 = tpu.vector_load %arg6[%get3A_611, %get3A_612] {strides = array<i32>} : memref<128x64xf32, #tpu.memory_space<vmem>>, vector<1x16xf32>,
      %get3A_614 = vector.shape_cast %get3A_613 : vector<1x16xf32> to vector<16xf32>
      %get3A_615 = arith.index_cast %add3A_606 : i32 to index
      %get3A_616 = arith.constant 32 : index
      %get3A_617 = tpu.vector_load %arg6[%get3A_615, %get3A_616] {strides = array<i32>} : memref<128x64xf32, #tpu.memory_space<vmem>>, vector<1x16xf32>,
      %get3A_618 = vector.shape_cast %get3A_617 : vector<1x16xf32> to vector<16xf32>
      %get3A_619 = arith.index_cast %add3A_606 : i32 to index
      %get3A_620 = arith.constant 48 : index
      %get3A_621 = tpu.vector_load %arg6[%get3A_619, %get3A_620] {strides = array<i32>} : memref<128x64xf32, #tpu.memory_space<vmem>>, vector<1x16xf32>,
      %get3A_622 = vector.shape_cast %get3A_621 : vector<1x16xf32> to vector<16xf32>
      %mul3A_623 = arith.mulf %get3A_610, %get3A_6 : vector<16xf32>
      %mul3A_624 = arith.mulf %get3A_614, %get3A_11 : vector<16xf32>
      %mul3A_625 = arith.mulf %get3A_618, %get3A_16 : vector<16xf32>
      %mul3A_626 = arith.mulf %get3A_622, %get3A_21 : vector<16xf32>
      %add3A_627 = arith.addf %mul3A_623, %mul3A_624 : vector<16xf32>
      %add3A_628 = arith.addf %mul3A_625, %mul3A_626 : vector<16xf32>
      %add3A_629 = arith.addf %add3A_627, %add3A_628 : vector<16xf32>
      %add3A_630 = arith.addf %add3A_629, %get3A_26 : vector<16xf32>
      %broadcast_in_dim3A_631 = vector.shape_cast %xor3A_48 : vector<16xi32> to vector<16x1xi32>
      %gather3A_632 = vector.shape_cast %broadcast_in_dim3A_631 : vector<16x1xi32> to vector<16xi32>
      %gather3A_633 = tpu.dynamic_gather %add3A_630[%gather3A_632] in [0] : vector<16xf32>, vector<16xi32> -> vector<16xf32>
      %add3A_634 = arith.addf %add3A_630, %gather3A_633 : vector<16xf32>
      %broadcast_in_dim3A_635 = vector.shape_cast %xor3A_51 : vector<16xi32> to vector<16x1xi32>
      %gather3A_636 = vector.shape_cast %broadcast_in_dim3A_635 : vector<16x1xi32> to vector<16xi32>
      %gather3A_637 = tpu.dynamic_gather %add3A_634[%gather3A_636] in [0] : vector<16xf32>, vector<16xi32> -> vector<16xf32>
      %add3A_638 = arith.addf %add3A_634, %gather3A_637 : vector<16xf32>
      %broadcast_in_dim3A_639 = vector.shape_cast %xor3A_54 : vector<16xi32> to vector<16x1xi32>
      %gather3A_640 = vector.shape_cast %broadcast_in_dim3A_639 : vector<16x1xi32> to vector<16xi32>
      %gather3A_641 = tpu.dynamic_gather %add3A_638[%gather3A_640] in [0] : vector<16xf32>, vector<16xi32> -> vector<16xf32>
      %add3A_642 = arith.addf %add3A_638, %gather3A_641 : vector<16xf32>
      %broadcast_in_dim3A_643 = vector.shape_cast %xor3A_57 : vector<16xi32> to vector<16x1xi32>
      %gather3A_644 = vector.shape_cast %broadcast_in_dim3A_643 : vector<16x1xi32> to vector<16xi32>
      %gather3A_645 = tpu.dynamic_gather %add3A_642[%gather3A_644] in [0] : vector<16xf32>, vector<16xi32> -> vector<16xf32>
      %add3A_646 = arith.addf %add3A_642, %gather3A_645 : vector<16xf32>
      %mul3A_647 = arith.mulf %add3A_646, %get3A_31 : vector<16xf32>
      %add3A_648 = arith.addf %get3A_610, %mul3A_647 : vector<16xf32>
      %swap3A_649 = arith.index_cast %add3A_606 : i32 to index
      %swap3A_650 = arith.constant 0 : index
      %swap3A_651 = tpu.vector_load %arg9[%swap3A_649, %swap3A_650] {strides = array<i32>} : memref<128x64xf32, #tpu.memory_space<vmem>>, vector<1x16xf32>,
      %swap3A_652 = vector.shape_cast %swap3A_651 : vector<1x16xf32> to vector<16xf32>
      %swap3A_653 = vector.shape_cast %add3A_648 : vector<16xf32> to vector<1x16xf32>
      tpu.vector_store %arg9[%swap3A_649, %swap3A_650], %swap3A_653 {strides = array<i32>} : memref<128x64xf32, #tpu.memory_space<vmem>>, vector<1x16xf32>,
      %mul3A_654 = arith.mulf %add3A_646, %get3A_36 : vector<16xf32>
      %add3A_655 = arith.addf %get3A_614, %mul3A_654 : vector<16xf32>
      %swap3A_656 = arith.index_cast %add3A_606 : i32 to index
      %swap3A_657 = arith.constant 16 : index
      %swap3A_658 = tpu.vector_load %arg9[%swap3A_656, %swap3A_657] {strides = array<i32>} : memref<128x64xf32, #tpu.memory_space<vmem>>, vector<1x16xf32>,
      %swap3A_659 = vector.shape_cast %swap3A_658 : vector<1x16xf32> to vector<16xf32>
      %swap3A_660 = vector.shape_cast %add3A_655 : vector<16xf32> to vector<1x16xf32>
      tpu.vector_store %arg9[%swap3A_656, %swap3A_657], %swap3A_660 {strides = array<i32>} : memref<128x64xf32, #tpu.memory_space<vmem>>, vector<1x16xf32>,
      %mul3A_661 = arith.mulf %add3A_646, %get3A_41 : vector<16xf32>
      %add3A_662 = arith.addf %get3A_618, %mul3A_661 : vector<16xf32>
      %swap3A_663 = arith.index_cast %add3A_606 : i32 to index
      %swap3A_664 = arith.constant 32 : index
      %swap3A_665 = tpu.vector_load %arg9[%swap3A_663, %swap3A_664] {strides = array<i32>} : memref<128x64xf32, #tpu.memory_space<vmem>>, vector<1x16xf32>,
      %swap3A_666 = vector.shape_cast %swap3A_665 : vector<1x16xf32> to vector<16xf32>
      %swap3A_667 = vector.shape_cast %add3A_662 : vector<16xf32> to vector<1x16xf32>
      tpu.vector_store %arg9[%swap3A_663, %swap3A_664], %swap3A_667 {strides = array<i32>} : memref<128x64xf32, #tpu.memory_space<vmem>>, vector<1x16xf32>,
      %mul3A_668 = arith.mulf %add3A_646, %get3A_46 : vector<16xf32>
      %add3A_669 = arith.addf %get3A_622, %mul3A_668 : vector<16xf32>
      %swap3A_670 = arith.index_cast %add3A_606 : i32 to index
      %swap3A_671 = arith.constant 48 : index
      %swap3A_672 = tpu.vector_load %arg9[%swap3A_670, %swap3A_671] {strides = array<i32>} : memref<128x64xf32, #tpu.memory_space<vmem>>, vector<1x16xf32>,
      %swap3A_673 = vector.shape_cast %swap3A_672 : vector<1x16xf32> to vector<16xf32>
      %swap3A_674 = vector.shape_cast %add3A_669 : vector<16xf32> to vector<1x16xf32>
      tpu.vector_store %arg9[%swap3A_670, %swap3A_671], %swap3A_674 {strides = array<i32>} : memref<128x64xf32, #tpu.memory_space<vmem>>, vector<1x16xf32>,
    }
    %scan3A_462 = arith.constant 64 : i32
    %add3A_463 = arith.constant 53248 : i32
    %add3A_464 = arith.addi %mul3A_2, %add3A_463 : i32
    %dma_start3A_465 = arith.constant 0 : i32
    %dma_start3A_466 = tpu.memref_slice %arg4[%add3A_464, %dma_start3A_465] : memref<65536x64xf32, #tpu.memory_space<hbm>> -> memref<128x64xf32, #tpu.memory_space<hbm>>
    %dma_start3A_467 = arith.constant 0 : i32
    %dma_start3A_468 = tpu.memref_slice %arg4[%add3A_464, %dma_start3A_467] : memref<65536x64xf32, #tpu.memory_space<hbm>> -> memref<128x64xf32, #tpu.memory_space<hbm>>
    tpu.enqueue_dma source(%arg9 : memref<128x64xf32, #tpu.memory_space<vmem>>) target(%dma_start3A_468 : memref<128x64xf32, #tpu.memory_space<hbm>>) target_semaphore(%arg16 : memref<!tpu.dma_semaphore, #tpu.memory_space<semaphore_mem>>)
    %add3A_469 = arith.constant 57344 : i32
    %add3A_470 = arith.addi %mul3A_2, %add3A_469 : i32
    %dma_wait3A_471 = arith.constant 0 : i32
    %dma_wait3A_472 = tpu.memref_slice %arg2[%add3A_470, %dma_wait3A_471] : memref<65536x64xf32, #tpu.memory_space<hbm>> -> memref<128x64xf32, #tpu.memory_space<hbm>>
    %dma_wait3A_473 = arith.constant 0 : i32
    %dma_wait3A_474 = tpu.memref_slice %arg2[%add3A_470, %dma_wait3A_473] : memref<65536x64xf32, #tpu.memory_space<hbm>> -> memref<128x64xf32, #tpu.memory_space<hbm>>
    tpu.wait_dma2 semaphore(%arg14 : memref<!tpu.dma_semaphore, #tpu.memory_space<semaphore_mem>>) src(%dma_wait3A_474 : memref<128x64xf32, #tpu.memory_space<hbm>>) dst(%arg7 : memref<128x64xf32, #tpu.memory_space<vmem>>)
    %add3A_475 = arith.constant 45056 : i32
    %add3A_476 = arith.addi %mul3A_2, %add3A_475 : i32
    %dma_wait3A_477 = arith.constant 0 : i32
    %dma_wait3A_478 = tpu.memref_slice %arg4[%add3A_476, %dma_wait3A_477] : memref<65536x64xf32, #tpu.memory_space<hbm>> -> memref<128x64xf32, #tpu.memory_space<hbm>>
    %dma_wait3A_479 = arith.constant 0 : i32
    %dma_wait3A_480 = tpu.memref_slice %arg4[%add3A_476, %dma_wait3A_479] : memref<65536x64xf32, #tpu.memory_space<hbm>> -> memref<128x64xf32, #tpu.memory_space<hbm>>
    tpu.wait_dma2 semaphore(%arg17 : memref<!tpu.dma_semaphore, #tpu.memory_space<semaphore_mem>>) src(%arg10 : memref<128x64xf32, #tpu.memory_space<vmem>>) dst(%dma_wait3A_480 : memref<128x64xf32, #tpu.memory_space<hbm>>)
    %scan3A_481 = arith.constant 0 : i32
    %scan3A_482 = arith.constant 0 : i32
    %scan3A_483 = arith.constant 64 : i32
    %scan3A_484 = arith.addi %scan3A_482, %scan3A_483 : i32
    %scan3A_485 = arith.constant 1 : i32
    scf.for %scan3A_535 = %scan3A_482 to %scan3A_484 step %scan3A_485  : i32 {
      %mul3A_536 = arith.constant 2 : i32
      %mul3A_537 = arith.muli %scan3A_535, %mul3A_536 : i32
      %add3A_538 = arith.constant 0 : i32
      %add3A_539 = arith.addi %mul3A_537, %add3A_538 : i32
      %get3A_540 = arith.index_cast %add3A_539 : i32 to index
      %get3A_541 = arith.constant 0 : index
      %get3A_542 = tpu.vector_load %arg7[%get3A_540, %get3A_541] {strides = array<i32>} : memref<128x64xf32, #tpu.memory_space<vmem>>, vector<1x16xf32>,
      %get3A_543 = vector.shape_cast %get3A_542 : vector<1x16xf32> to vector<16xf32>
      %get3A_544 = arith.index_cast %add3A_539 : i32 to index
      %get3A_545 = arith.constant 16 : index
      %get3A_546 = tpu.vector_load %arg7[%get3A_544, %get3A_545] {strides = array<i32>} : memref<128x64xf32, #tpu.memory_space<vmem>>, vector<1x16xf32>,
      %get3A_547 = vector.shape_cast %get3A_546 : vector<1x16xf32> to vector<16xf32>
      %get3A_548 = arith.index_cast %add3A_539 : i32 to index
      %get3A_549 = arith.constant 32 : index
      %get3A_550 = tpu.vector_load %arg7[%get3A_548, %get3A_549] {strides = array<i32>} : memref<128x64xf32, #tpu.memory_space<vmem>>, vector<1x16xf32>,
      %get3A_551 = vector.shape_cast %get3A_550 : vector<1x16xf32> to vector<16xf32>
      %get3A_552 = arith.index_cast %add3A_539 : i32 to index
      %get3A_553 = arith.constant 48 : index
      %get3A_554 = tpu.vector_load %arg7[%get3A_552, %get3A_553] {strides = array<i32>} : memref<128x64xf32, #tpu.memory_space<vmem>>, vector<1x16xf32>,
      %get3A_555 = vector.shape_cast %get3A_554 : vector<1x16xf32> to vector<16xf32>
      %mul3A_556 = arith.mulf %get3A_543, %get3A_6 : vector<16xf32>
      %mul3A_557 = arith.mulf %get3A_547, %get3A_11 : vector<16xf32>
      %mul3A_558 = arith.mulf %get3A_551, %get3A_16 : vector<16xf32>
      %mul3A_559 = arith.mulf %get3A_555, %get3A_21 : vector<16xf32>
      %add3A_560 = arith.addf %mul3A_556, %mul3A_557 : vector<16xf32>
      %add3A_561 = arith.addf %mul3A_558, %mul3A_559 : vector<16xf32>
      %add3A_562 = arith.addf %add3A_560, %add3A_561 : vector<16xf32>
      %add3A_563 = arith.addf %add3A_562, %get3A_26 : vector<16xf32>
      %broadcast_in_dim3A = vector.shape_cast %xor3A_48 : vector<16xi32> to vector<16x1xi32>
      %gather3A = vector.shape_cast %broadcast_in_dim3A : vector<16x1xi32> to vector<16xi32>
      %gather3A_564 = tpu.dynamic_gather %add3A_563[%gather3A] in [0] : vector<16xf32>, vector<16xi32> -> vector<16xf32>
      %add3A_565 = arith.addf %add3A_563, %gather3A_564 : vector<16xf32>
      %broadcast_in_dim3A_566 = vector.shape_cast %xor3A_51 : vector<16xi32> to vector<16x1xi32>
      %gather3A_567 = vector.shape_cast %broadcast_in_dim3A_566 : vector<16x1xi32> to vector<16xi32>
      %gather3A_568 = tpu.dynamic_gather %add3A_565[%gather3A_567] in [0] : vector<16xf32>, vector<16xi32> -> vector<16xf32>
      %add3A_569 = arith.addf %add3A_565, %gather3A_568 : vector<16xf32>
      %broadcast_in_dim3A_570 = vector.shape_cast %xor3A_54 : vector<16xi32> to vector<16x1xi32>
      %gather3A_571 = vector.shape_cast %broadcast_in_dim3A_570 : vector<16x1xi32> to vector<16xi32>
      %gather3A_572 = tpu.dynamic_gather %add3A_569[%gather3A_571] in [0] : vector<16xf32>, vector<16xi32> -> vector<16xf32>
      %add3A_573 = arith.addf %add3A_569, %gather3A_572 : vector<16xf32>
      %broadcast_in_dim3A_574 = vector.shape_cast %xor3A_57 : vector<16xi32> to vector<16x1xi32>
      %gather3A_575 = vector.shape_cast %broadcast_in_dim3A_574 : vector<16x1xi32> to vector<16xi32>
      %gather3A_576 = tpu.dynamic_gather %add3A_573[%gather3A_575] in [0] : vector<16xf32>, vector<16xi32> -> vector<16xf32>
      %add3A_577 = arith.addf %add3A_573, %gather3A_576 : vector<16xf32>
      %mul3A_578 = arith.mulf %add3A_577, %get3A_31 : vector<16xf32>
      %add3A_579 = arith.addf %get3A_543, %mul3A_578 : vector<16xf32>
      %swap3A = arith.index_cast %add3A_539 : i32 to index
      %swap3A_580 = arith.constant 0 : index
      %swap3A_581 = tpu.vector_load %arg10[%swap3A, %swap3A_580] {strides = array<i32>} : memref<128x64xf32, #tpu.memory_space<vmem>>, vector<1x16xf32>,
      %swap3A_582 = vector.shape_cast %swap3A_581 : vector<1x16xf32> to vector<16xf32>
      %swap3A_583 = vector.shape_cast %add3A_579 : vector<16xf32> to vector<1x16xf32>
      tpu.vector_store %arg10[%swap3A, %swap3A_580], %swap3A_583 {strides = array<i32>} : memref<128x64xf32, #tpu.memory_space<vmem>>, vector<1x16xf32>,
      %mul3A_584 = arith.mulf %add3A_577, %get3A_36 : vector<16xf32>
      %add3A_585 = arith.addf %get3A_547, %mul3A_584 : vector<16xf32>
      %swap3A_586 = arith.index_cast %add3A_539 : i32 to index
      %swap3A_587 = arith.constant 16 : index
      %swap3A_588 = tpu.vector_load %arg10[%swap3A_586, %swap3A_587] {strides = array<i32>} : memref<128x64xf32, #tpu.memory_space<vmem>>, vector<1x16xf32>,
      %swap3A_589 = vector.shape_cast %swap3A_588 : vector<1x16xf32> to vector<16xf32>
      %swap3A_590 = vector.shape_cast %add3A_585 : vector<16xf32> to vector<1x16xf32>
      tpu.vector_store %arg10[%swap3A_586, %swap3A_587], %swap3A_590 {strides = array<i32>} : memref<128x64xf32, #tpu.memory_space<vmem>>, vector<1x16xf32>,
      %mul3A_591 = arith.mulf %add3A_577, %get3A_41 : vector<16xf32>
      %add3A_592 = arith.addf %get3A_551, %mul3A_591 : vector<16xf32>
      %swap3A_593 = arith.index_cast %add3A_539 : i32 to index
      %swap3A_594 = arith.constant 32 : index
      %swap3A_595 = tpu.vector_load %arg10[%swap3A_593, %swap3A_594] {strides = array<i32>} : memref<128x64xf32, #tpu.memory_space<vmem>>, vector<1x16xf32>,
      %swap3A_596 = vector.shape_cast %swap3A_595 : vector<1x16xf32> to vector<16xf32>
      %swap3A_597 = vector.shape_cast %add3A_592 : vector<16xf32> to vector<1x16xf32>
      tpu.vector_store %arg10[%swap3A_593, %swap3A_594], %swap3A_597 {strides = array<i32>} : memref<128x64xf32, #tpu.memory_space<vmem>>, vector<1x16xf32>,
      %mul3A_598 = arith.mulf %add3A_577, %get3A_46 : vector<16xf32>
      %add3A_599 = arith.addf %get3A_555, %mul3A_598 : vector<16xf32>
      %swap3A_600 = arith.index_cast %add3A_539 : i32 to index
      %swap3A_601 = arith.constant 48 : index
      %swap3A_602 = tpu.vector_load %arg10[%swap3A_600, %swap3A_601] {strides = array<i32>} : memref<128x64xf32, #tpu.memory_space<vmem>>, vector<1x16xf32>,
      %swap3A_603 = vector.shape_cast %swap3A_602 : vector<1x16xf32> to vector<16xf32>
      %swap3A_604 = vector.shape_cast %add3A_599 : vector<16xf32> to vector<1x16xf32>
      tpu.vector_store %arg10[%swap3A_600, %swap3A_601], %swap3A_604 {strides = array<i32>} : memref<128x64xf32, #tpu.memory_space<vmem>>, vector<1x16xf32>,
      %add3A_605 = arith.constant 1 : i32
      %add3A_606 = arith.addi %mul3A_537, %add3A_605 : i32
      %get3A_607 = arith.index_cast %add3A_606 : i32 to index
      %get3A_608 = arith.constant 0 : index
      %get3A_609 = tpu.vector_load %arg7[%get3A_607, %get3A_608] {strides = array<i32>} : memref<128x64xf32, #tpu.memory_space<vmem>>, vector<1x16xf32>,
      %get3A_610 = vector.shape_cast %get3A_609 : vector<1x16xf32> to vector<16xf32>
      %get3A_611 = arith.index_cast %add3A_606 : i32 to index
      %get3A_612 = arith.constant 16 : index
      %get3A_613 = tpu.vector_load %arg7[%get3A_611, %get3A_612] {strides = array<i32>} : memref<128x64xf32, #tpu.memory_space<vmem>>, vector<1x16xf32>,
      %get3A_614 = vector.shape_cast %get3A_613 : vector<1x16xf32> to vector<16xf32>
      %get3A_615 = arith.index_cast %add3A_606 : i32 to index
      %get3A_616 = arith.constant 32 : index
      %get3A_617 = tpu.vector_load %arg7[%get3A_615, %get3A_616] {strides = array<i32>} : memref<128x64xf32, #tpu.memory_space<vmem>>, vector<1x16xf32>,
      %get3A_618 = vector.shape_cast %get3A_617 : vector<1x16xf32> to vector<16xf32>
      %get3A_619 = arith.index_cast %add3A_606 : i32 to index
      %get3A_620 = arith.constant 48 : index
      %get3A_621 = tpu.vector_load %arg7[%get3A_619, %get3A_620] {strides = array<i32>} : memref<128x64xf32, #tpu.memory_space<vmem>>, vector<1x16xf32>,
      %get3A_622 = vector.shape_cast %get3A_621 : vector<1x16xf32> to vector<16xf32>
      %mul3A_623 = arith.mulf %get3A_610, %get3A_6 : vector<16xf32>
      %mul3A_624 = arith.mulf %get3A_614, %get3A_11 : vector<16xf32>
      %mul3A_625 = arith.mulf %get3A_618, %get3A_16 : vector<16xf32>
      %mul3A_626 = arith.mulf %get3A_622, %get3A_21 : vector<16xf32>
      %add3A_627 = arith.addf %mul3A_623, %mul3A_624 : vector<16xf32>
      %add3A_628 = arith.addf %mul3A_625, %mul3A_626 : vector<16xf32>
      %add3A_629 = arith.addf %add3A_627, %add3A_628 : vector<16xf32>
      %add3A_630 = arith.addf %add3A_629, %get3A_26 : vector<16xf32>
      %broadcast_in_dim3A_631 = vector.shape_cast %xor3A_48 : vector<16xi32> to vector<16x1xi32>
      %gather3A_632 = vector.shape_cast %broadcast_in_dim3A_631 : vector<16x1xi32> to vector<16xi32>
      %gather3A_633 = tpu.dynamic_gather %add3A_630[%gather3A_632] in [0] : vector<16xf32>, vector<16xi32> -> vector<16xf32>
      %add3A_634 = arith.addf %add3A_630, %gather3A_633 : vector<16xf32>
      %broadcast_in_dim3A_635 = vector.shape_cast %xor3A_51 : vector<16xi32> to vector<16x1xi32>
      %gather3A_636 = vector.shape_cast %broadcast_in_dim3A_635 : vector<16x1xi32> to vector<16xi32>
      %gather3A_637 = tpu.dynamic_gather %add3A_634[%gather3A_636] in [0] : vector<16xf32>, vector<16xi32> -> vector<16xf32>
      %add3A_638 = arith.addf %add3A_634, %gather3A_637 : vector<16xf32>
      %broadcast_in_dim3A_639 = vector.shape_cast %xor3A_54 : vector<16xi32> to vector<16x1xi32>
      %gather3A_640 = vector.shape_cast %broadcast_in_dim3A_639 : vector<16x1xi32> to vector<16xi32>
      %gather3A_641 = tpu.dynamic_gather %add3A_638[%gather3A_640] in [0] : vector<16xf32>, vector<16xi32> -> vector<16xf32>
      %add3A_642 = arith.addf %add3A_638, %gather3A_641 : vector<16xf32>
      %broadcast_in_dim3A_643 = vector.shape_cast %xor3A_57 : vector<16xi32> to vector<16x1xi32>
      %gather3A_644 = vector.shape_cast %broadcast_in_dim3A_643 : vector<16x1xi32> to vector<16xi32>
      %gather3A_645 = tpu.dynamic_gather %add3A_642[%gather3A_644] in [0] : vector<16xf32>, vector<16xi32> -> vector<16xf32>
      %add3A_646 = arith.addf %add3A_642, %gather3A_645 : vector<16xf32>
      %mul3A_647 = arith.mulf %add3A_646, %get3A_31 : vector<16xf32>
      %add3A_648 = arith.addf %get3A_610, %mul3A_647 : vector<16xf32>
      %swap3A_649 = arith.index_cast %add3A_606 : i32 to index
      %swap3A_650 = arith.constant 0 : index
      %swap3A_651 = tpu.vector_load %arg10[%swap3A_649, %swap3A_650] {strides = array<i32>} : memref<128x64xf32, #tpu.memory_space<vmem>>, vector<1x16xf32>,
      %swap3A_652 = vector.shape_cast %swap3A_651 : vector<1x16xf32> to vector<16xf32>
      %swap3A_653 = vector.shape_cast %add3A_648 : vector<16xf32> to vector<1x16xf32>
      tpu.vector_store %arg10[%swap3A_649, %swap3A_650], %swap3A_653 {strides = array<i32>} : memref<128x64xf32, #tpu.memory_space<vmem>>, vector<1x16xf32>,
      %mul3A_654 = arith.mulf %add3A_646, %get3A_36 : vector<16xf32>
      %add3A_655 = arith.addf %get3A_614, %mul3A_654 : vector<16xf32>
      %swap3A_656 = arith.index_cast %add3A_606 : i32 to index
      %swap3A_657 = arith.constant 16 : index
      %swap3A_658 = tpu.vector_load %arg10[%swap3A_656, %swap3A_657] {strides = array<i32>} : memref<128x64xf32, #tpu.memory_space<vmem>>, vector<1x16xf32>,
      %swap3A_659 = vector.shape_cast %swap3A_658 : vector<1x16xf32> to vector<16xf32>
      %swap3A_660 = vector.shape_cast %add3A_655 : vector<16xf32> to vector<1x16xf32>
      tpu.vector_store %arg10[%swap3A_656, %swap3A_657], %swap3A_660 {strides = array<i32>} : memref<128x64xf32, #tpu.memory_space<vmem>>, vector<1x16xf32>,
      %mul3A_661 = arith.mulf %add3A_646, %get3A_41 : vector<16xf32>
      %add3A_662 = arith.addf %get3A_618, %mul3A_661 : vector<16xf32>
      %swap3A_663 = arith.index_cast %add3A_606 : i32 to index
      %swap3A_664 = arith.constant 32 : index
      %swap3A_665 = tpu.vector_load %arg10[%swap3A_663, %swap3A_664] {strides = array<i32>} : memref<128x64xf32, #tpu.memory_space<vmem>>, vector<1x16xf32>,
      %swap3A_666 = vector.shape_cast %swap3A_665 : vector<1x16xf32> to vector<16xf32>
      %swap3A_667 = vector.shape_cast %add3A_662 : vector<16xf32> to vector<1x16xf32>
      tpu.vector_store %arg10[%swap3A_663, %swap3A_664], %swap3A_667 {strides = array<i32>} : memref<128x64xf32, #tpu.memory_space<vmem>>, vector<1x16xf32>,
      %mul3A_668 = arith.mulf %add3A_646, %get3A_46 : vector<16xf32>
      %add3A_669 = arith.addf %get3A_622, %mul3A_668 : vector<16xf32>
      %swap3A_670 = arith.index_cast %add3A_606 : i32 to index
      %swap3A_671 = arith.constant 48 : index
      %swap3A_672 = tpu.vector_load %arg10[%swap3A_670, %swap3A_671] {strides = array<i32>} : memref<128x64xf32, #tpu.memory_space<vmem>>, vector<1x16xf32>,
      %swap3A_673 = vector.shape_cast %swap3A_672 : vector<1x16xf32> to vector<16xf32>
      %swap3A_674 = vector.shape_cast %add3A_669 : vector<16xf32> to vector<1x16xf32>
      tpu.vector_store %arg10[%swap3A_670, %swap3A_671], %swap3A_674 {strides = array<i32>} : memref<128x64xf32, #tpu.memory_space<vmem>>, vector<1x16xf32>,
    }
    %scan3A_486 = arith.constant 64 : i32
    %add3A_487 = arith.constant 57344 : i32
    %add3A_488 = arith.addi %mul3A_2, %add3A_487 : i32
    %dma_start3A_489 = arith.constant 0 : i32
    %dma_start3A_490 = tpu.memref_slice %arg4[%add3A_488, %dma_start3A_489] : memref<65536x64xf32, #tpu.memory_space<hbm>> -> memref<128x64xf32, #tpu.memory_space<hbm>>
    %dma_start3A_491 = arith.constant 0 : i32
    %dma_start3A_492 = tpu.memref_slice %arg4[%add3A_488, %dma_start3A_491] : memref<65536x64xf32, #tpu.memory_space<hbm>> -> memref<128x64xf32, #tpu.memory_space<hbm>>
    tpu.enqueue_dma source(%arg10 : memref<128x64xf32, #tpu.memory_space<vmem>>) target(%dma_start3A_492 : memref<128x64xf32, #tpu.memory_space<hbm>>) target_semaphore(%arg17 : memref<!tpu.dma_semaphore, #tpu.memory_space<semaphore_mem>>)
    %add3A_493 = arith.constant 61440 : i32
    %add3A_494 = arith.addi %mul3A_2, %add3A_493 : i32
    %dma_wait3A_495 = arith.constant 0 : i32
    %dma_wait3A_496 = tpu.memref_slice %arg2[%add3A_494, %dma_wait3A_495] : memref<65536x64xf32, #tpu.memory_space<hbm>> -> memref<128x64xf32, #tpu.memory_space<hbm>>
    %dma_wait3A_497 = arith.constant 0 : i32
    %dma_wait3A_498 = tpu.memref_slice %arg2[%add3A_494, %dma_wait3A_497] : memref<65536x64xf32, #tpu.memory_space<hbm>> -> memref<128x64xf32, #tpu.memory_space<hbm>>
    tpu.wait_dma2 semaphore(%arg12 : memref<!tpu.dma_semaphore, #tpu.memory_space<semaphore_mem>>) src(%dma_wait3A_498 : memref<128x64xf32, #tpu.memory_space<hbm>>) dst(%arg5 : memref<128x64xf32, #tpu.memory_space<vmem>>)
    %add3A_499 = arith.constant 49152 : i32
    %add3A_500 = arith.addi %mul3A_2, %add3A_499 : i32
    %dma_wait3A_501 = arith.constant 0 : i32
    %dma_wait3A_502 = tpu.memref_slice %arg4[%add3A_500, %dma_wait3A_501] : memref<65536x64xf32, #tpu.memory_space<hbm>> -> memref<128x64xf32, #tpu.memory_space<hbm>>
    %dma_wait3A_503 = arith.constant 0 : i32
    %dma_wait3A_504 = tpu.memref_slice %arg4[%add3A_500, %dma_wait3A_503] : memref<65536x64xf32, #tpu.memory_space<hbm>> -> memref<128x64xf32, #tpu.memory_space<hbm>>
    tpu.wait_dma2 semaphore(%arg15 : memref<!tpu.dma_semaphore, #tpu.memory_space<semaphore_mem>>) src(%arg8 : memref<128x64xf32, #tpu.memory_space<vmem>>) dst(%dma_wait3A_504 : memref<128x64xf32, #tpu.memory_space<hbm>>)
    %scan3A_505 = arith.constant 0 : i32
    %scan3A_506 = arith.constant 0 : i32
    %scan3A_507 = arith.constant 64 : i32
    %scan3A_508 = arith.addi %scan3A_506, %scan3A_507 : i32
    %scan3A_509 = arith.constant 1 : i32
    scf.for %scan3A_535 = %scan3A_506 to %scan3A_508 step %scan3A_509  : i32 {
      %mul3A_536 = arith.constant 2 : i32
      %mul3A_537 = arith.muli %scan3A_535, %mul3A_536 : i32
      %add3A_538 = arith.constant 0 : i32
      %add3A_539 = arith.addi %mul3A_537, %add3A_538 : i32
      %get3A_540 = arith.index_cast %add3A_539 : i32 to index
      %get3A_541 = arith.constant 0 : index
      %get3A_542 = tpu.vector_load %arg5[%get3A_540, %get3A_541] {strides = array<i32>} : memref<128x64xf32, #tpu.memory_space<vmem>>, vector<1x16xf32>,
      %get3A_543 = vector.shape_cast %get3A_542 : vector<1x16xf32> to vector<16xf32>
      %get3A_544 = arith.index_cast %add3A_539 : i32 to index
      %get3A_545 = arith.constant 16 : index
      %get3A_546 = tpu.vector_load %arg5[%get3A_544, %get3A_545] {strides = array<i32>} : memref<128x64xf32, #tpu.memory_space<vmem>>, vector<1x16xf32>,
      %get3A_547 = vector.shape_cast %get3A_546 : vector<1x16xf32> to vector<16xf32>
      %get3A_548 = arith.index_cast %add3A_539 : i32 to index
      %get3A_549 = arith.constant 32 : index
      %get3A_550 = tpu.vector_load %arg5[%get3A_548, %get3A_549] {strides = array<i32>} : memref<128x64xf32, #tpu.memory_space<vmem>>, vector<1x16xf32>,
      %get3A_551 = vector.shape_cast %get3A_550 : vector<1x16xf32> to vector<16xf32>
      %get3A_552 = arith.index_cast %add3A_539 : i32 to index
      %get3A_553 = arith.constant 48 : index
      %get3A_554 = tpu.vector_load %arg5[%get3A_552, %get3A_553] {strides = array<i32>} : memref<128x64xf32, #tpu.memory_space<vmem>>, vector<1x16xf32>,
      %get3A_555 = vector.shape_cast %get3A_554 : vector<1x16xf32> to vector<16xf32>
      %mul3A_556 = arith.mulf %get3A_543, %get3A_6 : vector<16xf32>
      %mul3A_557 = arith.mulf %get3A_547, %get3A_11 : vector<16xf32>
      %mul3A_558 = arith.mulf %get3A_551, %get3A_16 : vector<16xf32>
      %mul3A_559 = arith.mulf %get3A_555, %get3A_21 : vector<16xf32>
      %add3A_560 = arith.addf %mul3A_556, %mul3A_557 : vector<16xf32>
      %add3A_561 = arith.addf %mul3A_558, %mul3A_559 : vector<16xf32>
      %add3A_562 = arith.addf %add3A_560, %add3A_561 : vector<16xf32>
      %add3A_563 = arith.addf %add3A_562, %get3A_26 : vector<16xf32>
      %broadcast_in_dim3A = vector.shape_cast %xor3A_48 : vector<16xi32> to vector<16x1xi32>
      %gather3A = vector.shape_cast %broadcast_in_dim3A : vector<16x1xi32> to vector<16xi32>
      %gather3A_564 = tpu.dynamic_gather %add3A_563[%gather3A] in [0] : vector<16xf32>, vector<16xi32> -> vector<16xf32>
      %add3A_565 = arith.addf %add3A_563, %gather3A_564 : vector<16xf32>
      %broadcast_in_dim3A_566 = vector.shape_cast %xor3A_51 : vector<16xi32> to vector<16x1xi32>
      %gather3A_567 = vector.shape_cast %broadcast_in_dim3A_566 : vector<16x1xi32> to vector<16xi32>
      %gather3A_568 = tpu.dynamic_gather %add3A_565[%gather3A_567] in [0] : vector<16xf32>, vector<16xi32> -> vector<16xf32>
      %add3A_569 = arith.addf %add3A_565, %gather3A_568 : vector<16xf32>
      %broadcast_in_dim3A_570 = vector.shape_cast %xor3A_54 : vector<16xi32> to vector<16x1xi32>
      %gather3A_571 = vector.shape_cast %broadcast_in_dim3A_570 : vector<16x1xi32> to vector<16xi32>
      %gather3A_572 = tpu.dynamic_gather %add3A_569[%gather3A_571] in [0] : vector<16xf32>, vector<16xi32> -> vector<16xf32>
      %add3A_573 = arith.addf %add3A_569, %gather3A_572 : vector<16xf32>
      %broadcast_in_dim3A_574 = vector.shape_cast %xor3A_57 : vector<16xi32> to vector<16x1xi32>
      %gather3A_575 = vector.shape_cast %broadcast_in_dim3A_574 : vector<16x1xi32> to vector<16xi32>
      %gather3A_576 = tpu.dynamic_gather %add3A_573[%gather3A_575] in [0] : vector<16xf32>, vector<16xi32> -> vector<16xf32>
      %add3A_577 = arith.addf %add3A_573, %gather3A_576 : vector<16xf32>
      %mul3A_578 = arith.mulf %add3A_577, %get3A_31 : vector<16xf32>
      %add3A_579 = arith.addf %get3A_543, %mul3A_578 : vector<16xf32>
      %swap3A = arith.index_cast %add3A_539 : i32 to index
      %swap3A_580 = arith.constant 0 : index
      %swap3A_581 = tpu.vector_load %arg8[%swap3A, %swap3A_580] {strides = array<i32>} : memref<128x64xf32, #tpu.memory_space<vmem>>, vector<1x16xf32>,
      %swap3A_582 = vector.shape_cast %swap3A_581 : vector<1x16xf32> to vector<16xf32>
      %swap3A_583 = vector.shape_cast %add3A_579 : vector<16xf32> to vector<1x16xf32>
      tpu.vector_store %arg8[%swap3A, %swap3A_580], %swap3A_583 {strides = array<i32>} : memref<128x64xf32, #tpu.memory_space<vmem>>, vector<1x16xf32>,
      %mul3A_584 = arith.mulf %add3A_577, %get3A_36 : vector<16xf32>
      %add3A_585 = arith.addf %get3A_547, %mul3A_584 : vector<16xf32>
      %swap3A_586 = arith.index_cast %add3A_539 : i32 to index
      %swap3A_587 = arith.constant 16 : index
      %swap3A_588 = tpu.vector_load %arg8[%swap3A_586, %swap3A_587] {strides = array<i32>} : memref<128x64xf32, #tpu.memory_space<vmem>>, vector<1x16xf32>,
      %swap3A_589 = vector.shape_cast %swap3A_588 : vector<1x16xf32> to vector<16xf32>
      %swap3A_590 = vector.shape_cast %add3A_585 : vector<16xf32> to vector<1x16xf32>
      tpu.vector_store %arg8[%swap3A_586, %swap3A_587], %swap3A_590 {strides = array<i32>} : memref<128x64xf32, #tpu.memory_space<vmem>>, vector<1x16xf32>,
      %mul3A_591 = arith.mulf %add3A_577, %get3A_41 : vector<16xf32>
      %add3A_592 = arith.addf %get3A_551, %mul3A_591 : vector<16xf32>
      %swap3A_593 = arith.index_cast %add3A_539 : i32 to index
      %swap3A_594 = arith.constant 32 : index
      %swap3A_595 = tpu.vector_load %arg8[%swap3A_593, %swap3A_594] {strides = array<i32>} : memref<128x64xf32, #tpu.memory_space<vmem>>, vector<1x16xf32>,
      %swap3A_596 = vector.shape_cast %swap3A_595 : vector<1x16xf32> to vector<16xf32>
      %swap3A_597 = vector.shape_cast %add3A_592 : vector<16xf32> to vector<1x16xf32>
      tpu.vector_store %arg8[%swap3A_593, %swap3A_594], %swap3A_597 {strides = array<i32>} : memref<128x64xf32, #tpu.memory_space<vmem>>, vector<1x16xf32>,
      %mul3A_598 = arith.mulf %add3A_577, %get3A_46 : vector<16xf32>
      %add3A_599 = arith.addf %get3A_555, %mul3A_598 : vector<16xf32>
      %swap3A_600 = arith.index_cast %add3A_539 : i32 to index
      %swap3A_601 = arith.constant 48 : index
      %swap3A_602 = tpu.vector_load %arg8[%swap3A_600, %swap3A_601] {strides = array<i32>} : memref<128x64xf32, #tpu.memory_space<vmem>>, vector<1x16xf32>,
      %swap3A_603 = vector.shape_cast %swap3A_602 : vector<1x16xf32> to vector<16xf32>
      %swap3A_604 = vector.shape_cast %add3A_599 : vector<16xf32> to vector<1x16xf32>
      tpu.vector_store %arg8[%swap3A_600, %swap3A_601], %swap3A_604 {strides = array<i32>} : memref<128x64xf32, #tpu.memory_space<vmem>>, vector<1x16xf32>,
      %add3A_605 = arith.constant 1 : i32
      %add3A_606 = arith.addi %mul3A_537, %add3A_605 : i32
      %get3A_607 = arith.index_cast %add3A_606 : i32 to index
      %get3A_608 = arith.constant 0 : index
      %get3A_609 = tpu.vector_load %arg5[%get3A_607, %get3A_608] {strides = array<i32>} : memref<128x64xf32, #tpu.memory_space<vmem>>, vector<1x16xf32>,
      %get3A_610 = vector.shape_cast %get3A_609 : vector<1x16xf32> to vector<16xf32>
      %get3A_611 = arith.index_cast %add3A_606 : i32 to index
      %get3A_612 = arith.constant 16 : index
      %get3A_613 = tpu.vector_load %arg5[%get3A_611, %get3A_612] {strides = array<i32>} : memref<128x64xf32, #tpu.memory_space<vmem>>, vector<1x16xf32>,
      %get3A_614 = vector.shape_cast %get3A_613 : vector<1x16xf32> to vector<16xf32>
      %get3A_615 = arith.index_cast %add3A_606 : i32 to index
      %get3A_616 = arith.constant 32 : index
      %get3A_617 = tpu.vector_load %arg5[%get3A_615, %get3A_616] {strides = array<i32>} : memref<128x64xf32, #tpu.memory_space<vmem>>, vector<1x16xf32>,
      %get3A_618 = vector.shape_cast %get3A_617 : vector<1x16xf32> to vector<16xf32>
      %get3A_619 = arith.index_cast %add3A_606 : i32 to index
      %get3A_620 = arith.constant 48 : index
      %get3A_621 = tpu.vector_load %arg5[%get3A_619, %get3A_620] {strides = array<i32>} : memref<128x64xf32, #tpu.memory_space<vmem>>, vector<1x16xf32>,
      %get3A_622 = vector.shape_cast %get3A_621 : vector<1x16xf32> to vector<16xf32>
      %mul3A_623 = arith.mulf %get3A_610, %get3A_6 : vector<16xf32>
      %mul3A_624 = arith.mulf %get3A_614, %get3A_11 : vector<16xf32>
      %mul3A_625 = arith.mulf %get3A_618, %get3A_16 : vector<16xf32>
      %mul3A_626 = arith.mulf %get3A_622, %get3A_21 : vector<16xf32>
      %add3A_627 = arith.addf %mul3A_623, %mul3A_624 : vector<16xf32>
      %add3A_628 = arith.addf %mul3A_625, %mul3A_626 : vector<16xf32>
      %add3A_629 = arith.addf %add3A_627, %add3A_628 : vector<16xf32>
      %add3A_630 = arith.addf %add3A_629, %get3A_26 : vector<16xf32>
      %broadcast_in_dim3A_631 = vector.shape_cast %xor3A_48 : vector<16xi32> to vector<16x1xi32>
      %gather3A_632 = vector.shape_cast %broadcast_in_dim3A_631 : vector<16x1xi32> to vector<16xi32>
      %gather3A_633 = tpu.dynamic_gather %add3A_630[%gather3A_632] in [0] : vector<16xf32>, vector<16xi32> -> vector<16xf32>
      %add3A_634 = arith.addf %add3A_630, %gather3A_633 : vector<16xf32>
      %broadcast_in_dim3A_635 = vector.shape_cast %xor3A_51 : vector<16xi32> to vector<16x1xi32>
      %gather3A_636 = vector.shape_cast %broadcast_in_dim3A_635 : vector<16x1xi32> to vector<16xi32>
      %gather3A_637 = tpu.dynamic_gather %add3A_634[%gather3A_636] in [0] : vector<16xf32>, vector<16xi32> -> vector<16xf32>
      %add3A_638 = arith.addf %add3A_634, %gather3A_637 : vector<16xf32>
      %broadcast_in_dim3A_639 = vector.shape_cast %xor3A_54 : vector<16xi32> to vector<16x1xi32>
      %gather3A_640 = vector.shape_cast %broadcast_in_dim3A_639 : vector<16x1xi32> to vector<16xi32>
      %gather3A_641 = tpu.dynamic_gather %add3A_638[%gather3A_640] in [0] : vector<16xf32>, vector<16xi32> -> vector<16xf32>
      %add3A_642 = arith.addf %add3A_638, %gather3A_641 : vector<16xf32>
      %broadcast_in_dim3A_643 = vector.shape_cast %xor3A_57 : vector<16xi32> to vector<16x1xi32>
      %gather3A_644 = vector.shape_cast %broadcast_in_dim3A_643 : vector<16x1xi32> to vector<16xi32>
      %gather3A_645 = tpu.dynamic_gather %add3A_642[%gather3A_644] in [0] : vector<16xf32>, vector<16xi32> -> vector<16xf32>
      %add3A_646 = arith.addf %add3A_642, %gather3A_645 : vector<16xf32>
      %mul3A_647 = arith.mulf %add3A_646, %get3A_31 : vector<16xf32>
      %add3A_648 = arith.addf %get3A_610, %mul3A_647 : vector<16xf32>
      %swap3A_649 = arith.index_cast %add3A_606 : i32 to index
      %swap3A_650 = arith.constant 0 : index
      %swap3A_651 = tpu.vector_load %arg8[%swap3A_649, %swap3A_650] {strides = array<i32>} : memref<128x64xf32, #tpu.memory_space<vmem>>, vector<1x16xf32>,
      %swap3A_652 = vector.shape_cast %swap3A_651 : vector<1x16xf32> to vector<16xf32>
      %swap3A_653 = vector.shape_cast %add3A_648 : vector<16xf32> to vector<1x16xf32>
      tpu.vector_store %arg8[%swap3A_649, %swap3A_650], %swap3A_653 {strides = array<i32>} : memref<128x64xf32, #tpu.memory_space<vmem>>, vector<1x16xf32>,
      %mul3A_654 = arith.mulf %add3A_646, %get3A_36 : vector<16xf32>
      %add3A_655 = arith.addf %get3A_614, %mul3A_654 : vector<16xf32>
      %swap3A_656 = arith.index_cast %add3A_606 : i32 to index
      %swap3A_657 = arith.constant 16 : index
      %swap3A_658 = tpu.vector_load %arg8[%swap3A_656, %swap3A_657] {strides = array<i32>} : memref<128x64xf32, #tpu.memory_space<vmem>>, vector<1x16xf32>,
      %swap3A_659 = vector.shape_cast %swap3A_658 : vector<1x16xf32> to vector<16xf32>
      %swap3A_660 = vector.shape_cast %add3A_655 : vector<16xf32> to vector<1x16xf32>
      tpu.vector_store %arg8[%swap3A_656, %swap3A_657], %swap3A_660 {strides = array<i32>} : memref<128x64xf32, #tpu.memory_space<vmem>>, vector<1x16xf32>,
      %mul3A_661 = arith.mulf %add3A_646, %get3A_41 : vector<16xf32>
      %add3A_662 = arith.addf %get3A_618, %mul3A_661 : vector<16xf32>
      %swap3A_663 = arith.index_cast %add3A_606 : i32 to index
      %swap3A_664 = arith.constant 32 : index
      %swap3A_665 = tpu.vector_load %arg8[%swap3A_663, %swap3A_664] {strides = array<i32>} : memref<128x64xf32, #tpu.memory_space<vmem>>, vector<1x16xf32>,
      %swap3A_666 = vector.shape_cast %swap3A_665 : vector<1x16xf32> to vector<16xf32>
      %swap3A_667 = vector.shape_cast %add3A_662 : vector<16xf32> to vector<1x16xf32>
      tpu.vector_store %arg8[%swap3A_663, %swap3A_664], %swap3A_667 {strides = array<i32>} : memref<128x64xf32, #tpu.memory_space<vmem>>, vector<1x16xf32>,
      %mul3A_668 = arith.mulf %add3A_646, %get3A_46 : vector<16xf32>
      %add3A_669 = arith.addf %get3A_622, %mul3A_668 : vector<16xf32>
      %swap3A_670 = arith.index_cast %add3A_606 : i32 to index
      %swap3A_671 = arith.constant 48 : index
      %swap3A_672 = tpu.vector_load %arg8[%swap3A_670, %swap3A_671] {strides = array<i32>} : memref<128x64xf32, #tpu.memory_space<vmem>>, vector<1x16xf32>,
      %swap3A_673 = vector.shape_cast %swap3A_672 : vector<1x16xf32> to vector<16xf32>
      %swap3A_674 = vector.shape_cast %add3A_669 : vector<16xf32> to vector<1x16xf32>
      tpu.vector_store %arg8[%swap3A_670, %swap3A_671], %swap3A_674 {strides = array<i32>} : memref<128x64xf32, #tpu.memory_space<vmem>>, vector<1x16xf32>,
    }
    %scan3A_510 = arith.constant 64 : i32
    %add3A_511 = arith.constant 61440 : i32
    %add3A_512 = arith.addi %mul3A_2, %add3A_511 : i32
    %dma_start3A_513 = arith.constant 0 : i32
    %dma_start3A_514 = tpu.memref_slice %arg4[%add3A_512, %dma_start3A_513] : memref<65536x64xf32, #tpu.memory_space<hbm>> -> memref<128x64xf32, #tpu.memory_space<hbm>>
    %dma_start3A_515 = arith.constant 0 : i32
    %dma_start3A_516 = tpu.memref_slice %arg4[%add3A_512, %dma_start3A_515] : memref<65536x64xf32, #tpu.memory_space<hbm>> -> memref<128x64xf32, #tpu.memory_space<hbm>>
    tpu.enqueue_dma source(%arg8 : memref<128x64xf32, #tpu.memory_space<vmem>>) target(%dma_start3A_516 : memref<128x64xf32, #tpu.memory_space<hbm>>) target_semaphore(%arg15 : memref<!tpu.dma_semaphore, #tpu.memory_space<semaphore_mem>>)
    %add3A_517 = arith.constant 53248 : i32
    %add3A_518 = arith.addi %mul3A_2, %add3A_517 : i32
    %dma_wait3A_519 = arith.constant 0 : i32
    %dma_wait3A_520 = tpu.memref_slice %arg4[%add3A_518, %dma_wait3A_519] : memref<65536x64xf32, #tpu.memory_space<hbm>> -> memref<128x64xf32, #tpu.memory_space<hbm>>
    %dma_wait3A_521 = arith.constant 0 : i32
    %dma_wait3A_522 = tpu.memref_slice %arg4[%add3A_518, %dma_wait3A_521] : memref<65536x64xf32, #tpu.memory_space<hbm>> -> memref<128x64xf32, #tpu.memory_space<hbm>>
    tpu.wait_dma2 semaphore(%arg16 : memref<!tpu.dma_semaphore, #tpu.memory_space<semaphore_mem>>) src(%arg9 : memref<128x64xf32, #tpu.memory_space<vmem>>) dst(%dma_wait3A_522 : memref<128x64xf32, #tpu.memory_space<hbm>>)
    %add3A_523 = arith.constant 57344 : i32
    %add3A_524 = arith.addi %mul3A_2, %add3A_523 : i32
    %dma_wait3A_525 = arith.constant 0 : i32
    %dma_wait3A_526 = tpu.memref_slice %arg4[%add3A_524, %dma_wait3A_525] : memref<65536x64xf32, #tpu.memory_space<hbm>> -> memref<128x64xf32, #tpu.memory_space<hbm>>
    %dma_wait3A_527 = arith.constant 0 : i32
    %dma_wait3A_528 = tpu.memref_slice %arg4[%add3A_524, %dma_wait3A_527] : memref<65536x64xf32, #tpu.memory_space<hbm>> -> memref<128x64xf32, #tpu.memory_space<hbm>>
    tpu.wait_dma2 semaphore(%arg17 : memref<!tpu.dma_semaphore, #tpu.memory_space<semaphore_mem>>) src(%arg10 : memref<128x64xf32, #tpu.memory_space<vmem>>) dst(%dma_wait3A_528 : memref<128x64xf32, #tpu.memory_space<hbm>>)
    %add3A_529 = arith.constant 61440 : i32
    %add3A_530 = arith.addi %mul3A_2, %add3A_529 : i32
    %dma_wait3A_531 = arith.constant 0 : i32
    %dma_wait3A_532 = tpu.memref_slice %arg4[%add3A_530, %dma_wait3A_531] : memref<65536x64xf32, #tpu.memory_space<hbm>> -> memref<128x64xf32, #tpu.memory_space<hbm>>
    %dma_wait3A_533 = arith.constant 0 : i32
    %dma_wait3A_534 = tpu.memref_slice %arg4[%add3A_530, %dma_wait3A_533] : memref<65536x64xf32, #tpu.memory_space<hbm>> -> memref<128x64xf32, #tpu.memory_space<hbm>>
    tpu.wait_dma2 semaphore(%arg15 : memref<!tpu.dma_semaphore, #tpu.memory_space<semaphore_mem>>) src(%arg8 : memref<128x64xf32, #tpu.memory_space<vmem>>) dst(%dma_wait3A_534 : memref<128x64xf32, #tpu.memory_space<hbm>>)
    return
  }
}

</mosaic_0001>

<sc_bundles>
// kernel: kernel.3.cloned.1.call-start
scs
__scs_entry_jumppad:
0x0: {  	(pc) =	sbr.rel $0x88, $3  }
0x1: {  	(tag) =	ssettag $0x0;
	lr =	simm.s32 $0x1  }
0x2: {  	[smem:$0x3F9A] =	sst lr;
	_ =	strace $0xD0000000  }
0x3: {  	_ = 	snop  }
0x4: {  	_ = 	snop  }
0x5: {  	_ = 	snop  }
0x6: {  	_ = 	snop  }
0x7: {  	_ = 	snop  }
__scs_overlays_trampoline_lowered:
0x8: {  	[smem:$0x3FA9] =	sst s0  }
0x9: {  	[smem:$0x3FAA] =	sst s1  }
0xa: {  	[smem:$0x3FAB] =	sst s2  }
0xb: {  	[smem:$0x3FAC] =	sst s3  }
0xc: {  	[smem:$0x3FAD] =	sst s4  }
0xd: {  	[smem:$0x3FAE] =	sst s5  }
0xe: {  	[smem:$0x3FAF] =	sst s6  }
0xf: {  	[smem:$0x3FB0] =	sst s7  }
0x10: {  	[smem:$0x3FB1] =	sst s8  }
0x11: {  	[smem:$0x3FB2] =	sst s9;
	s0 =	simm.s32 @!p0 $0x0  }
0x12: {  	s1 =	sld [smem:$0x3F98];
	s0 =	simm.s32 @p0 $0x1  }
0x13: {  	[smem:$0x3FB3] =	sst s0;
	s0 =	simm.s32 @!p1 $0x0  }
0x14: {  	s2 =	sld [smem:$0x3F97];
	s0 =	simm.s32 @p1 $0x1  }
0x15: {  	[smem:$0x3FB4] =	sst s0;
	s0 =	simm.s32 @!p2 $0x0  }
0x16: {  	s3 =	sld [smem:$0x3FDB];
	s0 =	simm.s32 @p2 $0x1  }
0x17: {  	s4 =	simm.s32 $0x1BF5;
	[smem:$0x3FB6] =	sst s0  }
0x18: {  	s0 =	sld [smem:$0x3F99];
	_ =	swait.ge [sflag:s4], $0x0  }
0x19: {  	s7 =	sld [smem:$0x3F9A]  }
0x1a: {  	s8 =	sadd.s32 $0xFFFFE003, lr  }
0x1b: {  	s9 =	sadd.s32 $0xFFFFFEF7, lr;
	s5 =	simm.s32 $0xFFFFFFFF;
	p2 =	slt.u32 s8, $0xFFFFF086  }
0x1c: {  	p1 =	slt.u32 s9, $0xF7A;
	s5 =	simm.s32 @!p2 $0x0  }
0x1d: {  	s5 =	simm.s32 @p1 $0x1;
	p0 =	seq.s32 s7, s2  }
0x1e: {  	s7 =	smul.u32 @!p0 $0xF7A, s2;
	p2 =	seq.s32 @!p0 s5, $0x0  }
0x1f: {  	s9 =	smul.u32 $0xF7A, s1;
	s8 =	simm.s32 @!p0 $0x1BF5;
	p2 =	por !p2, p0  }
0x20: {  	[sflag:s8] =	ssyncset.s32 @!p0 $0xFFFFF086;
	s6 =	sadd.s32 @!p0 s3, s7;
	s7 =	simm.s32 @!p0 $0x108  }
0x21: {  	s3 =	sadd.s32 s3, s9;
	s6 =	sadd.s32 @!p0 $0x88, s6;
	s7 =	simm.s32 @p2 $0x1082  }
0x22: {  	[simem:s7], [sflag:s8] =	dma.local @!p0 [hbm:s6], $0xF7A  }
0x23: {  	s9 =	sor.u32 $0xD0000000, s2;
	s6 =	simm.s32 $0x108;
	_ =	swait.ge @!p0 [sflag:s8], $0x0  }
0x24: {  	s3 =	sadd.s32 $0x88, s3;
	s6 =	simm.s32 @!p1 $0x1082;
	[sflag:s4] =	ssyncset.s32 $0xFFFFF086  }
0x25: {  	[simem:s6], [sflag:s4] =	dma.local [hbm:s3], $0xF7A  }
0x26: {  	[smem:$0x3F9A] =	sst s1;
	(tag) =	ssettag s2;
	_ =	strace s9  }
0x27: {  	s1 =	sld [smem:$0x3FAA]  }
0x28: {  	s2 =	sld [smem:$0x3FAB]  }
0x29: {  	s4 =	sld [smem:$0x3FAD]  }
0x2a: {  	p0 =	seq.s32 s5, $0x0;
	s5 =	sld [smem:$0x3FAE]  }
0x2b: {  	s6 =	sld [smem:$0x3FAF]  }
0x2c: {  	s7 =	sld [smem:$0x3FB0]  }
0x2d: {  	s3 =	simm.s32 $0x108;
	s8 =	sld [smem:$0x3FB1]  }
0x2e: {  	s3 =	simm.s32 @!p0 $0x1082;
	s9 =	sld [smem:$0x3FB2]  }
0x2f: {  	lr =	sadd.s32 s0, s3;
	s0 =	sld [smem:$0x3FA9]  }
0x30: {  	s3 =	sld [smem:$0x3FAC]  }
0x31: {  	[smem:$0x3FB5] =	sst s10  }
0x32: {  	s10 =	sld [smem:$0x3FB3];
	_ =	sdelay $0x3  }
0x33: {  	p0 =	seq.s32 s10, $0x1;
	s10 =	sld [smem:$0x3FB5];
	_ =	sdelay $0x3  }
0x34: {  	[smem:$0x3FB5] =	sst s10  }
0x35: {  	s10 =	sld [smem:$0x3FB4];
	_ =	sdelay $0x3  }
0x36: {  	p1 =	seq.s32 s10, $0x1;
	s10 =	sld [smem:$0x3FB5];
	_ =	sdelay $0x3  }
0x37: {  	[smem:$0x3FB5] =	sst s10  }
0x38: {  	s10 =	sld [smem:$0x3FB6]  }
0x39: {  	_ = 	snop;
	(pc) =	sbr.ind lr, $3  }
0x3a: {  	_ = 	snop  }
0x3b: {  	_ = 	snop  }
0x3c: {  	p2 =	seq.s32 s10, $0x1;
	s10 =	sld [smem:$0x3FB5]  }
0x3d: {  	_ =	shalt  }
0x3e: {  	_ =	shalt  }
0x3f: {  	_ =	shalt  }
0x40: {  	_ =	shalt  }
0x41: {  	_ =	shalt  }
0x42: {  	_ =	shalt  }
0x43: {  	_ =	shalt  }
0x44: {  	_ =	shalt  }
0x45: {  	_ =	shalt  }
0x46: {  	_ =	shalt  }
0x47: {  	_ =	shalt  }
0x48: {  	_ =	shalt  }
0x49: {  	_ =	shalt  }
0x4a: {  	_ =	shalt  }
0x4b: {  	_ =	shalt  }
0x4c: {  	_ =	shalt  }
0x4d: {  	_ =	shalt  }
0x4e: {  	_ =	shalt  }
0x4f: {  	_ =	shalt  }
0x50: {  	_ =	shalt  }
0x51: {  	_ =	shalt  }
0x52: {  	_ =	shalt  }
0x53: {  	_ =	shalt  }
0x54: {  	_ =	shalt  }
0x55: {  	_ =	shalt  }
0x56: {  	_ =	shalt  }
0x57: {  	_ =	shalt  }
0x58: {  	_ =	shalt  }
0x59: {  	_ =	shalt  }
0x5a: {  	_ =	shalt  }
0x5b: {  	_ =	shalt  }
0x5c: {  	_ =	shalt  }
0x5d: {  	_ =	shalt  }
0x5e: {  	_ =	shalt  }
0x5f: {  	_ =	shalt  }
0x60: {  	_ =	shalt  }
0x61: {  	_ =	shalt  }
0x62: {  	_ =	shalt  }
0x63: {  	_ =	shalt  }
0x64: {  	_ =	shalt  }
0x65: {  	_ =	shalt  }
0x66: {  	_ =	shalt  }
0x67: {  	_ =	shalt  }
0x68: {  	_ =	shalt  }
0x69: {  	_ =	shalt  }
0x6a: {  	_ =	shalt  }
0x6b: {  	_ =	shalt  }
0x6c: {  	_ =	shalt  }
0x6d: {  	_ =	shalt  }
0x6e: {  	_ =	shalt  }
0x6f: {  	_ =	shalt  }
0x70: {  	_ =	shalt  }
0x71: {  	_ =	shalt  }
0x72: {  	_ =	shalt  }
0x73: {  	_ =	shalt  }
0x74: {  	_ =	shalt  }
0x75: {  	_ =	shalt  }
0x76: {  	_ =	shalt  }
0x77: {  	_ =	shalt  }
0x78: {  	_ =	shalt  }
0x79: {  	_ =	shalt  }
0x7a: {  	_ =	shalt  }
0x7b: {  	_ =	shalt  }
0x7c: {  	_ =	shalt  }
0x7d: {  	_ =	shalt  }
0x7e: {  	_ =	shalt  }
0x7f: {  	_ =	shalt  }
0x80: {  	_ =	shalt  }
0x81: {  	_ =	shalt  }
0x82: {  	_ =	shalt  }
0x83: {  	_ =	shalt  }
0x84: {  	_ =	shalt  }
0x85: {  	_ =	shalt  }
0x86: {  	_ =	shalt  }
0x87: {  	_ =	shalt  }
.Lfunc_end0:
.L_simem_size_0:
called_computation_lowered:
.L_overlay_start_0:
0x88: {  	s2 =	sld [smem:$0x3FD9]  }
0x89: {  	s3 =	sld [smem:$0x3FFE];
	_ =	sdelay $0x1  }
0x8a: {  	s1 =	srdreg.scid  }
0x8b: {  	s0 =	sand.u32 $0x1, s1  }
0x8c: {  	s17 =	sshll.u32 s0, $0xA;
	s2 =	sadd.s32 s3, s2  }
0x8d: {  	s2 =	sadd.s32 s2, s17  }
0x8e: {  	[smem:$0x3FC1] =	sst s2  }
0x8f: {  	_ = 	snop  }
0x90: {  	s2 =	sld [smem:$0x3FD0];
	(tm) =	ssettm $0x1  }
0x91: {  	s18 =	sld [smem:$0x3FFB];
	_ =	sdelay $0x3  }
0x92: {  	_ =	strace s18  }
0x93: {  	s3 =	sld [smem:$0x3FFC];
	_ =	sdelay $0x3  }
0x94: {  	_ =	strace s3  }
0x95: {  	s3 =	sld [smem:$0x3FFD];
	_ =	sdelay $0x3  }
0x96: {  	_ =	strace s3  }
0x97: {  	_ =	strace $0x8FFFFFFF  }
0x98: {  	s19 =	sld [smem:$0x3FDB];
	_ =	sdelay $0x1  }
0x99: {  	s4 =	simm.s32 $_scs_section_size  }
0x9a: {  	s5 =	simm.s32 $_size__tile_overlayer_lowered;
	s6 =	simm.s32 $_tile_overlayer_lowered  }
0x9b: {  	s22 =	simm.s32 $0x1BFF;
	s21 =	sshll.u32 s6, $0x1;
	s3 =	sadd.s32 s4, s19  }
0x9c: {  	s7 =	simm.s32 $0x0;
	s20 =	sshll.u32 s5, $0x1;
	s5 =	sadd.s32 s21, s3  }
0x9d: {  	[timem:s7], [sflag:s22] =	dma.local [hbm:s5], s20  }
0x9e: {  	_ =	swait.ge [sflag:s22], s20  }
0x9f: {  	s4 =	ssub.s32 $0x0, s20;
	[sflag:s22] =	ssyncset.done $0x0  }
0xa0: {  	[sflag:s22] =	ssyncadd.s32 s4;
	_ =	sdelay $0x1  }
0xa1: {  	s23 =	simm.s32 $0x1B8B  }
0xa2: {  	_ =	swait.ge [sflag:s23], $0x1  }
0xa3: {  	[sflag:s23] =	ssyncset.done $0x0  }
0xa4: {  	s25 =	simm.s32 $0x1B8E;
	s24 =	sld [smem:$0x3FFE];
	[sflag:s23] =	ssyncadd.s32 $0xFFFFFFFF  }
0xa5: {  	s26 =	simm.s32 $execute0_lowered;
	[smem:$0x3FD2] =	sst s25  }
0xa6: {  	s5 =	sshll.u32 s26, $0x1;
	_ =	strace $0x80000046;
	[dreg:$0x1] =	wrdreg $0xFFFFFFFF  }
0xa7: {  	s28 =	simm.s32 $_size_execute0_lowered;
	s3 =	sadd.s32 s3, s5;
	[dreg:$0x0] =	wrdreg $0x0  }
0xa8: {  	s5 =	sshll.u32 s28, $0x1;
	[dreg:$0x2] =	wrdreg s3  }
0xa9: {  	[dreg:$0x3] =	wrdreg s5  }
0xaa: {  	[dreg:$0x4] =	wrdreg $0xC0  }
0xab: {  	_ =	task [dreg:s7], $0x5FFFF  }
0xac: {  	[dreg:$0x1] =	wrdreg $0xFFFFFFFF  }
0xad: {  	[dreg:$0x0] =	wrdreg $0x60  }
0xae: {  	[dreg:$0x2] =	wrdreg s24  }
0xaf: {  	[dreg:$0x3] =	wrdreg s2  }
0xb0: {  	[dreg:$0x4] =	wrdreg $0x9  }
0xb1: {  	_ =	task.clear_ibuf [dreg:s7], $0x5FFFF;
	_ =	strace $0x90000046  }
0xb2: {  	s29 =	simm.s32 $0x9;
	_ =	strace $0x80000048  }
0xb3: {  	_ =	swait.ge [sflag:s29], $0x1  }
0xb4: {  	[sflag:s29] =	ssyncadd.s32 $0xFFFFFFFF  }
0xb5: {  	_ =	strace $0x90000048  }
0xb6: {  	_ =	sfence  }
0xb7: {  	s30 =	sld [smem:$0x0];
	_ =	sdelay $0x2  }
0xb8: {  	s31 =	sshll.u32 s1, $0xD;
	s1 =	sshrl.u32 s1, $0x2  }
0xb9: {  	s3 =	sand.u32 $0x4000, s31;
	s1 =	sadd.s32 s1, s30  }
0xba: {  	s0 =	sor.u32 s3, s0;
	s1 =	sshll.u32 s1, $0x11  }
0xbb: {  	s0 =	sor.u32 s1, s0  }
0xbc: {  	s0 =	sadd.s32 $0x8F2B, s0  }
0xbd: {  	[sflag:s0] =	ssyncadd.remote.s32 $0x1  }
0xbe: {  	_ =	sfence.sel $0xFFFF  }
0xbf: {  	[dreg:$0x0] =	wrdreg $0xFFFFFFFF;
	(pc) =	sbr.abs _section_cstart, $3  }
0xc0: {  	[dreg:$0x1] =	wrdreg $0xFFFFFFFF  }
0xc1: {  	_ =	task.clear_ibuf [dreg:s7], $0x2FFFF;
	_ =	strace $0x9FFFFFFF  }
0xc2: {  	(tm) =	ssettm $0x7FFFFFFF  }
0xc3: {  	_ =	shalt  }
tec
execute0_lowered:
.L_overlay_start_1:
0x0: {  	(tag) =	ssettag $0x1  }
0x1: {  	s0 =	rddreg [dreg:$0x0];
	s2 =	srdreg.scid  }
0x2: {  	s1 =	simm.s32 $0x0;
	s3 =	stileid.u32;
	s2 =	sand.u32 $0x1, s2  }
0x3: {  	s5 =	sshll.u32 s3, $0xC;
	s4 =	ssub.s32 $0x2, s2;
	s2 =	sshll.u32 s2, $0xB  }
0x4: {  	[smem:$0x7FF] =	sst s1;
	s6 =	sshrl.u32 s4, $0x1;
	s2 =	sor.u32 s2, s5  }
0x5: {  	s3 =	sadd.s32 $0x100000, s0;
	s4 =	ssub.s32 s4, s6;
	s5 =	sor.u32 $0x10000, s2  }
0x6: {  	s17 =	sor.u32 $0x20000, s2;
	s19 =	sor.u32 $0x30000, s2;
	s7 =	sadd.s32 s0, s5  }
0x7: {  	s20 =	sor.u32 $0x40000, s2;
	s18 =	sadd.s32 s0, s17;
	[dreg:$0x3] =	wrdreg s7  }
0x8: {  	s22 =	sor.u32 $0x50000, s2;
	s8 =	sadd.s32 s0, s19;
	[dreg:$0x4] =	wrdreg s18  }
0x9: {  	s24 =	sor.u32 $0x60000, s2;
	s5 =	sadd.s32 s3, s5;
	[dreg:$0x5] =	wrdreg s8  }
0xa: {  	s26 =	sor.u32 $0x70000, s2;
	s21 =	sadd.s32 s0, s20;
	[dreg:$0x6] =	wrdreg s5  }
0xb: {  	s10 =	sor.u32 $0x80000, s2;
	s6 =	sadd.s32 s3, s17;
	[dreg:$0x7] =	wrdreg s21  }
0xc: {  	s12 =	sor.u32 $0x90000, s2;
	s23 =	sadd.s32 s0, s22;
	[dreg:$0x8] =	wrdreg s6  }
0xd: {  	s14 =	sor.u32 $0xA0000, s2;
	s25 =	sadd.s32 s0, s24;
	[dreg:$0x9] =	wrdreg s23  }
0xe: {  	s28 =	sadd.s32 s3, s2;
	s9 =	sadd.s32 s0, s26;
	[dreg:$0xb] =	wrdreg s25  }
0xf: {  	s11 =	sadd.s32 s0, s10;
	s13 =	sadd.s32 s0, s12;
	[dreg:$0xd] =	wrdreg s9  }
0x10: {  	s15 =	sadd.s32 s0, s14;
	s16 =	sadd.s32 s3, s12;
	[dreg:$0xf] =	wrdreg s11  }
0x11: {  	s17 =	sor.u32 $0xB0000, s2;
	s4 =	smax.u32 s4, $0x1;
	[dreg:$0x11] =	wrdreg s13  }
0x12: {  	s12 =	simm.s32 $0x3;
	s7 =	sadd.s32 s3, s19;
	[dreg:$0x13] =	wrdreg s15  }
0x13: {  	s5 =	sadd.s32 s3, s20;
	s6 =	sadd.s32 s3, s22;
	[dreg:$0x15] =	wrdreg s16  }
0x14: {  	v0 =	vimm.s32 $0xEFCDAB89;
	v1 =	vimm.s32 $0x67452301;
	s18 =	sor.u32 $0xC0000, s2;
	s22 =	sadd.s32 s0, s17;
	s23 =	sadd.s32 s3, s17  }
0x15: {  	v2 =	vimm.s32 $0xDCFE98BA;
	s19 =	sor.u32 $0xD0000, s2;
	s20 =	sor.u32 $0xE0000, s2;
	s21 =	sor.u32 $0xF0000, s2  }
0x16: {  	v3 =	vimm.s32 $0x54761032;
	v4 =	vimm.s32 $0xBA98FEDC;
	s8 =	simm.s32 $0x1;
	s9 =	simm.s32 $0xC000;
	s11 =	simm.s32 $0x10000  }
0x17: {  	v5 =	vimm.s32 $0x32107654;
	v6 =	vimm.s32 $0xFEDCBA98;
	s13 =	simm.s32 $0x14000;
	s15 =	simm.s32 $0x5;
	[dreg:$0xa] =	wrdreg s7  }
0x18: {  	v7 =	vimm.s32 $0x76543210;
	v0 =	vunpack.c.l.s4.s8 v0;
	v1 =	vunpack.c.l.s4.s8 v1;
	s16 =	simm.s32 $0x6;
	s17 =	simm.s32 $0x0;
	[dreg:$0xc] =	wrdreg s5  }
0x19: {  	v2 =	vunpack.c.l.s4.s8 v2;
	v3 =	vunpack.c.l.s4.s8 v3;
	v4 =	vunpack.c.l.s4.s8 v4;
	[dreg:$0xe] =	wrdreg s6;
	s7 =	sadd.s32 s3, s24;
	s5 =	sadd.s32 s3, s26  }
0x1a: {  	v5 =	vunpack.c.l.s4.s8 v5;
	v6 =	vunpack.c.l.s4.s8 v6;
	v7 =	vunpack.c.l.s4.s8 v7;
	s6 =	sadd.s32 s3, s10;
	s24 =	sadd.s32 s0, s18;
	s25 =	sadd.s32 s3, s18  }
0x1b: {  	v0 =	vunpack.c.0.s8.s32 v0;
	v1 =	vunpack.c.0.s8.s32 v1;
	v2 =	vunpack.c.0.s8.s32 v2;
	s26 =	sadd.s32 s0, s2;
	s30 =	sadd.s32 s0, s19;
	s31 =	sadd.s32 s0, s20  }
0x1c: {  	v3 =	vunpack.c.0.s8.s32 v3;
	v4 =	vunpack.c.0.s8.s32 v4;
	v5 =	vunpack.c.0.s8.s32 v5;
	s0 =	sadd.s32 s0, s21;
	s29 =	sadd.s32 s3, s19;
	[dreg:$0x10] =	wrdreg s7  }
0x1d: {  	v0 =	vcombine.low v1, v0;
	v1 =	vunpack.c.0.s8.s32 v6;
	s2 =	sadd.s32 s3, s20;
	s10 =	simm.s32 $0x2;
	[dreg:$0x12] =	wrdreg s5  }
0x1e: {  	v2 =	vcombine.low v3, v2;
	v3 =	vcombine.low v5, v4;
	v4 =	vunpack.c.0.s8.s32 v7;
	[dreg:$0x14] =	wrdreg s6;
	s5 =	sadd.s32 s3, s14;
	s3 =	sadd.s32 s3, s21  }
0x1f: {  	v0 =	vand.u32 $0xF, v0;
	v5 =	vand.u32 $0xF, v1;
	s6 =	simm.s32 $0x4000;
	s7 =	simm.s32 $0x8000;
	[dreg:$0x16] =	wrdreg s5  }
0x20: {  	v1 =	vand.u32 $0xF, v2;
	v2 =	vand.u32 $0xF, v3;
	s14 =	simm.s32 $0x4;
	v3 =	vcombine.low v5, v4;
	s5 =	simm.s32 $0x7;
	_ =	strace $0x80000047  }
.LBB2_1:
0x21: {  	s18 =	rddreg [dreg:$0x1];
	s19 =	simm.s32 $0x18000  }
0x22: {  	[tilespmem:s19], [sflag:$0x7] =	stream.linear.gather [hbm4b:s18+s1], $0x600, $0x38;
	[tilespmem:$0x18800] =	vst v63  }
0x23: {  	_ =	swait.ge [sflag:s5], $0x600  }
0x24: {  	[sflag:s5] =	ssyncset.done $0x0  }
0x25: {  	[sflag:s5] =	ssyncadd.s32 $0xFFFFFA00  }
0x26: {  	v9 =	vld [tilespmem:$0x18000]  }
0x27: {  	v10 =	vld [tilespmem:$0x18080]  }
0x28: {  	v11 =	vld [tilespmem:$0x18100]  }
0x29: {  	v12 =	vld [tilespmem:$0x18180]  }
0x2a: {  	v8 =	vld [tilespmem:$0x18200]  }
0x2b: {  	v7 =	vld [tilespmem:$0x18280]  }
0x2c: {  	v6 =	vld [tilespmem:$0x18300]  }
0x2d: {  	v5 =	vld [tilespmem:$0x18380]  }
0x2e: {  	v4 =	vld [tilespmem:$0x18400];
	[tilespmem:s1], [sflag:$0x1] =	stream.linear.gather [hbm4b:s26+s1], $0x4000, $0x38  }
0x2f: {  	s20 =	rddreg [dreg:$0x3]  }
0x30: {  	[tilespmem:s6], [sflag:$0x2] =	stream.linear.gather [hbm4b:s20+s1], $0x4000, $0x38;
	[tilespmem:$0x18800] =	vst v63  }
0x31: {  	s21 =	rddreg [dreg:$0x4]  }
0x32: {  	[tilespmem:s7], [sflag:$0x3] =	stream.linear.gather [hbm4b:s21+s1], $0x4000, $0x38;
	[tilespmem:$0x18800] =	vst v63  }
0x33: {  	_ =	swait.ge [sflag:s8], $0x4000  }
0x34: {  	[sflag:s8] =	ssyncset.done $0x0  }
0x35: {  	s19 =	simm.s32 $0x0;
	[sflag:s8] =	ssyncadd.s32 $0xFFFFC000  }
0x36: {  	v22 =	vld [tilespmem:s19+$0x80]  }
0x37: {  	v24 =	vld [tilespmem:s19+$0x90]  }
0x38: {  	v34 =	vld [tilespmem:s19+$0xA0]  }
0x39: {  	v20 =	vld [tilespmem:s19+$0xB0];
	_ =	sdelay $0x2  }
0x3a: {  	v18 =	vld [tilespmem:s19+$0x0]  }
0x3b: {  	v21 =	vld [tilespmem:s19+$0x10];
	v13 =	vmul.f32 v22, v9;
	v14 =	vmul.f32 v24, v10  }
0x3c: {  	v27 =	vld [tilespmem:s19+$0x30];
	v15 =	vmul.f32 v34, v11;
	v16 =	vmul.f32 v20, v12  }
0x3d: {  	v23 =	vld [tilespmem:s19+$0x20]  }
0x3e: {  	v13 =	vadd.f32 v14, v13;
	v14 =	vadd.f32 v16, v15;
	_ =	sdelay $0x1  }
0x3f: {  	v13 =	vadd.f32 v14, v13  }
0x40: {  	v17 =	vmul.f32 v27, v12;
	v15 =	vmul.f32 v21, v10  }
0x41: {  	v16 =	vmul.f32 v23, v11;
	v14 =	vmul.f32 v18, v9;
	v13 =	vadd.f32 v13, v8;
	_ =	sdelay $0x1  }
0x42: {  	v14 =	vadd.f32 v15, v14;
	v15 =	vadd.f32 v17, v16;
	v19 =	vperm.xlane v13, v0  }
0x43: {  	s18 =	simm.s32 $0x100  }
0x44: {  	v16 =	vld [tilespmem:s18+$0x80];
	v14 =	vadd.f32 v15, v14;
	v13 =	vadd.f32 v13, v19  }
0x45: {  	v15 =	vld [tilespmem:s18+$0x90]  }
0x46: {  	v28 =	vadd.f32 v14, v8;
	v14 =	vld [tilespmem:s18+$0xA0];
	v17 =	vperm.xlane v13, v1  }
0x47: {  	v19 =	vld [tilespmem:s18+$0xB0]  }
0x48: {  	v25 =	vld [tilespmem:s18+$0x0];
	v29 =	vadd.f32 v13, v17  }
0x49: {  	v26 =	vld [tilespmem:s18+$0x10];
	v13 =	vperm.xlane v28, v0  }
0x4a: {  	v17 =	vld [tilespmem:s18+$0x20];
	v30 =	vperm.xlane v29, v2  }
0x4b: {  	v31 =	vmul.f32 v16, v9;
	v32 =	vmul.f32 v15, v10;
	v28 =	vadd.f32 v28, v13;
	v13 =	vld [tilespmem:s18+$0x30]  }
0x4c: {  	v33 =	vmul.f32 v19, v12;
	v29 =	vadd.f32 v29, v30;
	v30 =	vmul.f32 v14, v11  }
0x4d: {  	v37 =	vmul.f32 v25, v9;
	v35 =	vperm.xlane v28, v1  }
0x4e: {  	v31 =	vadd.f32 v32, v31;
	v36 =	vperm.xlane v29, v3;
	v30 =	vadd.f32 v33, v30  }
0x4f: {  	v55 =	vmul.f32 v26, v10;
	v56 =	vmul.f32 v17, v11;
	v28 =	vadd.f32 v28, v35  }
0x50: {  	v57 =	vmul.f32 v13, v12;
	v29 =	vadd.f32 v29, v36;
	v30 =	vadd.f32 v30, v31  }
0x51: {  	v31 =	vadd.f32 v55, v37;
	v58 =	vperm.xlane v28, v2  }
0x52: {  	v33 =	vadd.f32 v57, v56;
	v36 =	vmul.f32 v29, v4;
	v59 =	vadd.f32 v30, v8  }
0x53: {  	v28 =	vadd.f32 v28, v58;
	v30 =	vmul.f32 v29, v7  }
0x54: {  	v31 =	vadd.f32 v33, v31;
	v60 =	vadd.f32 v36, v20;
	v61 =	vperm.xlane v59, v0  }
0x55: {  	s20 =	simm.s32 $0x200;
	v62 =	vmul.f32 v29, v6;
	v63 =	vperm.xlane v28, v3;
	v38 =	vadd.f32 v30, v22  }
0x56: {  	v39 =	vmul.f32 v29, v5;
	v20 =	vld [tilespmem:s20+$0x80];
	v30 =	vadd.f32 v31, v8;
	[tilespmem:s19+$0xC0B0] =	vst v60;
	v29 =	vadd.f32 v59, v61  }
0x57: {  	v33 =	vadd.f32 v62, v24;
	v28 =	vadd.f32 v28, v63;
	v22 =	vld [tilespmem:s20+$0x90];
	[tilespmem:s19+$0xC080] =	vst v38  }
0x58: {  	s21 =	simm.s32 $0xC00;
	v34 =	vadd.f32 v39, v34;
	v32 =	vperm.xlane v30, v0;
	v24 =	vld [tilespmem:s20+$0xA0];
	v31 =	vperm.xlane v29, v1  }
.LBB2_2:
0x59: {  	p0 =	sne.s32 s21, $0xFC00;
	v35 =	vld [tilespmem:s20+$0xB0];
	v36 =	vmul.f32 v28, v7;
	v37 =	vmul.f32 v28, v6;
	[tilespmem:s19+$0xC090] =	vst v33  }
0x5a: {  	v33 =	vld [tilespmem:s20+$0x0];
	v30 =	vadd.f32 v30, v32;
	v29 =	vadd.f32 v29, v31;
	v31 =	vmul.f32 v28, v5;
	[tilespmem:s19+$0xC0A0] =	vst v34  }
0x5b: {  	v28 =	vmul.f32 v28, v4;
	v32 =	vld [tilespmem:s20+$0x10];
	v34 =	vadd.f32 v36, v18;
	v36 =	vadd.f32 v37, v21;
	v18 =	vmovc v25  }
0x5c: {  	v21 =	vmovc v26;
	v37 =	vld [tilespmem:s20+$0x20];
	v40 =	vperm.xlane v30, v1;
	v38 =	vperm.xlane v29, v2;
	v41 =	vadd.f32 v31, v23  }
0x5d: {  	v26 =	vmul.f32 v20, v9;
	v39 =	vmul.f32 v22, v10;
	v27 =	vadd.f32 v28, v27;
	v31 =	vld [tilespmem:s20+$0x30];
	[tilespmem:s19+$0xC000] =	vst v34  }
0x5e: {  	v28 =	vmul.f32 v24, v11;
	v34 =	vmul.f32 v35, v12;
	v29 =	vadd.f32 v29, v38;
	[tilespmem:s19+$0xC010] =	vst v36  }
0x5f: {  	v23 =	vmovc v17;
	v30 =	vadd.f32 v30, v40;
	v36 =	vmul.f32 v33, v9;
	[tilespmem:s19+$0xC020] =	vst v41;
	v25 =	vmov v33  }
0x60: {  	v33 =	vadd.f32 v39, v26;
	v28 =	vadd.f32 v34, v28;
	v34 =	vperm.xlane v29, v3;
	[tilespmem:s19+$0xC030] =	vst v27;
	s19 =	smov.u32 s18;
	s18 =	smov.u32 s20  }
0x61: {  	v38 =	vmul.f32 v32, v10;
	v26 =	vmovc v32;
	v27 =	vmovc v13;
	v39 =	vmul.f32 v37, v11;
	v17 =	vmov v37  }
0x62: {  	v32 =	vmul.f32 v31, v12;
	v28 =	vadd.f32 v28, v33;
	v29 =	vadd.f32 v29, v34;
	v13 =	vmovc v31  }
0x63: {  	v31 =	vadd.f32 v38, v36;
	v33 =	vperm.xlane v30, v2  }
0x64: {  	v32 =	vadd.f32 v32, v39;
	v28 =	vadd.f32 v28, v8;
	v34 =	vmul.f32 v29, v4  }
0x65: {  	v33 =	vadd.f32 v30, v33;
	v30 =	vmul.f32 v29, v7;
	v36 =	vmul.f32 v29, v6  }
.Ltmp0:
0x66: {  	v31 =	vadd.f32 v32, v31;
	v32 =	vperm.xlane v28, v0;
	v34 =	vadd.f32 v34, v19;
	v19 =	vmovc v35;
	(pc) =	sbr.rel @p0 .LBB2_2-.Ltmp0, $4  }
0x67: {  	s20 =	sshra.s32 s21, $0x2;
	v38 =	vmul.f32 v29, v5;
	v35 =	vperm.xlane v33, v3;
	v37 =	vadd.f32 v30, v16;
	v16 =	vmovc v20  }
0x68: {  	v20 =	vld [tilespmem:s20+$0x80];
	v30 =	vadd.f32 v31, v8;
	v29 =	vadd.f32 v28, v32;
	[tilespmem:s19+$0xC0B0] =	vst v34  }
0x69: {  	v28 =	vadd.f32 v33, v35;
	v33 =	vadd.f32 v36, v15;
	v15 =	vmov v22;
	[tilespmem:s19+$0xC080] =	vst v37;
	v22 =	vld [tilespmem:s20+$0x90]  }
0x6a: {  	s21 =	sadd.s32 $0x400, s21;
	v34 =	vadd.f32 v38, v14;
	v14 =	vmovc v24;
	v32 =	vperm.xlane v30, v0;
	v31 =	vperm.xlane v29, v1;
	v24 =	vld [tilespmem:s20+$0xA0]  }
0x6b: {  	v35 =	vld [tilespmem:s20+$0xB0];
	[tilespmem:s19+$0xC090] =	vst v33  }
0x6c: {  	v33 =	vld [tilespmem:s20+$0x0];
	[tilespmem:s19+$0xC0A0] =	vst v34  }
0x6d: {  	v34 =	vld [tilespmem:s20+$0x10]  }
0x6e: {  	v36 =	vld [tilespmem:s20+$0x20]  }
0x6f: {  	v37 =	vld [tilespmem:s20+$0x30];
	v38 =	vmul.f32 v20, v9;
	v39 =	vmul.f32 v22, v10  }
0x70: {  	v40 =	vmul.f32 v24, v11;
	v41 =	vmul.f32 v35, v12;
	_ =	sdelay $0x1  }
0x71: {  	v38 =	vadd.f32 v39, v38;
	v49 =	vadd.f32 v41, v40  }
0x72: {  	v30 =	vadd.f32 v30, v32;
	v50 =	vmul.f32 v33, v9;
	v51 =	vmul.f32 v34, v10  }
0x73: {  	v52 =	vmul.f32 v36, v11;
	v53 =	vmul.f32 v37, v12;
	v38 =	vadd.f32 v49, v38  }
0x74: {  	v29 =	vadd.f32 v29, v31;
	v31 =	vadd.f32 v51, v50  }
0x75: {  	v54 =	vadd.f32 v53, v52;
	v38 =	vadd.f32 v38, v8  }
0x76: {  	v55 =	vperm.xlane v30, v1;
	v56 =	vperm.xlane v29, v2  }
0x77: {  	v31 =	vadd.f32 v54, v31;
	v57 =	vperm.xlane v38, v0  }
0x78: {  	v58 =	vmul.f32 v28, v7;
	v29 =	vadd.f32 v29, v56;
	v30 =	vadd.f32 v30, v55  }
0x79: {  	v59 =	vmul.f32 v28, v6;
	v31 =	vadd.f32 v31, v8;
	v32 =	vadd.f32 v38, v57  }
0x7a: {  	v18 =	vadd.f32 v58, v18;
	v60 =	vperm.xlane v29, v3;
	v61 =	vperm.xlane v30, v2  }
0x7b: {  	v21 =	vadd.f32 v59, v21;
	v62 =	vperm.xlane v31, v0;
	v63 =	vperm.xlane v32, v1  }
0x7c: {  	v44 =	vmul.f32 v28, v5;
	v29 =	vadd.f32 v29, v60;
	v30 =	vadd.f32 v30, v61  }
0x7d: {  	v28 =	vmul.f32 v28, v4;
	v31 =	vadd.f32 v31, v62;
	v32 =	vadd.f32 v32, v63  }
0x7e: {  	v23 =	vadd.f32 v44, v23;
	v45 =	vmul.f32 v29, v4;
	v46 =	vperm.xlane v30, v3  }
0x7f: {  	[tilespmem:s19+$0xC000] =	vst v18;
	v18 =	vadd.f32 v28, v27;
	v27 =	vperm.xlane v31, v1;
	v28 =	vperm.xlane v32, v2  }
0x80: {  	[tilespmem:s19+$0xC010] =	vst v21;
	v21 =	vmul.f32 v29, v7;
	v19 =	vadd.f32 v45, v19;
	v30 =	vadd.f32 v30, v46  }
0x81: {  	[tilespmem:s19+$0xC020] =	vst v23;
	v23 =	vmul.f32 v29, v6;
	v27 =	vadd.f32 v31, v27;
	v28 =	vadd.f32 v32, v28  }
0x82: {  	[tilespmem:s19+$0xC030] =	vst v18;
	v18 =	vmul.f32 v29, v5;
	v16 =	vadd.f32 v21, v16;
	v21 =	vmul.f32 v30, v7  }
0x83: {  	v15 =	vadd.f32 v23, v15;
	[tilespmem:s18+$0xC0B0] =	vst v19;
	v23 =	vperm.xlane v27, v2;
	v19 =	vperm.xlane v28, v3  }
0x84: {  	v14 =	vadd.f32 v18, v14;
	[tilespmem:s18+$0xC080] =	vst v16;
	v16 =	vmul.f32 v30, v6;
	v18 =	vadd.f32 v21, v25  }
0x85: {  	[tilespmem:s18+$0xC090] =	vst v15;
	v15 =	vmul.f32 v30, v5;
	v21 =	vadd.f32 v27, v23;
	v19 =	vadd.f32 v28, v19  }
0x86: {  	[tilespmem:s18+$0xC0A0] =	vst v14;
	v14 =	vadd.f32 v16, v26;
	v16 =	vmul.f32 v30, v4  }
0x87: {  	v15 =	vadd.f32 v15, v17;
	[tilespmem:s18+$0xC000] =	vst v18;
	v18 =	vperm.xlane v21, v3;
	v17 =	vmul.f32 v19, v4  }
0x88: {  	v13 =	vadd.f32 v16, v13;
	[tilespmem:s18+$0xC010] =	vst v14;
	v14 =	vmul.f32 v19, v7  }
0x89: {  	[tilespmem:s18+$0xC020] =	vst v15;
	v15 =	vmul.f32 v19, v6;
	v16 =	vadd.f32 v17, v35;
	v17 =	vadd.f32 v21, v18  }
0x8a: {  	[tilespmem:s18+$0xC030] =	vst v13;
	v13 =	vadd.f32 v14, v20;
	v14 =	vmul.f32 v19, v5  }
0x8b: {  	v15 =	vadd.f32 v15, v22;
	[tilespmem:s20+$0xC0B0] =	vst v16;
	v16 =	vmul.f32 v17, v7  }
0x8c: {  	[tilespmem:s20+$0xC080] =	vst v13;
	v13 =	vadd.f32 v14, v24;
	v14 =	vmul.f32 v17, v6  }
0x8d: {  	[tilespmem:s20+$0xC090] =	vst v15;
	v15 =	vmul.f32 v17, v5;
	v16 =	vadd.f32 v16, v33  }
0x8e: {  	[tilespmem:s20+$0xC0A0] =	vst v13;
	v13 =	vadd.f32 v14, v34;
	v14 =	vmul.f32 v17, v4  }
0x8f: {  	v15 =	vadd.f32 v15, v36;
	[tilespmem:s20+$0xC000] =	vst v16  }
0x90: {  	v14 =	vadd.f32 v14, v37;
	[tilespmem:s20+$0xC010] =	vst v13  }
0x91: {  	[tilespmem:s20+$0xC020] =	vst v15  }
0x92: {  	[tilespmem:s20+$0xC030] =	vst v14;
	s20 =	simm.s32 $0x0  }
0x93: {  	[hbm4b:s28+s20] =	stream.linear.scatter [tilespmem:s9], [sflag:$0x4], $0x4000, $0x38;
	[tilespmem:$0x18800] =	vst v63  }
0x94: {  	s21 =	rddreg [dreg:$0x5]  }
0x95: {  	[tilespmem:s20], [sflag:$0x1] =	stream.linear.gather [hbm4b:s21+s20], $0x4000, $0x38;
	[tilespmem:$0x18800] =	vst v63  }
0x96: {  	_ =	swait.ge [sflag:s10], $0x4000  }
0x97: {  	[sflag:s10] =	ssyncset.done $0x0  }
0x98: {  	s19 =	simm.s32 $0x0;
	[sflag:s10] =	ssyncadd.s32 $0xFFFFC000  }
0x99: {  	v22 =	vld [tilespmem:s19+$0x4080]  }
0x9a: {  	v24 =	vld [tilespmem:s19+$0x4090]  }
0x9b: {  	v47 =	vld [tilespmem:s19+$0x40A0]  }
0x9c: {  	v20 =	vld [tilespmem:s19+$0x40B0];
	_ =	sdelay $0x2  }
0x9d: {  	v18 =	vld [tilespmem:s19+$0x4000]  }
0x9e: {  	v21 =	vld [tilespmem:s19+$0x4010];
	v13 =	vmul.f32 v22, v9;
	v14 =	vmul.f32 v24, v10  }
0x9f: {  	v27 =	vld [tilespmem:s19+$0x4030];
	v15 =	vmul.f32 v47, v11;
	v16 =	vmul.f32 v20, v12  }
0xa0: {  	v23 =	vld [tilespmem:s19+$0x4020]  }
0xa1: {  	v13 =	vadd.f32 v14, v13;
	v14 =	vadd.f32 v16, v15;
	_ =	sdelay $0x1  }
0xa2: {  	v13 =	vadd.f32 v14, v13  }
0xa3: {  	v17 =	vmul.f32 v27, v12;
	v15 =	vmul.f32 v21, v10  }
0xa4: {  	v16 =	vmul.f32 v23, v11;
	v14 =	vmul.f32 v18, v9;
	v13 =	vadd.f32 v13, v8;
	_ =	sdelay $0x1  }
0xa5: {  	v14 =	vadd.f32 v15, v14;
	v15 =	vadd.f32 v17, v16;
	v19 =	vperm.xlane v13, v0  }
0xa6: {  	s18 =	simm.s32 $0x100  }
0xa7: {  	v16 =	vld [tilespmem:s18+$0x4080];
	v14 =	vadd.f32 v15, v14;
	v13 =	vadd.f32 v13, v19  }
0xa8: {  	v15 =	vld [tilespmem:s18+$0x4090]  }
0xa9: {  	v28 =	vadd.f32 v14, v8;
	v14 =	vld [tilespmem:s18+$0x40A0];
	v17 =	vperm.xlane v13, v1  }
0xaa: {  	v19 =	vld [tilespmem:s18+$0x40B0]  }
0xab: {  	v25 =	vld [tilespmem:s18+$0x4000];
	v29 =	vadd.f32 v13, v17  }
0xac: {  	v26 =	vld [tilespmem:s18+$0x4010];
	v13 =	vperm.xlane v28, v0  }
0xad: {  	v17 =	vld [tilespmem:s18+$0x4020];
	v30 =	vperm.xlane v29, v2  }
0xae: {  	v31 =	vmul.f32 v16, v9;
	v48 =	vmul.f32 v15, v10;
	v28 =	vadd.f32 v28, v13;
	v13 =	vld [tilespmem:s18+$0x4030]  }
0xaf: {  	v49 =	vmul.f32 v19, v12;
	v29 =	vadd.f32 v29, v30;
	v30 =	vmul.f32 v14, v11  }
0xb0: {  	v52 =	vmul.f32 v25, v9;
	v50 =	vperm.xlane v28, v1  }
0xb1: {  	v31 =	vadd.f32 v48, v31;
	v51 =	vperm.xlane v29, v3;
	v30 =	vadd.f32 v49, v30  }
0xb2: {  	v53 =	vmul.f32 v26, v10;
	v54 =	vmul.f32 v17, v11;
	v28 =	vadd.f32 v28, v50  }
0xb3: {  	v55 =	vmul.f32 v13, v12;
	v29 =	vadd.f32 v29, v51;
	v30 =	vadd.f32 v30, v31  }
0xb4: {  	v31 =	vadd.f32 v53, v52;
	v56 =	vperm.xlane v28, v2  }
0xb5: {  	v33 =	vadd.f32 v55, v54;
	v36 =	vmul.f32 v29, v4;
	v57 =	vadd.f32 v30, v8  }
0xb6: {  	v28 =	vadd.f32 v28, v56;
	v30 =	vmul.f32 v29, v7  }
0xb7: {  	v31 =	vadd.f32 v33, v31;
	v58 =	vadd.f32 v36, v20;
	v59 =	vperm.xlane v57, v0  }
0xb8: {  	s20 =	simm.s32 $0x200;
	v60 =	vmul.f32 v29, v6;
	v61 =	vperm.xlane v28, v3;
	v62 =	vadd.f32 v30, v22  }
0xb9: {  	v63 =	vmul.f32 v29, v5;
	v20 =	vld [tilespmem:s20+$0x4080];
	v30 =	vadd.f32 v31, v8;
	[tilespmem:s19+$0x100B0] =	vst v58;
	v29 =	vadd.f32 v57, v59  }
0xba: {  	v33 =	vadd.f32 v60, v24;
	v28 =	vadd.f32 v28, v61;
	v22 =	vld [tilespmem:s20+$0x4090];
	[tilespmem:s19+$0x10080] =	vst v62  }
0xbb: {  	s21 =	simm.s32 $0xC00;
	v34 =	vadd.f32 v63, v47;
	v32 =	vperm.xlane v30, v0;
	v24 =	vld [tilespmem:s20+$0x40A0];
	v31 =	vperm.xlane v29, v1  }
.LBB2_4:
0xbc: {  	p0 =	sne.s32 s21, $0xFC00;
	v35 =	vld [tilespmem:s20+$0x40B0];
	v36 =	vmul.f32 v28, v7;
	v37 =	vmul.f32 v28, v6;
	[tilespmem:s19+$0x10090] =	vst v33  }
0xbd: {  	v33 =	vld [tilespmem:s20+$0x4000];
	v30 =	vadd.f32 v30, v32;
	v29 =	vadd.f32 v29, v31;
	v31 =	vmul.f32 v28, v5;
	[tilespmem:s19+$0x100A0] =	vst v34  }
0xbe: {  	v28 =	vmul.f32 v28, v4;
	v32 =	vld [tilespmem:s20+$0x4010];
	v34 =	vadd.f32 v36, v18;
	v36 =	vadd.f32 v37, v21;
	v18 =	vmovc v25  }
0xbf: {  	v21 =	vmovc v26;
	v37 =	vld [tilespmem:s20+$0x4020];
	v40 =	vperm.xlane v30, v1;
	v38 =	vperm.xlane v29, v2;
	v41 =	vadd.f32 v31, v23  }
0xc0: {  	v26 =	vmul.f32 v20, v9;
	v39 =	vmul.f32 v22, v10;
	v27 =	vadd.f32 v28, v27;
	v31 =	vld [tilespmem:s20+$0x4030];
	[tilespmem:s19+$0x10000] =	vst v34  }
0xc1: {  	v28 =	vmul.f32 v24, v11;
	v34 =	vmul.f32 v35, v12;
	v29 =	vadd.f32 v29, v38;
	[tilespmem:s19+$0x10010] =	vst v36  }
0xc2: {  	v23 =	vmovc v17;
	v30 =	vadd.f32 v30, v40;
	v36 =	vmul.f32 v33, v9;
	[tilespmem:s19+$0x10020] =	vst v41;
	v25 =	vmov v33  }
0xc3: {  	v33 =	vadd.f32 v39, v26;
	v28 =	vadd.f32 v34, v28;
	v34 =	vperm.xlane v29, v3;
	[tilespmem:s19+$0x10030] =	vst v27;
	s19 =	smov.u32 s18;
	s18 =	smov.u32 s20  }
0xc4: {  	v38 =	vmul.f32 v32, v10;
	v26 =	vmovc v32;
	v27 =	vmovc v13;
	v39 =	vmul.f32 v37, v11;
	v17 =	vmov v37  }
0xc5: {  	v32 =	vmul.f32 v31, v12;
	v28 =	vadd.f32 v28, v33;
	v29 =	vadd.f32 v29, v34;
	v13 =	vmovc v31  }
0xc6: {  	v31 =	vadd.f32 v38, v36;
	v33 =	vperm.xlane v30, v2  }
0xc7: {  	v32 =	vadd.f32 v32, v39;
	v28 =	vadd.f32 v28, v8;
	v34 =	vmul.f32 v29, v4  }
0xc8: {  	v33 =	vadd.f32 v30, v33;
	v30 =	vmul.f32 v29, v7;
	v36 =	vmul.f32 v29, v6  }
.Ltmp1:
0xc9: {  	v31 =	vadd.f32 v32, v31;
	v32 =	vperm.xlane v28, v0;
	v34 =	vadd.f32 v34, v19;
	v19 =	vmovc v35;
	(pc) =	sbr.rel @p0 .LBB2_4-.Ltmp1, $4  }
0xca: {  	s20 =	sshra.s32 s21, $0x2;
	v38 =	vmul.f32 v29, v5;
	v35 =	vperm.xlane v33, v3;
	v37 =	vadd.f32 v30, v16;
	v16 =	vmovc v20  }
0xcb: {  	v20 =	vld [tilespmem:s20+$0x4080];
	v30 =	vadd.f32 v31, v8;
	v29 =	vadd.f32 v28, v32;
	[tilespmem:s19+$0x100B0] =	vst v34  }
0xcc: {  	v28 =	vadd.f32 v33, v35;
	v33 =	vadd.f32 v36, v15;
	v15 =	vmov v22;
	[tilespmem:s19+$0x10080] =	vst v37;
	v22 =	vld [tilespmem:s20+$0x4090]  }
0xcd: {  	s21 =	sadd.s32 $0x400, s21;
	v34 =	vadd.f32 v38, v14;
	v14 =	vmovc v24;
	v32 =	vperm.xlane v30, v0;
	v31 =	vperm.xlane v29, v1;
	v24 =	vld [tilespmem:s20+$0x40A0]  }
0xce: {  	v35 =	vld [tilespmem:s20+$0x40B0];
	[tilespmem:s19+$0x10090] =	vst v33  }
0xcf: {  	v33 =	vld [tilespmem:s20+$0x4000];
	[tilespmem:s19+$0x100A0] =	vst v34  }
0xd0: {  	v34 =	vld [tilespmem:s20+$0x4010]  }
0xd1: {  	v36 =	vld [tilespmem:s20+$0x4020]  }
0xd2: {  	v37 =	vld [tilespmem:s20+$0x4030];
	v38 =	vmul.f32 v20, v9;
	v39 =	vmul.f32 v22, v10  }
0xd3: {  	v40 =	vmul.f32 v24, v11;
	v41 =	vmul.f32 v35, v12;
	_ =	sdelay $0x1  }
0xd4: {  	v38 =	vadd.f32 v39, v38;
	v49 =	vadd.f32 v41, v40  }
0xd5: {  	v30 =	vadd.f32 v30, v32;
	v50 =	vmul.f32 v33, v9;
	v51 =	vmul.f32 v34, v10  }
0xd6: {  	v52 =	vmul.f32 v36, v11;
	v53 =	vmul.f32 v37, v12;
	v38 =	vadd.f32 v49, v38  }
0xd7: {  	v29 =	vadd.f32 v29, v31;
	v31 =	vadd.f32 v51, v50  }
0xd8: {  	v54 =	vadd.f32 v53, v52;
	v38 =	vadd.f32 v38, v8  }
0xd9: {  	v55 =	vperm.xlane v30, v1;
	v56 =	vperm.xlane v29, v2  }
0xda: {  	v31 =	vadd.f32 v54, v31;
	v57 =	vperm.xlane v38, v0  }
0xdb: {  	v58 =	vmul.f32 v28, v7;
	v29 =	vadd.f32 v29, v56;
	v30 =	vadd.f32 v30, v55  }
0xdc: {  	v59 =	vmul.f32 v28, v6;
	v31 =	vadd.f32 v31, v8;
	v32 =	vadd.f32 v38, v57  }
0xdd: {  	v18 =	vadd.f32 v58, v18;
	v60 =	vperm.xlane v29, v3;
	v61 =	vperm.xlane v30, v2  }
0xde: {  	v21 =	vadd.f32 v59, v21;
	v62 =	vperm.xlane v31, v0;
	v63 =	vperm.xlane v32, v1  }
0xdf: {  	v44 =	vmul.f32 v28, v5;
	v29 =	vadd.f32 v29, v60;
	v30 =	vadd.f32 v30, v61  }
0xe0: {  	v28 =	vmul.f32 v28, v4;
	v31 =	vadd.f32 v31, v62;
	v32 =	vadd.f32 v32, v63  }
0xe1: {  	v23 =	vadd.f32 v44, v23;
	v45 =	vmul.f32 v29, v4;
	v46 =	vperm.xlane v30, v3  }
0xe2: {  	[tilespmem:s19+$0x10000] =	vst v18;
	v18 =	vadd.f32 v28, v27;
	v27 =	vperm.xlane v31, v1;
	v28 =	vperm.xlane v32, v2  }
0xe3: {  	[tilespmem:s19+$0x10010] =	vst v21;
	v21 =	vmul.f32 v29, v7;
	v19 =	vadd.f32 v45, v19;
	v30 =	vadd.f32 v30, v46  }
0xe4: {  	[tilespmem:s19+$0x10020] =	vst v23;
	v23 =	vmul.f32 v29, v6;
	v27 =	vadd.f32 v31, v27;
	v28 =	vadd.f32 v32, v28  }
0xe5: {  	[tilespmem:s19+$0x10030] =	vst v18;
	v18 =	vmul.f32 v29, v5;
	v16 =	vadd.f32 v21, v16;
	v21 =	vmul.f32 v30, v7  }
0xe6: {  	v15 =	vadd.f32 v23, v15;
	[tilespmem:s18+$0x100B0] =	vst v19;
	v23 =	vperm.xlane v27, v2;
	v19 =	vperm.xlane v28, v3  }
0xe7: {  	v14 =	vadd.f32 v18, v14;
	[tilespmem:s18+$0x10080] =	vst v16;
	v16 =	vmul.f32 v30, v6;
	v18 =	vadd.f32 v21, v25  }
0xe8: {  	[tilespmem:s18+$0x10090] =	vst v15;
	v15 =	vmul.f32 v30, v5;
	v21 =	vadd.f32 v27, v23;
	v19 =	vadd.f32 v28, v19  }
0xe9: {  	[tilespmem:s18+$0x100A0] =	vst v14;
	v14 =	vadd.f32 v16, v26;
	v16 =	vmul.f32 v30, v4  }
0xea: {  	v15 =	vadd.f32 v15, v17;
	[tilespmem:s18+$0x10000] =	vst v18;
	v18 =	vperm.xlane v21, v3;
	v17 =	vmul.f32 v19, v4  }
0xeb: {  	v13 =	vadd.f32 v16, v13;
	[tilespmem:s18+$0x10010] =	vst v14;
	v14 =	vmul.f32 v19, v7  }
0xec: {  	[tilespmem:s18+$0x10020] =	vst v15;
	v15 =	vmul.f32 v19, v6;
	v16 =	vadd.f32 v17, v35;
	v17 =	vadd.f32 v21, v18  }
0xed: {  	[tilespmem:s18+$0x10030] =	vst v13;
	v13 =	vadd.f32 v14, v20;
	v14 =	vmul.f32 v19, v5  }
0xee: {  	v15 =	vadd.f32 v15, v22;
	[tilespmem:s20+$0x100B0] =	vst v16;
	v16 =	vmul.f32 v17, v7  }
0xef: {  	[tilespmem:s20+$0x10080] =	vst v13;
	v13 =	vadd.f32 v14, v24;
	v14 =	vmul.f32 v17, v6  }
0xf0: {  	[tilespmem:s20+$0x10090] =	vst v15;
	v15 =	vmul.f32 v17, v5;
	v16 =	vadd.f32 v16, v33  }
0xf1: {  	[tilespmem:s20+$0x100A0] =	vst v13;
	v13 =	vadd.f32 v14, v34;
	v14 =	vmul.f32 v17, v4  }
0xf2: {  	v15 =	vadd.f32 v15, v36;
	[tilespmem:s20+$0x10000] =	vst v16  }
0xf3: {  	v14 =	vadd.f32 v14, v37;
	[tilespmem:s20+$0x10010] =	vst v13  }
0xf4: {  	[tilespmem:s20+$0x10020] =	vst v15  }
0xf5: {  	s18 =	simm.s32 $0x0;
	[tilespmem:s20+$0x10030] =	vst v14;
	s20 =	rddreg [dreg:$0x6]  }
0xf6: {  	[hbm4b:s20+s18] =	stream.linear.scatter [tilespmem:s11], [sflag:$0x5], $0x4000, $0x38;
	[tilespmem:$0x18800] =	vst v63  }
0xf7: {  	s21 =	rddreg [dreg:$0x7]  }
0xf8: {  	[tilespmem:s6], [sflag:$0x2] =	stream.linear.gather [hbm4b:s21+s18], $0x4000, $0x38;
	[tilespmem:$0x18800] =	vst v63  }
0xf9: {  	_ =	swait.ge [sflag:s12], $0x4000  }
0xfa: {  	[sflag:s12] =	ssyncset.done $0x0  }
0xfb: {  	s19 =	simm.s32 $0x0;
	[sflag:s12] =	ssyncadd.s32 $0xFFFFC000  }
0xfc: {  	v22 =	vld [tilespmem:s19+$0x8080]  }
0xfd: {  	v24 =	vld [tilespmem:s19+$0x8090]  }
0xfe: {  	v47 =	vld [tilespmem:s19+$0x80A0]  }
0xff: {  	v20 =	vld [tilespmem:s19+$0x80B0];
	_ =	sdelay $0x2  }
0x100: {  	v18 =	vld [tilespmem:s19+$0x8000]  }
0x101: {  	v21 =	vld [tilespmem:s19+$0x8010];
	v13 =	vmul.f32 v22, v9;
	v14 =	vmul.f32 v24, v10  }
0x102: {  	v27 =	vld [tilespmem:s19+$0x8030];
	v15 =	vmul.f32 v47, v11;
	v16 =	vmul.f32 v20, v12  }
0x103: {  	v23 =	vld [tilespmem:s19+$0x8020]  }
0x104: {  	v13 =	vadd.f32 v14, v13;
	v14 =	vadd.f32 v16, v15;
	_ =	sdelay $0x1  }
0x105: {  	v13 =	vadd.f32 v14, v13  }
0x106: {  	v17 =	vmul.f32 v27, v12;
	v15 =	vmul.f32 v21, v10  }
0x107: {  	v16 =	vmul.f32 v23, v11;
	v14 =	vmul.f32 v18, v9;
	v13 =	vadd.f32 v13, v8;
	_ =	sdelay $0x1  }
0x108: {  	v14 =	vadd.f32 v15, v14;
	v15 =	vadd.f32 v17, v16;
	v19 =	vperm.xlane v13, v0  }
0x109: {  	s18 =	simm.s32 $0x100  }
0x10a: {  	v16 =	vld [tilespmem:s18+$0x8080];
	v14 =	vadd.f32 v15, v14;
	v13 =	vadd.f32 v13, v19  }
0x10b: {  	v15 =	vld [tilespmem:s18+$0x8090]  }
0x10c: {  	v28 =	vadd.f32 v14, v8;
	v14 =	vld [tilespmem:s18+$0x80A0];
	v17 =	vperm.xlane v13, v1  }
0x10d: {  	v19 =	vld [tilespmem:s18+$0x80B0]  }
0x10e: {  	v25 =	vld [tilespmem:s18+$0x8000];
	v29 =	vadd.f32 v13, v17  }
0x10f: {  	v26 =	vld [tilespmem:s18+$0x8010];
	v13 =	vperm.xlane v28, v0  }
0x110: {  	v17 =	vld [tilespmem:s18+$0x8020];
	v30 =	vperm.xlane v29, v2  }
0x111: {  	v31 =	vmul.f32 v16, v9;
	v48 =	vmul.f32 v15, v10;
	v28 =	vadd.f32 v28, v13;
	v13 =	vld [tilespmem:s18+$0x8030]  }
0x112: {  	v49 =	vmul.f32 v19, v12;
	v29 =	vadd.f32 v29, v30;
	v30 =	vmul.f32 v14, v11  }
0x113: {  	v52 =	vmul.f32 v25, v9;
	v50 =	vperm.xlane v28, v1  }
0x114: {  	v31 =	vadd.f32 v48, v31;
	v51 =	vperm.xlane v29, v3;
	v30 =	vadd.f32 v49, v30  }
0x115: {  	v53 =	vmul.f32 v26, v10;
	v54 =	vmul.f32 v17, v11;
	v28 =	vadd.f32 v28, v50  }
0x116: {  	v55 =	vmul.f32 v13, v12;
	v29 =	vadd.f32 v29, v51;
	v30 =	vadd.f32 v30, v31  }
0x117: {  	v31 =	vadd.f32 v53, v52;
	v56 =	vperm.xlane v28, v2  }
0x118: {  	v33 =	vadd.f32 v55, v54;
	v36 =	vmul.f32 v29, v4;
	v57 =	vadd.f32 v30, v8  }
0x119: {  	v28 =	vadd.f32 v28, v56;
	v30 =	vmul.f32 v29, v7  }
0x11a: {  	v31 =	vadd.f32 v33, v31;
	v58 =	vadd.f32 v36, v20;
	v59 =	vperm.xlane v57, v0  }
0x11b: {  	s20 =	simm.s32 $0x200;
	v60 =	vmul.f32 v29, v6;
	v61 =	vperm.xlane v28, v3;
	v62 =	vadd.f32 v30, v22  }
0x11c: {  	v63 =	vmul.f32 v29, v5;
	v20 =	vld [tilespmem:s20+$0x8080];
	v30 =	vadd.f32 v31, v8;
	[tilespmem:s19+$0x140B0] =	vst v58;
	v29 =	vadd.f32 v57, v59  }
0x11d: {  	v33 =	vadd.f32 v60, v24;
	v28 =	vadd.f32 v28, v61;
	v22 =	vld [tilespmem:s20+$0x8090];
	[tilespmem:s19+$0x14080] =	vst v62  }
0x11e: {  	s21 =	simm.s32 $0xC00;
	v34 =	vadd.f32 v63, v47;
	v32 =	vperm.xlane v30, v0;
	v24 =	vld [tilespmem:s20+$0x80A0];
	v31 =	vperm.xlane v29, v1  }
.LBB2_6:
0x11f: {  	p0 =	sne.s32 s21, $0xFC00;
	v35 =	vld [tilespmem:s20+$0x80B0];
	v36 =	vmul.f32 v28, v7;
	v37 =	vmul.f32 v28, v6;
	[tilespmem:s19+$0x14090] =	vst v33  }
0x120: {  	v33 =	vld [tilespmem:s20+$0x8000];
	v30 =	vadd.f32 v30, v32;
	v29 =	vadd.f32 v29, v31;
	v31 =	vmul.f32 v28, v5;
	[tilespmem:s19+$0x140A0] =	vst v34  }
0x121: {  	v28 =	vmul.f32 v28, v4;
	v32 =	vld [tilespmem:s20+$0x8010];
	v34 =	vadd.f32 v36, v18;
	v36 =	vadd.f32 v37, v21;
	v18 =	vmovc v25  }
0x122: {  	v21 =	vmovc v26;
	v37 =	vld [tilespmem:s20+$0x8020];
	v40 =	vperm.xlane v30, v1;
	v38 =	vperm.xlane v29, v2;
	v41 =	vadd.f32 v31, v23  }
0x123: {  	v26 =	vmul.f32 v20, v9;
	v39 =	vmul.f32 v22, v10;
	v27 =	vadd.f32 v28, v27;
	v31 =	vld [tilespmem:s20+$0x8030];
	[tilespmem:s19+$0x14000] =	vst v34  }
0x124: {  	v28 =	vmul.f32 v24, v11;
	v34 =	vmul.f32 v35, v12;
	v29 =	vadd.f32 v29, v38;
	[tilespmem:s19+$0x14010] =	vst v36  }
0x125: {  	v23 =	vmovc v17;
	v30 =	vadd.f32 v30, v40;
	v36 =	vmul.f32 v33, v9;
	[tilespmem:s19+$0x14020] =	vst v41;
	v25 =	vmov v33  }
0x126: {  	v33 =	vadd.f32 v39, v26;
	v28 =	vadd.f32 v34, v28;
	v34 =	vperm.xlane v29, v3;
	[tilespmem:s19+$0x14030] =	vst v27;
	s19 =	smov.u32 s18;
	s18 =	smov.u32 s20  }
0x127: {  	v38 =	vmul.f32 v32, v10;
	v26 =	vmovc v32;
	v27 =	vmovc v13;
	v39 =	vmul.f32 v37, v11;
	v17 =	vmov v37  }
0x128: {  	v32 =	vmul.f32 v31, v12;
	v28 =	vadd.f32 v28, v33;
	v29 =	vadd.f32 v29, v34;
	v13 =	vmovc v31  }
0x129: {  	v31 =	vadd.f32 v38, v36;
	v33 =	vperm.xlane v30, v2  }
0x12a: {  	v32 =	vadd.f32 v32, v39;
	v28 =	vadd.f32 v28, v8;
	v34 =	vmul.f32 v29, v4  }
0x12b: {  	v33 =	vadd.f32 v30, v33;
	v30 =	vmul.f32 v29, v7;
	v36 =	vmul.f32 v29, v6  }
.Ltmp2:
0x12c: {  	v31 =	vadd.f32 v32, v31;
	v32 =	vperm.xlane v28, v0;
	v34 =	vadd.f32 v34, v19;
	v19 =	vmovc v35;
	(pc) =	sbr.rel @p0 .LBB2_6-.Ltmp2, $4  }
0x12d: {  	s20 =	sshra.s32 s21, $0x2;
	v38 =	vmul.f32 v29, v5;
	v35 =	vperm.xlane v33, v3;
	v37 =	vadd.f32 v30, v16;
	v16 =	vmovc v20  }
0x12e: {  	v20 =	vld [tilespmem:s20+$0x8080];
	v30 =	vadd.f32 v31, v8;
	v29 =	vadd.f32 v28, v32;
	[tilespmem:s19+$0x140B0] =	vst v34  }
0x12f: {  	v28 =	vadd.f32 v33, v35;
	v33 =	vadd.f32 v36, v15;
	v15 =	vmov v22;
	[tilespmem:s19+$0x14080] =	vst v37;
	v22 =	vld [tilespmem:s20+$0x8090]  }
0x130: {  	s21 =	sadd.s32 $0x400, s21;
	v34 =	vadd.f32 v38, v14;
	v14 =	vmovc v24;
	v32 =	vperm.xlane v30, v0;
	v31 =	vperm.xlane v29, v1;
	v24 =	vld [tilespmem:s20+$0x80A0]  }
0x131: {  	v35 =	vld [tilespmem:s20+$0x80B0];
	[tilespmem:s19+$0x14090] =	vst v33  }
0x132: {  	v33 =	vld [tilespmem:s20+$0x8000];
	[tilespmem:s19+$0x140A0] =	vst v34  }
0x133: {  	v34 =	vld [tilespmem:s20+$0x8010]  }
0x134: {  	v36 =	vld [tilespmem:s20+$0x8020]  }
0x135: {  	v37 =	vld [tilespmem:s20+$0x8030];
	v38 =	vmul.f32 v20, v9;
	v39 =	vmul.f32 v22, v10  }
0x136: {  	v40 =	vmul.f32 v24, v11;
	v41 =	vmul.f32 v35, v12;
	_ =	sdelay $0x1  }
0x137: {  	v38 =	vadd.f32 v39, v38;
	v49 =	vadd.f32 v41, v40  }
0x138: {  	v30 =	vadd.f32 v30, v32;
	v50 =	vmul.f32 v33, v9;
	v51 =	vmul.f32 v34, v10  }
0x139: {  	v52 =	vmul.f32 v36, v11;
	v53 =	vmul.f32 v37, v12;
	v38 =	vadd.f32 v49, v38  }
0x13a: {  	v29 =	vadd.f32 v29, v31;
	v31 =	vadd.f32 v51, v50  }
0x13b: {  	v54 =	vadd.f32 v53, v52;
	v38 =	vadd.f32 v38, v8  }
0x13c: {  	v55 =	vperm.xlane v30, v1;
	v56 =	vperm.xlane v29, v2  }
0x13d: {  	v31 =	vadd.f32 v54, v31;
	v57 =	vperm.xlane v38, v0  }
0x13e: {  	v58 =	vmul.f32 v28, v7;
	v29 =	vadd.f32 v29, v56;
	v30 =	vadd.f32 v30, v55  }
0x13f: {  	v59 =	vmul.f32 v28, v6;
	v31 =	vadd.f32 v31, v8;
	v32 =	vadd.f32 v38, v57  }
0x140: {  	v18 =	vadd.f32 v58, v18;
	v60 =	vperm.xlane v29, v3;
	v61 =	vperm.xlane v30, v2  }
0x141: {  	v21 =	vadd.f32 v59, v21;
	v62 =	vperm.xlane v31, v0;
	v63 =	vperm.xlane v32, v1  }
0x142: {  	v44 =	vmul.f32 v28, v5;
	v29 =	vadd.f32 v29, v60;
	v30 =	vadd.f32 v30, v61  }
0x143: {  	v28 =	vmul.f32 v28, v4;
	v31 =	vadd.f32 v31, v62;
	v32 =	vadd.f32 v32, v63  }
0x144: {  	v23 =	vadd.f32 v44, v23;
	v45 =	vmul.f32 v29, v4;
	v46 =	vperm.xlane v30, v3  }
0x145: {  	[tilespmem:s19+$0x14000] =	vst v18;
	v18 =	vadd.f32 v28, v27;
	v27 =	vperm.xlane v31, v1;
	v28 =	vperm.xlane v32, v2  }
0x146: {  	[tilespmem:s19+$0x14010] =	vst v21;
	v21 =	vmul.f32 v29, v7;
	v19 =	vadd.f32 v45, v19;
	v30 =	vadd.f32 v30, v46  }
0x147: {  	[tilespmem:s19+$0x14020] =	vst v23;
	v23 =	vmul.f32 v29, v6;
	v27 =	vadd.f32 v31, v27;
	v28 =	vadd.f32 v32, v28  }
0x148: {  	[tilespmem:s19+$0x14030] =	vst v18;
	v18 =	vmul.f32 v29, v5;
	v16 =	vadd.f32 v21, v16;
	v21 =	vmul.f32 v30, v7  }
0x149: {  	v15 =	vadd.f32 v23, v15;
	[tilespmem:s18+$0x140B0] =	vst v19;
	v23 =	vperm.xlane v27, v2;
	v19 =	vperm.xlane v28, v3  }
0x14a: {  	v14 =	vadd.f32 v18, v14;
	[tilespmem:s18+$0x14080] =	vst v16;
	v16 =	vmul.f32 v30, v6;
	v18 =	vadd.f32 v21, v25  }
0x14b: {  	[tilespmem:s18+$0x14090] =	vst v15;
	v15 =	vmul.f32 v30, v5;
	v21 =	vadd.f32 v27, v23;
	v19 =	vadd.f32 v28, v19  }
0x14c: {  	[tilespmem:s18+$0x140A0] =	vst v14;
	v14 =	vadd.f32 v16, v26;
	v16 =	vmul.f32 v30, v4  }
0x14d: {  	v15 =	vadd.f32 v15, v17;
	[tilespmem:s18+$0x14000] =	vst v18;
	v18 =	vperm.xlane v21, v3;
	v17 =	vmul.f32 v19, v4  }
0x14e: {  	v13 =	vadd.f32 v16, v13;
	[tilespmem:s18+$0x14010] =	vst v14;
	v14 =	vmul.f32 v19, v7  }
0x14f: {  	[tilespmem:s18+$0x14020] =	vst v15;
	v15 =	vmul.f32 v19, v6;
	v16 =	vadd.f32 v17, v35;
	v17 =	vadd.f32 v21, v18  }
0x150: {  	[tilespmem:s18+$0x14030] =	vst v13;
	v13 =	vadd.f32 v14, v20;
	v14 =	vmul.f32 v19, v5  }
0x151: {  	v15 =	vadd.f32 v15, v22;
	[tilespmem:s20+$0x140B0] =	vst v16;
	v16 =	vmul.f32 v17, v7  }
0x152: {  	[tilespmem:s20+$0x14080] =	vst v13;
	v13 =	vadd.f32 v14, v24;
	v14 =	vmul.f32 v17, v6  }
0x153: {  	[tilespmem:s20+$0x14090] =	vst v15;
	v15 =	vmul.f32 v17, v5;
	v16 =	vadd.f32 v16, v33  }
0x154: {  	[tilespmem:s20+$0x140A0] =	vst v13;
	v13 =	vadd.f32 v14, v34;
	v14 =	vmul.f32 v17, v4  }
0x155: {  	v15 =	vadd.f32 v15, v36;
	[tilespmem:s20+$0x14000] =	vst v16  }
0x156: {  	v14 =	vadd.f32 v14, v37;
	[tilespmem:s20+$0x14010] =	vst v13  }
0x157: {  	[tilespmem:s20+$0x14020] =	vst v15  }
0x158: {  	s18 =	simm.s32 $0x0;
	[tilespmem:s20+$0x14030] =	vst v14;
	s20 =	rddreg [dreg:$0x8]  }
0x159: {  	[hbm4b:s20+s18] =	stream.linear.scatter [tilespmem:s13], [sflag:$0x6], $0x4000, $0x38;
	[tilespmem:$0x18800] =	vst v63  }
0x15a: {  	s21 =	rddreg [dreg:$0x9]  }
0x15b: {  	[tilespmem:s7], [sflag:$0x3] =	stream.linear.gather [hbm4b:s21+s18], $0x4000, $0x38;
	[tilespmem:$0x18800] =	vst v63  }
0x15c: {  	_ =	swait.ge [sflag:s8], $0x4000  }
0x15d: {  	[sflag:s8] =	ssyncset.done $0x0  }
0x15e: {  	[sflag:s8] =	ssyncadd.s32 $0xFFFFC000  }
0x15f: {  	_ =	swait.ge [sflag:s14], $0x4000  }
0x160: {  	[sflag:s14] =	ssyncset.done $0x0  }
0x161: {  	s19 =	simm.s32 $0x0;
	[sflag:s14] =	ssyncadd.s32 $0xFFFFC000  }
0x162: {  	v22 =	vld [tilespmem:s19+$0x80]  }
0x163: {  	v24 =	vld [tilespmem:s19+$0x90]  }
0x164: {  	v47 =	vld [tilespmem:s19+$0xA0]  }
0x165: {  	v20 =	vld [tilespmem:s19+$0xB0];
	_ =	sdelay $0x2  }
0x166: {  	v18 =	vld [tilespmem:s19+$0x0]  }
0x167: {  	v21 =	vld [tilespmem:s19+$0x10];
	v13 =	vmul.f32 v22, v9;
	v14 =	vmul.f32 v24, v10  }
0x168: {  	v27 =	vld [tilespmem:s19+$0x30];
	v15 =	vmul.f32 v47, v11;
	v16 =	vmul.f32 v20, v12  }
0x169: {  	v23 =	vld [tilespmem:s19+$0x20]  }
0x16a: {  	v13 =	vadd.f32 v14, v13;
	v14 =	vadd.f32 v16, v15;
	_ =	sdelay $0x1  }
0x16b: {  	v13 =	vadd.f32 v14, v13  }
0x16c: {  	v17 =	vmul.f32 v27, v12;
	v15 =	vmul.f32 v21, v10  }
0x16d: {  	v16 =	vmul.f32 v23, v11;
	v14 =	vmul.f32 v18, v9;
	v13 =	vadd.f32 v13, v8;
	_ =	sdelay $0x1  }
0x16e: {  	v14 =	vadd.f32 v15, v14;
	v15 =	vadd.f32 v17, v16;
	v19 =	vperm.xlane v13, v0  }
0x16f: {  	s18 =	simm.s32 $0x100  }
0x170: {  	v16 =	vld [tilespmem:s18+$0x80];
	v14 =	vadd.f32 v15, v14;
	v13 =	vadd.f32 v13, v19  }
0x171: {  	v15 =	vld [tilespmem:s18+$0x90]  }
0x172: {  	v28 =	vadd.f32 v14, v8;
	v14 =	vld [tilespmem:s18+$0xA0];
	v17 =	vperm.xlane v13, v1  }
0x173: {  	v19 =	vld [tilespmem:s18+$0xB0]  }
0x174: {  	v25 =	vld [tilespmem:s18+$0x0];
	v29 =	vadd.f32 v13, v17  }
0x175: {  	v26 =	vld [tilespmem:s18+$0x10];
	v13 =	vperm.xlane v28, v0  }
0x176: {  	v17 =	vld [tilespmem:s18+$0x20];
	v30 =	vperm.xlane v29, v2  }
0x177: {  	v31 =	vmul.f32 v16, v9;
	v48 =	vmul.f32 v15, v10;
	v28 =	vadd.f32 v28, v13;
	v13 =	vld [tilespmem:s18+$0x30]  }
0x178: {  	v49 =	vmul.f32 v19, v12;
	v29 =	vadd.f32 v29, v30;
	v30 =	vmul.f32 v14, v11  }
0x179: {  	v52 =	vmul.f32 v25, v9;
	v50 =	vperm.xlane v28, v1  }
0x17a: {  	v31 =	vadd.f32 v48, v31;
	v51 =	vperm.xlane v29, v3;
	v30 =	vadd.f32 v49, v30  }
0x17b: {  	v53 =	vmul.f32 v26, v10;
	v54 =	vmul.f32 v17, v11;
	v28 =	vadd.f32 v28, v50  }
0x17c: {  	v55 =	vmul.f32 v13, v12;
	v29 =	vadd.f32 v29, v51;
	v30 =	vadd.f32 v30, v31  }
0x17d: {  	v31 =	vadd.f32 v53, v52;
	v56 =	vperm.xlane v28, v2  }
0x17e: {  	v33 =	vadd.f32 v55, v54;
	v36 =	vmul.f32 v29, v4;
	v57 =	vadd.f32 v30, v8  }
0x17f: {  	v28 =	vadd.f32 v28, v56;
	v30 =	vmul.f32 v29, v7  }
0x180: {  	v31 =	vadd.f32 v33, v31;
	v58 =	vadd.f32 v36, v20;
	v59 =	vperm.xlane v57, v0  }
0x181: {  	s20 =	simm.s32 $0x200;
	v60 =	vmul.f32 v29, v6;
	v61 =	vperm.xlane v28, v3;
	v62 =	vadd.f32 v30, v22  }
0x182: {  	v63 =	vmul.f32 v29, v5;
	v20 =	vld [tilespmem:s20+$0x80];
	v30 =	vadd.f32 v31, v8;
	[tilespmem:s19+$0xC0B0] =	vst v58;
	v29 =	vadd.f32 v57, v59  }
0x183: {  	v33 =	vadd.f32 v60, v24;
	v28 =	vadd.f32 v28, v61;
	v22 =	vld [tilespmem:s20+$0x90];
	[tilespmem:s19+$0xC080] =	vst v62  }
0x184: {  	s21 =	simm.s32 $0xC00;
	v34 =	vadd.f32 v63, v47;
	v32 =	vperm.xlane v30, v0;
	v24 =	vld [tilespmem:s20+$0xA0];
	v31 =	vperm.xlane v29, v1  }
.LBB2_8:
0x185: {  	p0 =	sne.s32 s21, $0xFC00;
	v35 =	vld [tilespmem:s20+$0xB0];
	v36 =	vmul.f32 v28, v7;
	v37 =	vmul.f32 v28, v6;
	[tilespmem:s19+$0xC090] =	vst v33  }
0x186: {  	v33 =	vld [tilespmem:s20+$0x0];
	v30 =	vadd.f32 v30, v32;
	v29 =	vadd.f32 v29, v31;
	v31 =	vmul.f32 v28, v5;
	[tilespmem:s19+$0xC0A0] =	vst v34  }
0x187: {  	v28 =	vmul.f32 v28, v4;
	v32 =	vld [tilespmem:s20+$0x10];
	v34 =	vadd.f32 v36, v18;
	v36 =	vadd.f32 v37, v21;
	v18 =	vmovc v25  }
0x188: {  	v21 =	vmovc v26;
	v37 =	vld [tilespmem:s20+$0x20];
	v40 =	vperm.xlane v30, v1;
	v38 =	vperm.xlane v29, v2;
	v41 =	vadd.f32 v31, v23  }
0x189: {  	v26 =	vmul.f32 v20, v9;
	v39 =	vmul.f32 v22, v10;
	v27 =	vadd.f32 v28, v27;
	v31 =	vld [tilespmem:s20+$0x30];
	[tilespmem:s19+$0xC000] =	vst v34  }
0x18a: {  	v28 =	vmul.f32 v24, v11;
	v34 =	vmul.f32 v35, v12;
	v29 =	vadd.f32 v29, v38;
	[tilespmem:s19+$0xC010] =	vst v36  }
0x18b: {  	v23 =	vmovc v17;
	v30 =	vadd.f32 v30, v40;
	v36 =	vmul.f32 v33, v9;
	[tilespmem:s19+$0xC020] =	vst v41;
	v25 =	vmov v33  }
0x18c: {  	v33 =	vadd.f32 v39, v26;
	v28 =	vadd.f32 v34, v28;
	v34 =	vperm.xlane v29, v3;
	[tilespmem:s19+$0xC030] =	vst v27;
	s19 =	smov.u32 s18;
	s18 =	smov.u32 s20  }
0x18d: {  	v38 =	vmul.f32 v32, v10;
	v26 =	vmovc v32;
	v27 =	vmovc v13;
	v39 =	vmul.f32 v37, v11;
	v17 =	vmov v37  }
0x18e: {  	v32 =	vmul.f32 v31, v12;
	v28 =	vadd.f32 v28, v33;
	v29 =	vadd.f32 v29, v34;
	v13 =	vmovc v31  }
0x18f: {  	v31 =	vadd.f32 v38, v36;
	v33 =	vperm.xlane v30, v2  }
0x190: {  	v32 =	vadd.f32 v32, v39;
	v28 =	vadd.f32 v28, v8;
	v34 =	vmul.f32 v29, v4  }
0x191: {  	v33 =	vadd.f32 v30, v33;
	v30 =	vmul.f32 v29, v7;
	v36 =	vmul.f32 v29, v6  }
.Ltmp3:
0x192: {  	v31 =	vadd.f32 v32, v31;
	v32 =	vperm.xlane v28, v0;
	v34 =	vadd.f32 v34, v19;
	v19 =	vmovc v35;
	(pc) =	sbr.rel @p0 .LBB2_8-.Ltmp3, $4  }
0x193: {  	s20 =	sshra.s32 s21, $0x2;
	v38 =	vmul.f32 v29, v5;
	v35 =	vperm.xlane v33, v3;
	v37 =	vadd.f32 v30, v16;
	v16 =	vmovc v20  }
0x194: {  	v20 =	vld [tilespmem:s20+$0x80];
	v30 =	vadd.f32 v31, v8;
	v29 =	vadd.f32 v28, v32;
	[tilespmem:s19+$0xC0B0] =	vst v34  }
0x195: {  	v28 =	vadd.f32 v33, v35;
	v33 =	vadd.f32 v36, v15;
	v15 =	vmov v22;
	[tilespmem:s19+$0xC080] =	vst v37;
	v22 =	vld [tilespmem:s20+$0x90]  }
0x196: {  	s21 =	sadd.s32 $0x400, s21;
	v34 =	vadd.f32 v38, v14;
	v14 =	vmovc v24;
	v32 =	vperm.xlane v30, v0;
	v31 =	vperm.xlane v29, v1;
	v24 =	vld [tilespmem:s20+$0xA0]  }
0x197: {  	v35 =	vld [tilespmem:s20+$0xB0];
	[tilespmem:s19+$0xC090] =	vst v33  }
0x198: {  	v33 =	vld [tilespmem:s20+$0x0];
	[tilespmem:s19+$0xC0A0] =	vst v34  }
0x199: {  	v34 =	vld [tilespmem:s20+$0x10]  }
0x19a: {  	v36 =	vld [tilespmem:s20+$0x20]  }
0x19b: {  	v37 =	vld [tilespmem:s20+$0x30];
	v38 =	vmul.f32 v20, v9;
	v39 =	vmul.f32 v22, v10  }
0x19c: {  	v40 =	vmul.f32 v24, v11;
	v41 =	vmul.f32 v35, v12;
	_ =	sdelay $0x1  }
0x19d: {  	v38 =	vadd.f32 v39, v38;
	v49 =	vadd.f32 v41, v40  }
0x19e: {  	v30 =	vadd.f32 v30, v32;
	v50 =	vmul.f32 v33, v9;
	v51 =	vmul.f32 v34, v10  }
0x19f: {  	v52 =	vmul.f32 v36, v11;
	v53 =	vmul.f32 v37, v12;
	v38 =	vadd.f32 v49, v38  }
0x1a0: {  	v29 =	vadd.f32 v29, v31;
	v31 =	vadd.f32 v51, v50  }
0x1a1: {  	v54 =	vadd.f32 v53, v52;
	v38 =	vadd.f32 v38, v8  }
0x1a2: {  	v55 =	vperm.xlane v30, v1;
	v56 =	vperm.xlane v29, v2  }
0x1a3: {  	v31 =	vadd.f32 v54, v31;
	v57 =	vperm.xlane v38, v0  }
0x1a4: {  	v58 =	vmul.f32 v28, v7;
	v29 =	vadd.f32 v29, v56;
	v30 =	vadd.f32 v30, v55  }
0x1a5: {  	v59 =	vmul.f32 v28, v6;
	v31 =	vadd.f32 v31, v8;
	v32 =	vadd.f32 v38, v57  }
0x1a6: {  	v18 =	vadd.f32 v58, v18;
	v60 =	vperm.xlane v29, v3;
	v61 =	vperm.xlane v30, v2  }
0x1a7: {  	v21 =	vadd.f32 v59, v21;
	v62 =	vperm.xlane v31, v0;
	v63 =	vperm.xlane v32, v1  }
0x1a8: {  	v44 =	vmul.f32 v28, v5;
	v29 =	vadd.f32 v29, v60;
	v30 =	vadd.f32 v30, v61  }
0x1a9: {  	v28 =	vmul.f32 v28, v4;
	v31 =	vadd.f32 v31, v62;
	v32 =	vadd.f32 v32, v63  }
0x1aa: {  	v23 =	vadd.f32 v44, v23;
	v45 =	vmul.f32 v29, v4;
	v46 =	vperm.xlane v30, v3  }
0x1ab: {  	[tilespmem:s19+$0xC000] =	vst v18;
	v18 =	vadd.f32 v28, v27;
	v27 =	vperm.xlane v31, v1;
	v28 =	vperm.xlane v32, v2  }
0x1ac: {  	[tilespmem:s19+$0xC010] =	vst v21;
	v21 =	vmul.f32 v29, v7;
	v19 =	vadd.f32 v45, v19;
	v30 =	vadd.f32 v30, v46  }
0x1ad: {  	[tilespmem:s19+$0xC020] =	vst v23;
	v23 =	vmul.f32 v29, v6;
	v27 =	vadd.f32 v31, v27;
	v28 =	vadd.f32 v32, v28  }
0x1ae: {  	[tilespmem:s19+$0xC030] =	vst v18;
	v18 =	vmul.f32 v29, v5;
	v16 =	vadd.f32 v21, v16;
	v21 =	vmul.f32 v30, v7  }
0x1af: {  	v15 =	vadd.f32 v23, v15;
	[tilespmem:s18+$0xC0B0] =	vst v19;
	v23 =	vperm.xlane v27, v2;
	v19 =	vperm.xlane v28, v3  }
0x1b0: {  	v14 =	vadd.f32 v18, v14;
	[tilespmem:s18+$0xC080] =	vst v16;
	v16 =	vmul.f32 v30, v6;
	v18 =	vadd.f32 v21, v25  }
0x1b1: {  	[tilespmem:s18+$0xC090] =	vst v15;
	v15 =	vmul.f32 v30, v5;
	v21 =	vadd.f32 v27, v23;
	v19 =	vadd.f32 v28, v19  }
0x1b2: {  	[tilespmem:s18+$0xC0A0] =	vst v14;
	v14 =	vadd.f32 v16, v26;
	v16 =	vmul.f32 v30, v4  }
0x1b3: {  	v15 =	vadd.f32 v15, v17;
	[tilespmem:s18+$0xC000] =	vst v18;
	v18 =	vperm.xlane v21, v3;
	v17 =	vmul.f32 v19, v4  }
0x1b4: {  	v13 =	vadd.f32 v16, v13;
	[tilespmem:s18+$0xC010] =	vst v14;
	v14 =	vmul.f32 v19, v7  }
0x1b5: {  	[tilespmem:s18+$0xC020] =	vst v15;
	v15 =	vmul.f32 v19, v6;
	v16 =	vadd.f32 v17, v35;
	v17 =	vadd.f32 v21, v18  }
0x1b6: {  	[tilespmem:s18+$0xC030] =	vst v13;
	v13 =	vadd.f32 v14, v20;
	v14 =	vmul.f32 v19, v5  }
0x1b7: {  	v15 =	vadd.f32 v15, v22;
	[tilespmem:s20+$0xC0B0] =	vst v16;
	v16 =	vmul.f32 v17, v7  }
0x1b8: {  	[tilespmem:s20+$0xC080] =	vst v13;
	v13 =	vadd.f32 v14, v24;
	v14 =	vmul.f32 v17, v6  }
0x1b9: {  	[tilespmem:s20+$0xC090] =	vst v15;
	v15 =	vmul.f32 v17, v5;
	v16 =	vadd.f32 v16, v33  }
0x1ba: {  	[tilespmem:s20+$0xC0A0] =	vst v13;
	v13 =	vadd.f32 v14, v34;
	v14 =	vmul.f32 v17, v4  }
0x1bb: {  	v15 =	vadd.f32 v15, v36;
	[tilespmem:s20+$0xC000] =	vst v16  }
0x1bc: {  	v14 =	vadd.f32 v14, v37;
	[tilespmem:s20+$0xC010] =	vst v13  }
0x1bd: {  	[tilespmem:s20+$0xC020] =	vst v15  }
0x1be: {  	s18 =	simm.s32 $0x0;
	[tilespmem:s20+$0xC030] =	vst v14;
	s20 =	rddreg [dreg:$0xa]  }
0x1bf: {  	[hbm4b:s20+s18] =	stream.linear.scatter [tilespmem:s9], [sflag:$0x4], $0x4000, $0x38;
	[tilespmem:$0x18800] =	vst v63  }
0x1c0: {  	s21 =	rddreg [dreg:$0xb]  }
0x1c1: {  	[tilespmem:s18], [sflag:$0x1] =	stream.linear.gather [hbm4b:s21+s18], $0x4000, $0x38;
	[tilespmem:$0x18800] =	vst v63  }
0x1c2: {  	_ =	swait.ge [sflag:s10], $0x4000  }
0x1c3: {  	[sflag:s10] =	ssyncset.done $0x0  }
0x1c4: {  	[sflag:s10] =	ssyncadd.s32 $0xFFFFC000  }
0x1c5: {  	_ =	swait.ge [sflag:s15], $0x4000  }
0x1c6: {  	[sflag:s15] =	ssyncset.done $0x0  }
0x1c7: {  	s19 =	simm.s32 $0x0;
	[sflag:s15] =	ssyncadd.s32 $0xFFFFC000  }
0x1c8: {  	v22 =	vld [tilespmem:s19+$0x4080]  }
0x1c9: {  	v24 =	vld [tilespmem:s19+$0x4090]  }
0x1ca: {  	v47 =	vld [tilespmem:s19+$0x40A0]  }
0x1cb: {  	v20 =	vld [tilespmem:s19+$0x40B0];
	_ =	sdelay $0x2  }
0x1cc: {  	v18 =	vld [tilespmem:s19+$0x4000]  }
0x1cd: {  	v21 =	vld [tilespmem:s19+$0x4010];
	v13 =	vmul.f32 v22, v9;
	v14 =	vmul.f32 v24, v10  }
0x1ce: {  	v27 =	vld [tilespmem:s19+$0x4030];
	v15 =	vmul.f32 v47, v11;
	v16 =	vmul.f32 v20, v12  }
0x1cf: {  	v23 =	vld [tilespmem:s19+$0x4020]  }
0x1d0: {  	v13 =	vadd.f32 v14, v13;
	v14 =	vadd.f32 v16, v15;
	_ =	sdelay $0x1  }
0x1d1: {  	v13 =	vadd.f32 v14, v13  }
0x1d2: {  	v17 =	vmul.f32 v27, v12;
	v15 =	vmul.f32 v21, v10  }
0x1d3: {  	v16 =	vmul.f32 v23, v11;
	v14 =	vmul.f32 v18, v9;
	v13 =	vadd.f32 v13, v8;
	_ =	sdelay $0x1  }
0x1d4: {  	v14 =	vadd.f32 v15, v14;
	v15 =	vadd.f32 v17, v16;
	v19 =	vperm.xlane v13, v0  }
0x1d5: {  	s18 =	simm.s32 $0x100  }
0x1d6: {  	v16 =	vld [tilespmem:s18+$0x4080];
	v14 =	vadd.f32 v15, v14;
	v13 =	vadd.f32 v13, v19  }
0x1d7: {  	v15 =	vld [tilespmem:s18+$0x4090]  }
0x1d8: {  	v28 =	vadd.f32 v14, v8;
	v14 =	vld [tilespmem:s18+$0x40A0];
	v17 =	vperm.xlane v13, v1  }
0x1d9: {  	v19 =	vld [tilespmem:s18+$0x40B0]  }
0x1da: {  	v25 =	vld [tilespmem:s18+$0x4000];
	v29 =	vadd.f32 v13, v17  }
0x1db: {  	v26 =	vld [tilespmem:s18+$0x4010];
	v13 =	vperm.xlane v28, v0  }
0x1dc: {  	v17 =	vld [tilespmem:s18+$0x4020];
	v30 =	vperm.xlane v29, v2  }
0x1dd: {  	v31 =	vmul.f32 v16, v9;
	v48 =	vmul.f32 v15, v10;
	v28 =	vadd.f32 v28, v13;
	v13 =	vld [tilespmem:s18+$0x4030]  }
0x1de: {  	v49 =	vmul.f32 v19, v12;
	v29 =	vadd.f32 v29, v30;
	v30 =	vmul.f32 v14, v11  }
0x1df: {  	v52 =	vmul.f32 v25, v9;
	v50 =	vperm.xlane v28, v1  }
0x1e0: {  	v31 =	vadd.f32 v48, v31;
	v51 =	vperm.xlane v29, v3;
	v30 =	vadd.f32 v49, v30  }
0x1e1: {  	v53 =	vmul.f32 v26, v10;
	v54 =	vmul.f32 v17, v11;
	v28 =	vadd.f32 v28, v50  }
0x1e2: {  	v55 =	vmul.f32 v13, v12;
	v29 =	vadd.f32 v29, v51;
	v30 =	vadd.f32 v30, v31  }
0x1e3: {  	v31 =	vadd.f32 v53, v52;
	v56 =	vperm.xlane v28, v2  }
0x1e4: {  	v33 =	vadd.f32 v55, v54;
	v36 =	vmul.f32 v29, v4;
	v57 =	vadd.f32 v30, v8  }
0x1e5: {  	v28 =	vadd.f32 v28, v56;
	v30 =	vmul.f32 v29, v7  }
0x1e6: {  	v31 =	vadd.f32 v33, v31;
	v58 =	vadd.f32 v36, v20;
	v59 =	vperm.xlane v57, v0  }
0x1e7: {  	s20 =	simm.s32 $0x200;
	v60 =	vmul.f32 v29, v6;
	v61 =	vperm.xlane v28, v3;
	v62 =	vadd.f32 v30, v22  }
0x1e8: {  	v63 =	vmul.f32 v29, v5;
	v20 =	vld [tilespmem:s20+$0x4080];
	v30 =	vadd.f32 v31, v8;
	[tilespmem:s19+$0x100B0] =	vst v58;
	v29 =	vadd.f32 v57, v59  }
0x1e9: {  	v33 =	vadd.f32 v60, v24;
	v28 =	vadd.f32 v28, v61;
	v22 =	vld [tilespmem:s20+$0x4090];
	[tilespmem:s19+$0x10080] =	vst v62  }
0x1ea: {  	s21 =	simm.s32 $0xC00;
	v34 =	vadd.f32 v63, v47;
	v32 =	vperm.xlane v30, v0;
	v24 =	vld [tilespmem:s20+$0x40A0];
	v31 =	vperm.xlane v29, v1  }
.LBB2_10:
0x1eb: {  	p0 =	sne.s32 s21, $0xFC00;
	v35 =	vld [tilespmem:s20+$0x40B0];
	v36 =	vmul.f32 v28, v7;
	v37 =	vmul.f32 v28, v6;
	[tilespmem:s19+$0x10090] =	vst v33  }
0x1ec: {  	v33 =	vld [tilespmem:s20+$0x4000];
	v30 =	vadd.f32 v30, v32;
	v29 =	vadd.f32 v29, v31;
	v31 =	vmul.f32 v28, v5;
	[tilespmem:s19+$0x100A0] =	vst v34  }
0x1ed: {  	v28 =	vmul.f32 v28, v4;
	v32 =	vld [tilespmem:s20+$0x4010];
	v34 =	vadd.f32 v36, v18;
	v36 =	vadd.f32 v37, v21;
	v18 =	vmovc v25  }
0x1ee: {  	v21 =	vmovc v26;
	v37 =	vld [tilespmem:s20+$0x4020];
	v40 =	vperm.xlane v30, v1;
	v38 =	vperm.xlane v29, v2;
	v41 =	vadd.f32 v31, v23  }
0x1ef: {  	v26 =	vmul.f32 v20, v9;
	v39 =	vmul.f32 v22, v10;
	v27 =	vadd.f32 v28, v27;
	v31 =	vld [tilespmem:s20+$0x4030];
	[tilespmem:s19+$0x10000] =	vst v34  }
0x1f0: {  	v28 =	vmul.f32 v24, v11;
	v34 =	vmul.f32 v35, v12;
	v29 =	vadd.f32 v29, v38;
	[tilespmem:s19+$0x10010] =	vst v36  }
0x1f1: {  	v23 =	vmovc v17;
	v30 =	vadd.f32 v30, v40;
	v36 =	vmul.f32 v33, v9;
	[tilespmem:s19+$0x10020] =	vst v41;
	v25 =	vmov v33  }
0x1f2: {  	v33 =	vadd.f32 v39, v26;
	v28 =	vadd.f32 v34, v28;
	v34 =	vperm.xlane v29, v3;
	[tilespmem:s19+$0x10030] =	vst v27;
	s19 =	smov.u32 s18;
	s18 =	smov.u32 s20  }
0x1f3: {  	v38 =	vmul.f32 v32, v10;
	v26 =	vmovc v32;
	v27 =	vmovc v13;
	v39 =	vmul.f32 v37, v11;
	v17 =	vmov v37  }
0x1f4: {  	v32 =	vmul.f32 v31, v12;
	v28 =	vadd.f32 v28, v33;
	v29 =	vadd.f32 v29, v34;
	v13 =	vmovc v31  }
0x1f5: {  	v31 =	vadd.f32 v38, v36;
	v33 =	vperm.xlane v30, v2  }
0x1f6: {  	v32 =	vadd.f32 v32, v39;
	v28 =	vadd.f32 v28, v8;
	v34 =	vmul.f32 v29, v4  }
0x1f7: {  	v33 =	vadd.f32 v30, v33;
	v30 =	vmul.f32 v29, v7;
	v36 =	vmul.f32 v29, v6  }
.Ltmp4:
0x1f8: {  	v31 =	vadd.f32 v32, v31;
	v32 =	vperm.xlane v28, v0;
	v34 =	vadd.f32 v34, v19;
	v19 =	vmovc v35;
	(pc) =	sbr.rel @p0 .LBB2_10-.Ltmp4, $4  }
0x1f9: {  	s20 =	sshra.s32 s21, $0x2;
	v38 =	vmul.f32 v29, v5;
	v35 =	vperm.xlane v33, v3;
	v37 =	vadd.f32 v30, v16;
	v16 =	vmovc v20  }
0x1fa: {  	v20 =	vld [tilespmem:s20+$0x4080];
	v30 =	vadd.f32 v31, v8;
	v29 =	vadd.f32 v28, v32;
	[tilespmem:s19+$0x100B0] =	vst v34  }
0x1fb: {  	v28 =	vadd.f32 v33, v35;
	v33 =	vadd.f32 v36, v15;
	v15 =	vmov v22;
	[tilespmem:s19+$0x10080] =	vst v37;
	v22 =	vld [tilespmem:s20+$0x4090]  }
0x1fc: {  	s21 =	sadd.s32 $0x400, s21;
	v34 =	vadd.f32 v38, v14;
	v14 =	vmovc v24;
	v32 =	vperm.xlane v30, v0;
	v31 =	vperm.xlane v29, v1;
	v24 =	vld [tilespmem:s20+$0x40A0]  }
0x1fd: {  	v35 =	vld [tilespmem:s20+$0x40B0];
	[tilespmem:s19+$0x10090] =	vst v33  }
0x1fe: {  	v33 =	vld [tilespmem:s20+$0x4000];
	[tilespmem:s19+$0x100A0] =	vst v34  }
0x1ff: {  	v34 =	vld [tilespmem:s20+$0x4010]  }
0x200: {  	v36 =	vld [tilespmem:s20+$0x4020]  }
0x201: {  	v37 =	vld [tilespmem:s20+$0x4030];
	v38 =	vmul.f32 v20, v9;
	v39 =	vmul.f32 v22, v10  }
0x202: {  	v40 =	vmul.f32 v24, v11;
	v41 =	vmul.f32 v35, v12;
	_ =	sdelay $0x1  }
0x203: {  	v38 =	vadd.f32 v39, v38;
	v49 =	vadd.f32 v41, v40  }
0x204: {  	v30 =	vadd.f32 v30, v32;
	v50 =	vmul.f32 v33, v9;
	v51 =	vmul.f32 v34, v10  }
0x205: {  	v52 =	vmul.f32 v36, v11;
	v53 =	vmul.f32 v37, v12;
	v38 =	vadd.f32 v49, v38  }
0x206: {  	v29 =	vadd.f32 v29, v31;
	v31 =	vadd.f32 v51, v50  }
0x207: {  	v54 =	vadd.f32 v53, v52;
	v38 =	vadd.f32 v38, v8  }
0x208: {  	v55 =	vperm.xlane v30, v1;
	v56 =	vperm.xlane v29, v2  }
0x209: {  	v31 =	vadd.f32 v54, v31;
	v57 =	vperm.xlane v38, v0  }
0x20a: {  	v58 =	vmul.f32 v28, v7;
	v29 =	vadd.f32 v29, v56;
	v30 =	vadd.f32 v30, v55  }
0x20b: {  	v59 =	vmul.f32 v28, v6;
	v31 =	vadd.f32 v31, v8;
	v32 =	vadd.f32 v38, v57  }
0x20c: {  	v18 =	vadd.f32 v58, v18;
	v60 =	vperm.xlane v29, v3;
	v61 =	vperm.xlane v30, v2  }
0x20d: {  	v21 =	vadd.f32 v59, v21;
	v62 =	vperm.xlane v31, v0;
	v63 =	vperm.xlane v32, v1  }
0x20e: {  	v44 =	vmul.f32 v28, v5;
	v29 =	vadd.f32 v29, v60;
	v30 =	vadd.f32 v30, v61  }
0x20f: {  	v28 =	vmul.f32 v28, v4;
	v31 =	vadd.f32 v31, v62;
	v32 =	vadd.f32 v32, v63  }
0x210: {  	v23 =	vadd.f32 v44, v23;
	v45 =	vmul.f32 v29, v4;
	v46 =	vperm.xlane v30, v3  }
0x211: {  	[tilespmem:s19+$0x10000] =	vst v18;
	v18 =	vadd.f32 v28, v27;
	v27 =	vperm.xlane v31, v1;
	v28 =	vperm.xlane v32, v2  }
0x212: {  	[tilespmem:s19+$0x10010] =	vst v21;
	v21 =	vmul.f32 v29, v7;
	v19 =	vadd.f32 v45, v19;
	v30 =	vadd.f32 v30, v46  }
0x213: {  	[tilespmem:s19+$0x10020] =	vst v23;
	v23 =	vmul.f32 v29, v6;
	v27 =	vadd.f32 v31, v27;
	v28 =	vadd.f32 v32, v28  }
0x214: {  	[tilespmem:s19+$0x10030] =	vst v18;
	v18 =	vmul.f32 v29, v5;
	v16 =	vadd.f32 v21, v16;
	v21 =	vmul.f32 v30, v7  }
0x215: {  	v15 =	vadd.f32 v23, v15;
	[tilespmem:s18+$0x100B0] =	vst v19;
	v23 =	vperm.xlane v27, v2;
	v19 =	vperm.xlane v28, v3  }
0x216: {  	v14 =	vadd.f32 v18, v14;
	[tilespmem:s18+$0x10080] =	vst v16;
	v16 =	vmul.f32 v30, v6;
	v18 =	vadd.f32 v21, v25  }
0x217: {  	[tilespmem:s18+$0x10090] =	vst v15;
	v15 =	vmul.f32 v30, v5;
	v21 =	vadd.f32 v27, v23;
	v19 =	vadd.f32 v28, v19  }
0x218: {  	[tilespmem:s18+$0x100A0] =	vst v14;
	v14 =	vadd.f32 v16, v26;
	v16 =	vmul.f32 v30, v4  }
0x219: {  	v15 =	vadd.f32 v15, v17;
	[tilespmem:s18+$0x10000] =	vst v18;
	v18 =	vperm.xlane v21, v3;
	v17 =	vmul.f32 v19, v4  }
0x21a: {  	v13 =	vadd.f32 v16, v13;
	[tilespmem:s18+$0x10010] =	vst v14;
	v14 =	vmul.f32 v19, v7  }
0x21b: {  	[tilespmem:s18+$0x10020] =	vst v15;
	v15 =	vmul.f32 v19, v6;
	v16 =	vadd.f32 v17, v35;
	v17 =	vadd.f32 v21, v18  }
0x21c: {  	[tilespmem:s18+$0x10030] =	vst v13;
	v13 =	vadd.f32 v14, v20;
	v14 =	vmul.f32 v19, v5  }
0x21d: {  	v15 =	vadd.f32 v15, v22;
	[tilespmem:s20+$0x100B0] =	vst v16;
	v16 =	vmul.f32 v17, v7  }
0x21e: {  	[tilespmem:s20+$0x10080] =	vst v13;
	v13 =	vadd.f32 v14, v24;
	v14 =	vmul.f32 v17, v6  }
0x21f: {  	[tilespmem:s20+$0x10090] =	vst v15;
	v15 =	vmul.f32 v17, v5;
	v16 =	vadd.f32 v16, v33  }
0x220: {  	[tilespmem:s20+$0x100A0] =	vst v13;
	v13 =	vadd.f32 v14, v34;
	v14 =	vmul.f32 v17, v4  }
0x221: {  	v15 =	vadd.f32 v15, v36;
	[tilespmem:s20+$0x10000] =	vst v16  }
0x222: {  	v14 =	vadd.f32 v14, v37;
	[tilespmem:s20+$0x10010] =	vst v13  }
0x223: {  	[tilespmem:s20+$0x10020] =	vst v15  }
0x224: {  	s18 =	simm.s32 $0x0;
	[tilespmem:s20+$0x10030] =	vst v14;
	s20 =	rddreg [dreg:$0xc]  }
0x225: {  	[hbm4b:s20+s18] =	stream.linear.scatter [tilespmem:s11], [sflag:$0x5], $0x4000, $0x38;
	[tilespmem:$0x18800] =	vst v63  }
0x226: {  	s21 =	rddreg [dreg:$0xd]  }
0x227: {  	[tilespmem:s6], [sflag:$0x2] =	stream.linear.gather [hbm4b:s21+s18], $0x4000, $0x38;
	[tilespmem:$0x18800] =	vst v63  }
0x228: {  	_ =	swait.ge [sflag:s12], $0x4000  }
0x229: {  	[sflag:s12] =	ssyncset.done $0x0  }
0x22a: {  	[sflag:s12] =	ssyncadd.s32 $0xFFFFC000  }
0x22b: {  	_ =	swait.ge [sflag:s16], $0x4000  }
0x22c: {  	[sflag:s16] =	ssyncset.done $0x0  }
0x22d: {  	s19 =	simm.s32 $0x0;
	[sflag:s16] =	ssyncadd.s32 $0xFFFFC000  }
0x22e: {  	v22 =	vld [tilespmem:s19+$0x8080]  }
0x22f: {  	v24 =	vld [tilespmem:s19+$0x8090]  }
0x230: {  	v47 =	vld [tilespmem:s19+$0x80A0]  }
0x231: {  	v20 =	vld [tilespmem:s19+$0x80B0];
	_ =	sdelay $0x2  }
0x232: {  	v18 =	vld [tilespmem:s19+$0x8000]  }
0x233: {  	v21 =	vld [tilespmem:s19+$0x8010];
	v13 =	vmul.f32 v22, v9;
	v14 =	vmul.f32 v24, v10  }
0x234: {  	v27 =	vld [tilespmem:s19+$0x8030];
	v15 =	vmul.f32 v47, v11;
	v16 =	vmul.f32 v20, v12  }
0x235: {  	v23 =	vld [tilespmem:s19+$0x8020]  }
0x236: {  	v13 =	vadd.f32 v14, v13;
	v14 =	vadd.f32 v16, v15;
	_ =	sdelay $0x1  }
0x237: {  	v13 =	vadd.f32 v14, v13  }
0x238: {  	v17 =	vmul.f32 v27, v12;
	v15 =	vmul.f32 v21, v10  }
0x239: {  	v16 =	vmul.f32 v23, v11;
	v14 =	vmul.f32 v18, v9;
	v13 =	vadd.f32 v13, v8;
	_ =	sdelay $0x1  }
0x23a: {  	v14 =	vadd.f32 v15, v14;
	v15 =	vadd.f32 v17, v16;
	v19 =	vperm.xlane v13, v0  }
0x23b: {  	s18 =	simm.s32 $0x100  }
0x23c: {  	v16 =	vld [tilespmem:s18+$0x8080];
	v14 =	vadd.f32 v15, v14;
	v13 =	vadd.f32 v13, v19  }
0x23d: {  	v15 =	vld [tilespmem:s18+$0x8090]  }
0x23e: {  	v28 =	vadd.f32 v14, v8;
	v14 =	vld [tilespmem:s18+$0x80A0];
	v17 =	vperm.xlane v13, v1  }
0x23f: {  	v19 =	vld [tilespmem:s18+$0x80B0]  }
0x240: {  	v25 =	vld [tilespmem:s18+$0x8000];
	v29 =	vadd.f32 v13, v17  }
0x241: {  	v26 =	vld [tilespmem:s18+$0x8010];
	v13 =	vperm.xlane v28, v0  }
0x242: {  	v17 =	vld [tilespmem:s18+$0x8020];
	v30 =	vperm.xlane v29, v2  }
0x243: {  	v31 =	vmul.f32 v16, v9;
	v48 =	vmul.f32 v15, v10;
	v28 =	vadd.f32 v28, v13;
	v13 =	vld [tilespmem:s18+$0x8030]  }
0x244: {  	v49 =	vmul.f32 v19, v12;
	v29 =	vadd.f32 v29, v30;
	v30 =	vmul.f32 v14, v11  }
0x245: {  	v52 =	vmul.f32 v25, v9;
	v50 =	vperm.xlane v28, v1  }
0x246: {  	v31 =	vadd.f32 v48, v31;
	v51 =	vperm.xlane v29, v3;
	v30 =	vadd.f32 v49, v30  }
0x247: {  	v53 =	vmul.f32 v26, v10;
	v54 =	vmul.f32 v17, v11;
	v28 =	vadd.f32 v28, v50  }
0x248: {  	v55 =	vmul.f32 v13, v12;
	v29 =	vadd.f32 v29, v51;
	v30 =	vadd.f32 v30, v31  }
0x249: {  	v31 =	vadd.f32 v53, v52;
	v56 =	vperm.xlane v28, v2  }
0x24a: {  	v33 =	vadd.f32 v55, v54;
	v36 =	vmul.f32 v29, v4;
	v57 =	vadd.f32 v30, v8  }
0x24b: {  	v28 =	vadd.f32 v28, v56;
	v30 =	vmul.f32 v29, v7  }
0x24c: {  	v31 =	vadd.f32 v33, v31;
	v58 =	vadd.f32 v36, v20;
	v59 =	vperm.xlane v57, v0  }
0x24d: {  	s20 =	simm.s32 $0x200;
	v60 =	vmul.f32 v29, v6;
	v61 =	vperm.xlane v28, v3;
	v62 =	vadd.f32 v30, v22  }
0x24e: {  	v63 =	vmul.f32 v29, v5;
	v20 =	vld [tilespmem:s20+$0x8080];
	v30 =	vadd.f32 v31, v8;
	[tilespmem:s19+$0x140B0] =	vst v58;
	v29 =	vadd.f32 v57, v59  }
0x24f: {  	v33 =	vadd.f32 v60, v24;
	v28 =	vadd.f32 v28, v61;
	v22 =	vld [tilespmem:s20+$0x8090];
	[tilespmem:s19+$0x14080] =	vst v62  }
0x250: {  	s21 =	simm.s32 $0xC00;
	v34 =	vadd.f32 v63, v47;
	v32 =	vperm.xlane v30, v0;
	v24 =	vld [tilespmem:s20+$0x80A0];
	v31 =	vperm.xlane v29, v1  }
.LBB2_12:
0x251: {  	p0 =	sne.s32 s21, $0xFC00;
	v35 =	vld [tilespmem:s20+$0x80B0];
	v36 =	vmul.f32 v28, v7;
	v37 =	vmul.f32 v28, v6;
	[tilespmem:s19+$0x14090] =	vst v33  }
0x252: {  	v33 =	vld [tilespmem:s20+$0x8000];
	v30 =	vadd.f32 v30, v32;
	v29 =	vadd.f32 v29, v31;
	v31 =	vmul.f32 v28, v5;
	[tilespmem:s19+$0x140A0] =	vst v34  }
0x253: {  	v28 =	vmul.f32 v28, v4;
	v32 =	vld [tilespmem:s20+$0x8010];
	v34 =	vadd.f32 v36, v18;
	v36 =	vadd.f32 v37, v21;
	v18 =	vmovc v25  }
0x254: {  	v21 =	vmovc v26;
	v37 =	vld [tilespmem:s20+$0x8020];
	v40 =	vperm.xlane v30, v1;
	v38 =	vperm.xlane v29, v2;
	v41 =	vadd.f32 v31, v23  }
0x255: {  	v26 =	vmul.f32 v20, v9;
	v39 =	vmul.f32 v22, v10;
	v27 =	vadd.f32 v28, v27;
	v31 =	vld [tilespmem:s20+$0x8030];
	[tilespmem:s19+$0x14000] =	vst v34  }
0x256: {  	v28 =	vmul.f32 v24, v11;
	v34 =	vmul.f32 v35, v12;
	v29 =	vadd.f32 v29, v38;
	[tilespmem:s19+$0x14010] =	vst v36  }
0x257: {  	v23 =	vmovc v17;
	v30 =	vadd.f32 v30, v40;
	v36 =	vmul.f32 v33, v9;
	[tilespmem:s19+$0x14020] =	vst v41;
	v25 =	vmov v33  }
0x258: {  	v33 =	vadd.f32 v39, v26;
	v28 =	vadd.f32 v34, v28;
	v34 =	vperm.xlane v29, v3;
	[tilespmem:s19+$0x14030] =	vst v27;
	s19 =	smov.u32 s18;
	s18 =	smov.u32 s20  }
0x259: {  	v38 =	vmul.f32 v32, v10;
	v26 =	vmovc v32;
	v27 =	vmovc v13;
	v39 =	vmul.f32 v37, v11;
	v17 =	vmov v37  }
0x25a: {  	v32 =	vmul.f32 v31, v12;
	v28 =	vadd.f32 v28, v33;
	v29 =	vadd.f32 v29, v34;
	v13 =	vmovc v31  }
0x25b: {  	v31 =	vadd.f32 v38, v36;
	v33 =	vperm.xlane v30, v2  }
0x25c: {  	v32 =	vadd.f32 v32, v39;
	v28 =	vadd.f32 v28, v8;
	v34 =	vmul.f32 v29, v4  }
0x25d: {  	v33 =	vadd.f32 v30, v33;
	v30 =	vmul.f32 v29, v7;
	v36 =	vmul.f32 v29, v6  }
.Ltmp5:
0x25e: {  	v31 =	vadd.f32 v32, v31;
	v32 =	vperm.xlane v28, v0;
	v34 =	vadd.f32 v34, v19;
	v19 =	vmovc v35;
	(pc) =	sbr.rel @p0 .LBB2_12-.Ltmp5, $4  }
0x25f: {  	s20 =	sshra.s32 s21, $0x2;
	v38 =	vmul.f32 v29, v5;
	v35 =	vperm.xlane v33, v3;
	v37 =	vadd.f32 v30, v16;
	v16 =	vmovc v20  }
0x260: {  	v20 =	vld [tilespmem:s20+$0x8080];
	v30 =	vadd.f32 v31, v8;
	v29 =	vadd.f32 v28, v32;
	[tilespmem:s19+$0x140B0] =	vst v34  }
0x261: {  	v28 =	vadd.f32 v33, v35;
	v33 =	vadd.f32 v36, v15;
	v15 =	vmov v22;
	[tilespmem:s19+$0x14080] =	vst v37;
	v22 =	vld [tilespmem:s20+$0x8090]  }
0x262: {  	s21 =	sadd.s32 $0x400, s21;
	v34 =	vadd.f32 v38, v14;
	v14 =	vmovc v24;
	v32 =	vperm.xlane v30, v0;
	v31 =	vperm.xlane v29, v1;
	v24 =	vld [tilespmem:s20+$0x80A0]  }
0x263: {  	v35 =	vld [tilespmem:s20+$0x80B0];
	[tilespmem:s19+$0x14090] =	vst v33  }
0x264: {  	v33 =	vld [tilespmem:s20+$0x8000];
	[tilespmem:s19+$0x140A0] =	vst v34  }
0x265: {  	v34 =	vld [tilespmem:s20+$0x8010]  }
0x266: {  	v36 =	vld [tilespmem:s20+$0x8020]  }
0x267: {  	v37 =	vld [tilespmem:s20+$0x8030];
	v38 =	vmul.f32 v20, v9;
	v39 =	vmul.f32 v22, v10  }
0x268: {  	v40 =	vmul.f32 v24, v11;
	v41 =	vmul.f32 v35, v12;
	_ =	sdelay $0x1  }
0x269: {  	v38 =	vadd.f32 v39, v38;
	v49 =	vadd.f32 v41, v40  }
0x26a: {  	v30 =	vadd.f32 v30, v32;
	v50 =	vmul.f32 v33, v9;
	v51 =	vmul.f32 v34, v10  }
0x26b: {  	v52 =	vmul.f32 v36, v11;
	v53 =	vmul.f32 v37, v12;
	v38 =	vadd.f32 v49, v38  }
0x26c: {  	v29 =	vadd.f32 v29, v31;
	v31 =	vadd.f32 v51, v50  }
0x26d: {  	v54 =	vadd.f32 v53, v52;
	v38 =	vadd.f32 v38, v8  }
0x26e: {  	v55 =	vperm.xlane v30, v1;
	v56 =	vperm.xlane v29, v2  }
0x26f: {  	v31 =	vadd.f32 v54, v31;
	v57 =	vperm.xlane v38, v0  }
0x270: {  	v58 =	vmul.f32 v28, v7;
	v29 =	vadd.f32 v29, v56;
	v30 =	vadd.f32 v30, v55  }
0x271: {  	v59 =	vmul.f32 v28, v6;
	v31 =	vadd.f32 v31, v8;
	v32 =	vadd.f32 v38, v57  }
0x272: {  	v18 =	vadd.f32 v58, v18;
	v60 =	vperm.xlane v29, v3;
	v61 =	vperm.xlane v30, v2  }
0x273: {  	v21 =	vadd.f32 v59, v21;
	v62 =	vperm.xlane v31, v0;
	v63 =	vperm.xlane v32, v1  }
0x274: {  	v44 =	vmul.f32 v28, v5;
	v29 =	vadd.f32 v29, v60;
	v30 =	vadd.f32 v30, v61  }
0x275: {  	v28 =	vmul.f32 v28, v4;
	v31 =	vadd.f32 v31, v62;
	v32 =	vadd.f32 v32, v63  }
0x276: {  	v23 =	vadd.f32 v44, v23;
	v45 =	vmul.f32 v29, v4;
	v46 =	vperm.xlane v30, v3  }
0x277: {  	[tilespmem:s19+$0x14000] =	vst v18;
	v18 =	vadd.f32 v28, v27;
	v27 =	vperm.xlane v31, v1;
	v28 =	vperm.xlane v32, v2  }
0x278: {  	[tilespmem:s19+$0x14010] =	vst v21;
	v21 =	vmul.f32 v29, v7;
	v19 =	vadd.f32 v45, v19;
	v30 =	vadd.f32 v30, v46  }
0x279: {  	[tilespmem:s19+$0x14020] =	vst v23;
	v23 =	vmul.f32 v29, v6;
	v27 =	vadd.f32 v31, v27;
	v28 =	vadd.f32 v32, v28  }
0x27a: {  	[tilespmem:s19+$0x14030] =	vst v18;
	v18 =	vmul.f32 v29, v5;
	v16 =	vadd.f32 v21, v16;
	v21 =	vmul.f32 v30, v7  }
0x27b: {  	v15 =	vadd.f32 v23, v15;
	[tilespmem:s18+$0x140B0] =	vst v19;
	v23 =	vperm.xlane v27, v2;
	v19 =	vperm.xlane v28, v3  }
0x27c: {  	v14 =	vadd.f32 v18, v14;
	[tilespmem:s18+$0x14080] =	vst v16;
	v16 =	vmul.f32 v30, v6;
	v18 =	vadd.f32 v21, v25  }
0x27d: {  	[tilespmem:s18+$0x14090] =	vst v15;
	v15 =	vmul.f32 v30, v5;
	v21 =	vadd.f32 v27, v23;
	v19 =	vadd.f32 v28, v19  }
0x27e: {  	[tilespmem:s18+$0x140A0] =	vst v14;
	v14 =	vadd.f32 v16, v26;
	v16 =	vmul.f32 v30, v4  }
0x27f: {  	v15 =	vadd.f32 v15, v17;
	[tilespmem:s18+$0x14000] =	vst v18;
	v18 =	vperm.xlane v21, v3;
	v17 =	vmul.f32 v19, v4  }
0x280: {  	v13 =	vadd.f32 v16, v13;
	[tilespmem:s18+$0x14010] =	vst v14;
	v14 =	vmul.f32 v19, v7  }
0x281: {  	[tilespmem:s18+$0x14020] =	vst v15;
	v15 =	vmul.f32 v19, v6;
	v16 =	vadd.f32 v17, v35;
	v17 =	vadd.f32 v21, v18  }
0x282: {  	[tilespmem:s18+$0x14030] =	vst v13;
	v13 =	vadd.f32 v14, v20;
	v14 =	vmul.f32 v19, v5  }
0x283: {  	v15 =	vadd.f32 v15, v22;
	[tilespmem:s20+$0x140B0] =	vst v16;
	v16 =	vmul.f32 v17, v7  }
0x284: {  	[tilespmem:s20+$0x14080] =	vst v13;
	v13 =	vadd.f32 v14, v24;
	v14 =	vmul.f32 v17, v6  }
0x285: {  	[tilespmem:s20+$0x14090] =	vst v15;
	v15 =	vmul.f32 v17, v5;
	v16 =	vadd.f32 v16, v33  }
0x286: {  	[tilespmem:s20+$0x140A0] =	vst v13;
	v13 =	vadd.f32 v14, v34;
	v14 =	vmul.f32 v17, v4  }
0x287: {  	v15 =	vadd.f32 v15, v36;
	[tilespmem:s20+$0x14000] =	vst v16  }
0x288: {  	v14 =	vadd.f32 v14, v37;
	[tilespmem:s20+$0x14010] =	vst v13  }
0x289: {  	[tilespmem:s20+$0x14020] =	vst v15  }
0x28a: {  	s18 =	simm.s32 $0x0;
	[tilespmem:s20+$0x14030] =	vst v14;
	s20 =	rddreg [dreg:$0xe]  }
0x28b: {  	[hbm4b:s20+s18] =	stream.linear.scatter [tilespmem:s13], [sflag:$0x6], $0x4000, $0x38;
	[tilespmem:$0x18800] =	vst v63  }
0x28c: {  	s21 =	rddreg [dreg:$0xf]  }
0x28d: {  	[tilespmem:s7], [sflag:$0x3] =	stream.linear.gather [hbm4b:s21+s18], $0x4000, $0x38;
	[tilespmem:$0x18800] =	vst v63  }
0x28e: {  	_ =	swait.ge [sflag:s8], $0x4000  }
0x28f: {  	[sflag:s8] =	ssyncset.done $0x0  }
0x290: {  	[sflag:s8] =	ssyncadd.s32 $0xFFFFC000  }
0x291: {  	_ =	swait.ge [sflag:s14], $0x4000  }
0x292: {  	[sflag:s14] =	ssyncset.done $0x0  }
0x293: {  	s19 =	simm.s32 $0x0;
	[sflag:s14] =	ssyncadd.s32 $0xFFFFC000  }
0x294: {  	v22 =	vld [tilespmem:s19+$0x80]  }
0x295: {  	v24 =	vld [tilespmem:s19+$0x90]  }
0x296: {  	v47 =	vld [tilespmem:s19+$0xA0]  }
0x297: {  	v20 =	vld [tilespmem:s19+$0xB0];
	_ =	sdelay $0x2  }
0x298: {  	v18 =	vld [tilespmem:s19+$0x0]  }
0x299: {  	v21 =	vld [tilespmem:s19+$0x10];
	v13 =	vmul.f32 v22, v9;
	v14 =	vmul.f32 v24, v10  }
0x29a: {  	v27 =	vld [tilespmem:s19+$0x30];
	v15 =	vmul.f32 v47, v11;
	v16 =	vmul.f32 v20, v12  }
0x29b: {  	v23 =	vld [tilespmem:s19+$0x20]  }
0x29c: {  	v13 =	vadd.f32 v14, v13;
	v14 =	vadd.f32 v16, v15;
	_ =	sdelay $0x1  }
0x29d: {  	v13 =	vadd.f32 v14, v13  }
0x29e: {  	v17 =	vmul.f32 v27, v12;
	v15 =	vmul.f32 v21, v10  }
0x29f: {  	v16 =	vmul.f32 v23, v11;
	v14 =	vmul.f32 v18, v9;
	v13 =	vadd.f32 v13, v8;
	_ =	sdelay $0x1  }
0x2a0: {  	v14 =	vadd.f32 v15, v14;
	v15 =	vadd.f32 v17, v16;
	v19 =	vperm.xlane v13, v0  }
0x2a1: {  	s18 =	simm.s32 $0x100  }
0x2a2: {  	v16 =	vld [tilespmem:s18+$0x80];
	v14 =	vadd.f32 v15, v14;
	v13 =	vadd.f32 v13, v19  }
0x2a3: {  	v15 =	vld [tilespmem:s18+$0x90]  }
0x2a4: {  	v28 =	vadd.f32 v14, v8;
	v14 =	vld [tilespmem:s18+$0xA0];
	v17 =	vperm.xlane v13, v1  }
0x2a5: {  	v19 =	vld [tilespmem:s18+$0xB0]  }
0x2a6: {  	v25 =	vld [tilespmem:s18+$0x0];
	v29 =	vadd.f32 v13, v17  }
0x2a7: {  	v26 =	vld [tilespmem:s18+$0x10];
	v13 =	vperm.xlane v28, v0  }
0x2a8: {  	v17 =	vld [tilespmem:s18+$0x20];
	v30 =	vperm.xlane v29, v2  }
0x2a9: {  	v31 =	vmul.f32 v16, v9;
	v48 =	vmul.f32 v15, v10;
	v28 =	vadd.f32 v28, v13;
	v13 =	vld [tilespmem:s18+$0x30]  }
0x2aa: {  	v49 =	vmul.f32 v19, v12;
	v29 =	vadd.f32 v29, v30;
	v30 =	vmul.f32 v14, v11  }
0x2ab: {  	v52 =	vmul.f32 v25, v9;
	v50 =	vperm.xlane v28, v1  }
0x2ac: {  	v31 =	vadd.f32 v48, v31;
	v51 =	vperm.xlane v29, v3;
	v30 =	vadd.f32 v49, v30  }
0x2ad: {  	v53 =	vmul.f32 v26, v10;
	v54 =	vmul.f32 v17, v11;
	v28 =	vadd.f32 v28, v50  }
0x2ae: {  	v55 =	vmul.f32 v13, v12;
	v29 =	vadd.f32 v29, v51;
	v30 =	vadd.f32 v30, v31  }
0x2af: {  	v31 =	vadd.f32 v53, v52;
	v56 =	vperm.xlane v28, v2  }
0x2b0: {  	v33 =	vadd.f32 v55, v54;
	v36 =	vmul.f32 v29, v4;
	v57 =	vadd.f32 v30, v8  }
0x2b1: {  	v28 =	vadd.f32 v28, v56;
	v30 =	vmul.f32 v29, v7  }
0x2b2: {  	v31 =	vadd.f32 v33, v31;
	v58 =	vadd.f32 v36, v20;
	v59 =	vperm.xlane v57, v0  }
0x2b3: {  	s20 =	simm.s32 $0x200;
	v60 =	vmul.f32 v29, v6;
	v61 =	vperm.xlane v28, v3;
	v62 =	vadd.f32 v30, v22  }
0x2b4: {  	v63 =	vmul.f32 v29, v5;
	v20 =	vld [tilespmem:s20+$0x80];
	v30 =	vadd.f32 v31, v8;
	[tilespmem:s19+$0xC0B0] =	vst v58;
	v29 =	vadd.f32 v57, v59  }
0x2b5: {  	v33 =	vadd.f32 v60, v24;
	v28 =	vadd.f32 v28, v61;
	v22 =	vld [tilespmem:s20+$0x90];
	[tilespmem:s19+$0xC080] =	vst v62  }
0x2b6: {  	s21 =	simm.s32 $0xC00;
	v34 =	vadd.f32 v63, v47;
	v32 =	vperm.xlane v30, v0;
	v24 =	vld [tilespmem:s20+$0xA0];
	v31 =	vperm.xlane v29, v1  }
.LBB2_14:
0x2b7: {  	p0 =	sne.s32 s21, $0xFC00;
	v35 =	vld [tilespmem:s20+$0xB0];
	v36 =	vmul.f32 v28, v7;
	v37 =	vmul.f32 v28, v6;
	[tilespmem:s19+$0xC090] =	vst v33  }
0x2b8: {  	v33 =	vld [tilespmem:s20+$0x0];
	v30 =	vadd.f32 v30, v32;
	v29 =	vadd.f32 v29, v31;
	v31 =	vmul.f32 v28, v5;
	[tilespmem:s19+$0xC0A0] =	vst v34  }
0x2b9: {  	v28 =	vmul.f32 v28, v4;
	v32 =	vld [tilespmem:s20+$0x10];
	v34 =	vadd.f32 v36, v18;
	v36 =	vadd.f32 v37, v21;
	v18 =	vmovc v25  }
0x2ba: {  	v21 =	vmovc v26;
	v37 =	vld [tilespmem:s20+$0x20];
	v40 =	vperm.xlane v30, v1;
	v38 =	vperm.xlane v29, v2;
	v41 =	vadd.f32 v31, v23  }
0x2bb: {  	v26 =	vmul.f32 v20, v9;
	v39 =	vmul.f32 v22, v10;
	v27 =	vadd.f32 v28, v27;
	v31 =	vld [tilespmem:s20+$0x30];
	[tilespmem:s19+$0xC000] =	vst v34  }
0x2bc: {  	v28 =	vmul.f32 v24, v11;
	v34 =	vmul.f32 v35, v12;
	v29 =	vadd.f32 v29, v38;
	[tilespmem:s19+$0xC010] =	vst v36  }
0x2bd: {  	v23 =	vmovc v17;
	v30 =	vadd.f32 v30, v40;
	v36 =	vmul.f32 v33, v9;
	[tilespmem:s19+$0xC020] =	vst v41;
	v25 =	vmov v33  }
0x2be: {  	v33 =	vadd.f32 v39, v26;
	v28 =	vadd.f32 v34, v28;
	v34 =	vperm.xlane v29, v3;
	[tilespmem:s19+$0xC030] =	vst v27;
	s19 =	smov.u32 s18;
	s18 =	smov.u32 s20  }
0x2bf: {  	v38 =	vmul.f32 v32, v10;
	v26 =	vmovc v32;
	v27 =	vmovc v13;
	v39 =	vmul.f32 v37, v11;
	v17 =	vmov v37  }
0x2c0: {  	v32 =	vmul.f32 v31, v12;
	v28 =	vadd.f32 v28, v33;
	v29 =	vadd.f32 v29, v34;
	v13 =	vmovc v31  }
0x2c1: {  	v31 =	vadd.f32 v38, v36;
	v33 =	vperm.xlane v30, v2  }
0x2c2: {  	v32 =	vadd.f32 v32, v39;
	v28 =	vadd.f32 v28, v8;
	v34 =	vmul.f32 v29, v4  }
0x2c3: {  	v33 =	vadd.f32 v30, v33;
	v30 =	vmul.f32 v29, v7;
	v36 =	vmul.f32 v29, v6  }
.Ltmp6:
0x2c4: {  	v31 =	vadd.f32 v32, v31;
	v32 =	vperm.xlane v28, v0;
	v34 =	vadd.f32 v34, v19;
	v19 =	vmovc v35;
	(pc) =	sbr.rel @p0 .LBB2_14-.Ltmp6, $4  }
0x2c5: {  	s20 =	sshra.s32 s21, $0x2;
	v38 =	vmul.f32 v29, v5;
	v35 =	vperm.xlane v33, v3;
	v37 =	vadd.f32 v30, v16;
	v16 =	vmovc v20  }
0x2c6: {  	v20 =	vld [tilespmem:s20+$0x80];
	v30 =	vadd.f32 v31, v8;
	v29 =	vadd.f32 v28, v32;
	[tilespmem:s19+$0xC0B0] =	vst v34  }
0x2c7: {  	v28 =	vadd.f32 v33, v35;
	v33 =	vadd.f32 v36, v15;
	v15 =	vmov v22;
	[tilespmem:s19+$0xC080] =	vst v37;
	v22 =	vld [tilespmem:s20+$0x90]  }
0x2c8: {  	s21 =	sadd.s32 $0x400, s21;
	v34 =	vadd.f32 v38, v14;
	v14 =	vmovc v24;
	v32 =	vperm.xlane v30, v0;
	v31 =	vperm.xlane v29, v1;
	v24 =	vld [tilespmem:s20+$0xA0]  }
0x2c9: {  	v35 =	vld [tilespmem:s20+$0xB0];
	[tilespmem:s19+$0xC090] =	vst v33  }
0x2ca: {  	v33 =	vld [tilespmem:s20+$0x0];
	[tilespmem:s19+$0xC0A0] =	vst v34  }
0x2cb: {  	v34 =	vld [tilespmem:s20+$0x10]  }
0x2cc: {  	v36 =	vld [tilespmem:s20+$0x20]  }
0x2cd: {  	v37 =	vld [tilespmem:s20+$0x30];
	v38 =	vmul.f32 v20, v9;
	v39 =	vmul.f32 v22, v10  }
0x2ce: {  	v40 =	vmul.f32 v24, v11;
	v41 =	vmul.f32 v35, v12;
	_ =	sdelay $0x1  }
0x2cf: {  	v38 =	vadd.f32 v39, v38;
	v49 =	vadd.f32 v41, v40  }
0x2d0: {  	v30 =	vadd.f32 v30, v32;
	v50 =	vmul.f32 v33, v9;
	v51 =	vmul.f32 v34, v10  }
0x2d1: {  	v52 =	vmul.f32 v36, v11;
	v53 =	vmul.f32 v37, v12;
	v38 =	vadd.f32 v49, v38  }
0x2d2: {  	v29 =	vadd.f32 v29, v31;
	v31 =	vadd.f32 v51, v50  }
0x2d3: {  	v54 =	vadd.f32 v53, v52;
	v38 =	vadd.f32 v38, v8  }
0x2d4: {  	v55 =	vperm.xlane v30, v1;
	v56 =	vperm.xlane v29, v2  }
0x2d5: {  	v31 =	vadd.f32 v54, v31;
	v57 =	vperm.xlane v38, v0  }
0x2d6: {  	v58 =	vmul.f32 v28, v7;
	v29 =	vadd.f32 v29, v56;
	v30 =	vadd.f32 v30, v55  }
0x2d7: {  	v59 =	vmul.f32 v28, v6;
	v31 =	vadd.f32 v31, v8;
	v32 =	vadd.f32 v38, v57  }
0x2d8: {  	v18 =	vadd.f32 v58, v18;
	v60 =	vperm.xlane v29, v3;
	v61 =	vperm.xlane v30, v2  }
0x2d9: {  	v21 =	vadd.f32 v59, v21;
	v62 =	vperm.xlane v31, v0;
	v63 =	vperm.xlane v32, v1  }
0x2da: {  	v44 =	vmul.f32 v28, v5;
	v29 =	vadd.f32 v29, v60;
	v30 =	vadd.f32 v30, v61  }
0x2db: {  	v28 =	vmul.f32 v28, v4;
	v31 =	vadd.f32 v31, v62;
	v32 =	vadd.f32 v32, v63  }
0x2dc: {  	v23 =	vadd.f32 v44, v23;
	v45 =	vmul.f32 v29, v4;
	v46 =	vperm.xlane v30, v3  }
0x2dd: {  	[tilespmem:s19+$0xC000] =	vst v18;
	v18 =	vadd.f32 v28, v27;
	v27 =	vperm.xlane v31, v1;
	v28 =	vperm.xlane v32, v2  }
0x2de: {  	[tilespmem:s19+$0xC010] =	vst v21;
	v21 =	vmul.f32 v29, v7;
	v19 =	vadd.f32 v45, v19;
	v30 =	vadd.f32 v30, v46  }
0x2df: {  	[tilespmem:s19+$0xC020] =	vst v23;
	v23 =	vmul.f32 v29, v6;
	v27 =	vadd.f32 v31, v27;
	v28 =	vadd.f32 v32, v28  }
0x2e0: {  	[tilespmem:s19+$0xC030] =	vst v18;
	v18 =	vmul.f32 v29, v5;
	v16 =	vadd.f32 v21, v16;
	v21 =	vmul.f32 v30, v7  }
0x2e1: {  	v15 =	vadd.f32 v23, v15;
	[tilespmem:s18+$0xC0B0] =	vst v19;
	v23 =	vperm.xlane v27, v2;
	v19 =	vperm.xlane v28, v3  }
0x2e2: {  	v14 =	vadd.f32 v18, v14;
	[tilespmem:s18+$0xC080] =	vst v16;
	v16 =	vmul.f32 v30, v6;
	v18 =	vadd.f32 v21, v25  }
0x2e3: {  	[tilespmem:s18+$0xC090] =	vst v15;
	v15 =	vmul.f32 v30, v5;
	v21 =	vadd.f32 v27, v23;
	v19 =	vadd.f32 v28, v19  }
0x2e4: {  	[tilespmem:s18+$0xC0A0] =	vst v14;
	v14 =	vadd.f32 v16, v26;
	v16 =	vmul.f32 v30, v4  }
0x2e5: {  	v15 =	vadd.f32 v15, v17;
	[tilespmem:s18+$0xC000] =	vst v18;
	v18 =	vperm.xlane v21, v3;
	v17 =	vmul.f32 v19, v4  }
0x2e6: {  	v13 =	vadd.f32 v16, v13;
	[tilespmem:s18+$0xC010] =	vst v14;
	v14 =	vmul.f32 v19, v7  }
0x2e7: {  	[tilespmem:s18+$0xC020] =	vst v15;
	v15 =	vmul.f32 v19, v6;
	v16 =	vadd.f32 v17, v35;
	v17 =	vadd.f32 v21, v18  }
0x2e8: {  	[tilespmem:s18+$0xC030] =	vst v13;
	v13 =	vadd.f32 v14, v20;
	v14 =	vmul.f32 v19, v5  }
0x2e9: {  	v15 =	vadd.f32 v15, v22;
	[tilespmem:s20+$0xC0B0] =	vst v16;
	v16 =	vmul.f32 v17, v7  }
0x2ea: {  	[tilespmem:s20+$0xC080] =	vst v13;
	v13 =	vadd.f32 v14, v24;
	v14 =	vmul.f32 v17, v6  }
0x2eb: {  	[tilespmem:s20+$0xC090] =	vst v15;
	v15 =	vmul.f32 v17, v5;
	v16 =	vadd.f32 v16, v33  }
0x2ec: {  	[tilespmem:s20+$0xC0A0] =	vst v13;
	v13 =	vadd.f32 v14, v34;
	v14 =	vmul.f32 v17, v4  }
0x2ed: {  	v15 =	vadd.f32 v15, v36;
	[tilespmem:s20+$0xC000] =	vst v16  }
0x2ee: {  	v14 =	vadd.f32 v14, v37;
	[tilespmem:s20+$0xC010] =	vst v13  }
0x2ef: {  	[tilespmem:s20+$0xC020] =	vst v15  }
0x2f0: {  	s18 =	simm.s32 $0x0;
	[tilespmem:s20+$0xC030] =	vst v14;
	s20 =	rddreg [dreg:$0x10]  }
0x2f1: {  	[hbm4b:s20+s18] =	stream.linear.scatter [tilespmem:s9], [sflag:$0x4], $0x4000, $0x38;
	[tilespmem:$0x18800] =	vst v63  }
0x2f2: {  	s21 =	rddreg [dreg:$0x11]  }
0x2f3: {  	[tilespmem:s18], [sflag:$0x1] =	stream.linear.gather [hbm4b:s21+s18], $0x4000, $0x38;
	[tilespmem:$0x18800] =	vst v63  }
0x2f4: {  	_ =	swait.ge [sflag:s10], $0x4000  }
0x2f5: {  	[sflag:s10] =	ssyncset.done $0x0  }
0x2f6: {  	[sflag:s10] =	ssyncadd.s32 $0xFFFFC000  }
0x2f7: {  	_ =	swait.ge [sflag:s15], $0x4000  }
0x2f8: {  	[sflag:s15] =	ssyncset.done $0x0  }
0x2f9: {  	s19 =	simm.s32 $0x0;
	[sflag:s15] =	ssyncadd.s32 $0xFFFFC000  }
0x2fa: {  	v22 =	vld [tilespmem:s19+$0x4080]  }
0x2fb: {  	v24 =	vld [tilespmem:s19+$0x4090]  }
0x2fc: {  	v47 =	vld [tilespmem:s19+$0x40A0]  }
0x2fd: {  	v20 =	vld [tilespmem:s19+$0x40B0];
	_ =	sdelay $0x2  }
0x2fe: {  	v18 =	vld [tilespmem:s19+$0x4000]  }
0x2ff: {  	v21 =	vld [tilespmem:s19+$0x4010];
	v13 =	vmul.f32 v22, v9;
	v14 =	vmul.f32 v24, v10  }
0x300: {  	v27 =	vld [tilespmem:s19+$0x4030];
	v15 =	vmul.f32 v47, v11;
	v16 =	vmul.f32 v20, v12  }
0x301: {  	v23 =	vld [tilespmem:s19+$0x4020]  }
0x302: {  	v13 =	vadd.f32 v14, v13;
	v14 =	vadd.f32 v16, v15;
	_ =	sdelay $0x1  }
0x303: {  	v13 =	vadd.f32 v14, v13  }
0x304: {  	v17 =	vmul.f32 v27, v12;
	v15 =	vmul.f32 v21, v10  }
0x305: {  	v16 =	vmul.f32 v23, v11;
	v14 =	vmul.f32 v18, v9;
	v13 =	vadd.f32 v13, v8;
	_ =	sdelay $0x1  }
0x306: {  	v14 =	vadd.f32 v15, v14;
	v15 =	vadd.f32 v17, v16;
	v19 =	vperm.xlane v13, v0  }
0x307: {  	s18 =	simm.s32 $0x100  }
0x308: {  	v16 =	vld [tilespmem:s18+$0x4080];
	v14 =	vadd.f32 v15, v14;
	v13 =	vadd.f32 v13, v19  }
0x309: {  	v15 =	vld [tilespmem:s18+$0x4090]  }
0x30a: {  	v28 =	vadd.f32 v14, v8;
	v14 =	vld [tilespmem:s18+$0x40A0];
	v17 =	vperm.xlane v13, v1  }
0x30b: {  	v19 =	vld [tilespmem:s18+$0x40B0]  }
0x30c: {  	v25 =	vld [tilespmem:s18+$0x4000];
	v29 =	vadd.f32 v13, v17  }
0x30d: {  	v26 =	vld [tilespmem:s18+$0x4010];
	v13 =	vperm.xlane v28, v0  }
0x30e: {  	v17 =	vld [tilespmem:s18+$0x4020];
	v30 =	vperm.xlane v29, v2  }
0x30f: {  	v31 =	vmul.f32 v16, v9;
	v48 =	vmul.f32 v15, v10;
	v28 =	vadd.f32 v28, v13;
	v13 =	vld [tilespmem:s18+$0x4030]  }
0x310: {  	v49 =	vmul.f32 v19, v12;
	v29 =	vadd.f32 v29, v30;
	v30 =	vmul.f32 v14, v11  }
0x311: {  	v52 =	vmul.f32 v25, v9;
	v50 =	vperm.xlane v28, v1  }
0x312: {  	v31 =	vadd.f32 v48, v31;
	v51 =	vperm.xlane v29, v3;
	v30 =	vadd.f32 v49, v30  }
0x313: {  	v53 =	vmul.f32 v26, v10;
	v54 =	vmul.f32 v17, v11;
	v28 =	vadd.f32 v28, v50  }
0x314: {  	v55 =	vmul.f32 v13, v12;
	v29 =	vadd.f32 v29, v51;
	v30 =	vadd.f32 v30, v31  }
0x315: {  	v31 =	vadd.f32 v53, v52;
	v56 =	vperm.xlane v28, v2  }
0x316: {  	v33 =	vadd.f32 v55, v54;
	v36 =	vmul.f32 v29, v4;
	v57 =	vadd.f32 v30, v8  }
0x317: {  	v28 =	vadd.f32 v28, v56;
	v30 =	vmul.f32 v29, v7  }
0x318: {  	v31 =	vadd.f32 v33, v31;
	v58 =	vadd.f32 v36, v20;
	v59 =	vperm.xlane v57, v0  }
0x319: {  	s20 =	simm.s32 $0x200;
	v60 =	vmul.f32 v29, v6;
	v61 =	vperm.xlane v28, v3;
	v62 =	vadd.f32 v30, v22  }
0x31a: {  	v63 =	vmul.f32 v29, v5;
	v20 =	vld [tilespmem:s20+$0x4080];
	v30 =	vadd.f32 v31, v8;
	[tilespmem:s19+$0x100B0] =	vst v58;
	v29 =	vadd.f32 v57, v59  }
0x31b: {  	v33 =	vadd.f32 v60, v24;
	v28 =	vadd.f32 v28, v61;
	v22 =	vld [tilespmem:s20+$0x4090];
	[tilespmem:s19+$0x10080] =	vst v62  }
0x31c: {  	s21 =	simm.s32 $0xC00;
	v34 =	vadd.f32 v63, v47;
	v32 =	vperm.xlane v30, v0;
	v24 =	vld [tilespmem:s20+$0x40A0];
	v31 =	vperm.xlane v29, v1  }
.LBB2_16:
0x31d: {  	p0 =	sne.s32 s21, $0xFC00;
	v35 =	vld [tilespmem:s20+$0x40B0];
	v36 =	vmul.f32 v28, v7;
	v37 =	vmul.f32 v28, v6;
	[tilespmem:s19+$0x10090] =	vst v33  }
0x31e: {  	v33 =	vld [tilespmem:s20+$0x4000];
	v30 =	vadd.f32 v30, v32;
	v29 =	vadd.f32 v29, v31;
	v31 =	vmul.f32 v28, v5;
	[tilespmem:s19+$0x100A0] =	vst v34  }
0x31f: {  	v28 =	vmul.f32 v28, v4;
	v32 =	vld [tilespmem:s20+$0x4010];
	v34 =	vadd.f32 v36, v18;
	v36 =	vadd.f32 v37, v21;
	v18 =	vmovc v25  }
0x320: {  	v21 =	vmovc v26;
	v37 =	vld [tilespmem:s20+$0x4020];
	v40 =	vperm.xlane v30, v1;
	v38 =	vperm.xlane v29, v2;
	v41 =	vadd.f32 v31, v23  }
0x321: {  	v26 =	vmul.f32 v20, v9;
	v39 =	vmul.f32 v22, v10;
	v27 =	vadd.f32 v28, v27;
	v31 =	vld [tilespmem:s20+$0x4030];
	[tilespmem:s19+$0x10000] =	vst v34  }
0x322: {  	v28 =	vmul.f32 v24, v11;
	v34 =	vmul.f32 v35, v12;
	v29 =	vadd.f32 v29, v38;
	[tilespmem:s19+$0x10010] =	vst v36  }
0x323: {  	v23 =	vmovc v17;
	v30 =	vadd.f32 v30, v40;
	v36 =	vmul.f32 v33, v9;
	[tilespmem:s19+$0x10020] =	vst v41;
	v25 =	vmov v33  }
0x324: {  	v33 =	vadd.f32 v39, v26;
	v28 =	vadd.f32 v34, v28;
	v34 =	vperm.xlane v29, v3;
	[tilespmem:s19+$0x10030] =	vst v27;
	s19 =	smov.u32 s18;
	s18 =	smov.u32 s20  }
0x325: {  	v38 =	vmul.f32 v32, v10;
	v26 =	vmovc v32;
	v27 =	vmovc v13;
	v39 =	vmul.f32 v37, v11;
	v17 =	vmov v37  }
0x326: {  	v32 =	vmul.f32 v31, v12;
	v28 =	vadd.f32 v28, v33;
	v29 =	vadd.f32 v29, v34;
	v13 =	vmovc v31  }
0x327: {  	v31 =	vadd.f32 v38, v36;
	v33 =	vperm.xlane v30, v2  }
0x328: {  	v32 =	vadd.f32 v32, v39;
	v28 =	vadd.f32 v28, v8;
	v34 =	vmul.f32 v29, v4  }
0x329: {  	v33 =	vadd.f32 v30, v33;
	v30 =	vmul.f32 v29, v7;
	v36 =	vmul.f32 v29, v6  }
.Ltmp7:
0x32a: {  	v31 =	vadd.f32 v32, v31;
	v32 =	vperm.xlane v28, v0;
	v34 =	vadd.f32 v34, v19;
	v19 =	vmovc v35;
	(pc) =	sbr.rel @p0 .LBB2_16-.Ltmp7, $4  }
0x32b: {  	s20 =	sshra.s32 s21, $0x2;
	v38 =	vmul.f32 v29, v5;
	v35 =	vperm.xlane v33, v3;
	v37 =	vadd.f32 v30, v16;
	v16 =	vmovc v20  }
0x32c: {  	v20 =	vld [tilespmem:s20+$0x4080];
	v30 =	vadd.f32 v31, v8;
	v29 =	vadd.f32 v28, v32;
	[tilespmem:s19+$0x100B0] =	vst v34  }
0x32d: {  	v28 =	vadd.f32 v33, v35;
	v33 =	vadd.f32 v36, v15;
	v15 =	vmov v22;
	[tilespmem:s19+$0x10080] =	vst v37;
	v22 =	vld [tilespmem:s20+$0x4090]  }
0x32e: {  	s21 =	sadd.s32 $0x400, s21;
	v34 =	vadd.f32 v38, v14;
	v14 =	vmovc v24;
	v32 =	vperm.xlane v30, v0;
	v31 =	vperm.xlane v29, v1;
	v24 =	vld [tilespmem:s20+$0x40A0]  }
0x32f: {  	v35 =	vld [tilespmem:s20+$0x40B0];
	[tilespmem:s19+$0x10090] =	vst v33  }
0x330: {  	v33 =	vld [tilespmem:s20+$0x4000];
	[tilespmem:s19+$0x100A0] =	vst v34  }
0x331: {  	v34 =	vld [tilespmem:s20+$0x4010]  }
0x332: {  	v36 =	vld [tilespmem:s20+$0x4020]  }
0x333: {  	v37 =	vld [tilespmem:s20+$0x4030];
	v38 =	vmul.f32 v20, v9;
	v39 =	vmul.f32 v22, v10  }
0x334: {  	v40 =	vmul.f32 v24, v11;
	v41 =	vmul.f32 v35, v12;
	_ =	sdelay $0x1  }
0x335: {  	v38 =	vadd.f32 v39, v38;
	v49 =	vadd.f32 v41, v40  }
0x336: {  	v30 =	vadd.f32 v30, v32;
	v50 =	vmul.f32 v33, v9;
	v51 =	vmul.f32 v34, v10  }
0x337: {  	v52 =	vmul.f32 v36, v11;
	v53 =	vmul.f32 v37, v12;
	v38 =	vadd.f32 v49, v38  }
0x338: {  	v29 =	vadd.f32 v29, v31;
	v31 =	vadd.f32 v51, v50  }
0x339: {  	v54 =	vadd.f32 v53, v52;
	v38 =	vadd.f32 v38, v8  }
0x33a: {  	v55 =	vperm.xlane v30, v1;
	v56 =	vperm.xlane v29, v2  }
0x33b: {  	v31 =	vadd.f32 v54, v31;
	v57 =	vperm.xlane v38, v0  }
0x33c: {  	v58 =	vmul.f32 v28, v7;
	v29 =	vadd.f32 v29, v56;
	v30 =	vadd.f32 v30, v55  }
0x33d: {  	v59 =	vmul.f32 v28, v6;
	v31 =	vadd.f32 v31, v8;
	v32 =	vadd.f32 v38, v57  }
0x33e: {  	v18 =	vadd.f32 v58, v18;
	v60 =	vperm.xlane v29, v3;
	v61 =	vperm.xlane v30, v2  }
0x33f: {  	v21 =	vadd.f32 v59, v21;
	v62 =	vperm.xlane v31, v0;
	v63 =	vperm.xlane v32, v1  }
0x340: {  	v44 =	vmul.f32 v28, v5;
	v29 =	vadd.f32 v29, v60;
	v30 =	vadd.f32 v30, v61  }
0x341: {  	v28 =	vmul.f32 v28, v4;
	v31 =	vadd.f32 v31, v62;
	v32 =	vadd.f32 v32, v63  }
0x342: {  	v23 =	vadd.f32 v44, v23;
	v45 =	vmul.f32 v29, v4;
	v46 =	vperm.xlane v30, v3  }
0x343: {  	[tilespmem:s19+$0x10000] =	vst v18;
	v18 =	vadd.f32 v28, v27;
	v27 =	vperm.xlane v31, v1;
	v28 =	vperm.xlane v32, v2  }
0x344: {  	[tilespmem:s19+$0x10010] =	vst v21;
	v21 =	vmul.f32 v29, v7;
	v19 =	vadd.f32 v45, v19;
	v30 =	vadd.f32 v30, v46  }
0x345: {  	[tilespmem:s19+$0x10020] =	vst v23;
	v23 =	vmul.f32 v29, v6;
	v27 =	vadd.f32 v31, v27;
	v28 =	vadd.f32 v32, v28  }
0x346: {  	[tilespmem:s19+$0x10030] =	vst v18;
	v18 =	vmul.f32 v29, v5;
	v16 =	vadd.f32 v21, v16;
	v21 =	vmul.f32 v30, v7  }
0x347: {  	v15 =	vadd.f32 v23, v15;
	[tilespmem:s18+$0x100B0] =	vst v19;
	v23 =	vperm.xlane v27, v2;
	v19 =	vperm.xlane v28, v3  }
0x348: {  	v14 =	vadd.f32 v18, v14;
	[tilespmem:s18+$0x10080] =	vst v16;
	v16 =	vmul.f32 v30, v6;
	v18 =	vadd.f32 v21, v25  }
0x349: {  	[tilespmem:s18+$0x10090] =	vst v15;
	v15 =	vmul.f32 v30, v5;
	v21 =	vadd.f32 v27, v23;
	v19 =	vadd.f32 v28, v19  }
0x34a: {  	[tilespmem:s18+$0x100A0] =	vst v14;
	v14 =	vadd.f32 v16, v26;
	v16 =	vmul.f32 v30, v4  }
0x34b: {  	v15 =	vadd.f32 v15, v17;
	[tilespmem:s18+$0x10000] =	vst v18;
	v18 =	vperm.xlane v21, v3;
	v17 =	vmul.f32 v19, v4  }
0x34c: {  	v13 =	vadd.f32 v16, v13;
	[tilespmem:s18+$0x10010] =	vst v14;
	v14 =	vmul.f32 v19, v7  }
0x34d: {  	[tilespmem:s18+$0x10020] =	vst v15;
	v15 =	vmul.f32 v19, v6;
	v16 =	vadd.f32 v17, v35;
	v17 =	vadd.f32 v21, v18  }
0x34e: {  	[tilespmem:s18+$0x10030] =	vst v13;
	v13 =	vadd.f32 v14, v20;
	v14 =	vmul.f32 v19, v5  }
0x34f: {  	v15 =	vadd.f32 v15, v22;
	[tilespmem:s20+$0x100B0] =	vst v16;
	v16 =	vmul.f32 v17, v7  }
0x350: {  	[tilespmem:s20+$0x10080] =	vst v13;
	v13 =	vadd.f32 v14, v24;
	v14 =	vmul.f32 v17, v6  }
0x351: {  	[tilespmem:s20+$0x10090] =	vst v15;
	v15 =	vmul.f32 v17, v5;
	v16 =	vadd.f32 v16, v33  }
0x352: {  	[tilespmem:s20+$0x100A0] =	vst v13;
	v13 =	vadd.f32 v14, v34;
	v14 =	vmul.f32 v17, v4  }
0x353: {  	v15 =	vadd.f32 v15, v36;
	[tilespmem:s20+$0x10000] =	vst v16  }
0x354: {  	v14 =	vadd.f32 v14, v37;
	[tilespmem:s20+$0x10010] =	vst v13  }
0x355: {  	[tilespmem:s20+$0x10020] =	vst v15  }
0x356: {  	s18 =	simm.s32 $0x0;
	[tilespmem:s20+$0x10030] =	vst v14;
	s20 =	rddreg [dreg:$0x12]  }
0x357: {  	[hbm4b:s20+s18] =	stream.linear.scatter [tilespmem:s11], [sflag:$0x5], $0x4000, $0x38;
	[tilespmem:$0x18800] =	vst v63  }
0x358: {  	s21 =	rddreg [dreg:$0x13]  }
0x359: {  	[tilespmem:s6], [sflag:$0x2] =	stream.linear.gather [hbm4b:s21+s18], $0x4000, $0x38;
	[tilespmem:$0x18800] =	vst v63  }
0x35a: {  	_ =	swait.ge [sflag:s12], $0x4000  }
0x35b: {  	[sflag:s12] =	ssyncset.done $0x0  }
0x35c: {  	[sflag:s12] =	ssyncadd.s32 $0xFFFFC000  }
0x35d: {  	_ =	swait.ge [sflag:s16], $0x4000  }
0x35e: {  	[sflag:s16] =	ssyncset.done $0x0  }
0x35f: {  	s19 =	simm.s32 $0x0;
	[sflag:s16] =	ssyncadd.s32 $0xFFFFC000  }
0x360: {  	v22 =	vld [tilespmem:s19+$0x8080]  }
0x361: {  	v24 =	vld [tilespmem:s19+$0x8090]  }
0x362: {  	v47 =	vld [tilespmem:s19+$0x80A0]  }
0x363: {  	v20 =	vld [tilespmem:s19+$0x80B0];
	_ =	sdelay $0x2  }
0x364: {  	v18 =	vld [tilespmem:s19+$0x8000]  }
0x365: {  	v21 =	vld [tilespmem:s19+$0x8010];
	v13 =	vmul.f32 v22, v9;
	v14 =	vmul.f32 v24, v10  }
0x366: {  	v27 =	vld [tilespmem:s19+$0x8030];
	v15 =	vmul.f32 v47, v11;
	v16 =	vmul.f32 v20, v12  }
0x367: {  	v23 =	vld [tilespmem:s19+$0x8020]  }
0x368: {  	v13 =	vadd.f32 v14, v13;
	v14 =	vadd.f32 v16, v15;
	_ =	sdelay $0x1  }
0x369: {  	v13 =	vadd.f32 v14, v13  }
0x36a: {  	v17 =	vmul.f32 v27, v12;
	v15 =	vmul.f32 v21, v10  }
0x36b: {  	v16 =	vmul.f32 v23, v11;
	v14 =	vmul.f32 v18, v9;
	v13 =	vadd.f32 v13, v8;
	_ =	sdelay $0x1  }
0x36c: {  	v14 =	vadd.f32 v15, v14;
	v15 =	vadd.f32 v17, v16;
	v19 =	vperm.xlane v13, v0  }
0x36d: {  	s18 =	simm.s32 $0x100  }
0x36e: {  	v16 =	vld [tilespmem:s18+$0x8080];
	v14 =	vadd.f32 v15, v14;
	v13 =	vadd.f32 v13, v19  }
0x36f: {  	v15 =	vld [tilespmem:s18+$0x8090]  }
0x370: {  	v28 =	vadd.f32 v14, v8;
	v14 =	vld [tilespmem:s18+$0x80A0];
	v17 =	vperm.xlane v13, v1  }
0x371: {  	v19 =	vld [tilespmem:s18+$0x80B0]  }
0x372: {  	v25 =	vld [tilespmem:s18+$0x8000];
	v29 =	vadd.f32 v13, v17  }
0x373: {  	v26 =	vld [tilespmem:s18+$0x8010];
	v13 =	vperm.xlane v28, v0  }
0x374: {  	v17 =	vld [tilespmem:s18+$0x8020];
	v30 =	vperm.xlane v29, v2  }
0x375: {  	v31 =	vmul.f32 v16, v9;
	v48 =	vmul.f32 v15, v10;
	v28 =	vadd.f32 v28, v13;
	v13 =	vld [tilespmem:s18+$0x8030]  }
0x376: {  	v49 =	vmul.f32 v19, v12;
	v29 =	vadd.f32 v29, v30;
	v30 =	vmul.f32 v14, v11  }
0x377: {  	v52 =	vmul.f32 v25, v9;
	v50 =	vperm.xlane v28, v1  }
0x378: {  	v31 =	vadd.f32 v48, v31;
	v51 =	vperm.xlane v29, v3;
	v30 =	vadd.f32 v49, v30  }
0x379: {  	v53 =	vmul.f32 v26, v10;
	v54 =	vmul.f32 v17, v11;
	v28 =	vadd.f32 v28, v50  }
0x37a: {  	v55 =	vmul.f32 v13, v12;
	v29 =	vadd.f32 v29, v51;
	v30 =	vadd.f32 v30, v31  }
0x37b: {  	v31 =	vadd.f32 v53, v52;
	v56 =	vperm.xlane v28, v2  }
0x37c: {  	v33 =	vadd.f32 v55, v54;
	v36 =	vmul.f32 v29, v4;
	v57 =	vadd.f32 v30, v8  }
0x37d: {  	v28 =	vadd.f32 v28, v56;
	v30 =	vmul.f32 v29, v7  }
0x37e: {  	v31 =	vadd.f32 v33, v31;
	v58 =	vadd.f32 v36, v20;
	v59 =	vperm.xlane v57, v0  }
0x37f: {  	s20 =	simm.s32 $0x200;
	v60 =	vmul.f32 v29, v6;
	v61 =	vperm.xlane v28, v3;
	v62 =	vadd.f32 v30, v22  }
0x380: {  	v63 =	vmul.f32 v29, v5;
	v20 =	vld [tilespmem:s20+$0x8080];
	v30 =	vadd.f32 v31, v8;
	[tilespmem:s19+$0x140B0] =	vst v58;
	v29 =	vadd.f32 v57, v59  }
0x381: {  	v33 =	vadd.f32 v60, v24;
	v28 =	vadd.f32 v28, v61;
	v22 =	vld [tilespmem:s20+$0x8090];
	[tilespmem:s19+$0x14080] =	vst v62  }
0x382: {  	s21 =	simm.s32 $0xC00;
	v34 =	vadd.f32 v63, v47;
	v32 =	vperm.xlane v30, v0;
	v24 =	vld [tilespmem:s20+$0x80A0];
	v31 =	vperm.xlane v29, v1  }
.LBB2_18:
0x383: {  	p0 =	sne.s32 s21, $0xFC00;
	v35 =	vld [tilespmem:s20+$0x80B0];
	v36 =	vmul.f32 v28, v7;
	v37 =	vmul.f32 v28, v6;
	[tilespmem:s19+$0x14090] =	vst v33  }
0x384: {  	v33 =	vld [tilespmem:s20+$0x8000];
	v30 =	vadd.f32 v30, v32;
	v29 =	vadd.f32 v29, v31;
	v31 =	vmul.f32 v28, v5;
	[tilespmem:s19+$0x140A0] =	vst v34  }
0x385: {  	v28 =	vmul.f32 v28, v4;
	v32 =	vld [tilespmem:s20+$0x8010];
	v34 =	vadd.f32 v36, v18;
	v36 =	vadd.f32 v37, v21;
	v18 =	vmovc v25  }
0x386: {  	v21 =	vmovc v26;
	v37 =	vld [tilespmem:s20+$0x8020];
	v40 =	vperm.xlane v30, v1;
	v38 =	vperm.xlane v29, v2;
	v41 =	vadd.f32 v31, v23  }
0x387: {  	v26 =	vmul.f32 v20, v9;
	v39 =	vmul.f32 v22, v10;
	v27 =	vadd.f32 v28, v27;
	v31 =	vld [tilespmem:s20+$0x8030];
	[tilespmem:s19+$0x14000] =	vst v34  }
0x388: {  	v28 =	vmul.f32 v24, v11;
	v34 =	vmul.f32 v35, v12;
	v29 =	vadd.f32 v29, v38;
	[tilespmem:s19+$0x14010] =	vst v36  }
0x389: {  	v23 =	vmovc v17;
	v30 =	vadd.f32 v30, v40;
	v36 =	vmul.f32 v33, v9;
	[tilespmem:s19+$0x14020] =	vst v41;
	v25 =	vmov v33  }
0x38a: {  	v33 =	vadd.f32 v39, v26;
	v28 =	vadd.f32 v34, v28;
	v34 =	vperm.xlane v29, v3;
	[tilespmem:s19+$0x14030] =	vst v27;
	s19 =	smov.u32 s18;
	s18 =	smov.u32 s20  }
0x38b: {  	v38 =	vmul.f32 v32, v10;
	v26 =	vmovc v32;
	v27 =	vmovc v13;
	v39 =	vmul.f32 v37, v11;
	v17 =	vmov v37  }
0x38c: {  	v32 =	vmul.f32 v31, v12;
	v28 =	vadd.f32 v28, v33;
	v29 =	vadd.f32 v29, v34;
	v13 =	vmovc v31  }
0x38d: {  	v31 =	vadd.f32 v38, v36;
	v33 =	vperm.xlane v30, v2  }
0x38e: {  	v32 =	vadd.f32 v32, v39;
	v28 =	vadd.f32 v28, v8;
	v34 =	vmul.f32 v29, v4  }
0x38f: {  	v33 =	vadd.f32 v30, v33;
	v30 =	vmul.f32 v29, v7;
	v36 =	vmul.f32 v29, v6  }
.Ltmp8:
0x390: {  	v31 =	vadd.f32 v32, v31;
	v32 =	vperm.xlane v28, v0;
	v34 =	vadd.f32 v34, v19;
	v19 =	vmovc v35;
	(pc) =	sbr.rel @p0 .LBB2_18-.Ltmp8, $4  }
0x391: {  	s20 =	sshra.s32 s21, $0x2;
	v38 =	vmul.f32 v29, v5;
	v35 =	vperm.xlane v33, v3;
	v37 =	vadd.f32 v30, v16;
	v16 =	vmovc v20  }
0x392: {  	v20 =	vld [tilespmem:s20+$0x8080];
	v30 =	vadd.f32 v31, v8;
	v29 =	vadd.f32 v28, v32;
	[tilespmem:s19+$0x140B0] =	vst v34  }
0x393: {  	v28 =	vadd.f32 v33, v35;
	v33 =	vadd.f32 v36, v15;
	v15 =	vmov v22;
	[tilespmem:s19+$0x14080] =	vst v37;
	v22 =	vld [tilespmem:s20+$0x8090]  }
0x394: {  	s21 =	sadd.s32 $0x400, s21;
	v34 =	vadd.f32 v38, v14;
	v14 =	vmovc v24;
	v32 =	vperm.xlane v30, v0;
	v31 =	vperm.xlane v29, v1;
	v24 =	vld [tilespmem:s20+$0x80A0]  }
0x395: {  	v35 =	vld [tilespmem:s20+$0x80B0];
	[tilespmem:s19+$0x14090] =	vst v33  }
0x396: {  	v33 =	vld [tilespmem:s20+$0x8000];
	[tilespmem:s19+$0x140A0] =	vst v34  }
0x397: {  	v34 =	vld [tilespmem:s20+$0x8010]  }
0x398: {  	v36 =	vld [tilespmem:s20+$0x8020]  }
0x399: {  	v37 =	vld [tilespmem:s20+$0x8030];
	v38 =	vmul.f32 v20, v9;
	v39 =	vmul.f32 v22, v10  }
0x39a: {  	v40 =	vmul.f32 v24, v11;
	v41 =	vmul.f32 v35, v12;
	_ =	sdelay $0x1  }
0x39b: {  	v38 =	vadd.f32 v39, v38;
	v49 =	vadd.f32 v41, v40  }
0x39c: {  	v30 =	vadd.f32 v30, v32;
	v50 =	vmul.f32 v33, v9;
	v51 =	vmul.f32 v34, v10  }
0x39d: {  	v52 =	vmul.f32 v36, v11;
	v53 =	vmul.f32 v37, v12;
	v38 =	vadd.f32 v49, v38  }
0x39e: {  	v29 =	vadd.f32 v29, v31;
	v31 =	vadd.f32 v51, v50  }
0x39f: {  	v54 =	vadd.f32 v53, v52;
	v38 =	vadd.f32 v38, v8  }
0x3a0: {  	v55 =	vperm.xlane v30, v1;
	v56 =	vperm.xlane v29, v2  }
0x3a1: {  	v31 =	vadd.f32 v54, v31;
	v57 =	vperm.xlane v38, v0  }
0x3a2: {  	v58 =	vmul.f32 v28, v7;
	v29 =	vadd.f32 v29, v56;
	v30 =	vadd.f32 v30, v55  }
0x3a3: {  	v59 =	vmul.f32 v28, v6;
	v31 =	vadd.f32 v31, v8;
	v32 =	vadd.f32 v38, v57  }
0x3a4: {  	v18 =	vadd.f32 v58, v18;
	v60 =	vperm.xlane v29, v3;
	v61 =	vperm.xlane v30, v2  }
0x3a5: {  	v21 =	vadd.f32 v59, v21;
	v62 =	vperm.xlane v31, v0;
	v63 =	vperm.xlane v32, v1  }
0x3a6: {  	v44 =	vmul.f32 v28, v5;
	v29 =	vadd.f32 v29, v60;
	v30 =	vadd.f32 v30, v61  }
0x3a7: {  	v28 =	vmul.f32 v28, v4;
	v31 =	vadd.f32 v31, v62;
	v32 =	vadd.f32 v32, v63  }
0x3a8: {  	v23 =	vadd.f32 v44, v23;
	v45 =	vmul.f32 v29, v4;
	v46 =	vperm.xlane v30, v3  }
0x3a9: {  	[tilespmem:s19+$0x14000] =	vst v18;
	v18 =	vadd.f32 v28, v27;
	v27 =	vperm.xlane v31, v1;
	v28 =	vperm.xlane v32, v2  }
0x3aa: {  	[tilespmem:s19+$0x14010] =	vst v21;
	v21 =	vmul.f32 v29, v7;
	v19 =	vadd.f32 v45, v19;
	v30 =	vadd.f32 v30, v46  }
0x3ab: {  	[tilespmem:s19+$0x14020] =	vst v23;
	v23 =	vmul.f32 v29, v6;
	v27 =	vadd.f32 v31, v27;
	v28 =	vadd.f32 v32, v28  }
0x3ac: {  	[tilespmem:s19+$0x14030] =	vst v18;
	v18 =	vmul.f32 v29, v5;
	v16 =	vadd.f32 v21, v16;
	v21 =	vmul.f32 v30, v7  }
0x3ad: {  	v15 =	vadd.f32 v23, v15;
	[tilespmem:s18+$0x140B0] =	vst v19;
	v23 =	vperm.xlane v27, v2;
	v19 =	vperm.xlane v28, v3  }
0x3ae: {  	v14 =	vadd.f32 v18, v14;
	[tilespmem:s18+$0x14080] =	vst v16;
	v16 =	vmul.f32 v30, v6;
	v18 =	vadd.f32 v21, v25  }
0x3af: {  	[tilespmem:s18+$0x14090] =	vst v15;
	v15 =	vmul.f32 v30, v5;
	v21 =	vadd.f32 v27, v23;
	v19 =	vadd.f32 v28, v19  }
0x3b0: {  	[tilespmem:s18+$0x140A0] =	vst v14;
	v14 =	vadd.f32 v16, v26;
	v16 =	vmul.f32 v30, v4  }
0x3b1: {  	v15 =	vadd.f32 v15, v17;
	[tilespmem:s18+$0x14000] =	vst v18;
	v18 =	vperm.xlane v21, v3;
	v17 =	vmul.f32 v19, v4  }
0x3b2: {  	v13 =	vadd.f32 v16, v13;
	[tilespmem:s18+$0x14010] =	vst v14;
	v14 =	vmul.f32 v19, v7  }
0x3b3: {  	[tilespmem:s18+$0x14020] =	vst v15;
	v15 =	vmul.f32 v19, v6;
	v16 =	vadd.f32 v17, v35;
	v17 =	vadd.f32 v21, v18  }
0x3b4: {  	[tilespmem:s18+$0x14030] =	vst v13;
	v13 =	vadd.f32 v14, v20;
	v14 =	vmul.f32 v19, v5  }
0x3b5: {  	v15 =	vadd.f32 v15, v22;
	[tilespmem:s20+$0x140B0] =	vst v16;
	v16 =	vmul.f32 v17, v7  }
0x3b6: {  	[tilespmem:s20+$0x14080] =	vst v13;
	v13 =	vadd.f32 v14, v24;
	v14 =	vmul.f32 v17, v6  }
0x3b7: {  	[tilespmem:s20+$0x14090] =	vst v15;
	v15 =	vmul.f32 v17, v5;
	v16 =	vadd.f32 v16, v33  }
0x3b8: {  	[tilespmem:s20+$0x140A0] =	vst v13;
	v13 =	vadd.f32 v14, v34;
	v14 =	vmul.f32 v17, v4  }
0x3b9: {  	v15 =	vadd.f32 v15, v36;
	[tilespmem:s20+$0x14000] =	vst v16  }
0x3ba: {  	v14 =	vadd.f32 v14, v37;
	[tilespmem:s20+$0x14010] =	vst v13  }
0x3bb: {  	[tilespmem:s20+$0x14020] =	vst v15  }
0x3bc: {  	s21 =	rddreg [dreg:$0x14];
	[tilespmem:s20+$0x14030] =	vst v14;
	s20 =	simm.s32 $0x0  }
0x3bd: {  	[hbm4b:s21+s20] =	stream.linear.scatter [tilespmem:s13], [sflag:$0x6], $0x4000, $0x38;
	[tilespmem:$0x18800] =	vst v63  }
0x3be: {  	_ = 	snop  }
0x3bf: {  	[tilespmem:s7], [sflag:$0x3] =	stream.linear.gather [hbm4b:s22+s20], $0x4000, $0x38;
	[tilespmem:$0x18800] =	vst v63  }
0x3c0: {  	_ =	swait.ge [sflag:s8], $0x4000  }
0x3c1: {  	[sflag:s8] =	ssyncset.done $0x0  }
0x3c2: {  	[sflag:s8] =	ssyncadd.s32 $0xFFFFC000  }
0x3c3: {  	_ =	swait.ge [sflag:s14], $0x4000  }
0x3c4: {  	[sflag:s14] =	ssyncset.done $0x0  }
0x3c5: {  	s19 =	simm.s32 $0x0;
	[sflag:s14] =	ssyncadd.s32 $0xFFFFC000  }
0x3c6: {  	v22 =	vld [tilespmem:s19+$0x80]  }
0x3c7: {  	v24 =	vld [tilespmem:s19+$0x90]  }
0x3c8: {  	v47 =	vld [tilespmem:s19+$0xA0]  }
0x3c9: {  	v20 =	vld [tilespmem:s19+$0xB0];
	_ =	sdelay $0x2  }
0x3ca: {  	v18 =	vld [tilespmem:s19+$0x0]  }
0x3cb: {  	v21 =	vld [tilespmem:s19+$0x10];
	v13 =	vmul.f32 v22, v9;
	v14 =	vmul.f32 v24, v10  }
0x3cc: {  	v27 =	vld [tilespmem:s19+$0x30];
	v15 =	vmul.f32 v47, v11;
	v16 =	vmul.f32 v20, v12  }
0x3cd: {  	v23 =	vld [tilespmem:s19+$0x20]  }
0x3ce: {  	v13 =	vadd.f32 v14, v13;
	v14 =	vadd.f32 v16, v15;
	_ =	sdelay $0x1  }
0x3cf: {  	v13 =	vadd.f32 v14, v13  }
0x3d0: {  	v17 =	vmul.f32 v27, v12;
	v15 =	vmul.f32 v21, v10  }
0x3d1: {  	v16 =	vmul.f32 v23, v11;
	v14 =	vmul.f32 v18, v9;
	v13 =	vadd.f32 v13, v8;
	_ =	sdelay $0x1  }
0x3d2: {  	v14 =	vadd.f32 v15, v14;
	v15 =	vadd.f32 v17, v16;
	v19 =	vperm.xlane v13, v0  }
0x3d3: {  	s18 =	simm.s32 $0x100  }
0x3d4: {  	v16 =	vld [tilespmem:s18+$0x80];
	v14 =	vadd.f32 v15, v14;
	v13 =	vadd.f32 v13, v19  }
0x3d5: {  	v15 =	vld [tilespmem:s18+$0x90]  }
0x3d6: {  	v28 =	vadd.f32 v14, v8;
	v14 =	vld [tilespmem:s18+$0xA0];
	v17 =	vperm.xlane v13, v1  }
0x3d7: {  	v19 =	vld [tilespmem:s18+$0xB0]  }
0x3d8: {  	v25 =	vld [tilespmem:s18+$0x0];
	v29 =	vadd.f32 v13, v17  }
0x3d9: {  	v26 =	vld [tilespmem:s18+$0x10];
	v13 =	vperm.xlane v28, v0  }
0x3da: {  	v17 =	vld [tilespmem:s18+$0x20];
	v30 =	vperm.xlane v29, v2  }
0x3db: {  	v31 =	vmul.f32 v16, v9;
	v48 =	vmul.f32 v15, v10;
	v28 =	vadd.f32 v28, v13;
	v13 =	vld [tilespmem:s18+$0x30]  }
0x3dc: {  	v49 =	vmul.f32 v19, v12;
	v29 =	vadd.f32 v29, v30;
	v30 =	vmul.f32 v14, v11  }
0x3dd: {  	v52 =	vmul.f32 v25, v9;
	v50 =	vperm.xlane v28, v1  }
0x3de: {  	v31 =	vadd.f32 v48, v31;
	v51 =	vperm.xlane v29, v3;
	v30 =	vadd.f32 v49, v30  }
0x3df: {  	v53 =	vmul.f32 v26, v10;
	v54 =	vmul.f32 v17, v11;
	v28 =	vadd.f32 v28, v50  }
0x3e0: {  	v55 =	vmul.f32 v13, v12;
	v29 =	vadd.f32 v29, v51;
	v30 =	vadd.f32 v30, v31  }
0x3e1: {  	v31 =	vadd.f32 v53, v52;
	v56 =	vperm.xlane v28, v2  }
0x3e2: {  	v33 =	vadd.f32 v55, v54;
	v36 =	vmul.f32 v29, v4;
	v57 =	vadd.f32 v30, v8  }
0x3e3: {  	v28 =	vadd.f32 v28, v56;
	v30 =	vmul.f32 v29, v7  }
0x3e4: {  	v31 =	vadd.f32 v33, v31;
	v58 =	vadd.f32 v36, v20;
	v59 =	vperm.xlane v57, v0  }
0x3e5: {  	s20 =	simm.s32 $0x200;
	v60 =	vmul.f32 v29, v6;
	v61 =	vperm.xlane v28, v3;
	v62 =	vadd.f32 v30, v22  }
0x3e6: {  	v63 =	vmul.f32 v29, v5;
	v20 =	vld [tilespmem:s20+$0x80];
	v30 =	vadd.f32 v31, v8;
	[tilespmem:s19+$0xC0B0] =	vst v58;
	v29 =	vadd.f32 v57, v59  }
0x3e7: {  	v33 =	vadd.f32 v60, v24;
	v28 =	vadd.f32 v28, v61;
	v22 =	vld [tilespmem:s20+$0x90];
	[tilespmem:s19+$0xC080] =	vst v62  }
0x3e8: {  	s21 =	simm.s32 $0xC00;
	v34 =	vadd.f32 v63, v47;
	v32 =	vperm.xlane v30, v0;
	v24 =	vld [tilespmem:s20+$0xA0];
	v31 =	vperm.xlane v29, v1  }
.LBB2_20:
0x3e9: {  	p0 =	sne.s32 s21, $0xFC00;
	v35 =	vld [tilespmem:s20+$0xB0];
	v36 =	vmul.f32 v28, v7;
	v37 =	vmul.f32 v28, v6;
	[tilespmem:s19+$0xC090] =	vst v33  }
0x3ea: {  	v33 =	vld [tilespmem:s20+$0x0];
	v30 =	vadd.f32 v30, v32;
	v29 =	vadd.f32 v29, v31;
	v31 =	vmul.f32 v28, v5;
	[tilespmem:s19+$0xC0A0] =	vst v34  }
0x3eb: {  	v28 =	vmul.f32 v28, v4;
	v32 =	vld [tilespmem:s20+$0x10];
	v34 =	vadd.f32 v36, v18;
	v36 =	vadd.f32 v37, v21;
	v18 =	vmovc v25  }
0x3ec: {  	v21 =	vmovc v26;
	v37 =	vld [tilespmem:s20+$0x20];
	v40 =	vperm.xlane v30, v1;
	v38 =	vperm.xlane v29, v2;
	v41 =	vadd.f32 v31, v23  }
0x3ed: {  	v26 =	vmul.f32 v20, v9;
	v39 =	vmul.f32 v22, v10;
	v27 =	vadd.f32 v28, v27;
	v31 =	vld [tilespmem:s20+$0x30];
	[tilespmem:s19+$0xC000] =	vst v34  }
0x3ee: {  	v28 =	vmul.f32 v24, v11;
	v34 =	vmul.f32 v35, v12;
	v29 =	vadd.f32 v29, v38;
	[tilespmem:s19+$0xC010] =	vst v36  }
0x3ef: {  	v23 =	vmovc v17;
	v30 =	vadd.f32 v30, v40;
	v36 =	vmul.f32 v33, v9;
	[tilespmem:s19+$0xC020] =	vst v41;
	v25 =	vmov v33  }
0x3f0: {  	v33 =	vadd.f32 v39, v26;
	v28 =	vadd.f32 v34, v28;
	v34 =	vperm.xlane v29, v3;
	[tilespmem:s19+$0xC030] =	vst v27;
	s19 =	smov.u32 s18;
	s18 =	smov.u32 s20  }
0x3f1: {  	v38 =	vmul.f32 v32, v10;
	v26 =	vmovc v32;
	v27 =	vmovc v13;
	v39 =	vmul.f32 v37, v11;
	v17 =	vmov v37  }
0x3f2: {  	v32 =	vmul.f32 v31, v12;
	v28 =	vadd.f32 v28, v33;
	v29 =	vadd.f32 v29, v34;
	v13 =	vmovc v31  }
0x3f3: {  	v31 =	vadd.f32 v38, v36;
	v33 =	vperm.xlane v30, v2  }
0x3f4: {  	v32 =	vadd.f32 v32, v39;
	v28 =	vadd.f32 v28, v8;
	v34 =	vmul.f32 v29, v4  }
0x3f5: {  	v33 =	vadd.f32 v30, v33;
	v30 =	vmul.f32 v29, v7;
	v36 =	vmul.f32 v29, v6  }
.Ltmp9:
0x3f6: {  	v31 =	vadd.f32 v32, v31;
	v32 =	vperm.xlane v28, v0;
	v34 =	vadd.f32 v34, v19;
	v19 =	vmovc v35;
	(pc) =	sbr.rel @p0 .LBB2_20-.Ltmp9, $4  }
0x3f7: {  	s20 =	sshra.s32 s21, $0x2;
	v38 =	vmul.f32 v29, v5;
	v35 =	vperm.xlane v33, v3;
	v37 =	vadd.f32 v30, v16;
	v16 =	vmovc v20  }
0x3f8: {  	v20 =	vld [tilespmem:s20+$0x80];
	v30 =	vadd.f32 v31, v8;
	v29 =	vadd.f32 v28, v32;
	[tilespmem:s19+$0xC0B0] =	vst v34  }
0x3f9: {  	v28 =	vadd.f32 v33, v35;
	v33 =	vadd.f32 v36, v15;
	v15 =	vmov v22;
	[tilespmem:s19+$0xC080] =	vst v37;
	v22 =	vld [tilespmem:s20+$0x90]  }
0x3fa: {  	s21 =	sadd.s32 $0x400, s21;
	v34 =	vadd.f32 v38, v14;
	v14 =	vmovc v24;
	v32 =	vperm.xlane v30, v0;
	v31 =	vperm.xlane v29, v1;
	v24 =	vld [tilespmem:s20+$0xA0]  }
0x3fb: {  	v35 =	vld [tilespmem:s20+$0xB0];
	[tilespmem:s19+$0xC090] =	vst v33  }
0x3fc: {  	v33 =	vld [tilespmem:s20+$0x0];
	[tilespmem:s19+$0xC0A0] =	vst v34  }
0x3fd: {  	v34 =	vld [tilespmem:s20+$0x10]  }
0x3fe: {  	v36 =	vld [tilespmem:s20+$0x20]  }
0x3ff: {  	v37 =	vld [tilespmem:s20+$0x30];
	v38 =	vmul.f32 v20, v9;
	v39 =	vmul.f32 v22, v10  }
0x400: {  	v40 =	vmul.f32 v24, v11;
	v41 =	vmul.f32 v35, v12;
	_ =	sdelay $0x1  }
0x401: {  	v38 =	vadd.f32 v39, v38;
	v49 =	vadd.f32 v41, v40  }
0x402: {  	v30 =	vadd.f32 v30, v32;
	v50 =	vmul.f32 v33, v9;
	v51 =	vmul.f32 v34, v10  }
0x403: {  	v52 =	vmul.f32 v36, v11;
	v53 =	vmul.f32 v37, v12;
	v38 =	vadd.f32 v49, v38  }
0x404: {  	v29 =	vadd.f32 v29, v31;
	v31 =	vadd.f32 v51, v50  }
0x405: {  	v54 =	vadd.f32 v53, v52;
	v38 =	vadd.f32 v38, v8  }
0x406: {  	v55 =	vperm.xlane v30, v1;
	v56 =	vperm.xlane v29, v2  }
0x407: {  	v31 =	vadd.f32 v54, v31;
	v57 =	vperm.xlane v38, v0  }
0x408: {  	v58 =	vmul.f32 v28, v7;
	v29 =	vadd.f32 v29, v56;
	v30 =	vadd.f32 v30, v55  }
0x409: {  	v59 =	vmul.f32 v28, v6;
	v31 =	vadd.f32 v31, v8;
	v32 =	vadd.f32 v38, v57  }
0x40a: {  	v18 =	vadd.f32 v58, v18;
	v60 =	vperm.xlane v29, v3;
	v61 =	vperm.xlane v30, v2  }
0x40b: {  	v21 =	vadd.f32 v59, v21;
	v62 =	vperm.xlane v31, v0;
	v63 =	vperm.xlane v32, v1  }
0x40c: {  	v44 =	vmul.f32 v28, v5;
	v29 =	vadd.f32 v29, v60;
	v30 =	vadd.f32 v30, v61  }
0x40d: {  	v28 =	vmul.f32 v28, v4;
	v31 =	vadd.f32 v31, v62;
	v32 =	vadd.f32 v32, v63  }
0x40e: {  	v23 =	vadd.f32 v44, v23;
	v45 =	vmul.f32 v29, v4;
	v46 =	vperm.xlane v30, v3  }
0x40f: {  	[tilespmem:s19+$0xC000] =	vst v18;
	v18 =	vadd.f32 v28, v27;
	v27 =	vperm.xlane v31, v1;
	v28 =	vperm.xlane v32, v2  }
0x410: {  	[tilespmem:s19+$0xC010] =	vst v21;
	v21 =	vmul.f32 v29, v7;
	v19 =	vadd.f32 v45, v19;
	v30 =	vadd.f32 v30, v46  }
0x411: {  	[tilespmem:s19+$0xC020] =	vst v23;
	v23 =	vmul.f32 v29, v6;
	v27 =	vadd.f32 v31, v27;
	v28 =	vadd.f32 v32, v28  }
0x412: {  	[tilespmem:s19+$0xC030] =	vst v18;
	v18 =	vmul.f32 v29, v5;
	v16 =	vadd.f32 v21, v16;
	v21 =	vmul.f32 v30, v7  }
0x413: {  	v15 =	vadd.f32 v23, v15;
	[tilespmem:s18+$0xC0B0] =	vst v19;
	v23 =	vperm.xlane v27, v2;
	v19 =	vperm.xlane v28, v3  }
0x414: {  	v14 =	vadd.f32 v18, v14;
	[tilespmem:s18+$0xC080] =	vst v16;
	v16 =	vmul.f32 v30, v6;
	v18 =	vadd.f32 v21, v25  }
0x415: {  	[tilespmem:s18+$0xC090] =	vst v15;
	v15 =	vmul.f32 v30, v5;
	v21 =	vadd.f32 v27, v23;
	v19 =	vadd.f32 v28, v19  }
0x416: {  	[tilespmem:s18+$0xC0A0] =	vst v14;
	v14 =	vadd.f32 v16, v26;
	v16 =	vmul.f32 v30, v4  }
0x417: {  	v15 =	vadd.f32 v15, v17;
	[tilespmem:s18+$0xC000] =	vst v18;
	v18 =	vperm.xlane v21, v3;
	v17 =	vmul.f32 v19, v4  }
0x418: {  	v13 =	vadd.f32 v16, v13;
	[tilespmem:s18+$0xC010] =	vst v14;
	v14 =	vmul.f32 v19, v7  }
0x419: {  	[tilespmem:s18+$0xC020] =	vst v15;
	v15 =	vmul.f32 v19, v6;
	v16 =	vadd.f32 v17, v35;
	v17 =	vadd.f32 v21, v18  }
0x41a: {  	[tilespmem:s18+$0xC030] =	vst v13;
	v13 =	vadd.f32 v14, v20;
	v14 =	vmul.f32 v19, v5  }
0x41b: {  	v15 =	vadd.f32 v15, v22;
	[tilespmem:s20+$0xC0B0] =	vst v16;
	v16 =	vmul.f32 v17, v7  }
0x41c: {  	[tilespmem:s20+$0xC080] =	vst v13;
	v13 =	vadd.f32 v14, v24;
	v14 =	vmul.f32 v17, v6  }
0x41d: {  	[tilespmem:s20+$0xC090] =	vst v15;
	v15 =	vmul.f32 v17, v5;
	v16 =	vadd.f32 v16, v33  }
0x41e: {  	[tilespmem:s20+$0xC0A0] =	vst v13;
	v13 =	vadd.f32 v14, v34;
	v14 =	vmul.f32 v17, v4  }
0x41f: {  	v15 =	vadd.f32 v15, v36;
	[tilespmem:s20+$0xC000] =	vst v16  }
0x420: {  	v14 =	vadd.f32 v14, v37;
	[tilespmem:s20+$0xC010] =	vst v13  }
0x421: {  	[tilespmem:s20+$0xC020] =	vst v15  }
0x422: {  	s21 =	rddreg [dreg:$0x15];
	[tilespmem:s20+$0xC030] =	vst v14;
	s20 =	simm.s32 $0x0  }
0x423: {  	[hbm4b:s21+s20] =	stream.linear.scatter [tilespmem:s9], [sflag:$0x4], $0x4000, $0x38;
	[tilespmem:$0x18800] =	vst v63  }
0x424: {  	_ = 	snop  }
0x425: {  	[tilespmem:s20], [sflag:$0x1] =	stream.linear.gather [hbm4b:s24+s20], $0x4000, $0x38;
	[tilespmem:$0x18800] =	vst v63  }
0x426: {  	_ =	swait.ge [sflag:s10], $0x4000  }
0x427: {  	[sflag:s10] =	ssyncset.done $0x0  }
0x428: {  	[sflag:s10] =	ssyncadd.s32 $0xFFFFC000  }
0x429: {  	_ =	swait.ge [sflag:s15], $0x4000  }
0x42a: {  	[sflag:s15] =	ssyncset.done $0x0  }
0x42b: {  	s19 =	simm.s32 $0x0;
	[sflag:s15] =	ssyncadd.s32 $0xFFFFC000  }
0x42c: {  	v22 =	vld [tilespmem:s19+$0x4080]  }
0x42d: {  	v24 =	vld [tilespmem:s19+$0x4090]  }
0x42e: {  	v47 =	vld [tilespmem:s19+$0x40A0]  }
0x42f: {  	v20 =	vld [tilespmem:s19+$0x40B0];
	_ =	sdelay $0x2  }
0x430: {  	v18 =	vld [tilespmem:s19+$0x4000]  }
0x431: {  	v21 =	vld [tilespmem:s19+$0x4010];
	v13 =	vmul.f32 v22, v9;
	v14 =	vmul.f32 v24, v10  }
0x432: {  	v27 =	vld [tilespmem:s19+$0x4030];
	v15 =	vmul.f32 v47, v11;
	v16 =	vmul.f32 v20, v12  }
0x433: {  	v23 =	vld [tilespmem:s19+$0x4020]  }
0x434: {  	v13 =	vadd.f32 v14, v13;
	v14 =	vadd.f32 v16, v15;
	_ =	sdelay $0x1  }
0x435: {  	v13 =	vadd.f32 v14, v13  }
0x436: {  	v17 =	vmul.f32 v27, v12;
	v15 =	vmul.f32 v21, v10  }
0x437: {  	v16 =	vmul.f32 v23, v11;
	v14 =	vmul.f32 v18, v9;
	v13 =	vadd.f32 v13, v8;
	_ =	sdelay $0x1  }
0x438: {  	v14 =	vadd.f32 v15, v14;
	v15 =	vadd.f32 v17, v16;
	v19 =	vperm.xlane v13, v0  }
0x439: {  	s18 =	simm.s32 $0x100  }
0x43a: {  	v16 =	vld [tilespmem:s18+$0x4080];
	v14 =	vadd.f32 v15, v14;
	v13 =	vadd.f32 v13, v19  }
0x43b: {  	v15 =	vld [tilespmem:s18+$0x4090]  }
0x43c: {  	v28 =	vadd.f32 v14, v8;
	v14 =	vld [tilespmem:s18+$0x40A0];
	v17 =	vperm.xlane v13, v1  }
0x43d: {  	v19 =	vld [tilespmem:s18+$0x40B0]  }
0x43e: {  	v25 =	vld [tilespmem:s18+$0x4000];
	v29 =	vadd.f32 v13, v17  }
0x43f: {  	v26 =	vld [tilespmem:s18+$0x4010];
	v13 =	vperm.xlane v28, v0  }
0x440: {  	v17 =	vld [tilespmem:s18+$0x4020];
	v30 =	vperm.xlane v29, v2  }
0x441: {  	v31 =	vmul.f32 v16, v9;
	v48 =	vmul.f32 v15, v10;
	v28 =	vadd.f32 v28, v13;
	v13 =	vld [tilespmem:s18+$0x4030]  }
0x442: {  	v49 =	vmul.f32 v19, v12;
	v29 =	vadd.f32 v29, v30;
	v30 =	vmul.f32 v14, v11  }
0x443: {  	v52 =	vmul.f32 v25, v9;
	v50 =	vperm.xlane v28, v1  }
0x444: {  	v31 =	vadd.f32 v48, v31;
	v51 =	vperm.xlane v29, v3;
	v30 =	vadd.f32 v49, v30  }
0x445: {  	v53 =	vmul.f32 v26, v10;
	v54 =	vmul.f32 v17, v11;
	v28 =	vadd.f32 v28, v50  }
0x446: {  	v55 =	vmul.f32 v13, v12;
	v29 =	vadd.f32 v29, v51;
	v30 =	vadd.f32 v30, v31  }
0x447: {  	v31 =	vadd.f32 v53, v52;
	v56 =	vperm.xlane v28, v2  }
0x448: {  	v33 =	vadd.f32 v55, v54;
	v36 =	vmul.f32 v29, v4;
	v57 =	vadd.f32 v30, v8  }
0x449: {  	v28 =	vadd.f32 v28, v56;
	v30 =	vmul.f32 v29, v7  }
0x44a: {  	v31 =	vadd.f32 v33, v31;
	v58 =	vadd.f32 v36, v20;
	v59 =	vperm.xlane v57, v0  }
0x44b: {  	s20 =	simm.s32 $0x200;
	v60 =	vmul.f32 v29, v6;
	v61 =	vperm.xlane v28, v3;
	v62 =	vadd.f32 v30, v22  }
0x44c: {  	v63 =	vmul.f32 v29, v5;
	v20 =	vld [tilespmem:s20+$0x4080];
	v30 =	vadd.f32 v31, v8;
	[tilespmem:s19+$0x100B0] =	vst v58;
	v29 =	vadd.f32 v57, v59  }
0x44d: {  	v33 =	vadd.f32 v60, v24;
	v28 =	vadd.f32 v28, v61;
	v22 =	vld [tilespmem:s20+$0x4090];
	[tilespmem:s19+$0x10080] =	vst v62  }
0x44e: {  	s21 =	simm.s32 $0xC00;
	v34 =	vadd.f32 v63, v47;
	v32 =	vperm.xlane v30, v0;
	v24 =	vld [tilespmem:s20+$0x40A0];
	v31 =	vperm.xlane v29, v1  }
.LBB2_22:
0x44f: {  	p0 =	sne.s32 s21, $0xFC00;
	v35 =	vld [tilespmem:s20+$0x40B0];
	v36 =	vmul.f32 v28, v7;
	v37 =	vmul.f32 v28, v6;
	[tilespmem:s19+$0x10090] =	vst v33  }
0x450: {  	v33 =	vld [tilespmem:s20+$0x4000];
	v30 =	vadd.f32 v30, v32;
	v29 =	vadd.f32 v29, v31;
	v31 =	vmul.f32 v28, v5;
	[tilespmem:s19+$0x100A0] =	vst v34  }
0x451: {  	v28 =	vmul.f32 v28, v4;
	v32 =	vld [tilespmem:s20+$0x4010];
	v34 =	vadd.f32 v36, v18;
	v36 =	vadd.f32 v37, v21;
	v18 =	vmovc v25  }
0x452: {  	v21 =	vmovc v26;
	v37 =	vld [tilespmem:s20+$0x4020];
	v40 =	vperm.xlane v30, v1;
	v38 =	vperm.xlane v29, v2;
	v41 =	vadd.f32 v31, v23  }
0x453: {  	v26 =	vmul.f32 v20, v9;
	v39 =	vmul.f32 v22, v10;
	v27 =	vadd.f32 v28, v27;
	v31 =	vld [tilespmem:s20+$0x4030];
	[tilespmem:s19+$0x10000] =	vst v34  }
0x454: {  	v28 =	vmul.f32 v24, v11;
	v34 =	vmul.f32 v35, v12;
	v29 =	vadd.f32 v29, v38;
	[tilespmem:s19+$0x10010] =	vst v36  }
0x455: {  	v23 =	vmovc v17;
	v30 =	vadd.f32 v30, v40;
	v36 =	vmul.f32 v33, v9;
	[tilespmem:s19+$0x10020] =	vst v41;
	v25 =	vmov v33  }
0x456: {  	v33 =	vadd.f32 v39, v26;
	v28 =	vadd.f32 v34, v28;
	v34 =	vperm.xlane v29, v3;
	[tilespmem:s19+$0x10030] =	vst v27;
	s19 =	smov.u32 s18;
	s18 =	smov.u32 s20  }
0x457: {  	v38 =	vmul.f32 v32, v10;
	v26 =	vmovc v32;
	v27 =	vmovc v13;
	v39 =	vmul.f32 v37, v11;
	v17 =	vmov v37  }
0x458: {  	v32 =	vmul.f32 v31, v12;
	v28 =	vadd.f32 v28, v33;
	v29 =	vadd.f32 v29, v34;
	v13 =	vmovc v31  }
0x459: {  	v31 =	vadd.f32 v38, v36;
	v33 =	vperm.xlane v30, v2  }
0x45a: {  	v32 =	vadd.f32 v32, v39;
	v28 =	vadd.f32 v28, v8;
	v34 =	vmul.f32 v29, v4  }
0x45b: {  	v33 =	vadd.f32 v30, v33;
	v30 =	vmul.f32 v29, v7;
	v36 =	vmul.f32 v29, v6  }
.Ltmp10:
0x45c: {  	v31 =	vadd.f32 v32, v31;
	v32 =	vperm.xlane v28, v0;
	v34 =	vadd.f32 v34, v19;
	v19 =	vmovc v35;
	(pc) =	sbr.rel @p0 .LBB2_22-.Ltmp10, $4  }
0x45d: {  	s20 =	sshra.s32 s21, $0x2;
	v38 =	vmul.f32 v29, v5;
	v35 =	vperm.xlane v33, v3;
	v37 =	vadd.f32 v30, v16;
	v16 =	vmovc v20  }
0x45e: {  	v20 =	vld [tilespmem:s20+$0x4080];
	v30 =	vadd.f32 v31, v8;
	v29 =	vadd.f32 v28, v32;
	[tilespmem:s19+$0x100B0] =	vst v34  }
0x45f: {  	v28 =	vadd.f32 v33, v35;
	v33 =	vadd.f32 v36, v15;
	v15 =	vmov v22;
	[tilespmem:s19+$0x10080] =	vst v37;
	v22 =	vld [tilespmem:s20+$0x4090]  }
0x460: {  	s21 =	sadd.s32 $0x400, s21;
	v34 =	vadd.f32 v38, v14;
	v14 =	vmovc v24;
	v32 =	vperm.xlane v30, v0;
	v31 =	vperm.xlane v29, v1;
	v24 =	vld [tilespmem:s20+$0x40A0]  }
0x461: {  	v35 =	vld [tilespmem:s20+$0x40B0];
	[tilespmem:s19+$0x10090] =	vst v33  }
0x462: {  	v33 =	vld [tilespmem:s20+$0x4000];
	[tilespmem:s19+$0x100A0] =	vst v34  }
0x463: {  	v34 =	vld [tilespmem:s20+$0x4010]  }
0x464: {  	v36 =	vld [tilespmem:s20+$0x4020]  }
0x465: {  	v37 =	vld [tilespmem:s20+$0x4030];
	v38 =	vmul.f32 v20, v9;
	v39 =	vmul.f32 v22, v10  }
0x466: {  	v40 =	vmul.f32 v24, v11;
	v41 =	vmul.f32 v35, v12;
	_ =	sdelay $0x1  }
0x467: {  	v38 =	vadd.f32 v39, v38;
	v49 =	vadd.f32 v41, v40  }
0x468: {  	v30 =	vadd.f32 v30, v32;
	v50 =	vmul.f32 v33, v9;
	v51 =	vmul.f32 v34, v10  }
0x469: {  	v52 =	vmul.f32 v36, v11;
	v53 =	vmul.f32 v37, v12;
	v38 =	vadd.f32 v49, v38  }
0x46a: {  	v29 =	vadd.f32 v29, v31;
	v31 =	vadd.f32 v51, v50  }
0x46b: {  	v54 =	vadd.f32 v53, v52;
	v38 =	vadd.f32 v38, v8  }
0x46c: {  	v55 =	vperm.xlane v30, v1;
	v56 =	vperm.xlane v29, v2  }
0x46d: {  	v31 =	vadd.f32 v54, v31;
	v57 =	vperm.xlane v38, v0  }
0x46e: {  	v58 =	vmul.f32 v28, v7;
	v29 =	vadd.f32 v29, v56;
	v30 =	vadd.f32 v30, v55  }
0x46f: {  	v59 =	vmul.f32 v28, v6;
	v31 =	vadd.f32 v31, v8;
	v32 =	vadd.f32 v38, v57  }
0x470: {  	v18 =	vadd.f32 v58, v18;
	v60 =	vperm.xlane v29, v3;
	v61 =	vperm.xlane v30, v2  }
0x471: {  	v21 =	vadd.f32 v59, v21;
	v62 =	vperm.xlane v31, v0;
	v63 =	vperm.xlane v32, v1  }
0x472: {  	v44 =	vmul.f32 v28, v5;
	v29 =	vadd.f32 v29, v60;
	v30 =	vadd.f32 v30, v61  }
0x473: {  	v28 =	vmul.f32 v28, v4;
	v31 =	vadd.f32 v31, v62;
	v32 =	vadd.f32 v32, v63  }
0x474: {  	v23 =	vadd.f32 v44, v23;
	v45 =	vmul.f32 v29, v4;
	v46 =	vperm.xlane v30, v3  }
0x475: {  	[tilespmem:s19+$0x10000] =	vst v18;
	v18 =	vadd.f32 v28, v27;
	v27 =	vperm.xlane v31, v1;
	v28 =	vperm.xlane v32, v2  }
0x476: {  	[tilespmem:s19+$0x10010] =	vst v21;
	v21 =	vmul.f32 v29, v7;
	v19 =	vadd.f32 v45, v19;
	v30 =	vadd.f32 v30, v46  }
0x477: {  	[tilespmem:s19+$0x10020] =	vst v23;
	v23 =	vmul.f32 v29, v6;
	v27 =	vadd.f32 v31, v27;
	v28 =	vadd.f32 v32, v28  }
0x478: {  	[tilespmem:s19+$0x10030] =	vst v18;
	v18 =	vmul.f32 v29, v5;
	v16 =	vadd.f32 v21, v16;
	v21 =	vmul.f32 v30, v7  }
0x479: {  	v15 =	vadd.f32 v23, v15;
	[tilespmem:s18+$0x100B0] =	vst v19;
	v23 =	vperm.xlane v27, v2;
	v19 =	vperm.xlane v28, v3  }
0x47a: {  	v14 =	vadd.f32 v18, v14;
	[tilespmem:s18+$0x10080] =	vst v16;
	v16 =	vmul.f32 v30, v6;
	v18 =	vadd.f32 v21, v25  }
0x47b: {  	[tilespmem:s18+$0x10090] =	vst v15;
	v15 =	vmul.f32 v30, v5;
	v21 =	vadd.f32 v27, v23;
	v19 =	vadd.f32 v28, v19  }
0x47c: {  	[tilespmem:s18+$0x100A0] =	vst v14;
	v14 =	vadd.f32 v16, v26;
	v16 =	vmul.f32 v30, v4  }
0x47d: {  	v15 =	vadd.f32 v15, v17;
	[tilespmem:s18+$0x10000] =	vst v18;
	v18 =	vperm.xlane v21, v3;
	v17 =	vmul.f32 v19, v4  }
0x47e: {  	v13 =	vadd.f32 v16, v13;
	[tilespmem:s18+$0x10010] =	vst v14;
	v14 =	vmul.f32 v19, v7  }
0x47f: {  	[tilespmem:s18+$0x10020] =	vst v15;
	v15 =	vmul.f32 v19, v6;
	v16 =	vadd.f32 v17, v35;
	v17 =	vadd.f32 v21, v18  }
0x480: {  	[tilespmem:s18+$0x10030] =	vst v13;
	v13 =	vadd.f32 v14, v20;
	v14 =	vmul.f32 v19, v5  }
0x481: {  	v15 =	vadd.f32 v15, v22;
	[tilespmem:s20+$0x100B0] =	vst v16;
	v16 =	vmul.f32 v17, v7  }
0x482: {  	[tilespmem:s20+$0x10080] =	vst v13;
	v13 =	vadd.f32 v14, v24;
	v14 =	vmul.f32 v17, v6  }
0x483: {  	[tilespmem:s20+$0x10090] =	vst v15;
	v15 =	vmul.f32 v17, v5;
	v16 =	vadd.f32 v16, v33  }
0x484: {  	[tilespmem:s20+$0x100A0] =	vst v13;
	v13 =	vadd.f32 v14, v34;
	v14 =	vmul.f32 v17, v4  }
0x485: {  	v15 =	vadd.f32 v15, v36;
	[tilespmem:s20+$0x10000] =	vst v16  }
0x486: {  	v14 =	vadd.f32 v14, v37;
	[tilespmem:s20+$0x10010] =	vst v13  }
0x487: {  	[tilespmem:s20+$0x10020] =	vst v15  }
0x488: {  	s21 =	rddreg [dreg:$0x16];
	[tilespmem:s20+$0x10030] =	vst v14;
	s20 =	simm.s32 $0x0  }
0x489: {  	[hbm4b:s21+s20] =	stream.linear.scatter [tilespmem:s11], [sflag:$0x5], $0x4000, $0x38;
	[tilespmem:$0x18800] =	vst v63  }
0x48a: {  	_ = 	snop  }
0x48b: {  	[tilespmem:s6], [sflag:$0x2] =	stream.linear.gather [hbm4b:s30+s20], $0x4000, $0x38;
	[tilespmem:$0x18800] =	vst v63  }
0x48c: {  	_ =	swait.ge [sflag:s12], $0x4000  }
0x48d: {  	[sflag:s12] =	ssyncset.done $0x0  }
0x48e: {  	[sflag:s12] =	ssyncadd.s32 $0xFFFFC000  }
0x48f: {  	_ =	swait.ge [sflag:s16], $0x4000  }
0x490: {  	[sflag:s16] =	ssyncset.done $0x0  }
0x491: {  	s19 =	simm.s32 $0x0;
	[sflag:s16] =	ssyncadd.s32 $0xFFFFC000  }
0x492: {  	v22 =	vld [tilespmem:s19+$0x8080]  }
0x493: {  	v24 =	vld [tilespmem:s19+$0x8090]  }
0x494: {  	v47 =	vld [tilespmem:s19+$0x80A0]  }
0x495: {  	v20 =	vld [tilespmem:s19+$0x80B0];
	_ =	sdelay $0x2  }
0x496: {  	v18 =	vld [tilespmem:s19+$0x8000]  }
0x497: {  	v21 =	vld [tilespmem:s19+$0x8010];
	v13 =	vmul.f32 v22, v9;
	v14 =	vmul.f32 v24, v10  }
0x498: {  	v27 =	vld [tilespmem:s19+$0x8030];
	v15 =	vmul.f32 v47, v11;
	v16 =	vmul.f32 v20, v12  }
0x499: {  	v23 =	vld [tilespmem:s19+$0x8020]  }
0x49a: {  	v13 =	vadd.f32 v14, v13;
	v14 =	vadd.f32 v16, v15;
	_ =	sdelay $0x1  }
0x49b: {  	v13 =	vadd.f32 v14, v13  }
0x49c: {  	v17 =	vmul.f32 v27, v12;
	v15 =	vmul.f32 v21, v10  }
0x49d: {  	v16 =	vmul.f32 v23, v11;
	v14 =	vmul.f32 v18, v9;
	v13 =	vadd.f32 v13, v8;
	_ =	sdelay $0x1  }
0x49e: {  	v14 =	vadd.f32 v15, v14;
	v15 =	vadd.f32 v17, v16;
	v19 =	vperm.xlane v13, v0  }
0x49f: {  	s18 =	simm.s32 $0x100  }
0x4a0: {  	v16 =	vld [tilespmem:s18+$0x8080];
	v14 =	vadd.f32 v15, v14;
	v13 =	vadd.f32 v13, v19  }
0x4a1: {  	v15 =	vld [tilespmem:s18+$0x8090]  }
0x4a2: {  	v28 =	vadd.f32 v14, v8;
	v14 =	vld [tilespmem:s18+$0x80A0];
	v17 =	vperm.xlane v13, v1  }
0x4a3: {  	v19 =	vld [tilespmem:s18+$0x80B0]  }
0x4a4: {  	v25 =	vld [tilespmem:s18+$0x8000];
	v29 =	vadd.f32 v13, v17  }
0x4a5: {  	v26 =	vld [tilespmem:s18+$0x8010];
	v13 =	vperm.xlane v28, v0  }
0x4a6: {  	v17 =	vld [tilespmem:s18+$0x8020];
	v30 =	vperm.xlane v29, v2  }
0x4a7: {  	v31 =	vmul.f32 v16, v9;
	v48 =	vmul.f32 v15, v10;
	v28 =	vadd.f32 v28, v13;
	v13 =	vld [tilespmem:s18+$0x8030]  }
0x4a8: {  	v49 =	vmul.f32 v19, v12;
	v29 =	vadd.f32 v29, v30;
	v30 =	vmul.f32 v14, v11  }
0x4a9: {  	v52 =	vmul.f32 v25, v9;
	v50 =	vperm.xlane v28, v1  }
0x4aa: {  	v31 =	vadd.f32 v48, v31;
	v51 =	vperm.xlane v29, v3;
	v30 =	vadd.f32 v49, v30  }
0x4ab: {  	v53 =	vmul.f32 v26, v10;
	v54 =	vmul.f32 v17, v11;
	v28 =	vadd.f32 v28, v50  }
0x4ac: {  	v55 =	vmul.f32 v13, v12;
	v29 =	vadd.f32 v29, v51;
	v30 =	vadd.f32 v30, v31  }
0x4ad: {  	v31 =	vadd.f32 v53, v52;
	v56 =	vperm.xlane v28, v2  }
0x4ae: {  	v33 =	vadd.f32 v55, v54;
	v36 =	vmul.f32 v29, v4;
	v57 =	vadd.f32 v30, v8  }
0x4af: {  	v28 =	vadd.f32 v28, v56;
	v30 =	vmul.f32 v29, v7  }
0x4b0: {  	v31 =	vadd.f32 v33, v31;
	v58 =	vadd.f32 v36, v20;
	v59 =	vperm.xlane v57, v0  }
0x4b1: {  	s20 =	simm.s32 $0x200;
	v60 =	vmul.f32 v29, v6;
	v61 =	vperm.xlane v28, v3;
	v62 =	vadd.f32 v30, v22  }
0x4b2: {  	v63 =	vmul.f32 v29, v5;
	v20 =	vld [tilespmem:s20+$0x8080];
	v30 =	vadd.f32 v31, v8;
	[tilespmem:s19+$0x140B0] =	vst v58;
	v29 =	vadd.f32 v57, v59  }
0x4b3: {  	v33 =	vadd.f32 v60, v24;
	v28 =	vadd.f32 v28, v61;
	v22 =	vld [tilespmem:s20+$0x8090];
	[tilespmem:s19+$0x14080] =	vst v62  }
0x4b4: {  	s21 =	simm.s32 $0xC00;
	v34 =	vadd.f32 v63, v47;
	v32 =	vperm.xlane v30, v0;
	v24 =	vld [tilespmem:s20+$0x80A0];
	v31 =	vperm.xlane v29, v1  }
.LBB2_24:
0x4b5: {  	p0 =	sne.s32 s21, $0xFC00;
	v35 =	vld [tilespmem:s20+$0x80B0];
	v36 =	vmul.f32 v28, v7;
	v37 =	vmul.f32 v28, v6;
	[tilespmem:s19+$0x14090] =	vst v33  }
0x4b6: {  	v33 =	vld [tilespmem:s20+$0x8000];
	v30 =	vadd.f32 v30, v32;
	v29 =	vadd.f32 v29, v31;
	v31 =	vmul.f32 v28, v5;
	[tilespmem:s19+$0x140A0] =	vst v34  }
0x4b7: {  	v28 =	vmul.f32 v28, v4;
	v32 =	vld [tilespmem:s20+$0x8010];
	v34 =	vadd.f32 v36, v18;
	v36 =	vadd.f32 v37, v21;
	v18 =	vmovc v25  }
0x4b8: {  	v21 =	vmovc v26;
	v37 =	vld [tilespmem:s20+$0x8020];
	v40 =	vperm.xlane v30, v1;
	v38 =	vperm.xlane v29, v2;
	v41 =	vadd.f32 v31, v23  }
0x4b9: {  	v26 =	vmul.f32 v20, v9;
	v39 =	vmul.f32 v22, v10;
	v27 =	vadd.f32 v28, v27;
	v31 =	vld [tilespmem:s20+$0x8030];
	[tilespmem:s19+$0x14000] =	vst v34  }
0x4ba: {  	v28 =	vmul.f32 v24, v11;
	v34 =	vmul.f32 v35, v12;
	v29 =	vadd.f32 v29, v38;
	[tilespmem:s19+$0x14010] =	vst v36  }
0x4bb: {  	v23 =	vmovc v17;
	v30 =	vadd.f32 v30, v40;
	v36 =	vmul.f32 v33, v9;
	[tilespmem:s19+$0x14020] =	vst v41;
	v25 =	vmov v33  }
0x4bc: {  	v33 =	vadd.f32 v39, v26;
	v28 =	vadd.f32 v34, v28;
	v34 =	vperm.xlane v29, v3;
	[tilespmem:s19+$0x14030] =	vst v27;
	s19 =	smov.u32 s18;
	s18 =	smov.u32 s20  }
0x4bd: {  	v38 =	vmul.f32 v32, v10;
	v26 =	vmovc v32;
	v27 =	vmovc v13;
	v39 =	vmul.f32 v37, v11;
	v17 =	vmov v37  }
0x4be: {  	v32 =	vmul.f32 v31, v12;
	v28 =	vadd.f32 v28, v33;
	v29 =	vadd.f32 v29, v34;
	v13 =	vmovc v31  }
0x4bf: {  	v31 =	vadd.f32 v38, v36;
	v33 =	vperm.xlane v30, v2  }
0x4c0: {  	v32 =	vadd.f32 v32, v39;
	v28 =	vadd.f32 v28, v8;
	v34 =	vmul.f32 v29, v4  }
0x4c1: {  	v33 =	vadd.f32 v30, v33;
	v30 =	vmul.f32 v29, v7;
	v36 =	vmul.f32 v29, v6  }
.Ltmp11:
0x4c2: {  	v31 =	vadd.f32 v32, v31;
	v32 =	vperm.xlane v28, v0;
	v34 =	vadd.f32 v34, v19;
	v19 =	vmovc v35;
	(pc) =	sbr.rel @p0 .LBB2_24-.Ltmp11, $4  }
0x4c3: {  	s20 =	sshra.s32 s21, $0x2;
	v38 =	vmul.f32 v29, v5;
	v35 =	vperm.xlane v33, v3;
	v37 =	vadd.f32 v30, v16;
	v16 =	vmovc v20  }
0x4c4: {  	v20 =	vld [tilespmem:s20+$0x8080];
	v30 =	vadd.f32 v31, v8;
	v29 =	vadd.f32 v28, v32;
	[tilespmem:s19+$0x140B0] =	vst v34  }
0x4c5: {  	v28 =	vadd.f32 v33, v35;
	v33 =	vadd.f32 v36, v15;
	v15 =	vmov v22;
	[tilespmem:s19+$0x14080] =	vst v37;
	v22 =	vld [tilespmem:s20+$0x8090]  }
0x4c6: {  	s21 =	sadd.s32 $0x400, s21;
	v34 =	vadd.f32 v38, v14;
	v14 =	vmovc v24;
	v32 =	vperm.xlane v30, v0;
	v31 =	vperm.xlane v29, v1;
	v24 =	vld [tilespmem:s20+$0x80A0]  }
0x4c7: {  	v35 =	vld [tilespmem:s20+$0x80B0];
	[tilespmem:s19+$0x14090] =	vst v33  }
0x4c8: {  	v33 =	vld [tilespmem:s20+$0x8000];
	[tilespmem:s19+$0x140A0] =	vst v34  }
0x4c9: {  	v34 =	vld [tilespmem:s20+$0x8010]  }
0x4ca: {  	v36 =	vld [tilespmem:s20+$0x8020]  }
0x4cb: {  	v37 =	vld [tilespmem:s20+$0x8030];
	v38 =	vmul.f32 v20, v9;
	v39 =	vmul.f32 v22, v10  }
0x4cc: {  	v40 =	vmul.f32 v24, v11;
	v41 =	vmul.f32 v35, v12;
	_ =	sdelay $0x1  }
0x4cd: {  	v38 =	vadd.f32 v39, v38;
	v49 =	vadd.f32 v41, v40  }
0x4ce: {  	v30 =	vadd.f32 v30, v32;
	v50 =	vmul.f32 v33, v9;
	v51 =	vmul.f32 v34, v10  }
0x4cf: {  	v52 =	vmul.f32 v36, v11;
	v53 =	vmul.f32 v37, v12;
	v38 =	vadd.f32 v49, v38  }
0x4d0: {  	v29 =	vadd.f32 v29, v31;
	v31 =	vadd.f32 v51, v50  }
0x4d1: {  	v54 =	vadd.f32 v53, v52;
	v38 =	vadd.f32 v38, v8  }
0x4d2: {  	v55 =	vperm.xlane v30, v1;
	v56 =	vperm.xlane v29, v2  }
0x4d3: {  	v31 =	vadd.f32 v54, v31;
	v57 =	vperm.xlane v38, v0  }
0x4d4: {  	v58 =	vmul.f32 v28, v7;
	v29 =	vadd.f32 v29, v56;
	v30 =	vadd.f32 v30, v55  }
0x4d5: {  	v59 =	vmul.f32 v28, v6;
	v31 =	vadd.f32 v31, v8;
	v32 =	vadd.f32 v38, v57  }
0x4d6: {  	v18 =	vadd.f32 v58, v18;
	v60 =	vperm.xlane v29, v3;
	v61 =	vperm.xlane v30, v2  }
0x4d7: {  	v21 =	vadd.f32 v59, v21;
	v62 =	vperm.xlane v31, v0;
	v63 =	vperm.xlane v32, v1  }
0x4d8: {  	v44 =	vmul.f32 v28, v5;
	v29 =	vadd.f32 v29, v60;
	v30 =	vadd.f32 v30, v61  }
0x4d9: {  	v28 =	vmul.f32 v28, v4;
	v31 =	vadd.f32 v31, v62;
	v32 =	vadd.f32 v32, v63  }
0x4da: {  	v23 =	vadd.f32 v44, v23;
	v45 =	vmul.f32 v29, v4;
	v46 =	vperm.xlane v30, v3  }
0x4db: {  	[tilespmem:s19+$0x14000] =	vst v18;
	v18 =	vadd.f32 v28, v27;
	v27 =	vperm.xlane v31, v1;
	v28 =	vperm.xlane v32, v2  }
0x4dc: {  	[tilespmem:s19+$0x14010] =	vst v21;
	v21 =	vmul.f32 v29, v7;
	v19 =	vadd.f32 v45, v19;
	v30 =	vadd.f32 v30, v46  }
0x4dd: {  	[tilespmem:s19+$0x14020] =	vst v23;
	v23 =	vmul.f32 v29, v6;
	v27 =	vadd.f32 v31, v27;
	v28 =	vadd.f32 v32, v28  }
0x4de: {  	[tilespmem:s19+$0x14030] =	vst v18;
	v18 =	vmul.f32 v29, v5;
	v16 =	vadd.f32 v21, v16;
	v21 =	vmul.f32 v30, v7  }
0x4df: {  	v15 =	vadd.f32 v23, v15;
	[tilespmem:s18+$0x140B0] =	vst v19;
	v23 =	vperm.xlane v27, v2;
	v19 =	vperm.xlane v28, v3  }
0x4e0: {  	v14 =	vadd.f32 v18, v14;
	[tilespmem:s18+$0x14080] =	vst v16;
	v16 =	vmul.f32 v30, v6;
	v18 =	vadd.f32 v21, v25  }
0x4e1: {  	[tilespmem:s18+$0x14090] =	vst v15;
	v15 =	vmul.f32 v30, v5;
	v21 =	vadd.f32 v27, v23;
	v19 =	vadd.f32 v28, v19  }
0x4e2: {  	[tilespmem:s18+$0x140A0] =	vst v14;
	v14 =	vadd.f32 v16, v26;
	v16 =	vmul.f32 v30, v4  }
0x4e3: {  	v15 =	vadd.f32 v15, v17;
	[tilespmem:s18+$0x14000] =	vst v18;
	v18 =	vperm.xlane v21, v3;
	v17 =	vmul.f32 v19, v4  }
0x4e4: {  	v13 =	vadd.f32 v16, v13;
	[tilespmem:s18+$0x14010] =	vst v14;
	v14 =	vmul.f32 v19, v7  }
0x4e5: {  	[tilespmem:s18+$0x14020] =	vst v15;
	v15 =	vmul.f32 v19, v6;
	v16 =	vadd.f32 v17, v35;
	v17 =	vadd.f32 v21, v18  }
0x4e6: {  	[tilespmem:s18+$0x14030] =	vst v13;
	v13 =	vadd.f32 v14, v20;
	v14 =	vmul.f32 v19, v5  }
0x4e7: {  	v15 =	vadd.f32 v15, v22;
	[tilespmem:s20+$0x140B0] =	vst v16;
	v16 =	vmul.f32 v17, v7  }
0x4e8: {  	[tilespmem:s20+$0x14080] =	vst v13;
	v13 =	vadd.f32 v14, v24;
	v14 =	vmul.f32 v17, v6  }
0x4e9: {  	[tilespmem:s20+$0x14090] =	vst v15;
	v15 =	vmul.f32 v17, v5;
	v16 =	vadd.f32 v16, v33  }
0x4ea: {  	[tilespmem:s20+$0x140A0] =	vst v13;
	v13 =	vadd.f32 v14, v34;
	v14 =	vmul.f32 v17, v4  }
0x4eb: {  	v15 =	vadd.f32 v15, v36;
	[tilespmem:s20+$0x14000] =	vst v16  }
0x4ec: {  	v14 =	vadd.f32 v14, v37;
	[tilespmem:s20+$0x14010] =	vst v13  }
0x4ed: {  	[tilespmem:s20+$0x14020] =	vst v15  }
0x4ee: {  	s21 =	simm.s32 $0x0;
	[tilespmem:s20+$0x14030] =	vst v14  }
0x4ef: {  	[hbm4b:s23+s21] =	stream.linear.scatter [tilespmem:s13], [sflag:$0x6], $0x4000, $0x38;
	[tilespmem:$0x18800] =	vst v63  }
0x4f0: {  	_ = 	snop  }
0x4f1: {  	[tilespmem:s7], [sflag:$0x3] =	stream.linear.gather [hbm4b:s31+s21], $0x4000, $0x38;
	[tilespmem:$0x18800] =	vst v63  }
0x4f2: {  	_ =	swait.ge [sflag:s8], $0x4000  }
0x4f3: {  	[sflag:s8] =	ssyncset.done $0x0  }
0x4f4: {  	[sflag:s8] =	ssyncadd.s32 $0xFFFFC000  }
0x4f5: {  	_ =	swait.ge [sflag:s14], $0x4000  }
0x4f6: {  	[sflag:s14] =	ssyncset.done $0x0  }
0x4f7: {  	s19 =	simm.s32 $0x0;
	[sflag:s14] =	ssyncadd.s32 $0xFFFFC000  }
0x4f8: {  	v22 =	vld [tilespmem:s19+$0x80]  }
0x4f9: {  	v24 =	vld [tilespmem:s19+$0x90]  }
0x4fa: {  	v47 =	vld [tilespmem:s19+$0xA0]  }
0x4fb: {  	v20 =	vld [tilespmem:s19+$0xB0];
	_ =	sdelay $0x2  }
0x4fc: {  	v18 =	vld [tilespmem:s19+$0x0]  }
0x4fd: {  	v21 =	vld [tilespmem:s19+$0x10];
	v13 =	vmul.f32 v22, v9;
	v14 =	vmul.f32 v24, v10  }
0x4fe: {  	v27 =	vld [tilespmem:s19+$0x30];
	v15 =	vmul.f32 v47, v11;
	v16 =	vmul.f32 v20, v12  }
0x4ff: {  	v23 =	vld [tilespmem:s19+$0x20]  }
0x500: {  	v13 =	vadd.f32 v14, v13;
	v14 =	vadd.f32 v16, v15;
	_ =	sdelay $0x1  }
0x501: {  	v13 =	vadd.f32 v14, v13  }
0x502: {  	v17 =	vmul.f32 v27, v12;
	v15 =	vmul.f32 v21, v10  }
0x503: {  	v16 =	vmul.f32 v23, v11;
	v14 =	vmul.f32 v18, v9;
	v13 =	vadd.f32 v13, v8;
	_ =	sdelay $0x1  }
0x504: {  	v14 =	vadd.f32 v15, v14;
	v15 =	vadd.f32 v17, v16;
	v19 =	vperm.xlane v13, v0  }
0x505: {  	s18 =	simm.s32 $0x100  }
0x506: {  	v16 =	vld [tilespmem:s18+$0x80];
	v14 =	vadd.f32 v15, v14;
	v13 =	vadd.f32 v13, v19  }
0x507: {  	v15 =	vld [tilespmem:s18+$0x90]  }
0x508: {  	v28 =	vadd.f32 v14, v8;
	v14 =	vld [tilespmem:s18+$0xA0];
	v17 =	vperm.xlane v13, v1  }
0x509: {  	v19 =	vld [tilespmem:s18+$0xB0]  }
0x50a: {  	v25 =	vld [tilespmem:s18+$0x0];
	v29 =	vadd.f32 v13, v17  }
0x50b: {  	v26 =	vld [tilespmem:s18+$0x10];
	v13 =	vperm.xlane v28, v0  }
0x50c: {  	v17 =	vld [tilespmem:s18+$0x20];
	v30 =	vperm.xlane v29, v2  }
0x50d: {  	v31 =	vmul.f32 v16, v9;
	v48 =	vmul.f32 v15, v10;
	v28 =	vadd.f32 v28, v13;
	v13 =	vld [tilespmem:s18+$0x30]  }
0x50e: {  	v49 =	vmul.f32 v19, v12;
	v29 =	vadd.f32 v29, v30;
	v30 =	vmul.f32 v14, v11  }
0x50f: {  	v52 =	vmul.f32 v25, v9;
	v50 =	vperm.xlane v28, v1  }
0x510: {  	v31 =	vadd.f32 v48, v31;
	v51 =	vperm.xlane v29, v3;
	v30 =	vadd.f32 v49, v30  }
0x511: {  	v53 =	vmul.f32 v26, v10;
	v54 =	vmul.f32 v17, v11;
	v28 =	vadd.f32 v28, v50  }
0x512: {  	v55 =	vmul.f32 v13, v12;
	v29 =	vadd.f32 v29, v51;
	v30 =	vadd.f32 v30, v31  }
0x513: {  	v31 =	vadd.f32 v53, v52;
	v56 =	vperm.xlane v28, v2  }
0x514: {  	v33 =	vadd.f32 v55, v54;
	v36 =	vmul.f32 v29, v4;
	v57 =	vadd.f32 v30, v8  }
0x515: {  	v28 =	vadd.f32 v28, v56;
	v30 =	vmul.f32 v29, v7  }
0x516: {  	v31 =	vadd.f32 v33, v31;
	v58 =	vadd.f32 v36, v20;
	v59 =	vperm.xlane v57, v0  }
0x517: {  	s20 =	simm.s32 $0x200;
	v60 =	vmul.f32 v29, v6;
	v61 =	vperm.xlane v28, v3;
	v62 =	vadd.f32 v30, v22  }
0x518: {  	v63 =	vmul.f32 v29, v5;
	v20 =	vld [tilespmem:s20+$0x80];
	v30 =	vadd.f32 v31, v8;
	[tilespmem:s19+$0xC0B0] =	vst v58;
	v29 =	vadd.f32 v57, v59  }
0x519: {  	v33 =	vadd.f32 v60, v24;
	v28 =	vadd.f32 v28, v61;
	v22 =	vld [tilespmem:s20+$0x90];
	[tilespmem:s19+$0xC080] =	vst v62  }
0x51a: {  	s21 =	simm.s32 $0xC00;
	v34 =	vadd.f32 v63, v47;
	v32 =	vperm.xlane v30, v0;
	v24 =	vld [tilespmem:s20+$0xA0];
	v31 =	vperm.xlane v29, v1  }
.LBB2_26:
0x51b: {  	p0 =	sne.s32 s21, $0xFC00;
	v35 =	vld [tilespmem:s20+$0xB0];
	v36 =	vmul.f32 v28, v7;
	v37 =	vmul.f32 v28, v6;
	[tilespmem:s19+$0xC090] =	vst v33  }
0x51c: {  	v33 =	vld [tilespmem:s20+$0x0];
	v30 =	vadd.f32 v30, v32;
	v29 =	vadd.f32 v29, v31;
	v31 =	vmul.f32 v28, v5;
	[tilespmem:s19+$0xC0A0] =	vst v34  }
0x51d: {  	v28 =	vmul.f32 v28, v4;
	v32 =	vld [tilespmem:s20+$0x10];
	v34 =	vadd.f32 v36, v18;
	v36 =	vadd.f32 v37, v21;
	v18 =	vmovc v25  }
0x51e: {  	v21 =	vmovc v26;
	v37 =	vld [tilespmem:s20+$0x20];
	v40 =	vperm.xlane v30, v1;
	v38 =	vperm.xlane v29, v2;
	v41 =	vadd.f32 v31, v23  }
0x51f: {  	v26 =	vmul.f32 v20, v9;
	v39 =	vmul.f32 v22, v10;
	v27 =	vadd.f32 v28, v27;
	v31 =	vld [tilespmem:s20+$0x30];
	[tilespmem:s19+$0xC000] =	vst v34  }
0x520: {  	v28 =	vmul.f32 v24, v11;
	v34 =	vmul.f32 v35, v12;
	v29 =	vadd.f32 v29, v38;
	[tilespmem:s19+$0xC010] =	vst v36  }
0x521: {  	v23 =	vmovc v17;
	v30 =	vadd.f32 v30, v40;
	v36 =	vmul.f32 v33, v9;
	[tilespmem:s19+$0xC020] =	vst v41;
	v25 =	vmov v33  }
0x522: {  	v33 =	vadd.f32 v39, v26;
	v28 =	vadd.f32 v34, v28;
	v34 =	vperm.xlane v29, v3;
	[tilespmem:s19+$0xC030] =	vst v27;
	s19 =	smov.u32 s18;
	s18 =	smov.u32 s20  }
0x523: {  	v38 =	vmul.f32 v32, v10;
	v26 =	vmovc v32;
	v27 =	vmovc v13;
	v39 =	vmul.f32 v37, v11;
	v17 =	vmov v37  }
0x524: {  	v32 =	vmul.f32 v31, v12;
	v28 =	vadd.f32 v28, v33;
	v29 =	vadd.f32 v29, v34;
	v13 =	vmovc v31  }
0x525: {  	v31 =	vadd.f32 v38, v36;
	v33 =	vperm.xlane v30, v2  }
0x526: {  	v32 =	vadd.f32 v32, v39;
	v28 =	vadd.f32 v28, v8;
	v34 =	vmul.f32 v29, v4  }
0x527: {  	v33 =	vadd.f32 v30, v33;
	v30 =	vmul.f32 v29, v7;
	v36 =	vmul.f32 v29, v6  }
.Ltmp12:
0x528: {  	v31 =	vadd.f32 v32, v31;
	v32 =	vperm.xlane v28, v0;
	v34 =	vadd.f32 v34, v19;
	v19 =	vmovc v35;
	(pc) =	sbr.rel @p0 .LBB2_26-.Ltmp12, $4  }
0x529: {  	s20 =	sshra.s32 s21, $0x2;
	v38 =	vmul.f32 v29, v5;
	v35 =	vperm.xlane v33, v3;
	v37 =	vadd.f32 v30, v16;
	v16 =	vmovc v20  }
0x52a: {  	v20 =	vld [tilespmem:s20+$0x80];
	v30 =	vadd.f32 v31, v8;
	v29 =	vadd.f32 v28, v32;
	[tilespmem:s19+$0xC0B0] =	vst v34  }
0x52b: {  	v28 =	vadd.f32 v33, v35;
	v33 =	vadd.f32 v36, v15;
	v15 =	vmov v22;
	[tilespmem:s19+$0xC080] =	vst v37;
	v22 =	vld [tilespmem:s20+$0x90]  }
0x52c: {  	s21 =	sadd.s32 $0x400, s21;
	v34 =	vadd.f32 v38, v14;
	v14 =	vmovc v24;
	v32 =	vperm.xlane v30, v0;
	v31 =	vperm.xlane v29, v1;
	v24 =	vld [tilespmem:s20+$0xA0]  }
0x52d: {  	v35 =	vld [tilespmem:s20+$0xB0];
	[tilespmem:s19+$0xC090] =	vst v33  }
0x52e: {  	v33 =	vld [tilespmem:s20+$0x0];
	[tilespmem:s19+$0xC0A0] =	vst v34  }
0x52f: {  	v34 =	vld [tilespmem:s20+$0x10]  }
0x530: {  	v36 =	vld [tilespmem:s20+$0x20]  }
0x531: {  	v37 =	vld [tilespmem:s20+$0x30];
	v38 =	vmul.f32 v20, v9;
	v39 =	vmul.f32 v22, v10  }
0x532: {  	v40 =	vmul.f32 v24, v11;
	v41 =	vmul.f32 v35, v12;
	_ =	sdelay $0x1  }
0x533: {  	v38 =	vadd.f32 v39, v38;
	v49 =	vadd.f32 v41, v40  }
0x534: {  	v30 =	vadd.f32 v30, v32;
	v50 =	vmul.f32 v33, v9;
	v51 =	vmul.f32 v34, v10  }
0x535: {  	v52 =	vmul.f32 v36, v11;
	v53 =	vmul.f32 v37, v12;
	v38 =	vadd.f32 v49, v38  }
0x536: {  	v29 =	vadd.f32 v29, v31;
	v31 =	vadd.f32 v51, v50  }
0x537: {  	v54 =	vadd.f32 v53, v52;
	v38 =	vadd.f32 v38, v8  }
0x538: {  	v55 =	vperm.xlane v30, v1;
	v56 =	vperm.xlane v29, v2  }
0x539: {  	v31 =	vadd.f32 v54, v31;
	v57 =	vperm.xlane v38, v0  }
0x53a: {  	v58 =	vmul.f32 v28, v7;
	v29 =	vadd.f32 v29, v56;
	v30 =	vadd.f32 v30, v55  }
0x53b: {  	v59 =	vmul.f32 v28, v6;
	v31 =	vadd.f32 v31, v8;
	v32 =	vadd.f32 v38, v57  }
0x53c: {  	v18 =	vadd.f32 v58, v18;
	v60 =	vperm.xlane v29, v3;
	v61 =	vperm.xlane v30, v2  }
0x53d: {  	v21 =	vadd.f32 v59, v21;
	v62 =	vperm.xlane v31, v0;
	v63 =	vperm.xlane v32, v1  }
0x53e: {  	v44 =	vmul.f32 v28, v5;
	v29 =	vadd.f32 v29, v60;
	v30 =	vadd.f32 v30, v61  }
0x53f: {  	v28 =	vmul.f32 v28, v4;
	v31 =	vadd.f32 v31, v62;
	v32 =	vadd.f32 v32, v63  }
0x540: {  	v23 =	vadd.f32 v44, v23;
	v45 =	vmul.f32 v29, v4;
	v46 =	vperm.xlane v30, v3  }
0x541: {  	[tilespmem:s19+$0xC000] =	vst v18;
	v18 =	vadd.f32 v28, v27;
	v27 =	vperm.xlane v31, v1;
	v28 =	vperm.xlane v32, v2  }
0x542: {  	[tilespmem:s19+$0xC010] =	vst v21;
	v21 =	vmul.f32 v29, v7;
	v19 =	vadd.f32 v45, v19;
	v30 =	vadd.f32 v30, v46  }
0x543: {  	[tilespmem:s19+$0xC020] =	vst v23;
	v23 =	vmul.f32 v29, v6;
	v27 =	vadd.f32 v31, v27;
	v28 =	vadd.f32 v32, v28  }
0x544: {  	[tilespmem:s19+$0xC030] =	vst v18;
	v18 =	vmul.f32 v29, v5;
	v16 =	vadd.f32 v21, v16;
	v21 =	vmul.f32 v30, v7  }
0x545: {  	v15 =	vadd.f32 v23, v15;
	[tilespmem:s18+$0xC0B0] =	vst v19;
	v23 =	vperm.xlane v27, v2;
	v19 =	vperm.xlane v28, v3  }
0x546: {  	v14 =	vadd.f32 v18, v14;
	[tilespmem:s18+$0xC080] =	vst v16;
	v16 =	vmul.f32 v30, v6;
	v18 =	vadd.f32 v21, v25  }
0x547: {  	[tilespmem:s18+$0xC090] =	vst v15;
	v15 =	vmul.f32 v30, v5;
	v21 =	vadd.f32 v27, v23;
	v19 =	vadd.f32 v28, v19  }
0x548: {  	[tilespmem:s18+$0xC0A0] =	vst v14;
	v14 =	vadd.f32 v16, v26;
	v16 =	vmul.f32 v30, v4  }
0x549: {  	v15 =	vadd.f32 v15, v17;
	[tilespmem:s18+$0xC000] =	vst v18;
	v18 =	vperm.xlane v21, v3;
	v17 =	vmul.f32 v19, v4  }
0x54a: {  	v13 =	vadd.f32 v16, v13;
	[tilespmem:s18+$0xC010] =	vst v14;
	v14 =	vmul.f32 v19, v7  }
0x54b: {  	[tilespmem:s18+$0xC020] =	vst v15;
	v15 =	vmul.f32 v19, v6;
	v16 =	vadd.f32 v17, v35;
	v17 =	vadd.f32 v21, v18  }
0x54c: {  	[tilespmem:s18+$0xC030] =	vst v13;
	v13 =	vadd.f32 v14, v20;
	v14 =	vmul.f32 v19, v5  }
0x54d: {  	v15 =	vadd.f32 v15, v22;
	[tilespmem:s20+$0xC0B0] =	vst v16;
	v16 =	vmul.f32 v17, v7  }
0x54e: {  	[tilespmem:s20+$0xC080] =	vst v13;
	v13 =	vadd.f32 v14, v24;
	v14 =	vmul.f32 v17, v6  }
0x54f: {  	[tilespmem:s20+$0xC090] =	vst v15;
	v15 =	vmul.f32 v17, v5;
	v16 =	vadd.f32 v16, v33  }
0x550: {  	[tilespmem:s20+$0xC0A0] =	vst v13;
	v13 =	vadd.f32 v14, v34;
	v14 =	vmul.f32 v17, v4  }
0x551: {  	v15 =	vadd.f32 v15, v36;
	[tilespmem:s20+$0xC000] =	vst v16  }
0x552: {  	v14 =	vadd.f32 v14, v37;
	[tilespmem:s20+$0xC010] =	vst v13  }
0x553: {  	[tilespmem:s20+$0xC020] =	vst v15  }
0x554: {  	s21 =	simm.s32 $0x0;
	[tilespmem:s20+$0xC030] =	vst v14  }
0x555: {  	[hbm4b:s25+s21] =	stream.linear.scatter [tilespmem:s9], [sflag:$0x4], $0x4000, $0x38;
	[tilespmem:$0x18800] =	vst v63  }
0x556: {  	_ = 	snop  }
0x557: {  	[tilespmem:s21], [sflag:$0x1] =	stream.linear.gather [hbm4b:s0+s21], $0x4000, $0x38;
	[tilespmem:$0x18800] =	vst v63  }
0x558: {  	_ =	swait.ge [sflag:s10], $0x4000  }
0x559: {  	[sflag:s10] =	ssyncset.done $0x0  }
0x55a: {  	[sflag:s10] =	ssyncadd.s32 $0xFFFFC000  }
0x55b: {  	_ =	swait.ge [sflag:s15], $0x4000  }
0x55c: {  	[sflag:s15] =	ssyncset.done $0x0  }
0x55d: {  	s19 =	simm.s32 $0x0;
	[sflag:s15] =	ssyncadd.s32 $0xFFFFC000  }
0x55e: {  	v22 =	vld [tilespmem:s19+$0x4080]  }
0x55f: {  	v24 =	vld [tilespmem:s19+$0x4090]  }
0x560: {  	v47 =	vld [tilespmem:s19+$0x40A0]  }
0x561: {  	v20 =	vld [tilespmem:s19+$0x40B0];
	_ =	sdelay $0x2  }
0x562: {  	v18 =	vld [tilespmem:s19+$0x4000]  }
0x563: {  	v21 =	vld [tilespmem:s19+$0x4010];
	v13 =	vmul.f32 v22, v9;
	v14 =	vmul.f32 v24, v10  }
0x564: {  	v27 =	vld [tilespmem:s19+$0x4030];
	v15 =	vmul.f32 v47, v11;
	v16 =	vmul.f32 v20, v12  }
0x565: {  	v23 =	vld [tilespmem:s19+$0x4020]  }
0x566: {  	v13 =	vadd.f32 v14, v13;
	v14 =	vadd.f32 v16, v15;
	_ =	sdelay $0x1  }
0x567: {  	v13 =	vadd.f32 v14, v13  }
0x568: {  	v17 =	vmul.f32 v27, v12;
	v15 =	vmul.f32 v21, v10  }
0x569: {  	v16 =	vmul.f32 v23, v11;
	v14 =	vmul.f32 v18, v9;
	v13 =	vadd.f32 v13, v8;
	_ =	sdelay $0x1  }
0x56a: {  	v14 =	vadd.f32 v15, v14;
	v15 =	vadd.f32 v17, v16;
	v19 =	vperm.xlane v13, v0  }
0x56b: {  	s18 =	simm.s32 $0x100  }
0x56c: {  	v16 =	vld [tilespmem:s18+$0x4080];
	v14 =	vadd.f32 v15, v14;
	v13 =	vadd.f32 v13, v19  }
0x56d: {  	v15 =	vld [tilespmem:s18+$0x4090]  }
0x56e: {  	v28 =	vadd.f32 v14, v8;
	v14 =	vld [tilespmem:s18+$0x40A0];
	v17 =	vperm.xlane v13, v1  }
0x56f: {  	v19 =	vld [tilespmem:s18+$0x40B0]  }
0x570: {  	v25 =	vld [tilespmem:s18+$0x4000];
	v29 =	vadd.f32 v13, v17  }
0x571: {  	v26 =	vld [tilespmem:s18+$0x4010];
	v13 =	vperm.xlane v28, v0  }
0x572: {  	v17 =	vld [tilespmem:s18+$0x4020];
	v30 =	vperm.xlane v29, v2  }
0x573: {  	v31 =	vmul.f32 v16, v9;
	v48 =	vmul.f32 v15, v10;
	v28 =	vadd.f32 v28, v13;
	v13 =	vld [tilespmem:s18+$0x4030]  }
0x574: {  	v49 =	vmul.f32 v19, v12;
	v29 =	vadd.f32 v29, v30;
	v30 =	vmul.f32 v14, v11  }
0x575: {  	v52 =	vmul.f32 v25, v9;
	v50 =	vperm.xlane v28, v1  }
0x576: {  	v31 =	vadd.f32 v48, v31;
	v51 =	vperm.xlane v29, v3;
	v30 =	vadd.f32 v49, v30  }
0x577: {  	v53 =	vmul.f32 v26, v10;
	v54 =	vmul.f32 v17, v11;
	v28 =	vadd.f32 v28, v50  }
0x578: {  	v55 =	vmul.f32 v13, v12;
	v29 =	vadd.f32 v29, v51;
	v30 =	vadd.f32 v30, v31  }
0x579: {  	v31 =	vadd.f32 v53, v52;
	v56 =	vperm.xlane v28, v2  }
0x57a: {  	v33 =	vadd.f32 v55, v54;
	v36 =	vmul.f32 v29, v4;
	v57 =	vadd.f32 v30, v8  }
0x57b: {  	v28 =	vadd.f32 v28, v56;
	v30 =	vmul.f32 v29, v7  }
0x57c: {  	v31 =	vadd.f32 v33, v31;
	v58 =	vadd.f32 v36, v20;
	v59 =	vperm.xlane v57, v0  }
0x57d: {  	s20 =	simm.s32 $0x200;
	v60 =	vmul.f32 v29, v6;
	v61 =	vperm.xlane v28, v3;
	v62 =	vadd.f32 v30, v22  }
0x57e: {  	v63 =	vmul.f32 v29, v5;
	v20 =	vld [tilespmem:s20+$0x4080];
	v30 =	vadd.f32 v31, v8;
	[tilespmem:s19+$0x100B0] =	vst v58;
	v29 =	vadd.f32 v57, v59  }
0x57f: {  	v33 =	vadd.f32 v60, v24;
	v28 =	vadd.f32 v28, v61;
	v22 =	vld [tilespmem:s20+$0x4090];
	[tilespmem:s19+$0x10080] =	vst v62  }
0x580: {  	s21 =	simm.s32 $0xC00;
	v34 =	vadd.f32 v63, v47;
	v32 =	vperm.xlane v30, v0;
	v24 =	vld [tilespmem:s20+$0x40A0];
	v31 =	vperm.xlane v29, v1  }
.LBB2_28:
0x581: {  	p0 =	sne.s32 s21, $0xFC00;
	v35 =	vld [tilespmem:s20+$0x40B0];
	v36 =	vmul.f32 v28, v7;
	v37 =	vmul.f32 v28, v6;
	[tilespmem:s19+$0x10090] =	vst v33  }
0x582: {  	v33 =	vld [tilespmem:s20+$0x4000];
	v30 =	vadd.f32 v30, v32;
	v29 =	vadd.f32 v29, v31;
	v31 =	vmul.f32 v28, v5;
	[tilespmem:s19+$0x100A0] =	vst v34  }
0x583: {  	v28 =	vmul.f32 v28, v4;
	v32 =	vld [tilespmem:s20+$0x4010];
	v34 =	vadd.f32 v36, v18;
	v36 =	vadd.f32 v37, v21;
	v18 =	vmovc v25  }
0x584: {  	v21 =	vmovc v26;
	v37 =	vld [tilespmem:s20+$0x4020];
	v40 =	vperm.xlane v30, v1;
	v38 =	vperm.xlane v29, v2;
	v41 =	vadd.f32 v31, v23  }
0x585: {  	v26 =	vmul.f32 v20, v9;
	v39 =	vmul.f32 v22, v10;
	v27 =	vadd.f32 v28, v27;
	v31 =	vld [tilespmem:s20+$0x4030];
	[tilespmem:s19+$0x10000] =	vst v34  }
0x586: {  	v28 =	vmul.f32 v24, v11;
	v34 =	vmul.f32 v35, v12;
	v29 =	vadd.f32 v29, v38;
	[tilespmem:s19+$0x10010] =	vst v36  }
0x587: {  	v23 =	vmovc v17;
	v30 =	vadd.f32 v30, v40;
	v36 =	vmul.f32 v33, v9;
	[tilespmem:s19+$0x10020] =	vst v41;
	v25 =	vmov v33  }
0x588: {  	v33 =	vadd.f32 v39, v26;
	v28 =	vadd.f32 v34, v28;
	v34 =	vperm.xlane v29, v3;
	[tilespmem:s19+$0x10030] =	vst v27;
	s19 =	smov.u32 s18;
	s18 =	smov.u32 s20  }
0x589: {  	v38 =	vmul.f32 v32, v10;
	v26 =	vmovc v32;
	v27 =	vmovc v13;
	v39 =	vmul.f32 v37, v11;
	v17 =	vmov v37  }
0x58a: {  	v32 =	vmul.f32 v31, v12;
	v28 =	vadd.f32 v28, v33;
	v29 =	vadd.f32 v29, v34;
	v13 =	vmovc v31  }
0x58b: {  	v31 =	vadd.f32 v38, v36;
	v33 =	vperm.xlane v30, v2  }
0x58c: {  	v32 =	vadd.f32 v32, v39;
	v28 =	vadd.f32 v28, v8;
	v34 =	vmul.f32 v29, v4  }
0x58d: {  	v33 =	vadd.f32 v30, v33;
	v30 =	vmul.f32 v29, v7;
	v36 =	vmul.f32 v29, v6  }
.Ltmp13:
0x58e: {  	v31 =	vadd.f32 v32, v31;
	v32 =	vperm.xlane v28, v0;
	v34 =	vadd.f32 v34, v19;
	v19 =	vmovc v35;
	(pc) =	sbr.rel @p0 .LBB2_28-.Ltmp13, $4  }
0x58f: {  	s20 =	sshra.s32 s21, $0x2;
	v38 =	vmul.f32 v29, v5;
	v35 =	vperm.xlane v33, v3;
	v37 =	vadd.f32 v30, v16;
	v16 =	vmovc v20  }
0x590: {  	v20 =	vld [tilespmem:s20+$0x4080];
	v30 =	vadd.f32 v31, v8;
	v29 =	vadd.f32 v28, v32;
	[tilespmem:s19+$0x100B0] =	vst v34  }
0x591: {  	v28 =	vadd.f32 v33, v35;
	v33 =	vadd.f32 v36, v15;
	v15 =	vmov v22;
	[tilespmem:s19+$0x10080] =	vst v37;
	v22 =	vld [tilespmem:s20+$0x4090]  }
0x592: {  	s21 =	sadd.s32 $0x400, s21;
	v34 =	vadd.f32 v38, v14;
	v14 =	vmovc v24;
	v32 =	vperm.xlane v30, v0;
	v31 =	vperm.xlane v29, v1;
	v24 =	vld [tilespmem:s20+$0x40A0]  }
0x593: {  	v35 =	vld [tilespmem:s20+$0x40B0];
	[tilespmem:s19+$0x10090] =	vst v33  }
0x594: {  	v33 =	vld [tilespmem:s20+$0x4000];
	[tilespmem:s19+$0x100A0] =	vst v34  }
0x595: {  	v34 =	vld [tilespmem:s20+$0x4010]  }
0x596: {  	v36 =	vld [tilespmem:s20+$0x4020]  }
0x597: {  	v37 =	vld [tilespmem:s20+$0x4030];
	v38 =	vmul.f32 v20, v9;
	v39 =	vmul.f32 v22, v10  }
0x598: {  	v40 =	vmul.f32 v24, v11;
	v41 =	vmul.f32 v35, v12;
	_ =	sdelay $0x1  }
0x599: {  	v38 =	vadd.f32 v39, v38;
	v49 =	vadd.f32 v41, v40  }
0x59a: {  	v30 =	vadd.f32 v30, v32;
	v50 =	vmul.f32 v33, v9;
	v51 =	vmul.f32 v34, v10  }
0x59b: {  	v52 =	vmul.f32 v36, v11;
	v53 =	vmul.f32 v37, v12;
	v38 =	vadd.f32 v49, v38  }
0x59c: {  	v29 =	vadd.f32 v29, v31;
	v31 =	vadd.f32 v51, v50  }
0x59d: {  	v54 =	vadd.f32 v53, v52;
	v38 =	vadd.f32 v38, v8  }
0x59e: {  	v55 =	vperm.xlane v30, v1;
	v56 =	vperm.xlane v29, v2  }
0x59f: {  	v31 =	vadd.f32 v54, v31;
	v57 =	vperm.xlane v38, v0  }
0x5a0: {  	v58 =	vmul.f32 v28, v7;
	v29 =	vadd.f32 v29, v56;
	v30 =	vadd.f32 v30, v55  }
0x5a1: {  	v59 =	vmul.f32 v28, v6;
	v31 =	vadd.f32 v31, v8;
	v32 =	vadd.f32 v38, v57  }
0x5a2: {  	v18 =	vadd.f32 v58, v18;
	v60 =	vperm.xlane v29, v3;
	v61 =	vperm.xlane v30, v2  }
0x5a3: {  	v21 =	vadd.f32 v59, v21;
	v62 =	vperm.xlane v31, v0;
	v63 =	vperm.xlane v32, v1  }
0x5a4: {  	v44 =	vmul.f32 v28, v5;
	v29 =	vadd.f32 v29, v60;
	v30 =	vadd.f32 v30, v61  }
0x5a5: {  	v28 =	vmul.f32 v28, v4;
	v31 =	vadd.f32 v31, v62;
	v32 =	vadd.f32 v32, v63  }
0x5a6: {  	v23 =	vadd.f32 v44, v23;
	v45 =	vmul.f32 v29, v4;
	v46 =	vperm.xlane v30, v3  }
0x5a7: {  	[tilespmem:s19+$0x10000] =	vst v18;
	v18 =	vadd.f32 v28, v27;
	v27 =	vperm.xlane v31, v1;
	v28 =	vperm.xlane v32, v2  }
0x5a8: {  	[tilespmem:s19+$0x10010] =	vst v21;
	v21 =	vmul.f32 v29, v7;
	v19 =	vadd.f32 v45, v19;
	v30 =	vadd.f32 v30, v46  }
0x5a9: {  	[tilespmem:s19+$0x10020] =	vst v23;
	v23 =	vmul.f32 v29, v6;
	v27 =	vadd.f32 v31, v27;
	v28 =	vadd.f32 v32, v28  }
0x5aa: {  	[tilespmem:s19+$0x10030] =	vst v18;
	v18 =	vmul.f32 v29, v5;
	v16 =	vadd.f32 v21, v16;
	v21 =	vmul.f32 v30, v7  }
0x5ab: {  	v15 =	vadd.f32 v23, v15;
	[tilespmem:s18+$0x100B0] =	vst v19;
	v23 =	vperm.xlane v27, v2;
	v19 =	vperm.xlane v28, v3  }
0x5ac: {  	v14 =	vadd.f32 v18, v14;
	[tilespmem:s18+$0x10080] =	vst v16;
	v16 =	vmul.f32 v30, v6;
	v18 =	vadd.f32 v21, v25  }
0x5ad: {  	[tilespmem:s18+$0x10090] =	vst v15;
	v15 =	vmul.f32 v30, v5;
	v21 =	vadd.f32 v27, v23;
	v19 =	vadd.f32 v28, v19  }
0x5ae: {  	[tilespmem:s18+$0x100A0] =	vst v14;
	v14 =	vadd.f32 v16, v26;
	v16 =	vmul.f32 v30, v4  }
0x5af: {  	v15 =	vadd.f32 v15, v17;
	[tilespmem:s18+$0x10000] =	vst v18;
	v18 =	vperm.xlane v21, v3;
	v17 =	vmul.f32 v19, v4  }
0x5b0: {  	v13 =	vadd.f32 v16, v13;
	[tilespmem:s18+$0x10010] =	vst v14;
	v14 =	vmul.f32 v19, v7  }
0x5b1: {  	[tilespmem:s18+$0x10020] =	vst v15;
	v15 =	vmul.f32 v19, v6;
	v16 =	vadd.f32 v17, v35;
	v17 =	vadd.f32 v21, v18  }
0x5b2: {  	[tilespmem:s18+$0x10030] =	vst v13;
	v13 =	vadd.f32 v14, v20;
	v14 =	vmul.f32 v19, v5  }
0x5b3: {  	v15 =	vadd.f32 v15, v22;
	[tilespmem:s20+$0x100B0] =	vst v16;
	v16 =	vmul.f32 v17, v7  }
0x5b4: {  	[tilespmem:s20+$0x10080] =	vst v13;
	v13 =	vadd.f32 v14, v24;
	v14 =	vmul.f32 v17, v6  }
0x5b5: {  	[tilespmem:s20+$0x10090] =	vst v15;
	v15 =	vmul.f32 v17, v5;
	v16 =	vadd.f32 v16, v33  }
0x5b6: {  	[tilespmem:s20+$0x100A0] =	vst v13;
	v13 =	vadd.f32 v14, v34;
	v14 =	vmul.f32 v17, v4  }
0x5b7: {  	v15 =	vadd.f32 v15, v36;
	[tilespmem:s20+$0x10000] =	vst v16  }
0x5b8: {  	v14 =	vadd.f32 v14, v37;
	[tilespmem:s20+$0x10010] =	vst v13  }
0x5b9: {  	[tilespmem:s20+$0x10020] =	vst v15  }
0x5ba: {  	s21 =	simm.s32 $0x0;
	[tilespmem:s20+$0x10030] =	vst v14  }
0x5bb: {  	[hbm4b:s29+s21] =	stream.linear.scatter [tilespmem:s11], [sflag:$0x5], $0x4000, $0x38;
	[tilespmem:$0x18800] =	vst v63  }
0x5bc: {  	_ =	swait.ge [sflag:s12], $0x4000  }
0x5bd: {  	[sflag:s12] =	ssyncset.done $0x0  }
0x5be: {  	[sflag:s12] =	ssyncadd.s32 $0xFFFFC000  }
0x5bf: {  	_ =	swait.ge [sflag:s16], $0x4000  }
0x5c0: {  	[sflag:s16] =	ssyncset.done $0x0  }
0x5c1: {  	s19 =	simm.s32 $0x0;
	[sflag:s16] =	ssyncadd.s32 $0xFFFFC000  }
0x5c2: {  	v22 =	vld [tilespmem:s19+$0x8080]  }
0x5c3: {  	v24 =	vld [tilespmem:s19+$0x8090]  }
0x5c4: {  	v47 =	vld [tilespmem:s19+$0x80A0]  }
0x5c5: {  	v20 =	vld [tilespmem:s19+$0x80B0];
	_ =	sdelay $0x2  }
0x5c6: {  	v18 =	vld [tilespmem:s19+$0x8000]  }
0x5c7: {  	v21 =	vld [tilespmem:s19+$0x8010];
	v13 =	vmul.f32 v22, v9;
	v14 =	vmul.f32 v24, v10  }
0x5c8: {  	v27 =	vld [tilespmem:s19+$0x8030];
	v15 =	vmul.f32 v47, v11;
	v16 =	vmul.f32 v20, v12  }
0x5c9: {  	v23 =	vld [tilespmem:s19+$0x8020]  }
0x5ca: {  	v13 =	vadd.f32 v14, v13;
	v14 =	vadd.f32 v16, v15;
	_ =	sdelay $0x1  }
0x5cb: {  	v13 =	vadd.f32 v14, v13  }
0x5cc: {  	v17 =	vmul.f32 v27, v12;
	v15 =	vmul.f32 v21, v10  }
0x5cd: {  	v16 =	vmul.f32 v23, v11;
	v14 =	vmul.f32 v18, v9;
	v13 =	vadd.f32 v13, v8;
	_ =	sdelay $0x1  }
0x5ce: {  	v14 =	vadd.f32 v15, v14;
	v15 =	vadd.f32 v17, v16;
	v19 =	vperm.xlane v13, v0  }
0x5cf: {  	s18 =	simm.s32 $0x100  }
0x5d0: {  	v16 =	vld [tilespmem:s18+$0x8080];
	v14 =	vadd.f32 v15, v14;
	v13 =	vadd.f32 v13, v19  }
0x5d1: {  	v15 =	vld [tilespmem:s18+$0x8090]  }
0x5d2: {  	v28 =	vadd.f32 v14, v8;
	v14 =	vld [tilespmem:s18+$0x80A0];
	v17 =	vperm.xlane v13, v1  }
0x5d3: {  	v19 =	vld [tilespmem:s18+$0x80B0]  }
0x5d4: {  	v25 =	vld [tilespmem:s18+$0x8000];
	v29 =	vadd.f32 v13, v17  }
0x5d5: {  	v26 =	vld [tilespmem:s18+$0x8010];
	v13 =	vperm.xlane v28, v0  }
0x5d6: {  	v17 =	vld [tilespmem:s18+$0x8020];
	v30 =	vperm.xlane v29, v2  }
0x5d7: {  	v31 =	vmul.f32 v16, v9;
	v48 =	vmul.f32 v15, v10;
	v28 =	vadd.f32 v28, v13;
	v13 =	vld [tilespmem:s18+$0x8030]  }
0x5d8: {  	v49 =	vmul.f32 v19, v12;
	v29 =	vadd.f32 v29, v30;
	v30 =	vmul.f32 v14, v11  }
0x5d9: {  	v52 =	vmul.f32 v25, v9;
	v50 =	vperm.xlane v28, v1  }
0x5da: {  	v31 =	vadd.f32 v48, v31;
	v51 =	vperm.xlane v29, v3;
	v30 =	vadd.f32 v49, v30  }
0x5db: {  	v53 =	vmul.f32 v26, v10;
	v54 =	vmul.f32 v17, v11;
	v28 =	vadd.f32 v28, v50  }
0x5dc: {  	v55 =	vmul.f32 v13, v12;
	v29 =	vadd.f32 v29, v51;
	v30 =	vadd.f32 v30, v31  }
0x5dd: {  	v31 =	vadd.f32 v53, v52;
	v56 =	vperm.xlane v28, v2  }
0x5de: {  	v33 =	vadd.f32 v55, v54;
	v36 =	vmul.f32 v29, v4;
	v57 =	vadd.f32 v30, v8  }
0x5df: {  	v28 =	vadd.f32 v28, v56;
	v30 =	vmul.f32 v29, v7  }
0x5e0: {  	v31 =	vadd.f32 v33, v31;
	v58 =	vadd.f32 v36, v20;
	v59 =	vperm.xlane v57, v0  }
0x5e1: {  	s20 =	simm.s32 $0x200;
	v60 =	vmul.f32 v29, v6;
	v61 =	vperm.xlane v28, v3;
	v62 =	vadd.f32 v30, v22  }
0x5e2: {  	v63 =	vmul.f32 v29, v5;
	v20 =	vld [tilespmem:s20+$0x8080];
	v30 =	vadd.f32 v31, v8;
	[tilespmem:s19+$0x140B0] =	vst v58;
	v29 =	vadd.f32 v57, v59  }
0x5e3: {  	v33 =	vadd.f32 v60, v24;
	v28 =	vadd.f32 v28, v61;
	v22 =	vld [tilespmem:s20+$0x8090];
	[tilespmem:s19+$0x14080] =	vst v62  }
0x5e4: {  	s21 =	simm.s32 $0xC00;
	v34 =	vadd.f32 v63, v47;
	v32 =	vperm.xlane v30, v0;
	v24 =	vld [tilespmem:s20+$0x80A0];
	v31 =	vperm.xlane v29, v1  }
.LBB2_30:
0x5e5: {  	p0 =	sne.s32 s21, $0xFC00;
	v35 =	vld [tilespmem:s20+$0x80B0];
	v36 =	vmul.f32 v28, v7;
	v37 =	vmul.f32 v28, v6;
	[tilespmem:s19+$0x14090] =	vst v33  }
0x5e6: {  	v33 =	vld [tilespmem:s20+$0x8000];
	v30 =	vadd.f32 v30, v32;
	v29 =	vadd.f32 v29, v31;
	v31 =	vmul.f32 v28, v5;
	[tilespmem:s19+$0x140A0] =	vst v34  }
0x5e7: {  	v28 =	vmul.f32 v28, v4;
	v32 =	vld [tilespmem:s20+$0x8010];
	v34 =	vadd.f32 v36, v18;
	v36 =	vadd.f32 v37, v21;
	v18 =	vmovc v25  }
0x5e8: {  	v21 =	vmovc v26;
	v37 =	vld [tilespmem:s20+$0x8020];
	v40 =	vperm.xlane v30, v1;
	v38 =	vperm.xlane v29, v2;
	v41 =	vadd.f32 v31, v23  }
0x5e9: {  	v26 =	vmul.f32 v20, v9;
	v39 =	vmul.f32 v22, v10;
	v27 =	vadd.f32 v28, v27;
	v31 =	vld [tilespmem:s20+$0x8030];
	[tilespmem:s19+$0x14000] =	vst v34  }
0x5ea: {  	v28 =	vmul.f32 v24, v11;
	v34 =	vmul.f32 v35, v12;
	v29 =	vadd.f32 v29, v38;
	[tilespmem:s19+$0x14010] =	vst v36  }
0x5eb: {  	v23 =	vmovc v17;
	v30 =	vadd.f32 v30, v40;
	v36 =	vmul.f32 v33, v9;
	[tilespmem:s19+$0x14020] =	vst v41;
	v25 =	vmov v33  }
0x5ec: {  	v33 =	vadd.f32 v39, v26;
	v28 =	vadd.f32 v34, v28;
	v34 =	vperm.xlane v29, v3;
	[tilespmem:s19+$0x14030] =	vst v27;
	s19 =	smov.u32 s18;
	s18 =	smov.u32 s20  }
0x5ed: {  	v38 =	vmul.f32 v32, v10;
	v26 =	vmovc v32;
	v27 =	vmovc v13;
	v39 =	vmul.f32 v37, v11;
	v17 =	vmov v37  }
0x5ee: {  	v32 =	vmul.f32 v31, v12;
	v28 =	vadd.f32 v28, v33;
	v29 =	vadd.f32 v29, v34;
	v13 =	vmovc v31  }
0x5ef: {  	v31 =	vadd.f32 v38, v36;
	v33 =	vperm.xlane v30, v2  }
0x5f0: {  	v32 =	vadd.f32 v32, v39;
	v28 =	vadd.f32 v28, v8;
	v34 =	vmul.f32 v29, v4  }
0x5f1: {  	v33 =	vadd.f32 v30, v33;
	v30 =	vmul.f32 v29, v7;
	v36 =	vmul.f32 v29, v6  }
.Ltmp14:
0x5f2: {  	v31 =	vadd.f32 v32, v31;
	v32 =	vperm.xlane v28, v0;
	v34 =	vadd.f32 v34, v19;
	v19 =	vmovc v35;
	(pc) =	sbr.rel @p0 .LBB2_30-.Ltmp14, $4  }
0x5f3: {  	s20 =	sshra.s32 s21, $0x2;
	v38 =	vmul.f32 v29, v5;
	v35 =	vperm.xlane v33, v3;
	v37 =	vadd.f32 v30, v16;
	v16 =	vmovc v20  }
0x5f4: {  	v20 =	vld [tilespmem:s20+$0x8080];
	v30 =	vadd.f32 v31, v8;
	v29 =	vadd.f32 v28, v32;
	[tilespmem:s19+$0x140B0] =	vst v34  }
0x5f5: {  	v28 =	vadd.f32 v33, v35;
	v33 =	vadd.f32 v36, v15;
	v15 =	vmov v22;
	[tilespmem:s19+$0x14080] =	vst v37;
	v22 =	vld [tilespmem:s20+$0x8090]  }
0x5f6: {  	s21 =	sadd.s32 $0x400, s21;
	v34 =	vadd.f32 v38, v14;
	v14 =	vmovc v24;
	v32 =	vperm.xlane v30, v0;
	v31 =	vperm.xlane v29, v1;
	v24 =	vld [tilespmem:s20+$0x80A0]  }
0x5f7: {  	v35 =	vld [tilespmem:s20+$0x80B0];
	[tilespmem:s19+$0x14090] =	vst v33  }
0x5f8: {  	v33 =	vld [tilespmem:s20+$0x8000];
	[tilespmem:s19+$0x140A0] =	vst v34  }
0x5f9: {  	v34 =	vld [tilespmem:s20+$0x8010]  }
0x5fa: {  	v36 =	vld [tilespmem:s20+$0x8020]  }
0x5fb: {  	v37 =	vld [tilespmem:s20+$0x8030];
	v38 =	vmul.f32 v20, v9;
	v39 =	vmul.f32 v22, v10  }
0x5fc: {  	v40 =	vmul.f32 v24, v11;
	v41 =	vmul.f32 v35, v12;
	_ =	sdelay $0x1  }
0x5fd: {  	v38 =	vadd.f32 v39, v38;
	v49 =	vadd.f32 v41, v40  }
0x5fe: {  	v30 =	vadd.f32 v30, v32;
	v50 =	vmul.f32 v33, v9;
	v51 =	vmul.f32 v34, v10  }
0x5ff: {  	v52 =	vmul.f32 v36, v11;
	v53 =	vmul.f32 v37, v12;
	v38 =	vadd.f32 v49, v38  }
0x600: {  	v29 =	vadd.f32 v29, v31;
	v31 =	vadd.f32 v51, v50  }
0x601: {  	v54 =	vadd.f32 v53, v52;
	v38 =	vadd.f32 v38, v8  }
0x602: {  	v55 =	vperm.xlane v30, v1;
	v56 =	vperm.xlane v29, v2  }
0x603: {  	v31 =	vadd.f32 v54, v31;
	v57 =	vperm.xlane v38, v0  }
0x604: {  	v58 =	vmul.f32 v28, v7;
	v29 =	vadd.f32 v29, v56;
	v30 =	vadd.f32 v30, v55  }
0x605: {  	v59 =	vmul.f32 v28, v6;
	v31 =	vadd.f32 v31, v8;
	v32 =	vadd.f32 v38, v57  }
0x606: {  	v18 =	vadd.f32 v58, v18;
	v60 =	vperm.xlane v29, v3;
	v61 =	vperm.xlane v30, v2  }
0x607: {  	v21 =	vadd.f32 v59, v21;
	v62 =	vperm.xlane v31, v0;
	v63 =	vperm.xlane v32, v1  }
0x608: {  	v44 =	vmul.f32 v28, v5;
	v29 =	vadd.f32 v29, v60;
	v30 =	vadd.f32 v30, v61  }
0x609: {  	v28 =	vmul.f32 v28, v4;
	v31 =	vadd.f32 v31, v62;
	v32 =	vadd.f32 v32, v63  }
0x60a: {  	v23 =	vadd.f32 v44, v23;
	v45 =	vmul.f32 v29, v4;
	v46 =	vperm.xlane v30, v3  }
0x60b: {  	[tilespmem:s19+$0x14000] =	vst v18;
	v18 =	vadd.f32 v28, v27;
	v27 =	vperm.xlane v31, v1;
	v28 =	vperm.xlane v32, v2  }
0x60c: {  	[tilespmem:s19+$0x14010] =	vst v21;
	v21 =	vmul.f32 v29, v7;
	v19 =	vadd.f32 v45, v19;
	v30 =	vadd.f32 v30, v46  }
0x60d: {  	[tilespmem:s19+$0x14020] =	vst v23;
	v23 =	vmul.f32 v29, v6;
	v27 =	vadd.f32 v31, v27;
	v28 =	vadd.f32 v32, v28  }
0x60e: {  	[tilespmem:s19+$0x14030] =	vst v18;
	v18 =	vmul.f32 v29, v5;
	v16 =	vadd.f32 v21, v16;
	v21 =	vmul.f32 v30, v7  }
0x60f: {  	v15 =	vadd.f32 v23, v15;
	[tilespmem:s18+$0x140B0] =	vst v19;
	v23 =	vperm.xlane v27, v2;
	v19 =	vperm.xlane v28, v3  }
0x610: {  	v14 =	vadd.f32 v18, v14;
	[tilespmem:s18+$0x14080] =	vst v16;
	v16 =	vmul.f32 v30, v6;
	v18 =	vadd.f32 v21, v25  }
0x611: {  	[tilespmem:s18+$0x14090] =	vst v15;
	v15 =	vmul.f32 v30, v5;
	v21 =	vadd.f32 v27, v23;
	v19 =	vadd.f32 v28, v19  }
0x612: {  	[tilespmem:s18+$0x140A0] =	vst v14;
	v14 =	vadd.f32 v16, v26;
	v16 =	vmul.f32 v30, v4  }
0x613: {  	v15 =	vadd.f32 v15, v17;
	[tilespmem:s18+$0x14000] =	vst v18;
	v18 =	vperm.xlane v21, v3;
	v17 =	vmul.f32 v19, v4  }
0x614: {  	v13 =	vadd.f32 v16, v13;
	[tilespmem:s18+$0x14010] =	vst v14;
	v14 =	vmul.f32 v19, v7  }
0x615: {  	[tilespmem:s18+$0x14020] =	vst v15;
	v15 =	vmul.f32 v19, v6;
	v16 =	vadd.f32 v17, v35;
	v17 =	vadd.f32 v21, v18  }
0x616: {  	[tilespmem:s18+$0x14030] =	vst v13;
	v13 =	vadd.f32 v14, v20;
	v14 =	vmul.f32 v19, v5  }
0x617: {  	v15 =	vadd.f32 v15, v22;
	[tilespmem:s20+$0x140B0] =	vst v16;
	v16 =	vmul.f32 v17, v7  }
0x618: {  	[tilespmem:s20+$0x14080] =	vst v13;
	v13 =	vadd.f32 v14, v24;
	v14 =	vmul.f32 v17, v6  }
0x619: {  	[tilespmem:s20+$0x14090] =	vst v15;
	v15 =	vmul.f32 v17, v5;
	v16 =	vadd.f32 v16, v33  }
0x61a: {  	[tilespmem:s20+$0x140A0] =	vst v13;
	v13 =	vadd.f32 v14, v34;
	v14 =	vmul.f32 v17, v4  }
0x61b: {  	v15 =	vadd.f32 v15, v36;
	[tilespmem:s20+$0x14000] =	vst v16  }
0x61c: {  	v14 =	vadd.f32 v14, v37;
	[tilespmem:s20+$0x14010] =	vst v13  }
0x61d: {  	[tilespmem:s20+$0x14020] =	vst v15  }
0x61e: {  	s21 =	simm.s32 $0x0;
	[tilespmem:s20+$0x14030] =	vst v14  }
0x61f: {  	[hbm4b:s2+s21] =	stream.linear.scatter [tilespmem:s13], [sflag:$0x6], $0x4000, $0x38;
	[tilespmem:$0x18800] =	vst v63  }
0x620: {  	_ =	swait.ge [sflag:s8], $0x4000  }
0x621: {  	[sflag:s8] =	ssyncset.done $0x0  }
0x622: {  	[sflag:s8] =	ssyncadd.s32 $0xFFFFC000  }
0x623: {  	_ =	swait.ge [sflag:s14], $0x4000  }
0x624: {  	[sflag:s14] =	ssyncset.done $0x0  }
0x625: {  	s19 =	simm.s32 $0x0;
	[sflag:s14] =	ssyncadd.s32 $0xFFFFC000  }
0x626: {  	v22 =	vld [tilespmem:s19+$0x80]  }
0x627: {  	v24 =	vld [tilespmem:s19+$0x90]  }
0x628: {  	v47 =	vld [tilespmem:s19+$0xA0]  }
0x629: {  	v20 =	vld [tilespmem:s19+$0xB0];
	_ =	sdelay $0x2  }
0x62a: {  	v18 =	vld [tilespmem:s19+$0x0]  }
0x62b: {  	v21 =	vld [tilespmem:s19+$0x10];
	v13 =	vmul.f32 v22, v9;
	v14 =	vmul.f32 v24, v10  }
0x62c: {  	v27 =	vld [tilespmem:s19+$0x30];
	v15 =	vmul.f32 v47, v11;
	v16 =	vmul.f32 v20, v12  }
0x62d: {  	v23 =	vld [tilespmem:s19+$0x20]  }
0x62e: {  	v13 =	vadd.f32 v14, v13;
	v14 =	vadd.f32 v16, v15;
	_ =	sdelay $0x1  }
0x62f: {  	v13 =	vadd.f32 v14, v13  }
0x630: {  	v17 =	vmul.f32 v27, v12;
	v15 =	vmul.f32 v21, v10  }
0x631: {  	v16 =	vmul.f32 v23, v11;
	v14 =	vmul.f32 v18, v9;
	v13 =	vadd.f32 v13, v8;
	_ =	sdelay $0x1  }
0x632: {  	v14 =	vadd.f32 v15, v14;
	v15 =	vadd.f32 v17, v16;
	v19 =	vperm.xlane v13, v0  }
0x633: {  	s18 =	simm.s32 $0x100  }
0x634: {  	v16 =	vld [tilespmem:s18+$0x80];
	v14 =	vadd.f32 v15, v14;
	v13 =	vadd.f32 v13, v19  }
0x635: {  	v15 =	vld [tilespmem:s18+$0x90]  }
0x636: {  	v28 =	vadd.f32 v14, v8;
	v14 =	vld [tilespmem:s18+$0xA0];
	v17 =	vperm.xlane v13, v1  }
0x637: {  	v19 =	vld [tilespmem:s18+$0xB0]  }
0x638: {  	v25 =	vld [tilespmem:s18+$0x0];
	v29 =	vadd.f32 v13, v17  }
0x639: {  	v26 =	vld [tilespmem:s18+$0x10];
	v13 =	vperm.xlane v28, v0  }
0x63a: {  	v17 =	vld [tilespmem:s18+$0x20];
	v30 =	vperm.xlane v29, v2  }
0x63b: {  	v31 =	vmul.f32 v16, v9;
	v48 =	vmul.f32 v15, v10;
	v28 =	vadd.f32 v28, v13;
	v13 =	vld [tilespmem:s18+$0x30]  }
0x63c: {  	v49 =	vmul.f32 v19, v12;
	v29 =	vadd.f32 v29, v30;
	v30 =	vmul.f32 v14, v11  }
0x63d: {  	v52 =	vmul.f32 v25, v9;
	v50 =	vperm.xlane v28, v1  }
0x63e: {  	v31 =	vadd.f32 v48, v31;
	v51 =	vperm.xlane v29, v3;
	v30 =	vadd.f32 v49, v30  }
0x63f: {  	v53 =	vmul.f32 v26, v10;
	v54 =	vmul.f32 v17, v11;
	v28 =	vadd.f32 v28, v50  }
0x640: {  	v55 =	vmul.f32 v13, v12;
	v29 =	vadd.f32 v29, v51;
	v30 =	vadd.f32 v30, v31  }
0x641: {  	v31 =	vadd.f32 v53, v52;
	v56 =	vperm.xlane v28, v2  }
0x642: {  	v33 =	vadd.f32 v55, v54;
	v36 =	vmul.f32 v29, v4;
	v57 =	vadd.f32 v30, v8  }
0x643: {  	v28 =	vadd.f32 v28, v56;
	v30 =	vmul.f32 v29, v7  }
0x644: {  	v31 =	vadd.f32 v33, v31;
	v58 =	vadd.f32 v36, v20;
	v59 =	vperm.xlane v57, v0  }
0x645: {  	s20 =	simm.s32 $0x200;
	v60 =	vmul.f32 v29, v6;
	v61 =	vperm.xlane v28, v3;
	v62 =	vadd.f32 v30, v22  }
0x646: {  	v63 =	vmul.f32 v29, v5;
	v20 =	vld [tilespmem:s20+$0x80];
	v30 =	vadd.f32 v31, v8;
	[tilespmem:s19+$0xC0B0] =	vst v58;
	v29 =	vadd.f32 v57, v59  }
0x647: {  	v33 =	vadd.f32 v60, v24;
	v28 =	vadd.f32 v28, v61;
	v22 =	vld [tilespmem:s20+$0x90];
	[tilespmem:s19+$0xC080] =	vst v62  }
0x648: {  	s21 =	simm.s32 $0xC00;
	v34 =	vadd.f32 v63, v47;
	v32 =	vperm.xlane v30, v0;
	v24 =	vld [tilespmem:s20+$0xA0];
	v31 =	vperm.xlane v29, v1  }
.LBB2_32:
0x649: {  	p0 =	sne.s32 s21, $0xFC00;
	v35 =	vld [tilespmem:s20+$0xB0];
	v36 =	vmul.f32 v28, v7;
	v37 =	vmul.f32 v28, v6;
	[tilespmem:s19+$0xC090] =	vst v33  }
0x64a: {  	v33 =	vld [tilespmem:s20+$0x0];
	v30 =	vadd.f32 v30, v32;
	v29 =	vadd.f32 v29, v31;
	v31 =	vmul.f32 v28, v5;
	[tilespmem:s19+$0xC0A0] =	vst v34  }
0x64b: {  	v28 =	vmul.f32 v28, v4;
	v32 =	vld [tilespmem:s20+$0x10];
	v34 =	vadd.f32 v36, v18;
	v36 =	vadd.f32 v37, v21;
	v18 =	vmovc v25  }
0x64c: {  	v21 =	vmovc v26;
	v37 =	vld [tilespmem:s20+$0x20];
	v40 =	vperm.xlane v30, v1;
	v38 =	vperm.xlane v29, v2;
	v41 =	vadd.f32 v31, v23  }
0x64d: {  	v26 =	vmul.f32 v20, v9;
	v39 =	vmul.f32 v22, v10;
	v27 =	vadd.f32 v28, v27;
	v31 =	vld [tilespmem:s20+$0x30];
	[tilespmem:s19+$0xC000] =	vst v34  }
0x64e: {  	v28 =	vmul.f32 v24, v11;
	v34 =	vmul.f32 v35, v12;
	v29 =	vadd.f32 v29, v38;
	[tilespmem:s19+$0xC010] =	vst v36  }
0x64f: {  	v23 =	vmovc v17;
	v30 =	vadd.f32 v30, v40;
	v36 =	vmul.f32 v33, v9;
	[tilespmem:s19+$0xC020] =	vst v41;
	v25 =	vmov v33  }
0x650: {  	v33 =	vadd.f32 v39, v26;
	v28 =	vadd.f32 v34, v28;
	v34 =	vperm.xlane v29, v3;
	[tilespmem:s19+$0xC030] =	vst v27;
	s19 =	smov.u32 s18;
	s18 =	smov.u32 s20  }
0x651: {  	v38 =	vmul.f32 v32, v10;
	v26 =	vmovc v32;
	v27 =	vmovc v13;
	v39 =	vmul.f32 v37, v11;
	v17 =	vmov v37  }
0x652: {  	v32 =	vmul.f32 v31, v12;
	v28 =	vadd.f32 v28, v33;
	v29 =	vadd.f32 v29, v34;
	v13 =	vmovc v31  }
0x653: {  	v31 =	vadd.f32 v38, v36;
	v33 =	vperm.xlane v30, v2  }
0x654: {  	v32 =	vadd.f32 v32, v39;
	v28 =	vadd.f32 v28, v8;
	v34 =	vmul.f32 v29, v4  }
0x655: {  	v33 =	vadd.f32 v30, v33;
	v30 =	vmul.f32 v29, v7;
	v36 =	vmul.f32 v29, v6  }
.Ltmp15:
0x656: {  	v31 =	vadd.f32 v32, v31;
	v32 =	vperm.xlane v28, v0;
	v34 =	vadd.f32 v34, v19;
	v19 =	vmovc v35;
	(pc) =	sbr.rel @p0 .LBB2_32-.Ltmp15, $4  }
0x657: {  	s20 =	sshra.s32 s21, $0x2;
	v38 =	vmul.f32 v29, v5;
	v35 =	vperm.xlane v33, v3;
	v37 =	vadd.f32 v30, v16;
	v16 =	vmovc v20  }
0x658: {  	v20 =	vld [tilespmem:s20+$0x80];
	v30 =	vadd.f32 v31, v8;
	v29 =	vadd.f32 v28, v32;
	[tilespmem:s19+$0xC0B0] =	vst v34  }
0x659: {  	v28 =	vadd.f32 v33, v35;
	v33 =	vadd.f32 v36, v15;
	v15 =	vmov v22;
	[tilespmem:s19+$0xC080] =	vst v37;
	v22 =	vld [tilespmem:s20+$0x90]  }
0x65a: {  	s21 =	sadd.s32 $0x400, s21;
	v34 =	vadd.f32 v38, v14;
	v14 =	vmovc v24;
	v32 =	vperm.xlane v30, v0;
	v31 =	vperm.xlane v29, v1;
	v24 =	vld [tilespmem:s20+$0xA0]  }
0x65b: {  	v35 =	vld [tilespmem:s20+$0xB0];
	[tilespmem:s19+$0xC090] =	vst v33  }
0x65c: {  	v33 =	vld [tilespmem:s20+$0x0];
	[tilespmem:s19+$0xC0A0] =	vst v34  }
0x65d: {  	v34 =	vld [tilespmem:s20+$0x10]  }
0x65e: {  	v36 =	vld [tilespmem:s20+$0x20]  }
0x65f: {  	v37 =	vld [tilespmem:s20+$0x30];
	v38 =	vmul.f32 v20, v9;
	v39 =	vmul.f32 v22, v10  }
0x660: {  	v40 =	vmul.f32 v24, v11;
	v41 =	vmul.f32 v35, v12;
	_ =	sdelay $0x1  }
0x661: {  	v38 =	vadd.f32 v39, v38;
	v43 =	vadd.f32 v41, v40  }
0x662: {  	v30 =	vadd.f32 v30, v32;
	v44 =	vmul.f32 v33, v9;
	v45 =	vmul.f32 v34, v10  }
0x663: {  	v46 =	vmul.f32 v36, v11;
	v47 =	vmul.f32 v37, v12;
	v48 =	vadd.f32 v43, v38  }
0x664: {  	v29 =	vadd.f32 v29, v31;
	v9 =	vadd.f32 v45, v44  }
0x665: {  	v49 =	vadd.f32 v47, v46;
	v50 =	vadd.f32 v48, v8  }
0x666: {  	v51 =	vperm.xlane v30, v1;
	v31 =	vperm.xlane v29, v2  }
0x667: {  	v9 =	vadd.f32 v49, v9;
	v52 =	vperm.xlane v50, v0  }
0x668: {  	v53 =	vmul.f32 v28, v7;
	v29 =	vadd.f32 v29, v31;
	v12 =	vadd.f32 v30, v51  }
0x669: {  	v54 =	vmul.f32 v28, v6;
	v55 =	vadd.f32 v9, v8;
	v56 =	vadd.f32 v50, v52  }
0x66a: {  	v57 =	vadd.f32 v53, v18;
	v58 =	vperm.xlane v29, v3;
	v59 =	vperm.xlane v12, v2  }
0x66b: {  	v21 =	vadd.f32 v54, v21;
	v60 =	vperm.xlane v55, v0;
	v61 =	vperm.xlane v56, v1  }
0x66c: {  	v62 =	vmul.f32 v28, v5;
	v11 =	vadd.f32 v29, v58;
	v12 =	vadd.f32 v12, v59  }
0x66d: {  	v63 =	vmul.f32 v28, v4;
	v8 =	vadd.f32 v55, v60;
	v9 =	vadd.f32 v56, v61  }
0x66e: {  	v23 =	vadd.f32 v62, v23;
	v38 =	vmul.f32 v11, v4;
	v39 =	vperm.xlane v12, v3  }
0x66f: {  	[tilespmem:s19+$0xC000] =	vst v57;
	v40 =	vadd.f32 v63, v27;
	v41 =	vperm.xlane v8, v1;
	v42 =	vperm.xlane v9, v2  }
0x670: {  	[tilespmem:s19+$0xC010] =	vst v21;
	v43 =	vmul.f32 v11, v7;
	v19 =	vadd.f32 v38, v19;
	v12 =	vadd.f32 v12, v39  }
0x671: {  	[tilespmem:s19+$0xC020] =	vst v23;
	v44 =	vmul.f32 v11, v6;
	v8 =	vadd.f32 v8, v41;
	v9 =	vadd.f32 v9, v42  }
0x672: {  	[tilespmem:s19+$0xC030] =	vst v40;
	v11 =	vmul.f32 v11, v5;
	v45 =	vadd.f32 v43, v16;
	v46 =	vmul.f32 v12, v7  }
0x673: {  	v15 =	vadd.f32 v44, v15;
	[tilespmem:s18+$0xC0B0] =	vst v19;
	v48 =	vperm.xlane v8, v2;
	v47 =	vperm.xlane v9, v3  }
0x674: {  	v49 =	vadd.f32 v11, v14;
	[tilespmem:s18+$0xC080] =	vst v45;
	v50 =	vmul.f32 v12, v6;
	v51 =	vadd.f32 v46, v25  }
0x675: {  	[tilespmem:s18+$0xC090] =	vst v15;
	v52 =	vmul.f32 v12, v5;
	v8 =	vadd.f32 v8, v48;
	v9 =	vadd.f32 v9, v47  }
0x676: {  	[tilespmem:s18+$0xC0A0] =	vst v49;
	v54 =	vmul.f32 v12, v4;
	v53 =	vadd.f32 v50, v26  }
0x677: {  	v55 =	vadd.f32 v52, v17;
	[tilespmem:s18+$0xC000] =	vst v51;
	v57 =	vperm.xlane v8, v3;
	v56 =	vmul.f32 v9, v4  }
0x678: {  	v11 =	vadd.f32 v54, v13;
	[tilespmem:s18+$0xC010] =	vst v53;
	v58 =	vmul.f32 v9, v7  }
0x679: {  	[tilespmem:s18+$0xC020] =	vst v55;
	v59 =	vmul.f32 v9, v6;
	v8 =	vadd.f32 v8, v57;
	v60 =	vadd.f32 v56, v35  }
0x67a: {  	[tilespmem:s18+$0xC030] =	vst v11;
	v9 =	vmul.f32 v9, v5;
	v10 =	vadd.f32 v58, v20  }
0x67b: {  	v61 =	vadd.f32 v59, v22;
	v62 =	vmul.f32 v8, v7;
	[tilespmem:s20+$0xC0B0] =	vst v60  }
0x67c: {  	v9 =	vadd.f32 v9, v24;
	v63 =	vmul.f32 v8, v6;
	[tilespmem:s20+$0xC080] =	vst v10  }
0x67d: {  	v5 =	vmul.f32 v8, v5;
	[tilespmem:s20+$0xC090] =	vst v61;
	v7 =	vadd.f32 v62, v33  }
0x67e: {  	v4 =	vmul.f32 v8, v4;
	[tilespmem:s20+$0xC0A0] =	vst v9;
	v6 =	vadd.f32 v63, v34  }
0x67f: {  	v5 =	vadd.f32 v5, v36;
	[tilespmem:s20+$0xC000] =	vst v7  }
0x680: {  	v4 =	vadd.f32 v4, v37;
	[tilespmem:s20+$0xC010] =	vst v6  }
0x681: {  	[tilespmem:s20+$0xC020] =	vst v5  }
0x682: {  	[tilespmem:s20+$0xC030] =	vst v4  }
0x683: {  	[hbm4b:s3+s1] =	stream.linear.scatter [tilespmem:s9], [sflag:$0x4], $0x4000, $0x38;
	[tilespmem:$0x18800] =	vst v63  }
0x684: {  	_ =	swait.ge [sflag:s15], $0x4000  }
0x685: {  	[sflag:s15] =	ssyncset.done $0x0  }
0x686: {  	s17 =	sadd.s32 $0x1, s17;
	[sflag:s15] =	ssyncadd.s32 $0xFFFFC000  }
0x687: {  	p0 =	sne.s32 s17, s4;
	_ =	swait.ge [sflag:s16], $0x4000  }
.Ltmp16:
0x688: {  	[sflag:s16] =	ssyncset.done $0x0;
	(pc) =	sbr.rel @p0 .LBB2_1-.Ltmp16, $4  }
0x689: {  	[sflag:s16] =	ssyncadd.s32 $0xFFFFC000  }
0x68a: {  	_ =	swait.ge [sflag:s14], $0x4000  }
0x68b: {  	[sflag:s14] =	ssyncset.done $0x0  }
0x68c: {  	[sflag:s14] =	ssyncadd.s32 $0xFFFFC000  }
0x68d: {  	_ =	sfence.sel $0x180000  }
0x68e: {  	[bflag:$0x0] =	sbarrier.arrive $0xFFFF  }
0x68f: {  	_ =	strace $0x90000047  }
0x690: {  	s0 =	stileid.u32;
	[bflag:$0x2] =	sbarrier.arrive $0xFFFF  }
0x691: {  	p0 =	sne.s32 s0, $0x0;
	s0 =	rddreg [dreg:$0x2]  }
0x692: {  	s0 =	sadd.s32 @!p0 $0x100000, s0  }
0x693: {  	[sflag:s0] =	ssyncadd.tile.s32 @!p0 $0x1;
	_ =	shalt  }
.Lfunc_end2:
_tile_overlayer_lowered:
.L_overlay_start_2:
0x694: {  	(tag) =	ssettag $0x2  }
0x695: {  	s0 =	rddreg [dreg:$0x0];
	s2 =	stileid.u32  }
0x696: {  	s1 =	rddreg [dreg:$0x1];
	p0 =	sne.s32 s2, $0x0  }
0x697: {  	s3 =	rddreg [dreg:$0x2];
	[bflag:$0x3] =	sbarrier.arrive $0xFFFF;
	s2 =	simm.s32 @!p0 $0x1C07  }
0x698: {  	[timem:s3], [sflag:s2] =	dma.local @!p0 [hbm:s0], s1  }
0x699: {  	s0 =	simm.s32 @!p0 $0x7  }
0x69a: {  	_ =	swait.ge @!p0 [sflag:s0], s1  }
0x69b: {  	s1 =	ssub.s32 @!p0 $0x0, s1;
	[sflag:s0] =	ssyncset.done @!p0 $0x0  }
0x69c: {  	[sflag:s0] =	ssyncadd.s32 @!p0 s1  }
0x69d: {  	[bflag:$0x3] =	sbarrier.arrive $0xFFFF  }
0x69e: {  	_ =	shalt  }

</sc_bundles>
